<compile_context>
chip_gen: v7x
topology: tpu7x:2x2x1
jax: 0.10.2.dev20260603
libtpu: 0.0.44.dev20260713+nightly
codegen_flags: <defaults>
</compile_context>

<pallas_src>
import functools

import jax
import jax.numpy as jnp
from jax import lax
from jax.experimental import pallas as pl
from jax.experimental.pallas import tpu as pltpu
from jax.experimental.pallas import tpu_sc as plsc

_NUM_SEGMENTS = 256
_N = 100000
_D = 128
_L = 16
_NC = 2
_NS = 16
_NW = _NC * _NS
_SPW = _NUM_SEGMENTS // _NW
_NJ = _D // _L
_T = 400
_BPAD = 272


def _pool_body(x_hbm, bounds_hbm, out_hbm, bounds_v, buf, acc):
    wid = lax.axis_index("s") * _NC + lax.axis_index("c")

    pltpu.sync_copy(bounds_hbm.at[pl.ds(wid * _SPW, _L)], bounds_v)
    bvec = bounds_v[:]
    b = [bvec[i] for i in range(_SPW + 1)]

    zeros = jnp.zeros((_L,), jnp.float32)
    for k in range(_SPW):
        for j in range(_NJ):
            acc[k, pl.ds(j * _L, _L)] = zeros

    t_first = b[0] // _T
    t_last = (b[_SPW] - 1) // _T

    def tile_body(t, carry):
        base = t * _T
        pltpu.sync_copy(x_hbm.at[pl.ds(base, _T), :], buf)
        for k in range(_SPW):
            lo = jnp.maximum(b[k], base)
            hi = jnp.minimum(b[k + 1], base + _T)

            def row_body(r, c):
                rl = r - base
                return tuple(c[j] + buf[rl, pl.ds(j * _L, _L)]
                             for j in range(_NJ))

            init = tuple(jnp.zeros((_L,), jnp.float32) for _ in range(_NJ))
            csum = lax.fori_loop(lo, hi, row_body, init)
            for j in range(_NJ):
                acc[k, pl.ds(j * _L, _L)] = acc[k, pl.ds(j * _L, _L)] + csum[j]
        return carry

    lax.fori_loop(t_first, t_last + 1, tile_body, 0)

    for k in range(_SPW):
        cnt = jnp.maximum(b[k + 1] - b[k], 1).astype(jnp.float32)
        inv = 1.0 / jnp.full((_L,), cnt, jnp.float32)
        for j in range(_NJ):
            acc[k, pl.ds(j * _L, _L)] = acc[k, pl.ds(j * _L, _L)] * inv

    pltpu.sync_copy(acc, out_hbm.at[pl.ds(wid * _SPW, _SPW), :])


_pool = functools.partial(
    pl.kernel,
    out_type=jax.ShapeDtypeStruct((_NUM_SEGMENTS, _D), jnp.float32),
    mesh=plsc.VectorSubcoreMesh(core_axis_name="c", subcore_axis_name="s"),
    scratch_types=[
        pltpu.VMEM((_L,), jnp.int32),
        pltpu.VMEM((_T, _D), jnp.float32),
        pltpu.VMEM((_SPW, _D), jnp.float32),
    ],
)(_pool_body)


def kernel(input, node_segment):
    seg = node_segment.astype(jnp.int32)
    starts = jnp.searchsorted(
        seg, jnp.arange(_NUM_SEGMENTS, dtype=jnp.int32), side="left"
    ).astype(jnp.int32)
    bounds = jnp.concatenate(
        [starts, jnp.full((_BPAD - _NUM_SEGMENTS,), _N, jnp.int32)]
    )
    return _pool(input, bounds)

# --- scband reference (transcript-rebuilt; emitter-appended) ---
"""Pipeline reference for scband-pooling-50199577756232 (READ-ONLY COPY).

The authoritative reference and input builder live on the scoring server;
editing this copy changes nothing except your own understanding.
"""

import jax, jax.numpy as jnp
import numpy as np

NUM_SEGMENTS = 256
N_NODES = 100000
D_FEAT = 128


def setup_inputs(seed: int = 0) -> dict:
    key = jax.random.key(seed)
    k1, k2 = jax.random.split(key)
    x = jax.random.normal(k1, (N_NODES, D_FEAT), dtype=jnp.float32)
    node_segment = jnp.sort(jax.random.randint(k2, (N_NODES,), 0, NUM_SEGMENTS, dtype=jnp.int64))
    return {"input": x, "node_segment": node_segment}


def reference(input, node_segment):
    # Pooling of node features into graph features: scatter(input, batch, dim=0, reduce='mean')
    out = jax.ops.segment_sum(input, node_segment, num_segments=NUM_SEGMENTS)
    counts = jax.ops.segment_sum(jnp.ones((input.shape[0],), dtype=input.dtype), node_segment, num_segments=NUM_SEGMENTS)
    counts = jnp.maximum(counts, 1.0)
    return out / counts[:, None]

if __name__ == "__main__":
    import jax
    _d = setup_inputs()
    print(jax.jit(kernel)(*tuple(_d.values())))

</pallas_src>

<mosaic_0001>
#map = affine_map<(d0, d1) -> (0, 0)>
#map1 = affine_map<(d0, d1) -> (0)>
module attributes {stable_mosaic.version = 14 : i64} {
  func.func @_pool_body(%arg0: i32, %arg1: i32, %arg2: memref<100000x128xf32, #tpu.memory_space<hbm>>, %arg3: memref<272xi32, #tpu.memory_space<hbm>>, %arg4: memref<256x128xf32, #tpu.memory_space<hbm>>, %arg5: memref<16xi32, #tpu.memory_space<vmem>>, %arg6: memref<400x128xf32, #tpu.memory_space<vmem>>, %arg7: memref<8x128xf32, #tpu.memory_space<vmem>>) attributes {dimension_semantics = [#tpu.dimension_semantics<core_parallel>, #tpu.dimension_semantics<subcore_parallel>], iteration_bounds = array<i64: 2, 16>, scalar_prefetch = 0 : i64, scratch_operands = 3 : i64, tpu.core_type = #tpu.core_type<sc_vector_subcore>, window_params = [{transform_indices = #map}, {transform_indices = #map1}, {transform_indices = #map}]} {
    %mul3A = arith.constant 2 : i32
    %mul3A_0 = arith.muli %arg1, %mul3A : i32
    %add3A = arith.addi %mul3A_0, %arg0 : i32
    %mul3A_1 = arith.constant 8 : i32
    %mul3A_2 = arith.muli %add3A, %mul3A_1 : i32
    "tpu.region"() ({
      %run_scoped3A = tpu.sem_alloc : memref<!tpu.dma_semaphore, #tpu.memory_space<semaphore_mem>>
      %dma_start3A = tpu.memref_slice %arg3[%mul3A_2] : memref<272xi32, #tpu.memory_space<hbm>> -> memref<16xi32, #tpu.memory_space<hbm>>
      %dma_start3A_1289 = tpu.memref_slice %arg3[%mul3A_2] : memref<272xi32, #tpu.memory_space<hbm>> -> memref<16xi32, #tpu.memory_space<hbm>>
      tpu.enqueue_dma source(%dma_start3A_1289 : memref<16xi32, #tpu.memory_space<hbm>>) target(%arg5 : memref<16xi32, #tpu.memory_space<vmem>>) target_semaphore(%run_scoped3A : memref<!tpu.dma_semaphore, #tpu.memory_space<semaphore_mem>>)
      %dma_wait3A = tpu.memref_slice %arg3[%mul3A_2] : memref<272xi32, #tpu.memory_space<hbm>> -> memref<16xi32, #tpu.memory_space<hbm>>
      %dma_wait3A_1290 = tpu.memref_slice %arg3[%mul3A_2] : memref<272xi32, #tpu.memory_space<hbm>> -> memref<16xi32, #tpu.memory_space<hbm>>
      tpu.wait_dma2 semaphore(%run_scoped3A : memref<!tpu.dma_semaphore, #tpu.memory_space<semaphore_mem>>) src(%dma_wait3A_1290 : memref<16xi32, #tpu.memory_space<hbm>>) dst(%arg5 : memref<16xi32, #tpu.memory_space<vmem>>)
      tpu.yield
    }) : () -> ()
    %get3A = arith.constant 0 : index
    %get3A_3 = tpu.vector_load %arg5[%get3A] {strides = array<i32>} : memref<16xi32, #tpu.memory_space<vmem>>, vector<16xi32>,
    %get3A_4 = vector.shape_cast %get3A_3 : vector<16xi32> to vector<16xi32>
    %slice3A = vector.extract_strided_slice %get3A_4 {offsets = [0], sizes = [1], strides = [1]} : vector<16xi32> to vector<1xi32>
    %squeeze3A = vector.extract %slice3A[0] : i32 from vector<1xi32>
    %slice3A_5 = vector.extract_strided_slice %get3A_4 {offsets = [1], sizes = [1], strides = [1]} : vector<16xi32> to vector<1xi32>
    %squeeze3A_6 = vector.extract %slice3A_5[0] : i32 from vector<1xi32>
    %slice3A_7 = vector.extract_strided_slice %get3A_4 {offsets = [2], sizes = [1], strides = [1]} : vector<16xi32> to vector<1xi32>
    %squeeze3A_8 = vector.extract %slice3A_7[0] : i32 from vector<1xi32>
    %slice3A_9 = vector.extract_strided_slice %get3A_4 {offsets = [3], sizes = [1], strides = [1]} : vector<16xi32> to vector<1xi32>
    %squeeze3A_10 = vector.extract %slice3A_9[0] : i32 from vector<1xi32>
    %slice3A_11 = vector.extract_strided_slice %get3A_4 {offsets = [4], sizes = [1], strides = [1]} : vector<16xi32> to vector<1xi32>
    %squeeze3A_12 = vector.extract %slice3A_11[0] : i32 from vector<1xi32>
    %slice3A_13 = vector.extract_strided_slice %get3A_4 {offsets = [5], sizes = [1], strides = [1]} : vector<16xi32> to vector<1xi32>
    %squeeze3A_14 = vector.extract %slice3A_13[0] : i32 from vector<1xi32>
    %slice3A_15 = vector.extract_strided_slice %get3A_4 {offsets = [6], sizes = [1], strides = [1]} : vector<16xi32> to vector<1xi32>
    %squeeze3A_16 = vector.extract %slice3A_15[0] : i32 from vector<1xi32>
    %slice3A_17 = vector.extract_strided_slice %get3A_4 {offsets = [7], sizes = [1], strides = [1]} : vector<16xi32> to vector<1xi32>
    %squeeze3A_18 = vector.extract %slice3A_17[0] : i32 from vector<1xi32>
    %slice3A_19 = vector.extract_strided_slice %get3A_4 {offsets = [8], sizes = [1], strides = [1]} : vector<16xi32> to vector<1xi32>
    %squeeze3A_20 = vector.extract %slice3A_19[0] : i32 from vector<1xi32>
    %broadcast_in_dim3A = arith.constant 0.000000e+00 : f32
    %broadcast_in_dim3A_21 = vector.broadcast %broadcast_in_dim3A : f32 to vector<16xf32>
    %swap3A = arith.constant 0 : i32
    %swap3A_22 = arith.index_cast %swap3A : i32 to index
    %swap3A_23 = arith.constant 0 : index
    %swap3A_24 = tpu.vector_load %arg7[%swap3A_22, %swap3A_23] {strides = array<i32>} : memref<8x128xf32, #tpu.memory_space<vmem>>, vector<1x16xf32>,
    %swap3A_25 = vector.shape_cast %swap3A_24 : vector<1x16xf32> to vector<16xf32>
    %swap3A_26 = vector.shape_cast %broadcast_in_dim3A_21 : vector<16xf32> to vector<1x16xf32>
    tpu.vector_store %arg7[%swap3A_22, %swap3A_23], %swap3A_26 {strides = array<i32>} : memref<8x128xf32, #tpu.memory_space<vmem>>, vector<1x16xf32>,
    %swap3A_27 = arith.constant 0 : i32
    %swap3A_28 = arith.index_cast %swap3A_27 : i32 to index
    %swap3A_29 = arith.constant 16 : index
    %swap3A_30 = tpu.vector_load %arg7[%swap3A_28, %swap3A_29] {strides = array<i32>} : memref<8x128xf32, #tpu.memory_space<vmem>>, vector<1x16xf32>,
    %swap3A_31 = vector.shape_cast %swap3A_30 : vector<1x16xf32> to vector<16xf32>
    %swap3A_32 = vector.shape_cast %broadcast_in_dim3A_21 : vector<16xf32> to vector<1x16xf32>
    tpu.vector_store %arg7[%swap3A_28, %swap3A_29], %swap3A_32 {strides = array<i32>} : memref<8x128xf32, #tpu.memory_space<vmem>>, vector<1x16xf32>,
    %swap3A_33 = arith.constant 0 : i32
    %swap3A_34 = arith.index_cast %swap3A_33 : i32 to index
    %swap3A_35 = arith.constant 32 : index
    %swap3A_36 = tpu.vector_load %arg7[%swap3A_34, %swap3A_35] {strides = array<i32>} : memref<8x128xf32, #tpu.memory_space<vmem>>, vector<1x16xf32>,
    %swap3A_37 = vector.shape_cast %swap3A_36 : vector<1x16xf32> to vector<16xf32>
    %swap3A_38 = vector.shape_cast %broadcast_in_dim3A_21 : vector<16xf32> to vector<1x16xf32>
    tpu.vector_store %arg7[%swap3A_34, %swap3A_35], %swap3A_38 {strides = array<i32>} : memref<8x128xf32, #tpu.memory_space<vmem>>, vector<1x16xf32>,
    %swap3A_39 = arith.constant 0 : i32
    %swap3A_40 = arith.index_cast %swap3A_39 : i32 to index
    %swap3A_41 = arith.constant 48 : index
    %swap3A_42 = tpu.vector_load %arg7[%swap3A_40, %swap3A_41] {strides = array<i32>} : memref<8x128xf32, #tpu.memory_space<vmem>>, vector<1x16xf32>,
    %swap3A_43 = vector.shape_cast %swap3A_42 : vector<1x16xf32> to vector<16xf32>
    %swap3A_44 = vector.shape_cast %broadcast_in_dim3A_21 : vector<16xf32> to vector<1x16xf32>
    tpu.vector_store %arg7[%swap3A_40, %swap3A_41], %swap3A_44 {strides = array<i32>} : memref<8x128xf32, #tpu.memory_space<vmem>>, vector<1x16xf32>,
    %swap3A_45 = arith.constant 0 : i32
    %swap3A_46 = arith.index_cast %swap3A_45 : i32 to index
    %swap3A_47 = arith.constant 64 : index
    %swap3A_48 = tpu.vector_load %arg7[%swap3A_46, %swap3A_47] {strides = array<i32>} : memref<8x128xf32, #tpu.memory_space<vmem>>, vector<1x16xf32>,
    %swap3A_49 = vector.shape_cast %swap3A_48 : vector<1x16xf32> to vector<16xf32>
    %swap3A_50 = vector.shape_cast %broadcast_in_dim3A_21 : vector<16xf32> to vector<1x16xf32>
    tpu.vector_store %arg7[%swap3A_46, %swap3A_47], %swap3A_50 {strides = array<i32>} : memref<8x128xf32, #tpu.memory_space<vmem>>, vector<1x16xf32>,
    %swap3A_51 = arith.constant 0 : i32
    %swap3A_52 = arith.index_cast %swap3A_51 : i32 to index
    %swap3A_53 = arith.constant 80 : index
    %swap3A_54 = tpu.vector_load %arg7[%swap3A_52, %swap3A_53] {strides = array<i32>} : memref<8x128xf32, #tpu.memory_space<vmem>>, vector<1x16xf32>,
    %swap3A_55 = vector.shape_cast %swap3A_54 : vector<1x16xf32> to vector<16xf32>
    %swap3A_56 = vector.shape_cast %broadcast_in_dim3A_21 : vector<16xf32> to vector<1x16xf32>
    tpu.vector_store %arg7[%swap3A_52, %swap3A_53], %swap3A_56 {strides = array<i32>} : memref<8x128xf32, #tpu.memory_space<vmem>>, vector<1x16xf32>,
    %swap3A_57 = arith.constant 0 : i32
    %swap3A_58 = arith.index_cast %swap3A_57 : i32 to index
    %swap3A_59 = arith.constant 96 : index
    %swap3A_60 = tpu.vector_load %arg7[%swap3A_58, %swap3A_59] {strides = array<i32>} : memref<8x128xf32, #tpu.memory_space<vmem>>, vector<1x16xf32>,
    %swap3A_61 = vector.shape_cast %swap3A_60 : vector<1x16xf32> to vector<16xf32>
    %swap3A_62 = vector.shape_cast %broadcast_in_dim3A_21 : vector<16xf32> to vector<1x16xf32>
    tpu.vector_store %arg7[%swap3A_58, %swap3A_59], %swap3A_62 {strides = array<i32>} : memref<8x128xf32, #tpu.memory_space<vmem>>, vector<1x16xf32>,
    %swap3A_63 = arith.constant 0 : i32
    %swap3A_64 = arith.index_cast %swap3A_63 : i32 to index
    %swap3A_65 = arith.constant 112 : index
    %swap3A_66 = tpu.vector_load %arg7[%swap3A_64, %swap3A_65] {strides = array<i32>} : memref<8x128xf32, #tpu.memory_space<vmem>>, vector<1x16xf32>,
    %swap3A_67 = vector.shape_cast %swap3A_66 : vector<1x16xf32> to vector<16xf32>
    %swap3A_68 = vector.shape_cast %broadcast_in_dim3A_21 : vector<16xf32> to vector<1x16xf32>
    tpu.vector_store %arg7[%swap3A_64, %swap3A_65], %swap3A_68 {strides = array<i32>} : memref<8x128xf32, #tpu.memory_space<vmem>>, vector<1x16xf32>,
    %swap3A_69 = arith.constant 1 : i32
    %swap3A_70 = arith.index_cast %swap3A_69 : i32 to index
    %swap3A_71 = arith.constant 0 : index
    %swap3A_72 = tpu.vector_load %arg7[%swap3A_70, %swap3A_71] {strides = array<i32>} : memref<8x128xf32, #tpu.memory_space<vmem>>, vector<1x16xf32>,
    %swap3A_73 = vector.shape_cast %swap3A_72 : vector<1x16xf32> to vector<16xf32>
    %swap3A_74 = vector.shape_cast %broadcast_in_dim3A_21 : vector<16xf32> to vector<1x16xf32>
    tpu.vector_store %arg7[%swap3A_70, %swap3A_71], %swap3A_74 {strides = array<i32>} : memref<8x128xf32, #tpu.memory_space<vmem>>, vector<1x16xf32>,
    %swap3A_75 = arith.constant 1 : i32
    %swap3A_76 = arith.index_cast %swap3A_75 : i32 to index
    %swap3A_77 = arith.constant 16 : index
    %swap3A_78 = tpu.vector_load %arg7[%swap3A_76, %swap3A_77] {strides = array<i32>} : memref<8x128xf32, #tpu.memory_space<vmem>>, vector<1x16xf32>,
    %swap3A_79 = vector.shape_cast %swap3A_78 : vector<1x16xf32> to vector<16xf32>
    %swap3A_80 = vector.shape_cast %broadcast_in_dim3A_21 : vector<16xf32> to vector<1x16xf32>
    tpu.vector_store %arg7[%swap3A_76, %swap3A_77], %swap3A_80 {strides = array<i32>} : memref<8x128xf32, #tpu.memory_space<vmem>>, vector<1x16xf32>,
    %swap3A_81 = arith.constant 1 : i32
    %swap3A_82 = arith.index_cast %swap3A_81 : i32 to index
    %swap3A_83 = arith.constant 32 : index
    %swap3A_84 = tpu.vector_load %arg7[%swap3A_82, %swap3A_83] {strides = array<i32>} : memref<8x128xf32, #tpu.memory_space<vmem>>, vector<1x16xf32>,
    %swap3A_85 = vector.shape_cast %swap3A_84 : vector<1x16xf32> to vector<16xf32>
    %swap3A_86 = vector.shape_cast %broadcast_in_dim3A_21 : vector<16xf32> to vector<1x16xf32>
    tpu.vector_store %arg7[%swap3A_82, %swap3A_83], %swap3A_86 {strides = array<i32>} : memref<8x128xf32, #tpu.memory_space<vmem>>, vector<1x16xf32>,
    %swap3A_87 = arith.constant 1 : i32
    %swap3A_88 = arith.index_cast %swap3A_87 : i32 to index
    %swap3A_89 = arith.constant 48 : index
    %swap3A_90 = tpu.vector_load %arg7[%swap3A_88, %swap3A_89] {strides = array<i32>} : memref<8x128xf32, #tpu.memory_space<vmem>>, vector<1x16xf32>,
    %swap3A_91 = vector.shape_cast %swap3A_90 : vector<1x16xf32> to vector<16xf32>
    %swap3A_92 = vector.shape_cast %broadcast_in_dim3A_21 : vector<16xf32> to vector<1x16xf32>
    tpu.vector_store %arg7[%swap3A_88, %swap3A_89], %swap3A_92 {strides = array<i32>} : memref<8x128xf32, #tpu.memory_space<vmem>>, vector<1x16xf32>,
    %swap3A_93 = arith.constant 1 : i32
    %swap3A_94 = arith.index_cast %swap3A_93 : i32 to index
    %swap3A_95 = arith.constant 64 : index
    %swap3A_96 = tpu.vector_load %arg7[%swap3A_94, %swap3A_95] {strides = array<i32>} : memref<8x128xf32, #tpu.memory_space<vmem>>, vector<1x16xf32>,
    %swap3A_97 = vector.shape_cast %swap3A_96 : vector<1x16xf32> to vector<16xf32>
    %swap3A_98 = vector.shape_cast %broadcast_in_dim3A_21 : vector<16xf32> to vector<1x16xf32>
    tpu.vector_store %arg7[%swap3A_94, %swap3A_95], %swap3A_98 {strides = array<i32>} : memref<8x128xf32, #tpu.memory_space<vmem>>, vector<1x16xf32>,
    %swap3A_99 = arith.constant 1 : i32
    %swap3A_100 = arith.index_cast %swap3A_99 : i32 to index
    %swap3A_101 = arith.constant 80 : index
    %swap3A_102 = tpu.vector_load %arg7[%swap3A_100, %swap3A_101] {strides = array<i32>} : memref<8x128xf32, #tpu.memory_space<vmem>>, vector<1x16xf32>,
    %swap3A_103 = vector.shape_cast %swap3A_102 : vector<1x16xf32> to vector<16xf32>
    %swap3A_104 = vector.shape_cast %broadcast_in_dim3A_21 : vector<16xf32> to vector<1x16xf32>
    tpu.vector_store %arg7[%swap3A_100, %swap3A_101], %swap3A_104 {strides = array<i32>} : memref<8x128xf32, #tpu.memory_space<vmem>>, vector<1x16xf32>,
    %swap3A_105 = arith.constant 1 : i32
    %swap3A_106 = arith.index_cast %swap3A_105 : i32 to index
    %swap3A_107 = arith.constant 96 : index
    %swap3A_108 = tpu.vector_load %arg7[%swap3A_106, %swap3A_107] {strides = array<i32>} : memref<8x128xf32, #tpu.memory_space<vmem>>, vector<1x16xf32>,
    %swap3A_109 = vector.shape_cast %swap3A_108 : vector<1x16xf32> to vector<16xf32>
    %swap3A_110 = vector.shape_cast %broadcast_in_dim3A_21 : vector<16xf32> to vector<1x16xf32>
    tpu.vector_store %arg7[%swap3A_106, %swap3A_107], %swap3A_110 {strides = array<i32>} : memref<8x128xf32, #tpu.memory_space<vmem>>, vector<1x16xf32>,
    %swap3A_111 = arith.constant 1 : i32
    %swap3A_112 = arith.index_cast %swap3A_111 : i32 to index
    %swap3A_113 = arith.constant 112 : index
    %swap3A_114 = tpu.vector_load %arg7[%swap3A_112, %swap3A_113] {strides = array<i32>} : memref<8x128xf32, #tpu.memory_space<vmem>>, vector<1x16xf32>,
    %swap3A_115 = vector.shape_cast %swap3A_114 : vector<1x16xf32> to vector<16xf32>
    %swap3A_116 = vector.shape_cast %broadcast_in_dim3A_21 : vector<16xf32> to vector<1x16xf32>
    tpu.vector_store %arg7[%swap3A_112, %swap3A_113], %swap3A_116 {strides = array<i32>} : memref<8x128xf32, #tpu.memory_space<vmem>>, vector<1x16xf32>,
    %swap3A_117 = arith.constant 2 : i32
    %swap3A_118 = arith.index_cast %swap3A_117 : i32 to index
    %swap3A_119 = arith.constant 0 : index
    %swap3A_120 = tpu.vector_load %arg7[%swap3A_118, %swap3A_119] {strides = array<i32>} : memref<8x128xf32, #tpu.memory_space<vmem>>, vector<1x16xf32>,
    %swap3A_121 = vector.shape_cast %swap3A_120 : vector<1x16xf32> to vector<16xf32>
    %swap3A_122 = vector.shape_cast %broadcast_in_dim3A_21 : vector<16xf32> to vector<1x16xf32>
    tpu.vector_store %arg7[%swap3A_118, %swap3A_119], %swap3A_122 {strides = array<i32>} : memref<8x128xf32, #tpu.memory_space<vmem>>, vector<1x16xf32>,
    %swap3A_123 = arith.constant 2 : i32
    %swap3A_124 = arith.index_cast %swap3A_123 : i32 to index
    %swap3A_125 = arith.constant 16 : index
    %swap3A_126 = tpu.vector_load %arg7[%swap3A_124, %swap3A_125] {strides = array<i32>} : memref<8x128xf32, #tpu.memory_space<vmem>>, vector<1x16xf32>,
    %swap3A_127 = vector.shape_cast %swap3A_126 : vector<1x16xf32> to vector<16xf32>
    %swap3A_128 = vector.shape_cast %broadcast_in_dim3A_21 : vector<16xf32> to vector<1x16xf32>
    tpu.vector_store %arg7[%swap3A_124, %swap3A_125], %swap3A_128 {strides = array<i32>} : memref<8x128xf32, #tpu.memory_space<vmem>>, vector<1x16xf32>,
    %swap3A_129 = arith.constant 2 : i32
    %swap3A_130 = arith.index_cast %swap3A_129 : i32 to index
    %swap3A_131 = arith.constant 32 : index
    %swap3A_132 = tpu.vector_load %arg7[%swap3A_130, %swap3A_131] {strides = array<i32>} : memref<8x128xf32, #tpu.memory_space<vmem>>, vector<1x16xf32>,
    %swap3A_133 = vector.shape_cast %swap3A_132 : vector<1x16xf32> to vector<16xf32>
    %swap3A_134 = vector.shape_cast %broadcast_in_dim3A_21 : vector<16xf32> to vector<1x16xf32>
    tpu.vector_store %arg7[%swap3A_130, %swap3A_131], %swap3A_134 {strides = array<i32>} : memref<8x128xf32, #tpu.memory_space<vmem>>, vector<1x16xf32>,
    %swap3A_135 = arith.constant 2 : i32
    %swap3A_136 = arith.index_cast %swap3A_135 : i32 to index
    %swap3A_137 = arith.constant 48 : index
    %swap3A_138 = tpu.vector_load %arg7[%swap3A_136, %swap3A_137] {strides = array<i32>} : memref<8x128xf32, #tpu.memory_space<vmem>>, vector<1x16xf32>,
    %swap3A_139 = vector.shape_cast %swap3A_138 : vector<1x16xf32> to vector<16xf32>
    %swap3A_140 = vector.shape_cast %broadcast_in_dim3A_21 : vector<16xf32> to vector<1x16xf32>
    tpu.vector_store %arg7[%swap3A_136, %swap3A_137], %swap3A_140 {strides = array<i32>} : memref<8x128xf32, #tpu.memory_space<vmem>>, vector<1x16xf32>,
    %swap3A_141 = arith.constant 2 : i32
    %swap3A_142 = arith.index_cast %swap3A_141 : i32 to index
    %swap3A_143 = arith.constant 64 : index
    %swap3A_144 = tpu.vector_load %arg7[%swap3A_142, %swap3A_143] {strides = array<i32>} : memref<8x128xf32, #tpu.memory_space<vmem>>, vector<1x16xf32>,
    %swap3A_145 = vector.shape_cast %swap3A_144 : vector<1x16xf32> to vector<16xf32>
    %swap3A_146 = vector.shape_cast %broadcast_in_dim3A_21 : vector<16xf32> to vector<1x16xf32>
    tpu.vector_store %arg7[%swap3A_142, %swap3A_143], %swap3A_146 {strides = array<i32>} : memref<8x128xf32, #tpu.memory_space<vmem>>, vector<1x16xf32>,
    %swap3A_147 = arith.constant 2 : i32
    %swap3A_148 = arith.index_cast %swap3A_147 : i32 to index
    %swap3A_149 = arith.constant 80 : index
    %swap3A_150 = tpu.vector_load %arg7[%swap3A_148, %swap3A_149] {strides = array<i32>} : memref<8x128xf32, #tpu.memory_space<vmem>>, vector<1x16xf32>,
    %swap3A_151 = vector.shape_cast %swap3A_150 : vector<1x16xf32> to vector<16xf32>
    %swap3A_152 = vector.shape_cast %broadcast_in_dim3A_21 : vector<16xf32> to vector<1x16xf32>
    tpu.vector_store %arg7[%swap3A_148, %swap3A_149], %swap3A_152 {strides = array<i32>} : memref<8x128xf32, #tpu.memory_space<vmem>>, vector<1x16xf32>,
    %swap3A_153 = arith.constant 2 : i32
    %swap3A_154 = arith.index_cast %swap3A_153 : i32 to index
    %swap3A_155 = arith.constant 96 : index
    %swap3A_156 = tpu.vector_load %arg7[%swap3A_154, %swap3A_155] {strides = array<i32>} : memref<8x128xf32, #tpu.memory_space<vmem>>, vector<1x16xf32>,
    %swap3A_157 = vector.shape_cast %swap3A_156 : vector<1x16xf32> to vector<16xf32>
    %swap3A_158 = vector.shape_cast %broadcast_in_dim3A_21 : vector<16xf32> to vector<1x16xf32>
    tpu.vector_store %arg7[%swap3A_154, %swap3A_155], %swap3A_158 {strides = array<i32>} : memref<8x128xf32, #tpu.memory_space<vmem>>, vector<1x16xf32>,
    %swap3A_159 = arith.constant 2 : i32
    %swap3A_160 = arith.index_cast %swap3A_159 : i32 to index
    %swap3A_161 = arith.constant 112 : index
    %swap3A_162 = tpu.vector_load %arg7[%swap3A_160, %swap3A_161] {strides = array<i32>} : memref<8x128xf32, #tpu.memory_space<vmem>>, vector<1x16xf32>,
    %swap3A_163 = vector.shape_cast %swap3A_162 : vector<1x16xf32> to vector<16xf32>
    %swap3A_164 = vector.shape_cast %broadcast_in_dim3A_21 : vector<16xf32> to vector<1x16xf32>
    tpu.vector_store %arg7[%swap3A_160, %swap3A_161], %swap3A_164 {strides = array<i32>} : memref<8x128xf32, #tpu.memory_space<vmem>>, vector<1x16xf32>,
    %swap3A_165 = arith.constant 3 : i32
    %swap3A_166 = arith.index_cast %swap3A_165 : i32 to index
    %swap3A_167 = arith.constant 0 : index
    %swap3A_168 = tpu.vector_load %arg7[%swap3A_166, %swap3A_167] {strides = array<i32>} : memref<8x128xf32, #tpu.memory_space<vmem>>, vector<1x16xf32>,
    %swap3A_169 = vector.shape_cast %swap3A_168 : vector<1x16xf32> to vector<16xf32>
    %swap3A_170 = vector.shape_cast %broadcast_in_dim3A_21 : vector<16xf32> to vector<1x16xf32>
    tpu.vector_store %arg7[%swap3A_166, %swap3A_167], %swap3A_170 {strides = array<i32>} : memref<8x128xf32, #tpu.memory_space<vmem>>, vector<1x16xf32>,
    %swap3A_171 = arith.constant 3 : i32
    %swap3A_172 = arith.index_cast %swap3A_171 : i32 to index
    %swap3A_173 = arith.constant 16 : index
    %swap3A_174 = tpu.vector_load %arg7[%swap3A_172, %swap3A_173] {strides = array<i32>} : memref<8x128xf32, #tpu.memory_space<vmem>>, vector<1x16xf32>,
    %swap3A_175 = vector.shape_cast %swap3A_174 : vector<1x16xf32> to vector<16xf32>
    %swap3A_176 = vector.shape_cast %broadcast_in_dim3A_21 : vector<16xf32> to vector<1x16xf32>
    tpu.vector_store %arg7[%swap3A_172, %swap3A_173], %swap3A_176 {strides = array<i32>} : memref<8x128xf32, #tpu.memory_space<vmem>>, vector<1x16xf32>,
    %swap3A_177 = arith.constant 3 : i32
    %swap3A_178 = arith.index_cast %swap3A_177 : i32 to index
    %swap3A_179 = arith.constant 32 : index
    %swap3A_180 = tpu.vector_load %arg7[%swap3A_178, %swap3A_179] {strides = array<i32>} : memref<8x128xf32, #tpu.memory_space<vmem>>, vector<1x16xf32>,
    %swap3A_181 = vector.shape_cast %swap3A_180 : vector<1x16xf32> to vector<16xf32>
    %swap3A_182 = vector.shape_cast %broadcast_in_dim3A_21 : vector<16xf32> to vector<1x16xf32>
    tpu.vector_store %arg7[%swap3A_178, %swap3A_179], %swap3A_182 {strides = array<i32>} : memref<8x128xf32, #tpu.memory_space<vmem>>, vector<1x16xf32>,
    %swap3A_183 = arith.constant 3 : i32
    %swap3A_184 = arith.index_cast %swap3A_183 : i32 to index
    %swap3A_185 = arith.constant 48 : index
    %swap3A_186 = tpu.vector_load %arg7[%swap3A_184, %swap3A_185] {strides = array<i32>} : memref<8x128xf32, #tpu.memory_space<vmem>>, vector<1x16xf32>,
    %swap3A_187 = vector.shape_cast %swap3A_186 : vector<1x16xf32> to vector<16xf32>
    %swap3A_188 = vector.shape_cast %broadcast_in_dim3A_21 : vector<16xf32> to vector<1x16xf32>
    tpu.vector_store %arg7[%swap3A_184, %swap3A_185], %swap3A_188 {strides = array<i32>} : memref<8x128xf32, #tpu.memory_space<vmem>>, vector<1x16xf32>,
    %swap3A_189 = arith.constant 3 : i32
    %swap3A_190 = arith.index_cast %swap3A_189 : i32 to index
    %swap3A_191 = arith.constant 64 : index
    %swap3A_192 = tpu.vector_load %arg7[%swap3A_190, %swap3A_191] {strides = array<i32>} : memref<8x128xf32, #tpu.memory_space<vmem>>, vector<1x16xf32>,
    %swap3A_193 = vector.shape_cast %swap3A_192 : vector<1x16xf32> to vector<16xf32>
    %swap3A_194 = vector.shape_cast %broadcast_in_dim3A_21 : vector<16xf32> to vector<1x16xf32>
    tpu.vector_store %arg7[%swap3A_190, %swap3A_191], %swap3A_194 {strides = array<i32>} : memref<8x128xf32, #tpu.memory_space<vmem>>, vector<1x16xf32>,
    %swap3A_195 = arith.constant 3 : i32
    %swap3A_196 = arith.index_cast %swap3A_195 : i32 to index
    %swap3A_197 = arith.constant 80 : index
    %swap3A_198 = tpu.vector_load %arg7[%swap3A_196, %swap3A_197] {strides = array<i32>} : memref<8x128xf32, #tpu.memory_space<vmem>>, vector<1x16xf32>,
    %swap3A_199 = vector.shape_cast %swap3A_198 : vector<1x16xf32> to vector<16xf32>
    %swap3A_200 = vector.shape_cast %broadcast_in_dim3A_21 : vector<16xf32> to vector<1x16xf32>
    tpu.vector_store %arg7[%swap3A_196, %swap3A_197], %swap3A_200 {strides = array<i32>} : memref<8x128xf32, #tpu.memory_space<vmem>>, vector<1x16xf32>,
    %swap3A_201 = arith.constant 3 : i32
    %swap3A_202 = arith.index_cast %swap3A_201 : i32 to index
    %swap3A_203 = arith.constant 96 : index
    %swap3A_204 = tpu.vector_load %arg7[%swap3A_202, %swap3A_203] {strides = array<i32>} : memref<8x128xf32, #tpu.memory_space<vmem>>, vector<1x16xf32>,
    %swap3A_205 = vector.shape_cast %swap3A_204 : vector<1x16xf32> to vector<16xf32>
    %swap3A_206 = vector.shape_cast %broadcast_in_dim3A_21 : vector<16xf32> to vector<1x16xf32>
    tpu.vector_store %arg7[%swap3A_202, %swap3A_203], %swap3A_206 {strides = array<i32>} : memref<8x128xf32, #tpu.memory_space<vmem>>, vector<1x16xf32>,
    %swap3A_207 = arith.constant 3 : i32
    %swap3A_208 = arith.index_cast %swap3A_207 : i32 to index
    %swap3A_209 = arith.constant 112 : index
    %swap3A_210 = tpu.vector_load %arg7[%swap3A_208, %swap3A_209] {strides = array<i32>} : memref<8x128xf32, #tpu.memory_space<vmem>>, vector<1x16xf32>,
    %swap3A_211 = vector.shape_cast %swap3A_210 : vector<1x16xf32> to vector<16xf32>
    %swap3A_212 = vector.shape_cast %broadcast_in_dim3A_21 : vector<16xf32> to vector<1x16xf32>
    tpu.vector_store %arg7[%swap3A_208, %swap3A_209], %swap3A_212 {strides = array<i32>} : memref<8x128xf32, #tpu.memory_space<vmem>>, vector<1x16xf32>,
    %swap3A_213 = arith.constant 4 : i32
    %swap3A_214 = arith.index_cast %swap3A_213 : i32 to index
    %swap3A_215 = arith.constant 0 : index
    %swap3A_216 = tpu.vector_load %arg7[%swap3A_214, %swap3A_215] {strides = array<i32>} : memref<8x128xf32, #tpu.memory_space<vmem>>, vector<1x16xf32>,
    %swap3A_217 = vector.shape_cast %swap3A_216 : vector<1x16xf32> to vector<16xf32>
    %swap3A_218 = vector.shape_cast %broadcast_in_dim3A_21 : vector<16xf32> to vector<1x16xf32>
    tpu.vector_store %arg7[%swap3A_214, %swap3A_215], %swap3A_218 {strides = array<i32>} : memref<8x128xf32, #tpu.memory_space<vmem>>, vector<1x16xf32>,
    %swap3A_219 = arith.constant 4 : i32
    %swap3A_220 = arith.index_cast %swap3A_219 : i32 to index
    %swap3A_221 = arith.constant 16 : index
    %swap3A_222 = tpu.vector_load %arg7[%swap3A_220, %swap3A_221] {strides = array<i32>} : memref<8x128xf32, #tpu.memory_space<vmem>>, vector<1x16xf32>,
    %swap3A_223 = vector.shape_cast %swap3A_222 : vector<1x16xf32> to vector<16xf32>
    %swap3A_224 = vector.shape_cast %broadcast_in_dim3A_21 : vector<16xf32> to vector<1x16xf32>
    tpu.vector_store %arg7[%swap3A_220, %swap3A_221], %swap3A_224 {strides = array<i32>} : memref<8x128xf32, #tpu.memory_space<vmem>>, vector<1x16xf32>,
    %swap3A_225 = arith.constant 4 : i32
    %swap3A_226 = arith.index_cast %swap3A_225 : i32 to index
    %swap3A_227 = arith.constant 32 : index
    %swap3A_228 = tpu.vector_load %arg7[%swap3A_226, %swap3A_227] {strides = array<i32>} : memref<8x128xf32, #tpu.memory_space<vmem>>, vector<1x16xf32>,
    %swap3A_229 = vector.shape_cast %swap3A_228 : vector<1x16xf32> to vector<16xf32>
    %swap3A_230 = vector.shape_cast %broadcast_in_dim3A_21 : vector<16xf32> to vector<1x16xf32>
    tpu.vector_store %arg7[%swap3A_226, %swap3A_227], %swap3A_230 {strides = array<i32>} : memref<8x128xf32, #tpu.memory_space<vmem>>, vector<1x16xf32>,
    %swap3A_231 = arith.constant 4 : i32
    %swap3A_232 = arith.index_cast %swap3A_231 : i32 to index
    %swap3A_233 = arith.constant 48 : index
    %swap3A_234 = tpu.vector_load %arg7[%swap3A_232, %swap3A_233] {strides = array<i32>} : memref<8x128xf32, #tpu.memory_space<vmem>>, vector<1x16xf32>,
    %swap3A_235 = vector.shape_cast %swap3A_234 : vector<1x16xf32> to vector<16xf32>
    %swap3A_236 = vector.shape_cast %broadcast_in_dim3A_21 : vector<16xf32> to vector<1x16xf32>
    tpu.vector_store %arg7[%swap3A_232, %swap3A_233], %swap3A_236 {strides = array<i32>} : memref<8x128xf32, #tpu.memory_space<vmem>>, vector<1x16xf32>,
    %swap3A_237 = arith.constant 4 : i32
    %swap3A_238 = arith.index_cast %swap3A_237 : i32 to index
    %swap3A_239 = arith.constant 64 : index
    %swap3A_240 = tpu.vector_load %arg7[%swap3A_238, %swap3A_239] {strides = array<i32>} : memref<8x128xf32, #tpu.memory_space<vmem>>, vector<1x16xf32>,
    %swap3A_241 = vector.shape_cast %swap3A_240 : vector<1x16xf32> to vector<16xf32>
    %swap3A_242 = vector.shape_cast %broadcast_in_dim3A_21 : vector<16xf32> to vector<1x16xf32>
    tpu.vector_store %arg7[%swap3A_238, %swap3A_239], %swap3A_242 {strides = array<i32>} : memref<8x128xf32, #tpu.memory_space<vmem>>, vector<1x16xf32>,
    %swap3A_243 = arith.constant 4 : i32
    %swap3A_244 = arith.index_cast %swap3A_243 : i32 to index
    %swap3A_245 = arith.constant 80 : index
    %swap3A_246 = tpu.vector_load %arg7[%swap3A_244, %swap3A_245] {strides = array<i32>} : memref<8x128xf32, #tpu.memory_space<vmem>>, vector<1x16xf32>,
    %swap3A_247 = vector.shape_cast %swap3A_246 : vector<1x16xf32> to vector<16xf32>
    %swap3A_248 = vector.shape_cast %broadcast_in_dim3A_21 : vector<16xf32> to vector<1x16xf32>
    tpu.vector_store %arg7[%swap3A_244, %swap3A_245], %swap3A_248 {strides = array<i32>} : memref<8x128xf32, #tpu.memory_space<vmem>>, vector<1x16xf32>,
    %swap3A_249 = arith.constant 4 : i32
    %swap3A_250 = arith.index_cast %swap3A_249 : i32 to index
    %swap3A_251 = arith.constant 96 : index
    %swap3A_252 = tpu.vector_load %arg7[%swap3A_250, %swap3A_251] {strides = array<i32>} : memref<8x128xf32, #tpu.memory_space<vmem>>, vector<1x16xf32>,
    %swap3A_253 = vector.shape_cast %swap3A_252 : vector<1x16xf32> to vector<16xf32>
    %swap3A_254 = vector.shape_cast %broadcast_in_dim3A_21 : vector<16xf32> to vector<1x16xf32>
    tpu.vector_store %arg7[%swap3A_250, %swap3A_251], %swap3A_254 {strides = array<i32>} : memref<8x128xf32, #tpu.memory_space<vmem>>, vector<1x16xf32>,
    %swap3A_255 = arith.constant 4 : i32
    %swap3A_256 = arith.index_cast %swap3A_255 : i32 to index
    %swap3A_257 = arith.constant 112 : index
    %swap3A_258 = tpu.vector_load %arg7[%swap3A_256, %swap3A_257] {strides = array<i32>} : memref<8x128xf32, #tpu.memory_space<vmem>>, vector<1x16xf32>,
    %swap3A_259 = vector.shape_cast %swap3A_258 : vector<1x16xf32> to vector<16xf32>
    %swap3A_260 = vector.shape_cast %broadcast_in_dim3A_21 : vector<16xf32> to vector<1x16xf32>
    tpu.vector_store %arg7[%swap3A_256, %swap3A_257], %swap3A_260 {strides = array<i32>} : memref<8x128xf32, #tpu.memory_space<vmem>>, vector<1x16xf32>,
    %swap3A_261 = arith.constant 5 : i32
    %swap3A_262 = arith.index_cast %swap3A_261 : i32 to index
    %swap3A_263 = arith.constant 0 : index
    %swap3A_264 = tpu.vector_load %arg7[%swap3A_262, %swap3A_263] {strides = array<i32>} : memref<8x128xf32, #tpu.memory_space<vmem>>, vector<1x16xf32>,
    %swap3A_265 = vector.shape_cast %swap3A_264 : vector<1x16xf32> to vector<16xf32>
    %swap3A_266 = vector.shape_cast %broadcast_in_dim3A_21 : vector<16xf32> to vector<1x16xf32>
    tpu.vector_store %arg7[%swap3A_262, %swap3A_263], %swap3A_266 {strides = array<i32>} : memref<8x128xf32, #tpu.memory_space<vmem>>, vector<1x16xf32>,
    %swap3A_267 = arith.constant 5 : i32
    %swap3A_268 = arith.index_cast %swap3A_267 : i32 to index
    %swap3A_269 = arith.constant 16 : index
    %swap3A_270 = tpu.vector_load %arg7[%swap3A_268, %swap3A_269] {strides = array<i32>} : memref<8x128xf32, #tpu.memory_space<vmem>>, vector<1x16xf32>,
    %swap3A_271 = vector.shape_cast %swap3A_270 : vector<1x16xf32> to vector<16xf32>
    %swap3A_272 = vector.shape_cast %broadcast_in_dim3A_21 : vector<16xf32> to vector<1x16xf32>
    tpu.vector_store %arg7[%swap3A_268, %swap3A_269], %swap3A_272 {strides = array<i32>} : memref<8x128xf32, #tpu.memory_space<vmem>>, vector<1x16xf32>,
    %swap3A_273 = arith.constant 5 : i32
    %swap3A_274 = arith.index_cast %swap3A_273 : i32 to index
    %swap3A_275 = arith.constant 32 : index
    %swap3A_276 = tpu.vector_load %arg7[%swap3A_274, %swap3A_275] {strides = array<i32>} : memref<8x128xf32, #tpu.memory_space<vmem>>, vector<1x16xf32>,
    %swap3A_277 = vector.shape_cast %swap3A_276 : vector<1x16xf32> to vector<16xf32>
    %swap3A_278 = vector.shape_cast %broadcast_in_dim3A_21 : vector<16xf32> to vector<1x16xf32>
    tpu.vector_store %arg7[%swap3A_274, %swap3A_275], %swap3A_278 {strides = array<i32>} : memref<8x128xf32, #tpu.memory_space<vmem>>, vector<1x16xf32>,
    %swap3A_279 = arith.constant 5 : i32
    %swap3A_280 = arith.index_cast %swap3A_279 : i32 to index
    %swap3A_281 = arith.constant 48 : index
    %swap3A_282 = tpu.vector_load %arg7[%swap3A_280, %swap3A_281] {strides = array<i32>} : memref<8x128xf32, #tpu.memory_space<vmem>>, vector<1x16xf32>,
    %swap3A_283 = vector.shape_cast %swap3A_282 : vector<1x16xf32> to vector<16xf32>
    %swap3A_284 = vector.shape_cast %broadcast_in_dim3A_21 : vector<16xf32> to vector<1x16xf32>
    tpu.vector_store %arg7[%swap3A_280, %swap3A_281], %swap3A_284 {strides = array<i32>} : memref<8x128xf32, #tpu.memory_space<vmem>>, vector<1x16xf32>,
    %swap3A_285 = arith.constant 5 : i32
    %swap3A_286 = arith.index_cast %swap3A_285 : i32 to index
    %swap3A_287 = arith.constant 64 : index
    %swap3A_288 = tpu.vector_load %arg7[%swap3A_286, %swap3A_287] {strides = array<i32>} : memref<8x128xf32, #tpu.memory_space<vmem>>, vector<1x16xf32>,
    %swap3A_289 = vector.shape_cast %swap3A_288 : vector<1x16xf32> to vector<16xf32>
    %swap3A_290 = vector.shape_cast %broadcast_in_dim3A_21 : vector<16xf32> to vector<1x16xf32>
    tpu.vector_store %arg7[%swap3A_286, %swap3A_287], %swap3A_290 {strides = array<i32>} : memref<8x128xf32, #tpu.memory_space<vmem>>, vector<1x16xf32>,
    %swap3A_291 = arith.constant 5 : i32
    %swap3A_292 = arith.index_cast %swap3A_291 : i32 to index
    %swap3A_293 = arith.constant 80 : index
    %swap3A_294 = tpu.vector_load %arg7[%swap3A_292, %swap3A_293] {strides = array<i32>} : memref<8x128xf32, #tpu.memory_space<vmem>>, vector<1x16xf32>,
    %swap3A_295 = vector.shape_cast %swap3A_294 : vector<1x16xf32> to vector<16xf32>
    %swap3A_296 = vector.shape_cast %broadcast_in_dim3A_21 : vector<16xf32> to vector<1x16xf32>
    tpu.vector_store %arg7[%swap3A_292, %swap3A_293], %swap3A_296 {strides = array<i32>} : memref<8x128xf32, #tpu.memory_space<vmem>>, vector<1x16xf32>,
    %swap3A_297 = arith.constant 5 : i32
    %swap3A_298 = arith.index_cast %swap3A_297 : i32 to index
    %swap3A_299 = arith.constant 96 : index
    %swap3A_300 = tpu.vector_load %arg7[%swap3A_298, %swap3A_299] {strides = array<i32>} : memref<8x128xf32, #tpu.memory_space<vmem>>, vector<1x16xf32>,
    %swap3A_301 = vector.shape_cast %swap3A_300 : vector<1x16xf32> to vector<16xf32>
    %swap3A_302 = vector.shape_cast %broadcast_in_dim3A_21 : vector<16xf32> to vector<1x16xf32>
    tpu.vector_store %arg7[%swap3A_298, %swap3A_299], %swap3A_302 {strides = array<i32>} : memref<8x128xf32, #tpu.memory_space<vmem>>, vector<1x16xf32>,
    %swap3A_303 = arith.constant 5 : i32
    %swap3A_304 = arith.index_cast %swap3A_303 : i32 to index
    %swap3A_305 = arith.constant 112 : index
    %swap3A_306 = tpu.vector_load %arg7[%swap3A_304, %swap3A_305] {strides = array<i32>} : memref<8x128xf32, #tpu.memory_space<vmem>>, vector<1x16xf32>,
    %swap3A_307 = vector.shape_cast %swap3A_306 : vector<1x16xf32> to vector<16xf32>
    %swap3A_308 = vector.shape_cast %broadcast_in_dim3A_21 : vector<16xf32> to vector<1x16xf32>
    tpu.vector_store %arg7[%swap3A_304, %swap3A_305], %swap3A_308 {strides = array<i32>} : memref<8x128xf32, #tpu.memory_space<vmem>>, vector<1x16xf32>,
    %swap3A_309 = arith.constant 6 : i32
    %swap3A_310 = arith.index_cast %swap3A_309 : i32 to index
    %swap3A_311 = arith.constant 0 : index
    %swap3A_312 = tpu.vector_load %arg7[%swap3A_310, %swap3A_311] {strides = array<i32>} : memref<8x128xf32, #tpu.memory_space<vmem>>, vector<1x16xf32>,
    %swap3A_313 = vector.shape_cast %swap3A_312 : vector<1x16xf32> to vector<16xf32>
    %swap3A_314 = vector.shape_cast %broadcast_in_dim3A_21 : vector<16xf32> to vector<1x16xf32>
    tpu.vector_store %arg7[%swap3A_310, %swap3A_311], %swap3A_314 {strides = array<i32>} : memref<8x128xf32, #tpu.memory_space<vmem>>, vector<1x16xf32>,
    %swap3A_315 = arith.constant 6 : i32
    %swap3A_316 = arith.index_cast %swap3A_315 : i32 to index
    %swap3A_317 = arith.constant 16 : index
    %swap3A_318 = tpu.vector_load %arg7[%swap3A_316, %swap3A_317] {strides = array<i32>} : memref<8x128xf32, #tpu.memory_space<vmem>>, vector<1x16xf32>,
    %swap3A_319 = vector.shape_cast %swap3A_318 : vector<1x16xf32> to vector<16xf32>
    %swap3A_320 = vector.shape_cast %broadcast_in_dim3A_21 : vector<16xf32> to vector<1x16xf32>
    tpu.vector_store %arg7[%swap3A_316, %swap3A_317], %swap3A_320 {strides = array<i32>} : memref<8x128xf32, #tpu.memory_space<vmem>>, vector<1x16xf32>,
    %swap3A_321 = arith.constant 6 : i32
    %swap3A_322 = arith.index_cast %swap3A_321 : i32 to index
    %swap3A_323 = arith.constant 32 : index
    %swap3A_324 = tpu.vector_load %arg7[%swap3A_322, %swap3A_323] {strides = array<i32>} : memref<8x128xf32, #tpu.memory_space<vmem>>, vector<1x16xf32>,
    %swap3A_325 = vector.shape_cast %swap3A_324 : vector<1x16xf32> to vector<16xf32>
    %swap3A_326 = vector.shape_cast %broadcast_in_dim3A_21 : vector<16xf32> to vector<1x16xf32>
    tpu.vector_store %arg7[%swap3A_322, %swap3A_323], %swap3A_326 {strides = array<i32>} : memref<8x128xf32, #tpu.memory_space<vmem>>, vector<1x16xf32>,
    %swap3A_327 = arith.constant 6 : i32
    %swap3A_328 = arith.index_cast %swap3A_327 : i32 to index
    %swap3A_329 = arith.constant 48 : index
    %swap3A_330 = tpu.vector_load %arg7[%swap3A_328, %swap3A_329] {strides = array<i32>} : memref<8x128xf32, #tpu.memory_space<vmem>>, vector<1x16xf32>,
    %swap3A_331 = vector.shape_cast %swap3A_330 : vector<1x16xf32> to vector<16xf32>
    %swap3A_332 = vector.shape_cast %broadcast_in_dim3A_21 : vector<16xf32> to vector<1x16xf32>
    tpu.vector_store %arg7[%swap3A_328, %swap3A_329], %swap3A_332 {strides = array<i32>} : memref<8x128xf32, #tpu.memory_space<vmem>>, vector<1x16xf32>,
    %swap3A_333 = arith.constant 6 : i32
    %swap3A_334 = arith.index_cast %swap3A_333 : i32 to index
    %swap3A_335 = arith.constant 64 : index
    %swap3A_336 = tpu.vector_load %arg7[%swap3A_334, %swap3A_335] {strides = array<i32>} : memref<8x128xf32, #tpu.memory_space<vmem>>, vector<1x16xf32>,
    %swap3A_337 = vector.shape_cast %swap3A_336 : vector<1x16xf32> to vector<16xf32>
    %swap3A_338 = vector.shape_cast %broadcast_in_dim3A_21 : vector<16xf32> to vector<1x16xf32>
    tpu.vector_store %arg7[%swap3A_334, %swap3A_335], %swap3A_338 {strides = array<i32>} : memref<8x128xf32, #tpu.memory_space<vmem>>, vector<1x16xf32>,
    %swap3A_339 = arith.constant 6 : i32
    %swap3A_340 = arith.index_cast %swap3A_339 : i32 to index
    %swap3A_341 = arith.constant 80 : index
    %swap3A_342 = tpu.vector_load %arg7[%swap3A_340, %swap3A_341] {strides = array<i32>} : memref<8x128xf32, #tpu.memory_space<vmem>>, vector<1x16xf32>,
    %swap3A_343 = vector.shape_cast %swap3A_342 : vector<1x16xf32> to vector<16xf32>
    %swap3A_344 = vector.shape_cast %broadcast_in_dim3A_21 : vector<16xf32> to vector<1x16xf32>
    tpu.vector_store %arg7[%swap3A_340, %swap3A_341], %swap3A_344 {strides = array<i32>} : memref<8x128xf32, #tpu.memory_space<vmem>>, vector<1x16xf32>,
    %swap3A_345 = arith.constant 6 : i32
    %swap3A_346 = arith.index_cast %swap3A_345 : i32 to index
    %swap3A_347 = arith.constant 96 : index
    %swap3A_348 = tpu.vector_load %arg7[%swap3A_346, %swap3A_347] {strides = array<i32>} : memref<8x128xf32, #tpu.memory_space<vmem>>, vector<1x16xf32>,
    %swap3A_349 = vector.shape_cast %swap3A_348 : vector<1x16xf32> to vector<16xf32>
    %swap3A_350 = vector.shape_cast %broadcast_in_dim3A_21 : vector<16xf32> to vector<1x16xf32>
    tpu.vector_store %arg7[%swap3A_346, %swap3A_347], %swap3A_350 {strides = array<i32>} : memref<8x128xf32, #tpu.memory_space<vmem>>, vector<1x16xf32>,
    %swap3A_351 = arith.constant 6 : i32
    %swap3A_352 = arith.index_cast %swap3A_351 : i32 to index
    %swap3A_353 = arith.constant 112 : index
    %swap3A_354 = tpu.vector_load %arg7[%swap3A_352, %swap3A_353] {strides = array<i32>} : memref<8x128xf32, #tpu.memory_space<vmem>>, vector<1x16xf32>,
    %swap3A_355 = vector.shape_cast %swap3A_354 : vector<1x16xf32> to vector<16xf32>
    %swap3A_356 = vector.shape_cast %broadcast_in_dim3A_21 : vector<16xf32> to vector<1x16xf32>
    tpu.vector_store %arg7[%swap3A_352, %swap3A_353], %swap3A_356 {strides = array<i32>} : memref<8x128xf32, #tpu.memory_space<vmem>>, vector<1x16xf32>,
    %swap3A_357 = arith.constant 7 : i32
    %swap3A_358 = arith.index_cast %swap3A_357 : i32 to index
    %swap3A_359 = arith.constant 0 : index
    %swap3A_360 = tpu.vector_load %arg7[%swap3A_358, %swap3A_359] {strides = array<i32>} : memref<8x128xf32, #tpu.memory_space<vmem>>, vector<1x16xf32>,
    %swap3A_361 = vector.shape_cast %swap3A_360 : vector<1x16xf32> to vector<16xf32>
    %swap3A_362 = vector.shape_cast %broadcast_in_dim3A_21 : vector<16xf32> to vector<1x16xf32>
    tpu.vector_store %arg7[%swap3A_358, %swap3A_359], %swap3A_362 {strides = array<i32>} : memref<8x128xf32, #tpu.memory_space<vmem>>, vector<1x16xf32>,
    %swap3A_363 = arith.constant 7 : i32
    %swap3A_364 = arith.index_cast %swap3A_363 : i32 to index
    %swap3A_365 = arith.constant 16 : index
    %swap3A_366 = tpu.vector_load %arg7[%swap3A_364, %swap3A_365] {strides = array<i32>} : memref<8x128xf32, #tpu.memory_space<vmem>>, vector<1x16xf32>,
    %swap3A_367 = vector.shape_cast %swap3A_366 : vector<1x16xf32> to vector<16xf32>
    %swap3A_368 = vector.shape_cast %broadcast_in_dim3A_21 : vector<16xf32> to vector<1x16xf32>
    tpu.vector_store %arg7[%swap3A_364, %swap3A_365], %swap3A_368 {strides = array<i32>} : memref<8x128xf32, #tpu.memory_space<vmem>>, vector<1x16xf32>,
    %swap3A_369 = arith.constant 7 : i32
    %swap3A_370 = arith.index_cast %swap3A_369 : i32 to index
    %swap3A_371 = arith.constant 32 : index
    %swap3A_372 = tpu.vector_load %arg7[%swap3A_370, %swap3A_371] {strides = array<i32>} : memref<8x128xf32, #tpu.memory_space<vmem>>, vector<1x16xf32>,
    %swap3A_373 = vector.shape_cast %swap3A_372 : vector<1x16xf32> to vector<16xf32>
    %swap3A_374 = vector.shape_cast %broadcast_in_dim3A_21 : vector<16xf32> to vector<1x16xf32>
    tpu.vector_store %arg7[%swap3A_370, %swap3A_371], %swap3A_374 {strides = array<i32>} : memref<8x128xf32, #tpu.memory_space<vmem>>, vector<1x16xf32>,
    %swap3A_375 = arith.constant 7 : i32
    %swap3A_376 = arith.index_cast %swap3A_375 : i32 to index
    %swap3A_377 = arith.constant 48 : index
    %swap3A_378 = tpu.vector_load %arg7[%swap3A_376, %swap3A_377] {strides = array<i32>} : memref<8x128xf32, #tpu.memory_space<vmem>>, vector<1x16xf32>,
    %swap3A_379 = vector.shape_cast %swap3A_378 : vector<1x16xf32> to vector<16xf32>
    %swap3A_380 = vector.shape_cast %broadcast_in_dim3A_21 : vector<16xf32> to vector<1x16xf32>
    tpu.vector_store %arg7[%swap3A_376, %swap3A_377], %swap3A_380 {strides = array<i32>} : memref<8x128xf32, #tpu.memory_space<vmem>>, vector<1x16xf32>,
    %swap3A_381 = arith.constant 7 : i32
    %swap3A_382 = arith.index_cast %swap3A_381 : i32 to index
    %swap3A_383 = arith.constant 64 : index
    %swap3A_384 = tpu.vector_load %arg7[%swap3A_382, %swap3A_383] {strides = array<i32>} : memref<8x128xf32, #tpu.memory_space<vmem>>, vector<1x16xf32>,
    %swap3A_385 = vector.shape_cast %swap3A_384 : vector<1x16xf32> to vector<16xf32>
    %swap3A_386 = vector.shape_cast %broadcast_in_dim3A_21 : vector<16xf32> to vector<1x16xf32>
    tpu.vector_store %arg7[%swap3A_382, %swap3A_383], %swap3A_386 {strides = array<i32>} : memref<8x128xf32, #tpu.memory_space<vmem>>, vector<1x16xf32>,
    %swap3A_387 = arith.constant 7 : i32
    %swap3A_388 = arith.index_cast %swap3A_387 : i32 to index
    %swap3A_389 = arith.constant 80 : index
    %swap3A_390 = tpu.vector_load %arg7[%swap3A_388, %swap3A_389] {strides = array<i32>} : memref<8x128xf32, #tpu.memory_space<vmem>>, vector<1x16xf32>,
    %swap3A_391 = vector.shape_cast %swap3A_390 : vector<1x16xf32> to vector<16xf32>
    %swap3A_392 = vector.shape_cast %broadcast_in_dim3A_21 : vector<16xf32> to vector<1x16xf32>
    tpu.vector_store %arg7[%swap3A_388, %swap3A_389], %swap3A_392 {strides = array<i32>} : memref<8x128xf32, #tpu.memory_space<vmem>>, vector<1x16xf32>,
    %swap3A_393 = arith.constant 7 : i32
    %swap3A_394 = arith.index_cast %swap3A_393 : i32 to index
    %swap3A_395 = arith.constant 96 : index
    %swap3A_396 = tpu.vector_load %arg7[%swap3A_394, %swap3A_395] {strides = array<i32>} : memref<8x128xf32, #tpu.memory_space<vmem>>, vector<1x16xf32>,
    %swap3A_397 = vector.shape_cast %swap3A_396 : vector<1x16xf32> to vector<16xf32>
    %swap3A_398 = vector.shape_cast %broadcast_in_dim3A_21 : vector<16xf32> to vector<1x16xf32>
    tpu.vector_store %arg7[%swap3A_394, %swap3A_395], %swap3A_398 {strides = array<i32>} : memref<8x128xf32, #tpu.memory_space<vmem>>, vector<1x16xf32>,
    %swap3A_399 = arith.constant 7 : i32
    %swap3A_400 = arith.index_cast %swap3A_399 : i32 to index
    %swap3A_401 = arith.constant 112 : index
    %swap3A_402 = tpu.vector_load %arg7[%swap3A_400, %swap3A_401] {strides = array<i32>} : memref<8x128xf32, #tpu.memory_space<vmem>>, vector<1x16xf32>,
    %swap3A_403 = vector.shape_cast %swap3A_402 : vector<1x16xf32> to vector<16xf32>
    %swap3A_404 = vector.shape_cast %broadcast_in_dim3A_21 : vector<16xf32> to vector<1x16xf32>
    tpu.vector_store %arg7[%swap3A_400, %swap3A_401], %swap3A_404 {strides = array<i32>} : memref<8x128xf32, #tpu.memory_space<vmem>>, vector<1x16xf32>,
    %jit3A = arith.constant 400 : i32
    %div3A = arith.divsi %squeeze3A, %jit3A : i32
    %sign3A = arith.constant 0 : i32
    %sign3A_405 = arith.cmpi sgt, %squeeze3A, %sign3A : i32
    %sign3A_406 = arith.extui %sign3A_405 : i1 to i32
    %sign3A_407 = arith.constant 0 : i32
    %sign3A_408 = arith.cmpi slt, %squeeze3A, %sign3A_407 : i32
    %sign3A_409 = arith.extui %sign3A_408 : i1 to i32
    %sign3A_410 = arith.subi %sign3A_406, %sign3A_409 : i32
    %sign3A_411 = arith.constant 0 : i32
    %sign3A_412 = arith.cmpi sgt, %jit3A, %sign3A_411 : i32
    %sign3A_413 = arith.extui %sign3A_412 : i1 to i32
    %sign3A_414 = arith.constant 0 : i32
    %sign3A_415 = arith.cmpi slt, %jit3A, %sign3A_414 : i32
    %sign3A_416 = arith.extui %sign3A_415 : i1 to i32
    %sign3A_417 = arith.subi %sign3A_413, %sign3A_416 : i32
    %ne3A = arith.cmpi ne, %sign3A_410, %sign3A_417 : i32
    %rem3A = arith.remsi %squeeze3A, %jit3A : i32
    %ne3A_418 = arith.constant 0 : i32
    %ne3A_419 = arith.cmpi ne, %rem3A, %ne3A_418 : i32
    %and3A = arith.andi %ne3A, %ne3A_419 : i1
    %sub3A = arith.constant 1 : i32
    %sub3A_420 = arith.subi %div3A, %sub3A : i32
    %select_n3A = arith.select %and3A, %sub3A_420, %div3A : i32
    %sub3A_421 = arith.constant 1 : i32
    %sub3A_422 = arith.subi %squeeze3A_20, %sub3A_421 : i32
    %jit3A_423 = arith.constant 400 : i32
    %div3A_424 = arith.divsi %sub3A_422, %jit3A_423 : i32
    %sign3A_425 = arith.constant 0 : i32
    %sign3A_426 = arith.cmpi sgt, %sub3A_422, %sign3A_425 : i32
    %sign3A_427 = arith.extui %sign3A_426 : i1 to i32
    %sign3A_428 = arith.constant 0 : i32
    %sign3A_429 = arith.cmpi slt, %sub3A_422, %sign3A_428 : i32
    %sign3A_430 = arith.extui %sign3A_429 : i1 to i32
    %sign3A_431 = arith.subi %sign3A_427, %sign3A_430 : i32
    %sign3A_432 = arith.constant 0 : i32
    %sign3A_433 = arith.cmpi sgt, %jit3A_423, %sign3A_432 : i32
    %sign3A_434 = arith.extui %sign3A_433 : i1 to i32
    %sign3A_435 = arith.constant 0 : i32
    %sign3A_436 = arith.cmpi slt, %jit3A_423, %sign3A_435 : i32
    %sign3A_437 = arith.extui %sign3A_436 : i1 to i32
    %sign3A_438 = arith.subi %sign3A_434, %sign3A_437 : i32
    %ne3A_439 = arith.cmpi ne, %sign3A_431, %sign3A_438 : i32
    %rem3A_440 = arith.remsi %sub3A_422, %jit3A_423 : i32
    %ne3A_441 = arith.constant 0 : i32
    %ne3A_442 = arith.cmpi ne, %rem3A_440, %ne3A_441 : i32
    %and3A_443 = arith.andi %ne3A_439, %ne3A_442 : i1
    %sub3A_444 = arith.constant 1 : i32
    %sub3A_445 = arith.subi %div3A_424, %sub3A_444 : i32
    %select_n3A_446 = arith.select %and3A_443, %sub3A_445, %div3A_424 : i32
    %add3A_447 = arith.constant 1 : i32
    %add3A_448 = arith.addi %select_n3A_446, %add3A_447 : i32
    %while3A = arith.constant 0 : i32
    %while3A_449 = arith.subi %add3A_448, %select_n3A : i32
    %while3A_450 = arith.addi %select_n3A, %while3A_449 : i32
    %while3A_451 = arith.constant 1 : i32
    %while3A_452 = arith.divsi %while3A_449, %while3A_451 : i32
    %while3A_453 = arith.muli %while3A_452, %while3A_451 : i32
    %while3A_454 = arith.addi %select_n3A, %while3A_453 : i32
    %while3A_455 = arith.constant 1 : i32
    scf.for %while3A_1289 = %select_n3A to %while3A_454 step %while3A_455  : i32 {
      %mul3A_1290 = arith.constant 400 : i32
      %mul3A_1291 = arith.muli %while3A_1289, %mul3A_1290 : i32
      "tpu.region"() ({
        %run_scoped3A = tpu.sem_alloc : memref<!tpu.dma_semaphore, #tpu.memory_space<semaphore_mem>>
        %dma_start3A = arith.constant 0 : i32
        %dma_start3A_2299 = tpu.memref_slice %arg2[%mul3A_1291, %dma_start3A] : memref<100000x128xf32, #tpu.memory_space<hbm>> -> memref<400x128xf32, #tpu.memory_space<hbm>>
        %dma_start3A_2300 = arith.constant 0 : i32
        %dma_start3A_2301 = tpu.memref_slice %arg2[%mul3A_1291, %dma_start3A_2300] : memref<100000x128xf32, #tpu.memory_space<hbm>> -> memref<400x128xf32, #tpu.memory_space<hbm>>
        tpu.enqueue_dma source(%dma_start3A_2301 : memref<400x128xf32, #tpu.memory_space<hbm>>) target(%arg6 : memref<400x128xf32, #tpu.memory_space<vmem>>) target_semaphore(%run_scoped3A : memref<!tpu.dma_semaphore, #tpu.memory_space<semaphore_mem>>)
        %dma_wait3A = arith.constant 0 : i32
        %dma_wait3A_2302 = tpu.memref_slice %arg2[%mul3A_1291, %dma_wait3A] : memref<100000x128xf32, #tpu.memory_space<hbm>> -> memref<400x128xf32, #tpu.memory_space<hbm>>
        %dma_wait3A_2303 = arith.constant 0 : i32
        %dma_wait3A_2304 = tpu.memref_slice %arg2[%mul3A_1291, %dma_wait3A_2303] : memref<100000x128xf32, #tpu.memory_space<hbm>> -> memref<400x128xf32, #tpu.memory_space<hbm>>
        tpu.wait_dma2 semaphore(%run_scoped3A : memref<!tpu.dma_semaphore, #tpu.memory_space<semaphore_mem>>) src(%dma_wait3A_2304 : memref<400x128xf32, #tpu.memory_space<hbm>>) dst(%arg6 : memref<400x128xf32, #tpu.memory_space<vmem>>)
        tpu.yield
      }) : () -> ()
      %max3A_1292 = arith.maxsi %squeeze3A, %mul3A_1291 : i32
      %add3A_1293 = arith.constant 400 : i32
      %add3A_1294 = arith.addi %mul3A_1291, %add3A_1293 : i32
      %min3A = arith.minsi %squeeze3A_6, %add3A_1294 : i32
      %broadcast_in_dim3A_1295 = arith.constant 0.000000e+00 : f32
      %broadcast_in_dim3A_1296 = vector.broadcast %broadcast_in_dim3A_1295 : f32 to vector<16xf32>
      %broadcast_in_dim3A_1297 = arith.constant 0.000000e+00 : f32
      %broadcast_in_dim3A_1298 = vector.broadcast %broadcast_in_dim3A_1297 : f32 to vector<16xf32>
      %broadcast_in_dim3A_1299 = arith.constant 0.000000e+00 : f32
      %broadcast_in_dim3A_1300 = vector.broadcast %broadcast_in_dim3A_1299 : f32 to vector<16xf32>
      %broadcast_in_dim3A_1301 = arith.constant 0.000000e+00 : f32
      %broadcast_in_dim3A_1302 = vector.broadcast %broadcast_in_dim3A_1301 : f32 to vector<16xf32>
      %broadcast_in_dim3A_1303 = arith.constant 0.000000e+00 : f32
      %broadcast_in_dim3A_1304 = vector.broadcast %broadcast_in_dim3A_1303 : f32 to vector<16xf32>
      %broadcast_in_dim3A_1305 = arith.constant 0.000000e+00 : f32
      %broadcast_in_dim3A_1306 = vector.broadcast %broadcast_in_dim3A_1305 : f32 to vector<16xf32>
      %broadcast_in_dim3A_1307 = arith.constant 0.000000e+00 : f32
      %broadcast_in_dim3A_1308 = vector.broadcast %broadcast_in_dim3A_1307 : f32 to vector<16xf32>
      %broadcast_in_dim3A_1309 = arith.constant 0.000000e+00 : f32
      %broadcast_in_dim3A_1310 = vector.broadcast %broadcast_in_dim3A_1309 : f32 to vector<16xf32>
      %while3A_1311 = arith.subi %min3A, %max3A_1292 : i32
      %while3A_1312 = arith.addi %max3A_1292, %while3A_1311 : i32
      %while3A_1313 = arith.constant 1 : i32
      %while3A_1314 = arith.divsi %while3A_1311, %while3A_1313 : i32
      %while3A_1315 = arith.muli %while3A_1314, %while3A_1313 : i32
      %while3A_1316 = arith.addi %max3A_1292, %while3A_1315 : i32
      %while3A_1317 = arith.constant 1 : i32
      %while3A_1318:8 = scf.for %while3A_2299 = %max3A_1292 to %while3A_1316 step %while3A_1317 iter_args(%while3A_2300 = %broadcast_in_dim3A_1296, %while3A_2301 = %broadcast_in_dim3A_1298, %while3A_2302 = %broadcast_in_dim3A_1300, %while3A_2303 = %broadcast_in_dim3A_1302, %while3A_2304 = %broadcast_in_dim3A_1304, %while3A_2305 = %broadcast_in_dim3A_1306, %while3A_2306 = %broadcast_in_dim3A_1308, %while3A_2307 = %broadcast_in_dim3A_1310) -> (vector<16xf32>, vector<16xf32>, vector<16xf32>, vector<16xf32>, vector<16xf32>, vector<16xf32>, vector<16xf32>, vector<16xf32>)  : i32 {
        %sub3A_2308 = arith.subi %while3A_2299, %mul3A_1291 : i32
        %get3A_2309 = arith.index_cast %sub3A_2308 : i32 to index
        %get3A_2310 = arith.constant 0 : index
        %get3A_2311 = tpu.vector_load %arg6[%get3A_2309, %get3A_2310] {strides = array<i32>} : memref<400x128xf32, #tpu.memory_space<vmem>>, vector<1x16xf32>,
        %get3A_2312 = vector.shape_cast %get3A_2311 : vector<1x16xf32> to vector<16xf32>
        %add3A_2313 = arith.addf %while3A_2300, %get3A_2312 : vector<16xf32>
        %get3A_2314 = arith.index_cast %sub3A_2308 : i32 to index
        %get3A_2315 = arith.constant 16 : index
        %get3A_2316 = tpu.vector_load %arg6[%get3A_2314, %get3A_2315] {strides = array<i32>} : memref<400x128xf32, #tpu.memory_space<vmem>>, vector<1x16xf32>,
        %get3A_2317 = vector.shape_cast %get3A_2316 : vector<1x16xf32> to vector<16xf32>
        %add3A_2318 = arith.addf %while3A_2301, %get3A_2317 : vector<16xf32>
        %get3A_2319 = arith.index_cast %sub3A_2308 : i32 to index
        %get3A_2320 = arith.constant 32 : index
        %get3A_2321 = tpu.vector_load %arg6[%get3A_2319, %get3A_2320] {strides = array<i32>} : memref<400x128xf32, #tpu.memory_space<vmem>>, vector<1x16xf32>,
        %get3A_2322 = vector.shape_cast %get3A_2321 : vector<1x16xf32> to vector<16xf32>
        %add3A_2323 = arith.addf %while3A_2302, %get3A_2322 : vector<16xf32>
        %get3A_2324 = arith.index_cast %sub3A_2308 : i32 to index
        %get3A_2325 = arith.constant 48 : index
        %get3A_2326 = tpu.vector_load %arg6[%get3A_2324, %get3A_2325] {strides = array<i32>} : memref<400x128xf32, #tpu.memory_space<vmem>>, vector<1x16xf32>,
        %get3A_2327 = vector.shape_cast %get3A_2326 : vector<1x16xf32> to vector<16xf32>
        %add3A_2328 = arith.addf %while3A_2303, %get3A_2327 : vector<16xf32>
        %get3A_2329 = arith.index_cast %sub3A_2308 : i32 to index
        %get3A_2330 = arith.constant 64 : index
        %get3A_2331 = tpu.vector_load %arg6[%get3A_2329, %get3A_2330] {strides = array<i32>} : memref<400x128xf32, #tpu.memory_space<vmem>>, vector<1x16xf32>,
        %get3A_2332 = vector.shape_cast %get3A_2331 : vector<1x16xf32> to vector<16xf32>
        %add3A_2333 = arith.addf %while3A_2304, %get3A_2332 : vector<16xf32>
        %get3A_2334 = arith.index_cast %sub3A_2308 : i32 to index
        %get3A_2335 = arith.constant 80 : index
        %get3A_2336 = tpu.vector_load %arg6[%get3A_2334, %get3A_2335] {strides = array<i32>} : memref<400x128xf32, #tpu.memory_space<vmem>>, vector<1x16xf32>,
        %get3A_2337 = vector.shape_cast %get3A_2336 : vector<1x16xf32> to vector<16xf32>
        %add3A_2338 = arith.addf %while3A_2305, %get3A_2337 : vector<16xf32>
        %get3A_2339 = arith.index_cast %sub3A_2308 : i32 to index
        %get3A_2340 = arith.constant 96 : index
        %get3A_2341 = tpu.vector_load %arg6[%get3A_2339, %get3A_2340] {strides = array<i32>} : memref<400x128xf32, #tpu.memory_space<vmem>>, vector<1x16xf32>,
        %get3A_2342 = vector.shape_cast %get3A_2341 : vector<1x16xf32> to vector<16xf32>
        %add3A_2343 = arith.addf %while3A_2306, %get3A_2342 : vector<16xf32>
        %get3A_2344 = arith.index_cast %sub3A_2308 : i32 to index
        %get3A_2345 = arith.constant 112 : index
        %get3A_2346 = tpu.vector_load %arg6[%get3A_2344, %get3A_2345] {strides = array<i32>} : memref<400x128xf32, #tpu.memory_space<vmem>>, vector<1x16xf32>,
        %get3A_2347 = vector.shape_cast %get3A_2346 : vector<1x16xf32> to vector<16xf32>
        %add3A_2348 = arith.addf %while3A_2307, %get3A_2347 : vector<16xf32>
        scf.yield %add3A_2313, %add3A_2318, %add3A_2323, %add3A_2328, %add3A_2333, %add3A_2338, %add3A_2343, %add3A_2348 : vector<16xf32>, vector<16xf32>, vector<16xf32>, vector<16xf32>, vector<16xf32>, vector<16xf32>, vector<16xf32>, vector<16xf32>
      }
      %while3A_1319 = arith.constant 1 : i32
      %while3A_1320:8 = scf.for %while3A_2299 = %while3A_1316 to %while3A_1312 step %while3A_1319 iter_args(%while3A_2300 = %while3A_1318#0, %while3A_2301 = %while3A_1318#1, %while3A_2302 = %while3A_1318#2, %while3A_2303 = %while3A_1318#3, %while3A_2304 = %while3A_1318#4, %while3A_2305 = %while3A_1318#5, %while3A_2306 = %while3A_1318#6, %while3A_2307 = %while3A_1318#7) -> (vector<16xf32>, vector<16xf32>, vector<16xf32>, vector<16xf32>, vector<16xf32>, vector<16xf32>, vector<16xf32>, vector<16xf32>)  : i32 {
        %sub3A_2308 = arith.subi %while3A_2299, %mul3A_1291 : i32
        %get3A_2309 = arith.index_cast %sub3A_2308 : i32 to index
        %get3A_2310 = arith.constant 0 : index
        %get3A_2311 = tpu.vector_load %arg6[%get3A_2309, %get3A_2310] {strides = array<i32>} : memref<400x128xf32, #tpu.memory_space<vmem>>, vector<1x16xf32>,
        %get3A_2312 = vector.shape_cast %get3A_2311 : vector<1x16xf32> to vector<16xf32>
        %add3A_2313 = arith.addf %while3A_2300, %get3A_2312 : vector<16xf32>
        %get3A_2314 = arith.index_cast %sub3A_2308 : i32 to index
        %get3A_2315 = arith.constant 16 : index
        %get3A_2316 = tpu.vector_load %arg6[%get3A_2314, %get3A_2315] {strides = array<i32>} : memref<400x128xf32, #tpu.memory_space<vmem>>, vector<1x16xf32>,
        %get3A_2317 = vector.shape_cast %get3A_2316 : vector<1x16xf32> to vector<16xf32>
        %add3A_2318 = arith.addf %while3A_2301, %get3A_2317 : vector<16xf32>
        %get3A_2319 = arith.index_cast %sub3A_2308 : i32 to index
        %get3A_2320 = arith.constant 32 : index
        %get3A_2321 = tpu.vector_load %arg6[%get3A_2319, %get3A_2320] {strides = array<i32>} : memref<400x128xf32, #tpu.memory_space<vmem>>, vector<1x16xf32>,
        %get3A_2322 = vector.shape_cast %get3A_2321 : vector<1x16xf32> to vector<16xf32>
        %add3A_2323 = arith.addf %while3A_2302, %get3A_2322 : vector<16xf32>
        %get3A_2324 = arith.index_cast %sub3A_2308 : i32 to index
        %get3A_2325 = arith.constant 48 : index
        %get3A_2326 = tpu.vector_load %arg6[%get3A_2324, %get3A_2325] {strides = array<i32>} : memref<400x128xf32, #tpu.memory_space<vmem>>, vector<1x16xf32>,
        %get3A_2327 = vector.shape_cast %get3A_2326 : vector<1x16xf32> to vector<16xf32>
        %add3A_2328 = arith.addf %while3A_2303, %get3A_2327 : vector<16xf32>
        %get3A_2329 = arith.index_cast %sub3A_2308 : i32 to index
        %get3A_2330 = arith.constant 64 : index
        %get3A_2331 = tpu.vector_load %arg6[%get3A_2329, %get3A_2330] {strides = array<i32>} : memref<400x128xf32, #tpu.memory_space<vmem>>, vector<1x16xf32>,
        %get3A_2332 = vector.shape_cast %get3A_2331 : vector<1x16xf32> to vector<16xf32>
        %add3A_2333 = arith.addf %while3A_2304, %get3A_2332 : vector<16xf32>
        %get3A_2334 = arith.index_cast %sub3A_2308 : i32 to index
        %get3A_2335 = arith.constant 80 : index
        %get3A_2336 = tpu.vector_load %arg6[%get3A_2334, %get3A_2335] {strides = array<i32>} : memref<400x128xf32, #tpu.memory_space<vmem>>, vector<1x16xf32>,
        %get3A_2337 = vector.shape_cast %get3A_2336 : vector<1x16xf32> to vector<16xf32>
        %add3A_2338 = arith.addf %while3A_2305, %get3A_2337 : vector<16xf32>
        %get3A_2339 = arith.index_cast %sub3A_2308 : i32 to index
        %get3A_2340 = arith.constant 96 : index
        %get3A_2341 = tpu.vector_load %arg6[%get3A_2339, %get3A_2340] {strides = array<i32>} : memref<400x128xf32, #tpu.memory_space<vmem>>, vector<1x16xf32>,
        %get3A_2342 = vector.shape_cast %get3A_2341 : vector<1x16xf32> to vector<16xf32>
        %add3A_2343 = arith.addf %while3A_2306, %get3A_2342 : vector<16xf32>
        %get3A_2344 = arith.index_cast %sub3A_2308 : i32 to index
        %get3A_2345 = arith.constant 112 : index
        %get3A_2346 = tpu.vector_load %arg6[%get3A_2344, %get3A_2345] {strides = array<i32>} : memref<400x128xf32, #tpu.memory_space<vmem>>, vector<1x16xf32>,
        %get3A_2347 = vector.shape_cast %get3A_2346 : vector<1x16xf32> to vector<16xf32>
        %add3A_2348 = arith.addf %while3A_2307, %get3A_2347 : vector<16xf32>
        scf.yield %add3A_2313, %add3A_2318, %add3A_2323, %add3A_2328, %add3A_2333, %add3A_2338, %add3A_2343, %add3A_2348 : vector<16xf32>, vector<16xf32>, vector<16xf32>, vector<16xf32>, vector<16xf32>, vector<16xf32>, vector<16xf32>, vector<16xf32>
      }
      %get3A_1321 = arith.constant 0 : i32
      %get3A_1322 = arith.index_cast %get3A_1321 : i32 to index
      %get3A_1323 = arith.constant 0 : index
      %get3A_1324 = tpu.vector_load %arg7[%get3A_1322, %get3A_1323] {strides = array<i32>} : memref<8x128xf32, #tpu.memory_space<vmem>>, vector<1x16xf32>,
      %get3A_1325 = vector.shape_cast %get3A_1324 : vector<1x16xf32> to vector<16xf32>
      %add3A_1326 = arith.addf %get3A_1325, %while3A_1320#0 : vector<16xf32>
      %swap3A_1327 = arith.constant 0 : i32
      %swap3A_1328 = arith.index_cast %swap3A_1327 : i32 to index
      %swap3A_1329 = arith.constant 0 : index
      %swap3A_1330 = tpu.vector_load %arg7[%swap3A_1328, %swap3A_1329] {strides = array<i32>} : memref<8x128xf32, #tpu.memory_space<vmem>>, vector<1x16xf32>,
      %swap3A_1331 = vector.shape_cast %swap3A_1330 : vector<1x16xf32> to vector<16xf32>
      %swap3A_1332 = vector.shape_cast %add3A_1326 : vector<16xf32> to vector<1x16xf32>
      tpu.vector_store %arg7[%swap3A_1328, %swap3A_1329], %swap3A_1332 {strides = array<i32>} : memref<8x128xf32, #tpu.memory_space<vmem>>, vector<1x16xf32>,
      %get3A_1333 = arith.constant 0 : i32
      %get3A_1334 = arith.index_cast %get3A_1333 : i32 to index
      %get3A_1335 = arith.constant 16 : index
      %get3A_1336 = tpu.vector_load %arg7[%get3A_1334, %get3A_1335] {strides = array<i32>} : memref<8x128xf32, #tpu.memory_space<vmem>>, vector<1x16xf32>,
      %get3A_1337 = vector.shape_cast %get3A_1336 : vector<1x16xf32> to vector<16xf32>
      %add3A_1338 = arith.addf %get3A_1337, %while3A_1320#1 : vector<16xf32>
      %swap3A_1339 = arith.constant 0 : i32
      %swap3A_1340 = arith.index_cast %swap3A_1339 : i32 to index
      %swap3A_1341 = arith.constant 16 : index
      %swap3A_1342 = tpu.vector_load %arg7[%swap3A_1340, %swap3A_1341] {strides = array<i32>} : memref<8x128xf32, #tpu.memory_space<vmem>>, vector<1x16xf32>,
      %swap3A_1343 = vector.shape_cast %swap3A_1342 : vector<1x16xf32> to vector<16xf32>
      %swap3A_1344 = vector.shape_cast %add3A_1338 : vector<16xf32> to vector<1x16xf32>
      tpu.vector_store %arg7[%swap3A_1340, %swap3A_1341], %swap3A_1344 {strides = array<i32>} : memref<8x128xf32, #tpu.memory_space<vmem>>, vector<1x16xf32>,
      %get3A_1345 = arith.constant 0 : i32
      %get3A_1346 = arith.index_cast %get3A_1345 : i32 to index
      %get3A_1347 = arith.constant 32 : index
      %get3A_1348 = tpu.vector_load %arg7[%get3A_1346, %get3A_1347] {strides = array<i32>} : memref<8x128xf32, #tpu.memory_space<vmem>>, vector<1x16xf32>,
      %get3A_1349 = vector.shape_cast %get3A_1348 : vector<1x16xf32> to vector<16xf32>
      %add3A_1350 = arith.addf %get3A_1349, %while3A_1320#2 : vector<16xf32>
      %swap3A_1351 = arith.constant 0 : i32
      %swap3A_1352 = arith.index_cast %swap3A_1351 : i32 to index
      %swap3A_1353 = arith.constant 32 : index
      %swap3A_1354 = tpu.vector_load %arg7[%swap3A_1352, %swap3A_1353] {strides = array<i32>} : memref<8x128xf32, #tpu.memory_space<vmem>>, vector<1x16xf32>,
      %swap3A_1355 = vector.shape_cast %swap3A_1354 : vector<1x16xf32> to vector<16xf32>
      %swap3A_1356 = vector.shape_cast %add3A_1350 : vector<16xf32> to vector<1x16xf32>
      tpu.vector_store %arg7[%swap3A_1352, %swap3A_1353], %swap3A_1356 {strides = array<i32>} : memref<8x128xf32, #tpu.memory_space<vmem>>, vector<1x16xf32>,
      %get3A_1357 = arith.constant 0 : i32
      %get3A_1358 = arith.index_cast %get3A_1357 : i32 to index
      %get3A_1359 = arith.constant 48 : index
      %get3A_1360 = tpu.vector_load %arg7[%get3A_1358, %get3A_1359] {strides = array<i32>} : memref<8x128xf32, #tpu.memory_space<vmem>>, vector<1x16xf32>,
      %get3A_1361 = vector.shape_cast %get3A_1360 : vector<1x16xf32> to vector<16xf32>
      %add3A_1362 = arith.addf %get3A_1361, %while3A_1320#3 : vector<16xf32>
      %swap3A_1363 = arith.constant 0 : i32
      %swap3A_1364 = arith.index_cast %swap3A_1363 : i32 to index
      %swap3A_1365 = arith.constant 48 : index
      %swap3A_1366 = tpu.vector_load %arg7[%swap3A_1364, %swap3A_1365] {strides = array<i32>} : memref<8x128xf32, #tpu.memory_space<vmem>>, vector<1x16xf32>,
      %swap3A_1367 = vector.shape_cast %swap3A_1366 : vector<1x16xf32> to vector<16xf32>
      %swap3A_1368 = vector.shape_cast %add3A_1362 : vector<16xf32> to vector<1x16xf32>
      tpu.vector_store %arg7[%swap3A_1364, %swap3A_1365], %swap3A_1368 {strides = array<i32>} : memref<8x128xf32, #tpu.memory_space<vmem>>, vector<1x16xf32>,
      %get3A_1369 = arith.constant 0 : i32
      %get3A_1370 = arith.index_cast %get3A_1369 : i32 to index
      %get3A_1371 = arith.constant 64 : index
      %get3A_1372 = tpu.vector_load %arg7[%get3A_1370, %get3A_1371] {strides = array<i32>} : memref<8x128xf32, #tpu.memory_space<vmem>>, vector<1x16xf32>,
      %get3A_1373 = vector.shape_cast %get3A_1372 : vector<1x16xf32> to vector<16xf32>
      %add3A_1374 = arith.addf %get3A_1373, %while3A_1320#4 : vector<16xf32>
      %swap3A_1375 = arith.constant 0 : i32
      %swap3A_1376 = arith.index_cast %swap3A_1375 : i32 to index
      %swap3A_1377 = arith.constant 64 : index
      %swap3A_1378 = tpu.vector_load %arg7[%swap3A_1376, %swap3A_1377] {strides = array<i32>} : memref<8x128xf32, #tpu.memory_space<vmem>>, vector<1x16xf32>,
      %swap3A_1379 = vector.shape_cast %swap3A_1378 : vector<1x16xf32> to vector<16xf32>
      %swap3A_1380 = vector.shape_cast %add3A_1374 : vector<16xf32> to vector<1x16xf32>
      tpu.vector_store %arg7[%swap3A_1376, %swap3A_1377], %swap3A_1380 {strides = array<i32>} : memref<8x128xf32, #tpu.memory_space<vmem>>, vector<1x16xf32>,
      %get3A_1381 = arith.constant 0 : i32
      %get3A_1382 = arith.index_cast %get3A_1381 : i32 to index
      %get3A_1383 = arith.constant 80 : index
      %get3A_1384 = tpu.vector_load %arg7[%get3A_1382, %get3A_1383] {strides = array<i32>} : memref<8x128xf32, #tpu.memory_space<vmem>>, vector<1x16xf32>,
      %get3A_1385 = vector.shape_cast %get3A_1384 : vector<1x16xf32> to vector<16xf32>
      %add3A_1386 = arith.addf %get3A_1385, %while3A_1320#5 : vector<16xf32>
      %swap3A_1387 = arith.constant 0 : i32
      %swap3A_1388 = arith.index_cast %swap3A_1387 : i32 to index
      %swap3A_1389 = arith.constant 80 : index
      %swap3A_1390 = tpu.vector_load %arg7[%swap3A_1388, %swap3A_1389] {strides = array<i32>} : memref<8x128xf32, #tpu.memory_space<vmem>>, vector<1x16xf32>,
      %swap3A_1391 = vector.shape_cast %swap3A_1390 : vector<1x16xf32> to vector<16xf32>
      %swap3A_1392 = vector.shape_cast %add3A_1386 : vector<16xf32> to vector<1x16xf32>
      tpu.vector_store %arg7[%swap3A_1388, %swap3A_1389], %swap3A_1392 {strides = array<i32>} : memref<8x128xf32, #tpu.memory_space<vmem>>, vector<1x16xf32>,
      %get3A_1393 = arith.constant 0 : i32
      %get3A_1394 = arith.index_cast %get3A_1393 : i32 to index
      %get3A_1395 = arith.constant 96 : index
      %get3A_1396 = tpu.vector_load %arg7[%get3A_1394, %get3A_1395] {strides = array<i32>} : memref<8x128xf32, #tpu.memory_space<vmem>>, vector<1x16xf32>,
      %get3A_1397 = vector.shape_cast %get3A_1396 : vector<1x16xf32> to vector<16xf32>
      %add3A_1398 = arith.addf %get3A_1397, %while3A_1320#6 : vector<16xf32>
      %swap3A_1399 = arith.constant 0 : i32
      %swap3A_1400 = arith.index_cast %swap3A_1399 : i32 to index
      %swap3A_1401 = arith.constant 96 : index
      %swap3A_1402 = tpu.vector_load %arg7[%swap3A_1400, %swap3A_1401] {strides = array<i32>} : memref<8x128xf32, #tpu.memory_space<vmem>>, vector<1x16xf32>,
      %swap3A_1403 = vector.shape_cast %swap3A_1402 : vector<1x16xf32> to vector<16xf32>
      %swap3A_1404 = vector.shape_cast %add3A_1398 : vector<16xf32> to vector<1x16xf32>
      tpu.vector_store %arg7[%swap3A_1400, %swap3A_1401], %swap3A_1404 {strides = array<i32>} : memref<8x128xf32, #tpu.memory_space<vmem>>, vector<1x16xf32>,
      %get3A_1405 = arith.constant 0 : i32
      %get3A_1406 = arith.index_cast %get3A_1405 : i32 to index
      %get3A_1407 = arith.constant 112 : index
      %get3A_1408 = tpu.vector_load %arg7[%get3A_1406, %get3A_1407] {strides = array<i32>} : memref<8x128xf32, #tpu.memory_space<vmem>>, vector<1x16xf32>,
      %get3A_1409 = vector.shape_cast %get3A_1408 : vector<1x16xf32> to vector<16xf32>
      %add3A_1410 = arith.addf %get3A_1409, %while3A_1320#7 : vector<16xf32>
      %swap3A_1411 = arith.constant 0 : i32
      %swap3A_1412 = arith.index_cast %swap3A_1411 : i32 to index
      %swap3A_1413 = arith.constant 112 : index
      %swap3A_1414 = tpu.vector_load %arg7[%swap3A_1412, %swap3A_1413] {strides = array<i32>} : memref<8x128xf32, #tpu.memory_space<vmem>>, vector<1x16xf32>,
      %swap3A_1415 = vector.shape_cast %swap3A_1414 : vector<1x16xf32> to vector<16xf32>
      %swap3A_1416 = vector.shape_cast %add3A_1410 : vector<16xf32> to vector<1x16xf32>
      tpu.vector_store %arg7[%swap3A_1412, %swap3A_1413], %swap3A_1416 {strides = array<i32>} : memref<8x128xf32, #tpu.memory_space<vmem>>, vector<1x16xf32>,
      %max3A_1417 = arith.maxsi %squeeze3A_6, %mul3A_1291 : i32
      %add3A_1418 = arith.constant 400 : i32
      %add3A_1419 = arith.addi %mul3A_1291, %add3A_1418 : i32
      %min3A_1420 = arith.minsi %squeeze3A_8, %add3A_1419 : i32
      %broadcast_in_dim3A_1421 = arith.constant 0.000000e+00 : f32
      %broadcast_in_dim3A_1422 = vector.broadcast %broadcast_in_dim3A_1421 : f32 to vector<16xf32>
      %broadcast_in_dim3A_1423 = arith.constant 0.000000e+00 : f32
      %broadcast_in_dim3A_1424 = vector.broadcast %broadcast_in_dim3A_1423 : f32 to vector<16xf32>
      %broadcast_in_dim3A_1425 = arith.constant 0.000000e+00 : f32
      %broadcast_in_dim3A_1426 = vector.broadcast %broadcast_in_dim3A_1425 : f32 to vector<16xf32>
      %broadcast_in_dim3A_1427 = arith.constant 0.000000e+00 : f32
      %broadcast_in_dim3A_1428 = vector.broadcast %broadcast_in_dim3A_1427 : f32 to vector<16xf32>
      %broadcast_in_dim3A_1429 = arith.constant 0.000000e+00 : f32
      %broadcast_in_dim3A_1430 = vector.broadcast %broadcast_in_dim3A_1429 : f32 to vector<16xf32>
      %broadcast_in_dim3A_1431 = arith.constant 0.000000e+00 : f32
      %broadcast_in_dim3A_1432 = vector.broadcast %broadcast_in_dim3A_1431 : f32 to vector<16xf32>
      %broadcast_in_dim3A_1433 = arith.constant 0.000000e+00 : f32
      %broadcast_in_dim3A_1434 = vector.broadcast %broadcast_in_dim3A_1433 : f32 to vector<16xf32>
      %broadcast_in_dim3A_1435 = arith.constant 0.000000e+00 : f32
      %broadcast_in_dim3A_1436 = vector.broadcast %broadcast_in_dim3A_1435 : f32 to vector<16xf32>
      %while3A_1437 = arith.subi %min3A_1420, %max3A_1417 : i32
      %while3A_1438 = arith.addi %max3A_1417, %while3A_1437 : i32
      %while3A_1439 = arith.constant 1 : i32
      %while3A_1440 = arith.divsi %while3A_1437, %while3A_1439 : i32
      %while3A_1441 = arith.muli %while3A_1440, %while3A_1439 : i32
      %while3A_1442 = arith.addi %max3A_1417, %while3A_1441 : i32
      %while3A_1443 = arith.constant 1 : i32
      %while3A_1444:8 = scf.for %while3A_2299 = %max3A_1417 to %while3A_1442 step %while3A_1443 iter_args(%while3A_2300 = %broadcast_in_dim3A_1422, %while3A_2301 = %broadcast_in_dim3A_1424, %while3A_2302 = %broadcast_in_dim3A_1426, %while3A_2303 = %broadcast_in_dim3A_1428, %while3A_2304 = %broadcast_in_dim3A_1430, %while3A_2305 = %broadcast_in_dim3A_1432, %while3A_2306 = %broadcast_in_dim3A_1434, %while3A_2307 = %broadcast_in_dim3A_1436) -> (vector<16xf32>, vector<16xf32>, vector<16xf32>, vector<16xf32>, vector<16xf32>, vector<16xf32>, vector<16xf32>, vector<16xf32>)  : i32 {
        %sub3A_2308 = arith.subi %while3A_2299, %mul3A_1291 : i32
        %get3A_2309 = arith.index_cast %sub3A_2308 : i32 to index
        %get3A_2310 = arith.constant 0 : index
        %get3A_2311 = tpu.vector_load %arg6[%get3A_2309, %get3A_2310] {strides = array<i32>} : memref<400x128xf32, #tpu.memory_space<vmem>>, vector<1x16xf32>,
        %get3A_2312 = vector.shape_cast %get3A_2311 : vector<1x16xf32> to vector<16xf32>
        %add3A_2313 = arith.addf %while3A_2300, %get3A_2312 : vector<16xf32>
        %get3A_2314 = arith.index_cast %sub3A_2308 : i32 to index
        %get3A_2315 = arith.constant 16 : index
        %get3A_2316 = tpu.vector_load %arg6[%get3A_2314, %get3A_2315] {strides = array<i32>} : memref<400x128xf32, #tpu.memory_space<vmem>>, vector<1x16xf32>,
        %get3A_2317 = vector.shape_cast %get3A_2316 : vector<1x16xf32> to vector<16xf32>
        %add3A_2318 = arith.addf %while3A_2301, %get3A_2317 : vector<16xf32>
        %get3A_2319 = arith.index_cast %sub3A_2308 : i32 to index
        %get3A_2320 = arith.constant 32 : index
        %get3A_2321 = tpu.vector_load %arg6[%get3A_2319, %get3A_2320] {strides = array<i32>} : memref<400x128xf32, #tpu.memory_space<vmem>>, vector<1x16xf32>,
        %get3A_2322 = vector.shape_cast %get3A_2321 : vector<1x16xf32> to vector<16xf32>
        %add3A_2323 = arith.addf %while3A_2302, %get3A_2322 : vector<16xf32>
        %get3A_2324 = arith.index_cast %sub3A_2308 : i32 to index
        %get3A_2325 = arith.constant 48 : index
        %get3A_2326 = tpu.vector_load %arg6[%get3A_2324, %get3A_2325] {strides = array<i32>} : memref<400x128xf32, #tpu.memory_space<vmem>>, vector<1x16xf32>,
        %get3A_2327 = vector.shape_cast %get3A_2326 : vector<1x16xf32> to vector<16xf32>
        %add3A_2328 = arith.addf %while3A_2303, %get3A_2327 : vector<16xf32>
        %get3A_2329 = arith.index_cast %sub3A_2308 : i32 to index
        %get3A_2330 = arith.constant 64 : index
        %get3A_2331 = tpu.vector_load %arg6[%get3A_2329, %get3A_2330] {strides = array<i32>} : memref<400x128xf32, #tpu.memory_space<vmem>>, vector<1x16xf32>,
        %get3A_2332 = vector.shape_cast %get3A_2331 : vector<1x16xf32> to vector<16xf32>
        %add3A_2333 = arith.addf %while3A_2304, %get3A_2332 : vector<16xf32>
        %get3A_2334 = arith.index_cast %sub3A_2308 : i32 to index
        %get3A_2335 = arith.constant 80 : index
        %get3A_2336 = tpu.vector_load %arg6[%get3A_2334, %get3A_2335] {strides = array<i32>} : memref<400x128xf32, #tpu.memory_space<vmem>>, vector<1x16xf32>,
        %get3A_2337 = vector.shape_cast %get3A_2336 : vector<1x16xf32> to vector<16xf32>
        %add3A_2338 = arith.addf %while3A_2305, %get3A_2337 : vector<16xf32>
        %get3A_2339 = arith.index_cast %sub3A_2308 : i32 to index
        %get3A_2340 = arith.constant 96 : index
        %get3A_2341 = tpu.vector_load %arg6[%get3A_2339, %get3A_2340] {strides = array<i32>} : memref<400x128xf32, #tpu.memory_space<vmem>>, vector<1x16xf32>,
        %get3A_2342 = vector.shape_cast %get3A_2341 : vector<1x16xf32> to vector<16xf32>
        %add3A_2343 = arith.addf %while3A_2306, %get3A_2342 : vector<16xf32>
        %get3A_2344 = arith.index_cast %sub3A_2308 : i32 to index
        %get3A_2345 = arith.constant 112 : index
        %get3A_2346 = tpu.vector_load %arg6[%get3A_2344, %get3A_2345] {strides = array<i32>} : memref<400x128xf32, #tpu.memory_space<vmem>>, vector<1x16xf32>,
        %get3A_2347 = vector.shape_cast %get3A_2346 : vector<1x16xf32> to vector<16xf32>
        %add3A_2348 = arith.addf %while3A_2307, %get3A_2347 : vector<16xf32>
        scf.yield %add3A_2313, %add3A_2318, %add3A_2323, %add3A_2328, %add3A_2333, %add3A_2338, %add3A_2343, %add3A_2348 : vector<16xf32>, vector<16xf32>, vector<16xf32>, vector<16xf32>, vector<16xf32>, vector<16xf32>, vector<16xf32>, vector<16xf32>
      }
      %while3A_1445 = arith.constant 1 : i32
      %while3A_1446:8 = scf.for %while3A_2299 = %while3A_1442 to %while3A_1438 step %while3A_1445 iter_args(%while3A_2300 = %while3A_1444#0, %while3A_2301 = %while3A_1444#1, %while3A_2302 = %while3A_1444#2, %while3A_2303 = %while3A_1444#3, %while3A_2304 = %while3A_1444#4, %while3A_2305 = %while3A_1444#5, %while3A_2306 = %while3A_1444#6, %while3A_2307 = %while3A_1444#7) -> (vector<16xf32>, vector<16xf32>, vector<16xf32>, vector<16xf32>, vector<16xf32>, vector<16xf32>, vector<16xf32>, vector<16xf32>)  : i32 {
        %sub3A_2308 = arith.subi %while3A_2299, %mul3A_1291 : i32
        %get3A_2309 = arith.index_cast %sub3A_2308 : i32 to index
        %get3A_2310 = arith.constant 0 : index
        %get3A_2311 = tpu.vector_load %arg6[%get3A_2309, %get3A_2310] {strides = array<i32>} : memref<400x128xf32, #tpu.memory_space<vmem>>, vector<1x16xf32>,
        %get3A_2312 = vector.shape_cast %get3A_2311 : vector<1x16xf32> to vector<16xf32>
        %add3A_2313 = arith.addf %while3A_2300, %get3A_2312 : vector<16xf32>
        %get3A_2314 = arith.index_cast %sub3A_2308 : i32 to index
        %get3A_2315 = arith.constant 16 : index
        %get3A_2316 = tpu.vector_load %arg6[%get3A_2314, %get3A_2315] {strides = array<i32>} : memref<400x128xf32, #tpu.memory_space<vmem>>, vector<1x16xf32>,
        %get3A_2317 = vector.shape_cast %get3A_2316 : vector<1x16xf32> to vector<16xf32>
        %add3A_2318 = arith.addf %while3A_2301, %get3A_2317 : vector<16xf32>
        %get3A_2319 = arith.index_cast %sub3A_2308 : i32 to index
        %get3A_2320 = arith.constant 32 : index
        %get3A_2321 = tpu.vector_load %arg6[%get3A_2319, %get3A_2320] {strides = array<i32>} : memref<400x128xf32, #tpu.memory_space<vmem>>, vector<1x16xf32>,
        %get3A_2322 = vector.shape_cast %get3A_2321 : vector<1x16xf32> to vector<16xf32>
        %add3A_2323 = arith.addf %while3A_2302, %get3A_2322 : vector<16xf32>
        %get3A_2324 = arith.index_cast %sub3A_2308 : i32 to index
        %get3A_2325 = arith.constant 48 : index
        %get3A_2326 = tpu.vector_load %arg6[%get3A_2324, %get3A_2325] {strides = array<i32>} : memref<400x128xf32, #tpu.memory_space<vmem>>, vector<1x16xf32>,
        %get3A_2327 = vector.shape_cast %get3A_2326 : vector<1x16xf32> to vector<16xf32>
        %add3A_2328 = arith.addf %while3A_2303, %get3A_2327 : vector<16xf32>
        %get3A_2329 = arith.index_cast %sub3A_2308 : i32 to index
        %get3A_2330 = arith.constant 64 : index
        %get3A_2331 = tpu.vector_load %arg6[%get3A_2329, %get3A_2330] {strides = array<i32>} : memref<400x128xf32, #tpu.memory_space<vmem>>, vector<1x16xf32>,
        %get3A_2332 = vector.shape_cast %get3A_2331 : vector<1x16xf32> to vector<16xf32>
        %add3A_2333 = arith.addf %while3A_2304, %get3A_2332 : vector<16xf32>
        %get3A_2334 = arith.index_cast %sub3A_2308 : i32 to index
        %get3A_2335 = arith.constant 80 : index
        %get3A_2336 = tpu.vector_load %arg6[%get3A_2334, %get3A_2335] {strides = array<i32>} : memref<400x128xf32, #tpu.memory_space<vmem>>, vector<1x16xf32>,
        %get3A_2337 = vector.shape_cast %get3A_2336 : vector<1x16xf32> to vector<16xf32>
        %add3A_2338 = arith.addf %while3A_2305, %get3A_2337 : vector<16xf32>
        %get3A_2339 = arith.index_cast %sub3A_2308 : i32 to index
        %get3A_2340 = arith.constant 96 : index
        %get3A_2341 = tpu.vector_load %arg6[%get3A_2339, %get3A_2340] {strides = array<i32>} : memref<400x128xf32, #tpu.memory_space<vmem>>, vector<1x16xf32>,
        %get3A_2342 = vector.shape_cast %get3A_2341 : vector<1x16xf32> to vector<16xf32>
        %add3A_2343 = arith.addf %while3A_2306, %get3A_2342 : vector<16xf32>
        %get3A_2344 = arith.index_cast %sub3A_2308 : i32 to index
        %get3A_2345 = arith.constant 112 : index
        %get3A_2346 = tpu.vector_load %arg6[%get3A_2344, %get3A_2345] {strides = array<i32>} : memref<400x128xf32, #tpu.memory_space<vmem>>, vector<1x16xf32>,
        %get3A_2347 = vector.shape_cast %get3A_2346 : vector<1x16xf32> to vector<16xf32>
        %add3A_2348 = arith.addf %while3A_2307, %get3A_2347 : vector<16xf32>
        scf.yield %add3A_2313, %add3A_2318, %add3A_2323, %add3A_2328, %add3A_2333, %add3A_2338, %add3A_2343, %add3A_2348 : vector<16xf32>, vector<16xf32>, vector<16xf32>, vector<16xf32>, vector<16xf32>, vector<16xf32>, vector<16xf32>, vector<16xf32>
      }
      %get3A_1447 = arith.constant 1 : i32
      %get3A_1448 = arith.index_cast %get3A_1447 : i32 to index
      %get3A_1449 = arith.constant 0 : index
      %get3A_1450 = tpu.vector_load %arg7[%get3A_1448, %get3A_1449] {strides = array<i32>} : memref<8x128xf32, #tpu.memory_space<vmem>>, vector<1x16xf32>,
      %get3A_1451 = vector.shape_cast %get3A_1450 : vector<1x16xf32> to vector<16xf32>
      %add3A_1452 = arith.addf %get3A_1451, %while3A_1446#0 : vector<16xf32>
      %swap3A_1453 = arith.constant 1 : i32
      %swap3A_1454 = arith.index_cast %swap3A_1453 : i32 to index
      %swap3A_1455 = arith.constant 0 : index
      %swap3A_1456 = tpu.vector_load %arg7[%swap3A_1454, %swap3A_1455] {strides = array<i32>} : memref<8x128xf32, #tpu.memory_space<vmem>>, vector<1x16xf32>,
      %swap3A_1457 = vector.shape_cast %swap3A_1456 : vector<1x16xf32> to vector<16xf32>
      %swap3A_1458 = vector.shape_cast %add3A_1452 : vector<16xf32> to vector<1x16xf32>
      tpu.vector_store %arg7[%swap3A_1454, %swap3A_1455], %swap3A_1458 {strides = array<i32>} : memref<8x128xf32, #tpu.memory_space<vmem>>, vector<1x16xf32>,
      %get3A_1459 = arith.constant 1 : i32
      %get3A_1460 = arith.index_cast %get3A_1459 : i32 to index
      %get3A_1461 = arith.constant 16 : index
      %get3A_1462 = tpu.vector_load %arg7[%get3A_1460, %get3A_1461] {strides = array<i32>} : memref<8x128xf32, #tpu.memory_space<vmem>>, vector<1x16xf32>,
      %get3A_1463 = vector.shape_cast %get3A_1462 : vector<1x16xf32> to vector<16xf32>
      %add3A_1464 = arith.addf %get3A_1463, %while3A_1446#1 : vector<16xf32>
      %swap3A_1465 = arith.constant 1 : i32
      %swap3A_1466 = arith.index_cast %swap3A_1465 : i32 to index
      %swap3A_1467 = arith.constant 16 : index
      %swap3A_1468 = tpu.vector_load %arg7[%swap3A_1466, %swap3A_1467] {strides = array<i32>} : memref<8x128xf32, #tpu.memory_space<vmem>>, vector<1x16xf32>,
      %swap3A_1469 = vector.shape_cast %swap3A_1468 : vector<1x16xf32> to vector<16xf32>
      %swap3A_1470 = vector.shape_cast %add3A_1464 : vector<16xf32> to vector<1x16xf32>
      tpu.vector_store %arg7[%swap3A_1466, %swap3A_1467], %swap3A_1470 {strides = array<i32>} : memref<8x128xf32, #tpu.memory_space<vmem>>, vector<1x16xf32>,
      %get3A_1471 = arith.constant 1 : i32
      %get3A_1472 = arith.index_cast %get3A_1471 : i32 to index
      %get3A_1473 = arith.constant 32 : index
      %get3A_1474 = tpu.vector_load %arg7[%get3A_1472, %get3A_1473] {strides = array<i32>} : memref<8x128xf32, #tpu.memory_space<vmem>>, vector<1x16xf32>,
      %get3A_1475 = vector.shape_cast %get3A_1474 : vector<1x16xf32> to vector<16xf32>
      %add3A_1476 = arith.addf %get3A_1475, %while3A_1446#2 : vector<16xf32>
      %swap3A_1477 = arith.constant 1 : i32
      %swap3A_1478 = arith.index_cast %swap3A_1477 : i32 to index
      %swap3A_1479 = arith.constant 32 : index
      %swap3A_1480 = tpu.vector_load %arg7[%swap3A_1478, %swap3A_1479] {strides = array<i32>} : memref<8x128xf32, #tpu.memory_space<vmem>>, vector<1x16xf32>,
      %swap3A_1481 = vector.shape_cast %swap3A_1480 : vector<1x16xf32> to vector<16xf32>
      %swap3A_1482 = vector.shape_cast %add3A_1476 : vector<16xf32> to vector<1x16xf32>
      tpu.vector_store %arg7[%swap3A_1478, %swap3A_1479], %swap3A_1482 {strides = array<i32>} : memref<8x128xf32, #tpu.memory_space<vmem>>, vector<1x16xf32>,
      %get3A_1483 = arith.constant 1 : i32
      %get3A_1484 = arith.index_cast %get3A_1483 : i32 to index
      %get3A_1485 = arith.constant 48 : index
      %get3A_1486 = tpu.vector_load %arg7[%get3A_1484, %get3A_1485] {strides = array<i32>} : memref<8x128xf32, #tpu.memory_space<vmem>>, vector<1x16xf32>,
      %get3A_1487 = vector.shape_cast %get3A_1486 : vector<1x16xf32> to vector<16xf32>
      %add3A_1488 = arith.addf %get3A_1487, %while3A_1446#3 : vector<16xf32>
      %swap3A_1489 = arith.constant 1 : i32
      %swap3A_1490 = arith.index_cast %swap3A_1489 : i32 to index
      %swap3A_1491 = arith.constant 48 : index
      %swap3A_1492 = tpu.vector_load %arg7[%swap3A_1490, %swap3A_1491] {strides = array<i32>} : memref<8x128xf32, #tpu.memory_space<vmem>>, vector<1x16xf32>,
      %swap3A_1493 = vector.shape_cast %swap3A_1492 : vector<1x16xf32> to vector<16xf32>
      %swap3A_1494 = vector.shape_cast %add3A_1488 : vector<16xf32> to vector<1x16xf32>
      tpu.vector_store %arg7[%swap3A_1490, %swap3A_1491], %swap3A_1494 {strides = array<i32>} : memref<8x128xf32, #tpu.memory_space<vmem>>, vector<1x16xf32>,
      %get3A_1495 = arith.constant 1 : i32
      %get3A_1496 = arith.index_cast %get3A_1495 : i32 to index
      %get3A_1497 = arith.constant 64 : index
      %get3A_1498 = tpu.vector_load %arg7[%get3A_1496, %get3A_1497] {strides = array<i32>} : memref<8x128xf32, #tpu.memory_space<vmem>>, vector<1x16xf32>,
      %get3A_1499 = vector.shape_cast %get3A_1498 : vector<1x16xf32> to vector<16xf32>
      %add3A_1500 = arith.addf %get3A_1499, %while3A_1446#4 : vector<16xf32>
      %swap3A_1501 = arith.constant 1 : i32
      %swap3A_1502 = arith.index_cast %swap3A_1501 : i32 to index
      %swap3A_1503 = arith.constant 64 : index
      %swap3A_1504 = tpu.vector_load %arg7[%swap3A_1502, %swap3A_1503] {strides = array<i32>} : memref<8x128xf32, #tpu.memory_space<vmem>>, vector<1x16xf32>,
      %swap3A_1505 = vector.shape_cast %swap3A_1504 : vector<1x16xf32> to vector<16xf32>
      %swap3A_1506 = vector.shape_cast %add3A_1500 : vector<16xf32> to vector<1x16xf32>
      tpu.vector_store %arg7[%swap3A_1502, %swap3A_1503], %swap3A_1506 {strides = array<i32>} : memref<8x128xf32, #tpu.memory_space<vmem>>, vector<1x16xf32>,
      %get3A_1507 = arith.constant 1 : i32
      %get3A_1508 = arith.index_cast %get3A_1507 : i32 to index
      %get3A_1509 = arith.constant 80 : index
      %get3A_1510 = tpu.vector_load %arg7[%get3A_1508, %get3A_1509] {strides = array<i32>} : memref<8x128xf32, #tpu.memory_space<vmem>>, vector<1x16xf32>,
      %get3A_1511 = vector.shape_cast %get3A_1510 : vector<1x16xf32> to vector<16xf32>
      %add3A_1512 = arith.addf %get3A_1511, %while3A_1446#5 : vector<16xf32>
      %swap3A_1513 = arith.constant 1 : i32
      %swap3A_1514 = arith.index_cast %swap3A_1513 : i32 to index
      %swap3A_1515 = arith.constant 80 : index
      %swap3A_1516 = tpu.vector_load %arg7[%swap3A_1514, %swap3A_1515] {strides = array<i32>} : memref<8x128xf32, #tpu.memory_space<vmem>>, vector<1x16xf32>,
      %swap3A_1517 = vector.shape_cast %swap3A_1516 : vector<1x16xf32> to vector<16xf32>
      %swap3A_1518 = vector.shape_cast %add3A_1512 : vector<16xf32> to vector<1x16xf32>
      tpu.vector_store %arg7[%swap3A_1514, %swap3A_1515], %swap3A_1518 {strides = array<i32>} : memref<8x128xf32, #tpu.memory_space<vmem>>, vector<1x16xf32>,
      %get3A_1519 = arith.constant 1 : i32
      %get3A_1520 = arith.index_cast %get3A_1519 : i32 to index
      %get3A_1521 = arith.constant 96 : index
      %get3A_1522 = tpu.vector_load %arg7[%get3A_1520, %get3A_1521] {strides = array<i32>} : memref<8x128xf32, #tpu.memory_space<vmem>>, vector<1x16xf32>,
      %get3A_1523 = vector.shape_cast %get3A_1522 : vector<1x16xf32> to vector<16xf32>
      %add3A_1524 = arith.addf %get3A_1523, %while3A_1446#6 : vector<16xf32>
      %swap3A_1525 = arith.constant 1 : i32
      %swap3A_1526 = arith.index_cast %swap3A_1525 : i32 to index
      %swap3A_1527 = arith.constant 96 : index
      %swap3A_1528 = tpu.vector_load %arg7[%swap3A_1526, %swap3A_1527] {strides = array<i32>} : memref<8x128xf32, #tpu.memory_space<vmem>>, vector<1x16xf32>,
      %swap3A_1529 = vector.shape_cast %swap3A_1528 : vector<1x16xf32> to vector<16xf32>
      %swap3A_1530 = vector.shape_cast %add3A_1524 : vector<16xf32> to vector<1x16xf32>
      tpu.vector_store %arg7[%swap3A_1526, %swap3A_1527], %swap3A_1530 {strides = array<i32>} : memref<8x128xf32, #tpu.memory_space<vmem>>, vector<1x16xf32>,
      %get3A_1531 = arith.constant 1 : i32
      %get3A_1532 = arith.index_cast %get3A_1531 : i32 to index
      %get3A_1533 = arith.constant 112 : index
      %get3A_1534 = tpu.vector_load %arg7[%get3A_1532, %get3A_1533] {strides = array<i32>} : memref<8x128xf32, #tpu.memory_space<vmem>>, vector<1x16xf32>,
      %get3A_1535 = vector.shape_cast %get3A_1534 : vector<1x16xf32> to vector<16xf32>
      %add3A_1536 = arith.addf %get3A_1535, %while3A_1446#7 : vector<16xf32>
      %swap3A_1537 = arith.constant 1 : i32
      %swap3A_1538 = arith.index_cast %swap3A_1537 : i32 to index
      %swap3A_1539 = arith.constant 112 : index
      %swap3A_1540 = tpu.vector_load %arg7[%swap3A_1538, %swap3A_1539] {strides = array<i32>} : memref<8x128xf32, #tpu.memory_space<vmem>>, vector<1x16xf32>,
      %swap3A_1541 = vector.shape_cast %swap3A_1540 : vector<1x16xf32> to vector<16xf32>
      %swap3A_1542 = vector.shape_cast %add3A_1536 : vector<16xf32> to vector<1x16xf32>
      tpu.vector_store %arg7[%swap3A_1538, %swap3A_1539], %swap3A_1542 {strides = array<i32>} : memref<8x128xf32, #tpu.memory_space<vmem>>, vector<1x16xf32>,
      %max3A_1543 = arith.maxsi %squeeze3A_8, %mul3A_1291 : i32
      %add3A_1544 = arith.constant 400 : i32
      %add3A_1545 = arith.addi %mul3A_1291, %add3A_1544 : i32
      %min3A_1546 = arith.minsi %squeeze3A_10, %add3A_1545 : i32
      %broadcast_in_dim3A_1547 = arith.constant 0.000000e+00 : f32
      %broadcast_in_dim3A_1548 = vector.broadcast %broadcast_in_dim3A_1547 : f32 to vector<16xf32>
      %broadcast_in_dim3A_1549 = arith.constant 0.000000e+00 : f32
      %broadcast_in_dim3A_1550 = vector.broadcast %broadcast_in_dim3A_1549 : f32 to vector<16xf32>
      %broadcast_in_dim3A_1551 = arith.constant 0.000000e+00 : f32
      %broadcast_in_dim3A_1552 = vector.broadcast %broadcast_in_dim3A_1551 : f32 to vector<16xf32>
      %broadcast_in_dim3A_1553 = arith.constant 0.000000e+00 : f32
      %broadcast_in_dim3A_1554 = vector.broadcast %broadcast_in_dim3A_1553 : f32 to vector<16xf32>
      %broadcast_in_dim3A_1555 = arith.constant 0.000000e+00 : f32
      %broadcast_in_dim3A_1556 = vector.broadcast %broadcast_in_dim3A_1555 : f32 to vector<16xf32>
      %broadcast_in_dim3A_1557 = arith.constant 0.000000e+00 : f32
      %broadcast_in_dim3A_1558 = vector.broadcast %broadcast_in_dim3A_1557 : f32 to vector<16xf32>
      %broadcast_in_dim3A_1559 = arith.constant 0.000000e+00 : f32
      %broadcast_in_dim3A_1560 = vector.broadcast %broadcast_in_dim3A_1559 : f32 to vector<16xf32>
      %broadcast_in_dim3A_1561 = arith.constant 0.000000e+00 : f32
      %broadcast_in_dim3A_1562 = vector.broadcast %broadcast_in_dim3A_1561 : f32 to vector<16xf32>
      %while3A_1563 = arith.subi %min3A_1546, %max3A_1543 : i32
      %while3A_1564 = arith.addi %max3A_1543, %while3A_1563 : i32
      %while3A_1565 = arith.constant 1 : i32
      %while3A_1566 = arith.divsi %while3A_1563, %while3A_1565 : i32
      %while3A_1567 = arith.muli %while3A_1566, %while3A_1565 : i32
      %while3A_1568 = arith.addi %max3A_1543, %while3A_1567 : i32
      %while3A_1569 = arith.constant 1 : i32
      %while3A_1570:8 = scf.for %while3A_2299 = %max3A_1543 to %while3A_1568 step %while3A_1569 iter_args(%while3A_2300 = %broadcast_in_dim3A_1548, %while3A_2301 = %broadcast_in_dim3A_1550, %while3A_2302 = %broadcast_in_dim3A_1552, %while3A_2303 = %broadcast_in_dim3A_1554, %while3A_2304 = %broadcast_in_dim3A_1556, %while3A_2305 = %broadcast_in_dim3A_1558, %while3A_2306 = %broadcast_in_dim3A_1560, %while3A_2307 = %broadcast_in_dim3A_1562) -> (vector<16xf32>, vector<16xf32>, vector<16xf32>, vector<16xf32>, vector<16xf32>, vector<16xf32>, vector<16xf32>, vector<16xf32>)  : i32 {
        %sub3A_2308 = arith.subi %while3A_2299, %mul3A_1291 : i32
        %get3A_2309 = arith.index_cast %sub3A_2308 : i32 to index
        %get3A_2310 = arith.constant 0 : index
        %get3A_2311 = tpu.vector_load %arg6[%get3A_2309, %get3A_2310] {strides = array<i32>} : memref<400x128xf32, #tpu.memory_space<vmem>>, vector<1x16xf32>,
        %get3A_2312 = vector.shape_cast %get3A_2311 : vector<1x16xf32> to vector<16xf32>
        %add3A_2313 = arith.addf %while3A_2300, %get3A_2312 : vector<16xf32>
        %get3A_2314 = arith.index_cast %sub3A_2308 : i32 to index
        %get3A_2315 = arith.constant 16 : index
        %get3A_2316 = tpu.vector_load %arg6[%get3A_2314, %get3A_2315] {strides = array<i32>} : memref<400x128xf32, #tpu.memory_space<vmem>>, vector<1x16xf32>,
        %get3A_2317 = vector.shape_cast %get3A_2316 : vector<1x16xf32> to vector<16xf32>
        %add3A_2318 = arith.addf %while3A_2301, %get3A_2317 : vector<16xf32>
        %get3A_2319 = arith.index_cast %sub3A_2308 : i32 to index
        %get3A_2320 = arith.constant 32 : index
        %get3A_2321 = tpu.vector_load %arg6[%get3A_2319, %get3A_2320] {strides = array<i32>} : memref<400x128xf32, #tpu.memory_space<vmem>>, vector<1x16xf32>,
        %get3A_2322 = vector.shape_cast %get3A_2321 : vector<1x16xf32> to vector<16xf32>
        %add3A_2323 = arith.addf %while3A_2302, %get3A_2322 : vector<16xf32>
        %get3A_2324 = arith.index_cast %sub3A_2308 : i32 to index
        %get3A_2325 = arith.constant 48 : index
        %get3A_2326 = tpu.vector_load %arg6[%get3A_2324, %get3A_2325] {strides = array<i32>} : memref<400x128xf32, #tpu.memory_space<vmem>>, vector<1x16xf32>,
        %get3A_2327 = vector.shape_cast %get3A_2326 : vector<1x16xf32> to vector<16xf32>
        %add3A_2328 = arith.addf %while3A_2303, %get3A_2327 : vector<16xf32>
        %get3A_2329 = arith.index_cast %sub3A_2308 : i32 to index
        %get3A_2330 = arith.constant 64 : index
        %get3A_2331 = tpu.vector_load %arg6[%get3A_2329, %get3A_2330] {strides = array<i32>} : memref<400x128xf32, #tpu.memory_space<vmem>>, vector<1x16xf32>,
        %get3A_2332 = vector.shape_cast %get3A_2331 : vector<1x16xf32> to vector<16xf32>
        %add3A_2333 = arith.addf %while3A_2304, %get3A_2332 : vector<16xf32>
        %get3A_2334 = arith.index_cast %sub3A_2308 : i32 to index
        %get3A_2335 = arith.constant 80 : index
        %get3A_2336 = tpu.vector_load %arg6[%get3A_2334, %get3A_2335] {strides = array<i32>} : memref<400x128xf32, #tpu.memory_space<vmem>>, vector<1x16xf32>,
        %get3A_2337 = vector.shape_cast %get3A_2336 : vector<1x16xf32> to vector<16xf32>
        %add3A_2338 = arith.addf %while3A_2305, %get3A_2337 : vector<16xf32>
        %get3A_2339 = arith.index_cast %sub3A_2308 : i32 to index
        %get3A_2340 = arith.constant 96 : index
        %get3A_2341 = tpu.vector_load %arg6[%get3A_2339, %get3A_2340] {strides = array<i32>} : memref<400x128xf32, #tpu.memory_space<vmem>>, vector<1x16xf32>,
        %get3A_2342 = vector.shape_cast %get3A_2341 : vector<1x16xf32> to vector<16xf32>
        %add3A_2343 = arith.addf %while3A_2306, %get3A_2342 : vector<16xf32>
        %get3A_2344 = arith.index_cast %sub3A_2308 : i32 to index
        %get3A_2345 = arith.constant 112 : index
        %get3A_2346 = tpu.vector_load %arg6[%get3A_2344, %get3A_2345] {strides = array<i32>} : memref<400x128xf32, #tpu.memory_space<vmem>>, vector<1x16xf32>,
        %get3A_2347 = vector.shape_cast %get3A_2346 : vector<1x16xf32> to vector<16xf32>
        %add3A_2348 = arith.addf %while3A_2307, %get3A_2347 : vector<16xf32>
        scf.yield %add3A_2313, %add3A_2318, %add3A_2323, %add3A_2328, %add3A_2333, %add3A_2338, %add3A_2343, %add3A_2348 : vector<16xf32>, vector<16xf32>, vector<16xf32>, vector<16xf32>, vector<16xf32>, vector<16xf32>, vector<16xf32>, vector<16xf32>
      }
      %while3A_1571 = arith.constant 1 : i32
      %while3A_1572:8 = scf.for %while3A_2299 = %while3A_1568 to %while3A_1564 step %while3A_1571 iter_args(%while3A_2300 = %while3A_1570#0, %while3A_2301 = %while3A_1570#1, %while3A_2302 = %while3A_1570#2, %while3A_2303 = %while3A_1570#3, %while3A_2304 = %while3A_1570#4, %while3A_2305 = %while3A_1570#5, %while3A_2306 = %while3A_1570#6, %while3A_2307 = %while3A_1570#7) -> (vector<16xf32>, vector<16xf32>, vector<16xf32>, vector<16xf32>, vector<16xf32>, vector<16xf32>, vector<16xf32>, vector<16xf32>)  : i32 {
        %sub3A_2308 = arith.subi %while3A_2299, %mul3A_1291 : i32
        %get3A_2309 = arith.index_cast %sub3A_2308 : i32 to index
        %get3A_2310 = arith.constant 0 : index
        %get3A_2311 = tpu.vector_load %arg6[%get3A_2309, %get3A_2310] {strides = array<i32>} : memref<400x128xf32, #tpu.memory_space<vmem>>, vector<1x16xf32>,
        %get3A_2312 = vector.shape_cast %get3A_2311 : vector<1x16xf32> to vector<16xf32>
        %add3A_2313 = arith.addf %while3A_2300, %get3A_2312 : vector<16xf32>
        %get3A_2314 = arith.index_cast %sub3A_2308 : i32 to index
        %get3A_2315 = arith.constant 16 : index
        %get3A_2316 = tpu.vector_load %arg6[%get3A_2314, %get3A_2315] {strides = array<i32>} : memref<400x128xf32, #tpu.memory_space<vmem>>, vector<1x16xf32>,
        %get3A_2317 = vector.shape_cast %get3A_2316 : vector<1x16xf32> to vector<16xf32>
        %add3A_2318 = arith.addf %while3A_2301, %get3A_2317 : vector<16xf32>
        %get3A_2319 = arith.index_cast %sub3A_2308 : i32 to index
        %get3A_2320 = arith.constant 32 : index
        %get3A_2321 = tpu.vector_load %arg6[%get3A_2319, %get3A_2320] {strides = array<i32>} : memref<400x128xf32, #tpu.memory_space<vmem>>, vector<1x16xf32>,
        %get3A_2322 = vector.shape_cast %get3A_2321 : vector<1x16xf32> to vector<16xf32>
        %add3A_2323 = arith.addf %while3A_2302, %get3A_2322 : vector<16xf32>
        %get3A_2324 = arith.index_cast %sub3A_2308 : i32 to index
        %get3A_2325 = arith.constant 48 : index
        %get3A_2326 = tpu.vector_load %arg6[%get3A_2324, %get3A_2325] {strides = array<i32>} : memref<400x128xf32, #tpu.memory_space<vmem>>, vector<1x16xf32>,
        %get3A_2327 = vector.shape_cast %get3A_2326 : vector<1x16xf32> to vector<16xf32>
        %add3A_2328 = arith.addf %while3A_2303, %get3A_2327 : vector<16xf32>
        %get3A_2329 = arith.index_cast %sub3A_2308 : i32 to index
        %get3A_2330 = arith.constant 64 : index
        %get3A_2331 = tpu.vector_load %arg6[%get3A_2329, %get3A_2330] {strides = array<i32>} : memref<400x128xf32, #tpu.memory_space<vmem>>, vector<1x16xf32>,
        %get3A_2332 = vector.shape_cast %get3A_2331 : vector<1x16xf32> to vector<16xf32>
        %add3A_2333 = arith.addf %while3A_2304, %get3A_2332 : vector<16xf32>
        %get3A_2334 = arith.index_cast %sub3A_2308 : i32 to index
        %get3A_2335 = arith.constant 80 : index
        %get3A_2336 = tpu.vector_load %arg6[%get3A_2334, %get3A_2335] {strides = array<i32>} : memref<400x128xf32, #tpu.memory_space<vmem>>, vector<1x16xf32>,
        %get3A_2337 = vector.shape_cast %get3A_2336 : vector<1x16xf32> to vector<16xf32>
        %add3A_2338 = arith.addf %while3A_2305, %get3A_2337 : vector<16xf32>
        %get3A_2339 = arith.index_cast %sub3A_2308 : i32 to index
        %get3A_2340 = arith.constant 96 : index
        %get3A_2341 = tpu.vector_load %arg6[%get3A_2339, %get3A_2340] {strides = array<i32>} : memref<400x128xf32, #tpu.memory_space<vmem>>, vector<1x16xf32>,
        %get3A_2342 = vector.shape_cast %get3A_2341 : vector<1x16xf32> to vector<16xf32>
        %add3A_2343 = arith.addf %while3A_2306, %get3A_2342 : vector<16xf32>
        %get3A_2344 = arith.index_cast %sub3A_2308 : i32 to index
        %get3A_2345 = arith.constant 112 : index
        %get3A_2346 = tpu.vector_load %arg6[%get3A_2344, %get3A_2345] {strides = array<i32>} : memref<400x128xf32, #tpu.memory_space<vmem>>, vector<1x16xf32>,
        %get3A_2347 = vector.shape_cast %get3A_2346 : vector<1x16xf32> to vector<16xf32>
        %add3A_2348 = arith.addf %while3A_2307, %get3A_2347 : vector<16xf32>
        scf.yield %add3A_2313, %add3A_2318, %add3A_2323, %add3A_2328, %add3A_2333, %add3A_2338, %add3A_2343, %add3A_2348 : vector<16xf32>, vector<16xf32>, vector<16xf32>, vector<16xf32>, vector<16xf32>, vector<16xf32>, vector<16xf32>, vector<16xf32>
      }
      %get3A_1573 = arith.constant 2 : i32
      %get3A_1574 = arith.index_cast %get3A_1573 : i32 to index
      %get3A_1575 = arith.constant 0 : index
      %get3A_1576 = tpu.vector_load %arg7[%get3A_1574, %get3A_1575] {strides = array<i32>} : memref<8x128xf32, #tpu.memory_space<vmem>>, vector<1x16xf32>,
      %get3A_1577 = vector.shape_cast %get3A_1576 : vector<1x16xf32> to vector<16xf32>
      %add3A_1578 = arith.addf %get3A_1577, %while3A_1572#0 : vector<16xf32>
      %swap3A_1579 = arith.constant 2 : i32
      %swap3A_1580 = arith.index_cast %swap3A_1579 : i32 to index
      %swap3A_1581 = arith.constant 0 : index
      %swap3A_1582 = tpu.vector_load %arg7[%swap3A_1580, %swap3A_1581] {strides = array<i32>} : memref<8x128xf32, #tpu.memory_space<vmem>>, vector<1x16xf32>,
      %swap3A_1583 = vector.shape_cast %swap3A_1582 : vector<1x16xf32> to vector<16xf32>
      %swap3A_1584 = vector.shape_cast %add3A_1578 : vector<16xf32> to vector<1x16xf32>
      tpu.vector_store %arg7[%swap3A_1580, %swap3A_1581], %swap3A_1584 {strides = array<i32>} : memref<8x128xf32, #tpu.memory_space<vmem>>, vector<1x16xf32>,
      %get3A_1585 = arith.constant 2 : i32
      %get3A_1586 = arith.index_cast %get3A_1585 : i32 to index
      %get3A_1587 = arith.constant 16 : index
      %get3A_1588 = tpu.vector_load %arg7[%get3A_1586, %get3A_1587] {strides = array<i32>} : memref<8x128xf32, #tpu.memory_space<vmem>>, vector<1x16xf32>,
      %get3A_1589 = vector.shape_cast %get3A_1588 : vector<1x16xf32> to vector<16xf32>
      %add3A_1590 = arith.addf %get3A_1589, %while3A_1572#1 : vector<16xf32>
      %swap3A_1591 = arith.constant 2 : i32
      %swap3A_1592 = arith.index_cast %swap3A_1591 : i32 to index
      %swap3A_1593 = arith.constant 16 : index
      %swap3A_1594 = tpu.vector_load %arg7[%swap3A_1592, %swap3A_1593] {strides = array<i32>} : memref<8x128xf32, #tpu.memory_space<vmem>>, vector<1x16xf32>,
      %swap3A_1595 = vector.shape_cast %swap3A_1594 : vector<1x16xf32> to vector<16xf32>
      %swap3A_1596 = vector.shape_cast %add3A_1590 : vector<16xf32> to vector<1x16xf32>
      tpu.vector_store %arg7[%swap3A_1592, %swap3A_1593], %swap3A_1596 {strides = array<i32>} : memref<8x128xf32, #tpu.memory_space<vmem>>, vector<1x16xf32>,
      %get3A_1597 = arith.constant 2 : i32
      %get3A_1598 = arith.index_cast %get3A_1597 : i32 to index
      %get3A_1599 = arith.constant 32 : index
      %get3A_1600 = tpu.vector_load %arg7[%get3A_1598, %get3A_1599] {strides = array<i32>} : memref<8x128xf32, #tpu.memory_space<vmem>>, vector<1x16xf32>,
      %get3A_1601 = vector.shape_cast %get3A_1600 : vector<1x16xf32> to vector<16xf32>
      %add3A_1602 = arith.addf %get3A_1601, %while3A_1572#2 : vector<16xf32>
      %swap3A_1603 = arith.constant 2 : i32
      %swap3A_1604 = arith.index_cast %swap3A_1603 : i32 to index
      %swap3A_1605 = arith.constant 32 : index
      %swap3A_1606 = tpu.vector_load %arg7[%swap3A_1604, %swap3A_1605] {strides = array<i32>} : memref<8x128xf32, #tpu.memory_space<vmem>>, vector<1x16xf32>,
      %swap3A_1607 = vector.shape_cast %swap3A_1606 : vector<1x16xf32> to vector<16xf32>
      %swap3A_1608 = vector.shape_cast %add3A_1602 : vector<16xf32> to vector<1x16xf32>
      tpu.vector_store %arg7[%swap3A_1604, %swap3A_1605], %swap3A_1608 {strides = array<i32>} : memref<8x128xf32, #tpu.memory_space<vmem>>, vector<1x16xf32>,
      %get3A_1609 = arith.constant 2 : i32
      %get3A_1610 = arith.index_cast %get3A_1609 : i32 to index
      %get3A_1611 = arith.constant 48 : index
      %get3A_1612 = tpu.vector_load %arg7[%get3A_1610, %get3A_1611] {strides = array<i32>} : memref<8x128xf32, #tpu.memory_space<vmem>>, vector<1x16xf32>,
      %get3A_1613 = vector.shape_cast %get3A_1612 : vector<1x16xf32> to vector<16xf32>
      %add3A_1614 = arith.addf %get3A_1613, %while3A_1572#3 : vector<16xf32>
      %swap3A_1615 = arith.constant 2 : i32
      %swap3A_1616 = arith.index_cast %swap3A_1615 : i32 to index
      %swap3A_1617 = arith.constant 48 : index
      %swap3A_1618 = tpu.vector_load %arg7[%swap3A_1616, %swap3A_1617] {strides = array<i32>} : memref<8x128xf32, #tpu.memory_space<vmem>>, vector<1x16xf32>,
      %swap3A_1619 = vector.shape_cast %swap3A_1618 : vector<1x16xf32> to vector<16xf32>
      %swap3A_1620 = vector.shape_cast %add3A_1614 : vector<16xf32> to vector<1x16xf32>
      tpu.vector_store %arg7[%swap3A_1616, %swap3A_1617], %swap3A_1620 {strides = array<i32>} : memref<8x128xf32, #tpu.memory_space<vmem>>, vector<1x16xf32>,
      %get3A_1621 = arith.constant 2 : i32
      %get3A_1622 = arith.index_cast %get3A_1621 : i32 to index
      %get3A_1623 = arith.constant 64 : index
      %get3A_1624 = tpu.vector_load %arg7[%get3A_1622, %get3A_1623] {strides = array<i32>} : memref<8x128xf32, #tpu.memory_space<vmem>>, vector<1x16xf32>,
      %get3A_1625 = vector.shape_cast %get3A_1624 : vector<1x16xf32> to vector<16xf32>
      %add3A_1626 = arith.addf %get3A_1625, %while3A_1572#4 : vector<16xf32>
      %swap3A_1627 = arith.constant 2 : i32
      %swap3A_1628 = arith.index_cast %swap3A_1627 : i32 to index
      %swap3A_1629 = arith.constant 64 : index
      %swap3A_1630 = tpu.vector_load %arg7[%swap3A_1628, %swap3A_1629] {strides = array<i32>} : memref<8x128xf32, #tpu.memory_space<vmem>>, vector<1x16xf32>,
      %swap3A_1631 = vector.shape_cast %swap3A_1630 : vector<1x16xf32> to vector<16xf32>
      %swap3A_1632 = vector.shape_cast %add3A_1626 : vector<16xf32> to vector<1x16xf32>
      tpu.vector_store %arg7[%swap3A_1628, %swap3A_1629], %swap3A_1632 {strides = array<i32>} : memref<8x128xf32, #tpu.memory_space<vmem>>, vector<1x16xf32>,
      %get3A_1633 = arith.constant 2 : i32
      %get3A_1634 = arith.index_cast %get3A_1633 : i32 to index
      %get3A_1635 = arith.constant 80 : index
      %get3A_1636 = tpu.vector_load %arg7[%get3A_1634, %get3A_1635] {strides = array<i32>} : memref<8x128xf32, #tpu.memory_space<vmem>>, vector<1x16xf32>,
      %get3A_1637 = vector.shape_cast %get3A_1636 : vector<1x16xf32> to vector<16xf32>
      %add3A_1638 = arith.addf %get3A_1637, %while3A_1572#5 : vector<16xf32>
      %swap3A_1639 = arith.constant 2 : i32
      %swap3A_1640 = arith.index_cast %swap3A_1639 : i32 to index
      %swap3A_1641 = arith.constant 80 : index
      %swap3A_1642 = tpu.vector_load %arg7[%swap3A_1640, %swap3A_1641] {strides = array<i32>} : memref<8x128xf32, #tpu.memory_space<vmem>>, vector<1x16xf32>,
      %swap3A_1643 = vector.shape_cast %swap3A_1642 : vector<1x16xf32> to vector<16xf32>
      %swap3A_1644 = vector.shape_cast %add3A_1638 : vector<16xf32> to vector<1x16xf32>
      tpu.vector_store %arg7[%swap3A_1640, %swap3A_1641], %swap3A_1644 {strides = array<i32>} : memref<8x128xf32, #tpu.memory_space<vmem>>, vector<1x16xf32>,
      %get3A_1645 = arith.constant 2 : i32
      %get3A_1646 = arith.index_cast %get3A_1645 : i32 to index
      %get3A_1647 = arith.constant 96 : index
      %get3A_1648 = tpu.vector_load %arg7[%get3A_1646, %get3A_1647] {strides = array<i32>} : memref<8x128xf32, #tpu.memory_space<vmem>>, vector<1x16xf32>,
      %get3A_1649 = vector.shape_cast %get3A_1648 : vector<1x16xf32> to vector<16xf32>
      %add3A_1650 = arith.addf %get3A_1649, %while3A_1572#6 : vector<16xf32>
      %swap3A_1651 = arith.constant 2 : i32
      %swap3A_1652 = arith.index_cast %swap3A_1651 : i32 to index
      %swap3A_1653 = arith.constant 96 : index
      %swap3A_1654 = tpu.vector_load %arg7[%swap3A_1652, %swap3A_1653] {strides = array<i32>} : memref<8x128xf32, #tpu.memory_space<vmem>>, vector<1x16xf32>,
      %swap3A_1655 = vector.shape_cast %swap3A_1654 : vector<1x16xf32> to vector<16xf32>
      %swap3A_1656 = vector.shape_cast %add3A_1650 : vector<16xf32> to vector<1x16xf32>
      tpu.vector_store %arg7[%swap3A_1652, %swap3A_1653], %swap3A_1656 {strides = array<i32>} : memref<8x128xf32, #tpu.memory_space<vmem>>, vector<1x16xf32>,
      %get3A_1657 = arith.constant 2 : i32
      %get3A_1658 = arith.index_cast %get3A_1657 : i32 to index
      %get3A_1659 = arith.constant 112 : index
      %get3A_1660 = tpu.vector_load %arg7[%get3A_1658, %get3A_1659] {strides = array<i32>} : memref<8x128xf32, #tpu.memory_space<vmem>>, vector<1x16xf32>,
      %get3A_1661 = vector.shape_cast %get3A_1660 : vector<1x16xf32> to vector<16xf32>
      %add3A_1662 = arith.addf %get3A_1661, %while3A_1572#7 : vector<16xf32>
      %swap3A_1663 = arith.constant 2 : i32
      %swap3A_1664 = arith.index_cast %swap3A_1663 : i32 to index
      %swap3A_1665 = arith.constant 112 : index
      %swap3A_1666 = tpu.vector_load %arg7[%swap3A_1664, %swap3A_1665] {strides = array<i32>} : memref<8x128xf32, #tpu.memory_space<vmem>>, vector<1x16xf32>,
      %swap3A_1667 = vector.shape_cast %swap3A_1666 : vector<1x16xf32> to vector<16xf32>
      %swap3A_1668 = vector.shape_cast %add3A_1662 : vector<16xf32> to vector<1x16xf32>
      tpu.vector_store %arg7[%swap3A_1664, %swap3A_1665], %swap3A_1668 {strides = array<i32>} : memref<8x128xf32, #tpu.memory_space<vmem>>, vector<1x16xf32>,
      %max3A_1669 = arith.maxsi %squeeze3A_10, %mul3A_1291 : i32
      %add3A_1670 = arith.constant 400 : i32
      %add3A_1671 = arith.addi %mul3A_1291, %add3A_1670 : i32
      %min3A_1672 = arith.minsi %squeeze3A_12, %add3A_1671 : i32
      %broadcast_in_dim3A_1673 = arith.constant 0.000000e+00 : f32
      %broadcast_in_dim3A_1674 = vector.broadcast %broadcast_in_dim3A_1673 : f32 to vector<16xf32>
      %broadcast_in_dim3A_1675 = arith.constant 0.000000e+00 : f32
      %broadcast_in_dim3A_1676 = vector.broadcast %broadcast_in_dim3A_1675 : f32 to vector<16xf32>
      %broadcast_in_dim3A_1677 = arith.constant 0.000000e+00 : f32
      %broadcast_in_dim3A_1678 = vector.broadcast %broadcast_in_dim3A_1677 : f32 to vector<16xf32>
      %broadcast_in_dim3A_1679 = arith.constant 0.000000e+00 : f32
      %broadcast_in_dim3A_1680 = vector.broadcast %broadcast_in_dim3A_1679 : f32 to vector<16xf32>
      %broadcast_in_dim3A_1681 = arith.constant 0.000000e+00 : f32
      %broadcast_in_dim3A_1682 = vector.broadcast %broadcast_in_dim3A_1681 : f32 to vector<16xf32>
      %broadcast_in_dim3A_1683 = arith.constant 0.000000e+00 : f32
      %broadcast_in_dim3A_1684 = vector.broadcast %broadcast_in_dim3A_1683 : f32 to vector<16xf32>
      %broadcast_in_dim3A_1685 = arith.constant 0.000000e+00 : f32
      %broadcast_in_dim3A_1686 = vector.broadcast %broadcast_in_dim3A_1685 : f32 to vector<16xf32>
      %broadcast_in_dim3A_1687 = arith.constant 0.000000e+00 : f32
      %broadcast_in_dim3A_1688 = vector.broadcast %broadcast_in_dim3A_1687 : f32 to vector<16xf32>
      %while3A_1689 = arith.subi %min3A_1672, %max3A_1669 : i32
      %while3A_1690 = arith.addi %max3A_1669, %while3A_1689 : i32
      %while3A_1691 = arith.constant 1 : i32
      %while3A_1692 = arith.divsi %while3A_1689, %while3A_1691 : i32
      %while3A_1693 = arith.muli %while3A_1692, %while3A_1691 : i32
      %while3A_1694 = arith.addi %max3A_1669, %while3A_1693 : i32
      %while3A_1695 = arith.constant 1 : i32
      %while3A_1696:8 = scf.for %while3A_2299 = %max3A_1669 to %while3A_1694 step %while3A_1695 iter_args(%while3A_2300 = %broadcast_in_dim3A_1674, %while3A_2301 = %broadcast_in_dim3A_1676, %while3A_2302 = %broadcast_in_dim3A_1678, %while3A_2303 = %broadcast_in_dim3A_1680, %while3A_2304 = %broadcast_in_dim3A_1682, %while3A_2305 = %broadcast_in_dim3A_1684, %while3A_2306 = %broadcast_in_dim3A_1686, %while3A_2307 = %broadcast_in_dim3A_1688) -> (vector<16xf32>, vector<16xf32>, vector<16xf32>, vector<16xf32>, vector<16xf32>, vector<16xf32>, vector<16xf32>, vector<16xf32>)  : i32 {
        %sub3A_2308 = arith.subi %while3A_2299, %mul3A_1291 : i32
        %get3A_2309 = arith.index_cast %sub3A_2308 : i32 to index
        %get3A_2310 = arith.constant 0 : index
        %get3A_2311 = tpu.vector_load %arg6[%get3A_2309, %get3A_2310] {strides = array<i32>} : memref<400x128xf32, #tpu.memory_space<vmem>>, vector<1x16xf32>,
        %get3A_2312 = vector.shape_cast %get3A_2311 : vector<1x16xf32> to vector<16xf32>
        %add3A_2313 = arith.addf %while3A_2300, %get3A_2312 : vector<16xf32>
        %get3A_2314 = arith.index_cast %sub3A_2308 : i32 to index
        %get3A_2315 = arith.constant 16 : index
        %get3A_2316 = tpu.vector_load %arg6[%get3A_2314, %get3A_2315] {strides = array<i32>} : memref<400x128xf32, #tpu.memory_space<vmem>>, vector<1x16xf32>,
        %get3A_2317 = vector.shape_cast %get3A_2316 : vector<1x16xf32> to vector<16xf32>
        %add3A_2318 = arith.addf %while3A_2301, %get3A_2317 : vector<16xf32>
        %get3A_2319 = arith.index_cast %sub3A_2308 : i32 to index
        %get3A_2320 = arith.constant 32 : index
        %get3A_2321 = tpu.vector_load %arg6[%get3A_2319, %get3A_2320] {strides = array<i32>} : memref<400x128xf32, #tpu.memory_space<vmem>>, vector<1x16xf32>,
        %get3A_2322 = vector.shape_cast %get3A_2321 : vector<1x16xf32> to vector<16xf32>
        %add3A_2323 = arith.addf %while3A_2302, %get3A_2322 : vector<16xf32>
        %get3A_2324 = arith.index_cast %sub3A_2308 : i32 to index
        %get3A_2325 = arith.constant 48 : index
        %get3A_2326 = tpu.vector_load %arg6[%get3A_2324, %get3A_2325] {strides = array<i32>} : memref<400x128xf32, #tpu.memory_space<vmem>>, vector<1x16xf32>,
        %get3A_2327 = vector.shape_cast %get3A_2326 : vector<1x16xf32> to vector<16xf32>
        %add3A_2328 = arith.addf %while3A_2303, %get3A_2327 : vector<16xf32>
        %get3A_2329 = arith.index_cast %sub3A_2308 : i32 to index
        %get3A_2330 = arith.constant 64 : index
        %get3A_2331 = tpu.vector_load %arg6[%get3A_2329, %get3A_2330] {strides = array<i32>} : memref<400x128xf32, #tpu.memory_space<vmem>>, vector<1x16xf32>,
        %get3A_2332 = vector.shape_cast %get3A_2331 : vector<1x16xf32> to vector<16xf32>
        %add3A_2333 = arith.addf %while3A_2304, %get3A_2332 : vector<16xf32>
        %get3A_2334 = arith.index_cast %sub3A_2308 : i32 to index
        %get3A_2335 = arith.constant 80 : index
        %get3A_2336 = tpu.vector_load %arg6[%get3A_2334, %get3A_2335] {strides = array<i32>} : memref<400x128xf32, #tpu.memory_space<vmem>>, vector<1x16xf32>,
        %get3A_2337 = vector.shape_cast %get3A_2336 : vector<1x16xf32> to vector<16xf32>
        %add3A_2338 = arith.addf %while3A_2305, %get3A_2337 : vector<16xf32>
        %get3A_2339 = arith.index_cast %sub3A_2308 : i32 to index
        %get3A_2340 = arith.constant 96 : index
        %get3A_2341 = tpu.vector_load %arg6[%get3A_2339, %get3A_2340] {strides = array<i32>} : memref<400x128xf32, #tpu.memory_space<vmem>>, vector<1x16xf32>,
        %get3A_2342 = vector.shape_cast %get3A_2341 : vector<1x16xf32> to vector<16xf32>
        %add3A_2343 = arith.addf %while3A_2306, %get3A_2342 : vector<16xf32>
        %get3A_2344 = arith.index_cast %sub3A_2308 : i32 to index
        %get3A_2345 = arith.constant 112 : index
        %get3A_2346 = tpu.vector_load %arg6[%get3A_2344, %get3A_2345] {strides = array<i32>} : memref<400x128xf32, #tpu.memory_space<vmem>>, vector<1x16xf32>,
        %get3A_2347 = vector.shape_cast %get3A_2346 : vector<1x16xf32> to vector<16xf32>
        %add3A_2348 = arith.addf %while3A_2307, %get3A_2347 : vector<16xf32>
        scf.yield %add3A_2313, %add3A_2318, %add3A_2323, %add3A_2328, %add3A_2333, %add3A_2338, %add3A_2343, %add3A_2348 : vector<16xf32>, vector<16xf32>, vector<16xf32>, vector<16xf32>, vector<16xf32>, vector<16xf32>, vector<16xf32>, vector<16xf32>
      }
      %while3A_1697 = arith.constant 1 : i32
      %while3A_1698:8 = scf.for %while3A_2299 = %while3A_1694 to %while3A_1690 step %while3A_1697 iter_args(%while3A_2300 = %while3A_1696#0, %while3A_2301 = %while3A_1696#1, %while3A_2302 = %while3A_1696#2, %while3A_2303 = %while3A_1696#3, %while3A_2304 = %while3A_1696#4, %while3A_2305 = %while3A_1696#5, %while3A_2306 = %while3A_1696#6, %while3A_2307 = %while3A_1696#7) -> (vector<16xf32>, vector<16xf32>, vector<16xf32>, vector<16xf32>, vector<16xf32>, vector<16xf32>, vector<16xf32>, vector<16xf32>)  : i32 {
        %sub3A_2308 = arith.subi %while3A_2299, %mul3A_1291 : i32
        %get3A_2309 = arith.index_cast %sub3A_2308 : i32 to index
        %get3A_2310 = arith.constant 0 : index
        %get3A_2311 = tpu.vector_load %arg6[%get3A_2309, %get3A_2310] {strides = array<i32>} : memref<400x128xf32, #tpu.memory_space<vmem>>, vector<1x16xf32>,
        %get3A_2312 = vector.shape_cast %get3A_2311 : vector<1x16xf32> to vector<16xf32>
        %add3A_2313 = arith.addf %while3A_2300, %get3A_2312 : vector<16xf32>
        %get3A_2314 = arith.index_cast %sub3A_2308 : i32 to index
        %get3A_2315 = arith.constant 16 : index
        %get3A_2316 = tpu.vector_load %arg6[%get3A_2314, %get3A_2315] {strides = array<i32>} : memref<400x128xf32, #tpu.memory_space<vmem>>, vector<1x16xf32>,
        %get3A_2317 = vector.shape_cast %get3A_2316 : vector<1x16xf32> to vector<16xf32>
        %add3A_2318 = arith.addf %while3A_2301, %get3A_2317 : vector<16xf32>
        %get3A_2319 = arith.index_cast %sub3A_2308 : i32 to index
        %get3A_2320 = arith.constant 32 : index
        %get3A_2321 = tpu.vector_load %arg6[%get3A_2319, %get3A_2320] {strides = array<i32>} : memref<400x128xf32, #tpu.memory_space<vmem>>, vector<1x16xf32>,
        %get3A_2322 = vector.shape_cast %get3A_2321 : vector<1x16xf32> to vector<16xf32>
        %add3A_2323 = arith.addf %while3A_2302, %get3A_2322 : vector<16xf32>
        %get3A_2324 = arith.index_cast %sub3A_2308 : i32 to index
        %get3A_2325 = arith.constant 48 : index
        %get3A_2326 = tpu.vector_load %arg6[%get3A_2324, %get3A_2325] {strides = array<i32>} : memref<400x128xf32, #tpu.memory_space<vmem>>, vector<1x16xf32>,
        %get3A_2327 = vector.shape_cast %get3A_2326 : vector<1x16xf32> to vector<16xf32>
        %add3A_2328 = arith.addf %while3A_2303, %get3A_2327 : vector<16xf32>
        %get3A_2329 = arith.index_cast %sub3A_2308 : i32 to index
        %get3A_2330 = arith.constant 64 : index
        %get3A_2331 = tpu.vector_load %arg6[%get3A_2329, %get3A_2330] {strides = array<i32>} : memref<400x128xf32, #tpu.memory_space<vmem>>, vector<1x16xf32>,
        %get3A_2332 = vector.shape_cast %get3A_2331 : vector<1x16xf32> to vector<16xf32>
        %add3A_2333 = arith.addf %while3A_2304, %get3A_2332 : vector<16xf32>
        %get3A_2334 = arith.index_cast %sub3A_2308 : i32 to index
        %get3A_2335 = arith.constant 80 : index
        %get3A_2336 = tpu.vector_load %arg6[%get3A_2334, %get3A_2335] {strides = array<i32>} : memref<400x128xf32, #tpu.memory_space<vmem>>, vector<1x16xf32>,
        %get3A_2337 = vector.shape_cast %get3A_2336 : vector<1x16xf32> to vector<16xf32>
        %add3A_2338 = arith.addf %while3A_2305, %get3A_2337 : vector<16xf32>
        %get3A_2339 = arith.index_cast %sub3A_2308 : i32 to index
        %get3A_2340 = arith.constant 96 : index
        %get3A_2341 = tpu.vector_load %arg6[%get3A_2339, %get3A_2340] {strides = array<i32>} : memref<400x128xf32, #tpu.memory_space<vmem>>, vector<1x16xf32>,
        %get3A_2342 = vector.shape_cast %get3A_2341 : vector<1x16xf32> to vector<16xf32>
        %add3A_2343 = arith.addf %while3A_2306, %get3A_2342 : vector<16xf32>
        %get3A_2344 = arith.index_cast %sub3A_2308 : i32 to index
        %get3A_2345 = arith.constant 112 : index
        %get3A_2346 = tpu.vector_load %arg6[%get3A_2344, %get3A_2345] {strides = array<i32>} : memref<400x128xf32, #tpu.memory_space<vmem>>, vector<1x16xf32>,
        %get3A_2347 = vector.shape_cast %get3A_2346 : vector<1x16xf32> to vector<16xf32>
        %add3A_2348 = arith.addf %while3A_2307, %get3A_2347 : vector<16xf32>
        scf.yield %add3A_2313, %add3A_2318, %add3A_2323, %add3A_2328, %add3A_2333, %add3A_2338, %add3A_2343, %add3A_2348 : vector<16xf32>, vector<16xf32>, vector<16xf32>, vector<16xf32>, vector<16xf32>, vector<16xf32>, vector<16xf32>, vector<16xf32>
      }
      %get3A_1699 = arith.constant 3 : i32
      %get3A_1700 = arith.index_cast %get3A_1699 : i32 to index
      %get3A_1701 = arith.constant 0 : index
      %get3A_1702 = tpu.vector_load %arg7[%get3A_1700, %get3A_1701] {strides = array<i32>} : memref<8x128xf32, #tpu.memory_space<vmem>>, vector<1x16xf32>,
      %get3A_1703 = vector.shape_cast %get3A_1702 : vector<1x16xf32> to vector<16xf32>
      %add3A_1704 = arith.addf %get3A_1703, %while3A_1698#0 : vector<16xf32>
      %swap3A_1705 = arith.constant 3 : i32
      %swap3A_1706 = arith.index_cast %swap3A_1705 : i32 to index
      %swap3A_1707 = arith.constant 0 : index
      %swap3A_1708 = tpu.vector_load %arg7[%swap3A_1706, %swap3A_1707] {strides = array<i32>} : memref<8x128xf32, #tpu.memory_space<vmem>>, vector<1x16xf32>,
      %swap3A_1709 = vector.shape_cast %swap3A_1708 : vector<1x16xf32> to vector<16xf32>
      %swap3A_1710 = vector.shape_cast %add3A_1704 : vector<16xf32> to vector<1x16xf32>
      tpu.vector_store %arg7[%swap3A_1706, %swap3A_1707], %swap3A_1710 {strides = array<i32>} : memref<8x128xf32, #tpu.memory_space<vmem>>, vector<1x16xf32>,
      %get3A_1711 = arith.constant 3 : i32
      %get3A_1712 = arith.index_cast %get3A_1711 : i32 to index
      %get3A_1713 = arith.constant 16 : index
      %get3A_1714 = tpu.vector_load %arg7[%get3A_1712, %get3A_1713] {strides = array<i32>} : memref<8x128xf32, #tpu.memory_space<vmem>>, vector<1x16xf32>,
      %get3A_1715 = vector.shape_cast %get3A_1714 : vector<1x16xf32> to vector<16xf32>
      %add3A_1716 = arith.addf %get3A_1715, %while3A_1698#1 : vector<16xf32>
      %swap3A_1717 = arith.constant 3 : i32
      %swap3A_1718 = arith.index_cast %swap3A_1717 : i32 to index
      %swap3A_1719 = arith.constant 16 : index
      %swap3A_1720 = tpu.vector_load %arg7[%swap3A_1718, %swap3A_1719] {strides = array<i32>} : memref<8x128xf32, #tpu.memory_space<vmem>>, vector<1x16xf32>,
      %swap3A_1721 = vector.shape_cast %swap3A_1720 : vector<1x16xf32> to vector<16xf32>
      %swap3A_1722 = vector.shape_cast %add3A_1716 : vector<16xf32> to vector<1x16xf32>
      tpu.vector_store %arg7[%swap3A_1718, %swap3A_1719], %swap3A_1722 {strides = array<i32>} : memref<8x128xf32, #tpu.memory_space<vmem>>, vector<1x16xf32>,
      %get3A_1723 = arith.constant 3 : i32
      %get3A_1724 = arith.index_cast %get3A_1723 : i32 to index
      %get3A_1725 = arith.constant 32 : index
      %get3A_1726 = tpu.vector_load %arg7[%get3A_1724, %get3A_1725] {strides = array<i32>} : memref<8x128xf32, #tpu.memory_space<vmem>>, vector<1x16xf32>,
      %get3A_1727 = vector.shape_cast %get3A_1726 : vector<1x16xf32> to vector<16xf32>
      %add3A_1728 = arith.addf %get3A_1727, %while3A_1698#2 : vector<16xf32>
      %swap3A_1729 = arith.constant 3 : i32
      %swap3A_1730 = arith.index_cast %swap3A_1729 : i32 to index
      %swap3A_1731 = arith.constant 32 : index
      %swap3A_1732 = tpu.vector_load %arg7[%swap3A_1730, %swap3A_1731] {strides = array<i32>} : memref<8x128xf32, #tpu.memory_space<vmem>>, vector<1x16xf32>,
      %swap3A_1733 = vector.shape_cast %swap3A_1732 : vector<1x16xf32> to vector<16xf32>
      %swap3A_1734 = vector.shape_cast %add3A_1728 : vector<16xf32> to vector<1x16xf32>
      tpu.vector_store %arg7[%swap3A_1730, %swap3A_1731], %swap3A_1734 {strides = array<i32>} : memref<8x128xf32, #tpu.memory_space<vmem>>, vector<1x16xf32>,
      %get3A_1735 = arith.constant 3 : i32
      %get3A_1736 = arith.index_cast %get3A_1735 : i32 to index
      %get3A_1737 = arith.constant 48 : index
      %get3A_1738 = tpu.vector_load %arg7[%get3A_1736, %get3A_1737] {strides = array<i32>} : memref<8x128xf32, #tpu.memory_space<vmem>>, vector<1x16xf32>,
      %get3A_1739 = vector.shape_cast %get3A_1738 : vector<1x16xf32> to vector<16xf32>
      %add3A_1740 = arith.addf %get3A_1739, %while3A_1698#3 : vector<16xf32>
      %swap3A_1741 = arith.constant 3 : i32
      %swap3A_1742 = arith.index_cast %swap3A_1741 : i32 to index
      %swap3A_1743 = arith.constant 48 : index
      %swap3A_1744 = tpu.vector_load %arg7[%swap3A_1742, %swap3A_1743] {strides = array<i32>} : memref<8x128xf32, #tpu.memory_space<vmem>>, vector<1x16xf32>,
      %swap3A_1745 = vector.shape_cast %swap3A_1744 : vector<1x16xf32> to vector<16xf32>
      %swap3A_1746 = vector.shape_cast %add3A_1740 : vector<16xf32> to vector<1x16xf32>
      tpu.vector_store %arg7[%swap3A_1742, %swap3A_1743], %swap3A_1746 {strides = array<i32>} : memref<8x128xf32, #tpu.memory_space<vmem>>, vector<1x16xf32>,
      %get3A_1747 = arith.constant 3 : i32
      %get3A_1748 = arith.index_cast %get3A_1747 : i32 to index
      %get3A_1749 = arith.constant 64 : index
      %get3A_1750 = tpu.vector_load %arg7[%get3A_1748, %get3A_1749] {strides = array<i32>} : memref<8x128xf32, #tpu.memory_space<vmem>>, vector<1x16xf32>,
      %get3A_1751 = vector.shape_cast %get3A_1750 : vector<1x16xf32> to vector<16xf32>
      %add3A_1752 = arith.addf %get3A_1751, %while3A_1698#4 : vector<16xf32>
      %swap3A_1753 = arith.constant 3 : i32
      %swap3A_1754 = arith.index_cast %swap3A_1753 : i32 to index
      %swap3A_1755 = arith.constant 64 : index
      %swap3A_1756 = tpu.vector_load %arg7[%swap3A_1754, %swap3A_1755] {strides = array<i32>} : memref<8x128xf32, #tpu.memory_space<vmem>>, vector<1x16xf32>,
      %swap3A_1757 = vector.shape_cast %swap3A_1756 : vector<1x16xf32> to vector<16xf32>
      %swap3A_1758 = vector.shape_cast %add3A_1752 : vector<16xf32> to vector<1x16xf32>
      tpu.vector_store %arg7[%swap3A_1754, %swap3A_1755], %swap3A_1758 {strides = array<i32>} : memref<8x128xf32, #tpu.memory_space<vmem>>, vector<1x16xf32>,
      %get3A_1759 = arith.constant 3 : i32
      %get3A_1760 = arith.index_cast %get3A_1759 : i32 to index
      %get3A_1761 = arith.constant 80 : index
      %get3A_1762 = tpu.vector_load %arg7[%get3A_1760, %get3A_1761] {strides = array<i32>} : memref<8x128xf32, #tpu.memory_space<vmem>>, vector<1x16xf32>,
      %get3A_1763 = vector.shape_cast %get3A_1762 : vector<1x16xf32> to vector<16xf32>
      %add3A_1764 = arith.addf %get3A_1763, %while3A_1698#5 : vector<16xf32>
      %swap3A_1765 = arith.constant 3 : i32
      %swap3A_1766 = arith.index_cast %swap3A_1765 : i32 to index
      %swap3A_1767 = arith.constant 80 : index
      %swap3A_1768 = tpu.vector_load %arg7[%swap3A_1766, %swap3A_1767] {strides = array<i32>} : memref<8x128xf32, #tpu.memory_space<vmem>>, vector<1x16xf32>,
      %swap3A_1769 = vector.shape_cast %swap3A_1768 : vector<1x16xf32> to vector<16xf32>
      %swap3A_1770 = vector.shape_cast %add3A_1764 : vector<16xf32> to vector<1x16xf32>
      tpu.vector_store %arg7[%swap3A_1766, %swap3A_1767], %swap3A_1770 {strides = array<i32>} : memref<8x128xf32, #tpu.memory_space<vmem>>, vector<1x16xf32>,
      %get3A_1771 = arith.constant 3 : i32
      %get3A_1772 = arith.index_cast %get3A_1771 : i32 to index
      %get3A_1773 = arith.constant 96 : index
      %get3A_1774 = tpu.vector_load %arg7[%get3A_1772, %get3A_1773] {strides = array<i32>} : memref<8x128xf32, #tpu.memory_space<vmem>>, vector<1x16xf32>,
      %get3A_1775 = vector.shape_cast %get3A_1774 : vector<1x16xf32> to vector<16xf32>
      %add3A_1776 = arith.addf %get3A_1775, %while3A_1698#6 : vector<16xf32>
      %swap3A_1777 = arith.constant 3 : i32
      %swap3A_1778 = arith.index_cast %swap3A_1777 : i32 to index
      %swap3A_1779 = arith.constant 96 : index
      %swap3A_1780 = tpu.vector_load %arg7[%swap3A_1778, %swap3A_1779] {strides = array<i32>} : memref<8x128xf32, #tpu.memory_space<vmem>>, vector<1x16xf32>,
      %swap3A_1781 = vector.shape_cast %swap3A_1780 : vector<1x16xf32> to vector<16xf32>
      %swap3A_1782 = vector.shape_cast %add3A_1776 : vector<16xf32> to vector<1x16xf32>
      tpu.vector_store %arg7[%swap3A_1778, %swap3A_1779], %swap3A_1782 {strides = array<i32>} : memref<8x128xf32, #tpu.memory_space<vmem>>, vector<1x16xf32>,
      %get3A_1783 = arith.constant 3 : i32
      %get3A_1784 = arith.index_cast %get3A_1783 : i32 to index
      %get3A_1785 = arith.constant 112 : index
      %get3A_1786 = tpu.vector_load %arg7[%get3A_1784, %get3A_1785] {strides = array<i32>} : memref<8x128xf32, #tpu.memory_space<vmem>>, vector<1x16xf32>,
      %get3A_1787 = vector.shape_cast %get3A_1786 : vector<1x16xf32> to vector<16xf32>
      %add3A_1788 = arith.addf %get3A_1787, %while3A_1698#7 : vector<16xf32>
      %swap3A_1789 = arith.constant 3 : i32
      %swap3A_1790 = arith.index_cast %swap3A_1789 : i32 to index
      %swap3A_1791 = arith.constant 112 : index
      %swap3A_1792 = tpu.vector_load %arg7[%swap3A_1790, %swap3A_1791] {strides = array<i32>} : memref<8x128xf32, #tpu.memory_space<vmem>>, vector<1x16xf32>,
      %swap3A_1793 = vector.shape_cast %swap3A_1792 : vector<1x16xf32> to vector<16xf32>
      %swap3A_1794 = vector.shape_cast %add3A_1788 : vector<16xf32> to vector<1x16xf32>
      tpu.vector_store %arg7[%swap3A_1790, %swap3A_1791], %swap3A_1794 {strides = array<i32>} : memref<8x128xf32, #tpu.memory_space<vmem>>, vector<1x16xf32>,
      %max3A_1795 = arith.maxsi %squeeze3A_12, %mul3A_1291 : i32
      %add3A_1796 = arith.constant 400 : i32
      %add3A_1797 = arith.addi %mul3A_1291, %add3A_1796 : i32
      %min3A_1798 = arith.minsi %squeeze3A_14, %add3A_1797 : i32
      %broadcast_in_dim3A_1799 = arith.constant 0.000000e+00 : f32
      %broadcast_in_dim3A_1800 = vector.broadcast %broadcast_in_dim3A_1799 : f32 to vector<16xf32>
      %broadcast_in_dim3A_1801 = arith.constant 0.000000e+00 : f32
      %broadcast_in_dim3A_1802 = vector.broadcast %broadcast_in_dim3A_1801 : f32 to vector<16xf32>
      %broadcast_in_dim3A_1803 = arith.constant 0.000000e+00 : f32
      %broadcast_in_dim3A_1804 = vector.broadcast %broadcast_in_dim3A_1803 : f32 to vector<16xf32>
      %broadcast_in_dim3A_1805 = arith.constant 0.000000e+00 : f32
      %broadcast_in_dim3A_1806 = vector.broadcast %broadcast_in_dim3A_1805 : f32 to vector<16xf32>
      %broadcast_in_dim3A_1807 = arith.constant 0.000000e+00 : f32
      %broadcast_in_dim3A_1808 = vector.broadcast %broadcast_in_dim3A_1807 : f32 to vector<16xf32>
      %broadcast_in_dim3A_1809 = arith.constant 0.000000e+00 : f32
      %broadcast_in_dim3A_1810 = vector.broadcast %broadcast_in_dim3A_1809 : f32 to vector<16xf32>
      %broadcast_in_dim3A_1811 = arith.constant 0.000000e+00 : f32
      %broadcast_in_dim3A_1812 = vector.broadcast %broadcast_in_dim3A_1811 : f32 to vector<16xf32>
      %broadcast_in_dim3A_1813 = arith.constant 0.000000e+00 : f32
      %broadcast_in_dim3A_1814 = vector.broadcast %broadcast_in_dim3A_1813 : f32 to vector<16xf32>
      %while3A_1815 = arith.subi %min3A_1798, %max3A_1795 : i32
      %while3A_1816 = arith.addi %max3A_1795, %while3A_1815 : i32
      %while3A_1817 = arith.constant 1 : i32
      %while3A_1818 = arith.divsi %while3A_1815, %while3A_1817 : i32
      %while3A_1819 = arith.muli %while3A_1818, %while3A_1817 : i32
      %while3A_1820 = arith.addi %max3A_1795, %while3A_1819 : i32
      %while3A_1821 = arith.constant 1 : i32
      %while3A_1822:8 = scf.for %while3A_2299 = %max3A_1795 to %while3A_1820 step %while3A_1821 iter_args(%while3A_2300 = %broadcast_in_dim3A_1800, %while3A_2301 = %broadcast_in_dim3A_1802, %while3A_2302 = %broadcast_in_dim3A_1804, %while3A_2303 = %broadcast_in_dim3A_1806, %while3A_2304 = %broadcast_in_dim3A_1808, %while3A_2305 = %broadcast_in_dim3A_1810, %while3A_2306 = %broadcast_in_dim3A_1812, %while3A_2307 = %broadcast_in_dim3A_1814) -> (vector<16xf32>, vector<16xf32>, vector<16xf32>, vector<16xf32>, vector<16xf32>, vector<16xf32>, vector<16xf32>, vector<16xf32>)  : i32 {
        %sub3A_2308 = arith.subi %while3A_2299, %mul3A_1291 : i32
        %get3A_2309 = arith.index_cast %sub3A_2308 : i32 to index
        %get3A_2310 = arith.constant 0 : index
        %get3A_2311 = tpu.vector_load %arg6[%get3A_2309, %get3A_2310] {strides = array<i32>} : memref<400x128xf32, #tpu.memory_space<vmem>>, vector<1x16xf32>,
        %get3A_2312 = vector.shape_cast %get3A_2311 : vector<1x16xf32> to vector<16xf32>
        %add3A_2313 = arith.addf %while3A_2300, %get3A_2312 : vector<16xf32>
        %get3A_2314 = arith.index_cast %sub3A_2308 : i32 to index
        %get3A_2315 = arith.constant 16 : index
        %get3A_2316 = tpu.vector_load %arg6[%get3A_2314, %get3A_2315] {strides = array<i32>} : memref<400x128xf32, #tpu.memory_space<vmem>>, vector<1x16xf32>,
        %get3A_2317 = vector.shape_cast %get3A_2316 : vector<1x16xf32> to vector<16xf32>
        %add3A_2318 = arith.addf %while3A_2301, %get3A_2317 : vector<16xf32>
        %get3A_2319 = arith.index_cast %sub3A_2308 : i32 to index
        %get3A_2320 = arith.constant 32 : index
        %get3A_2321 = tpu.vector_load %arg6[%get3A_2319, %get3A_2320] {strides = array<i32>} : memref<400x128xf32, #tpu.memory_space<vmem>>, vector<1x16xf32>,
        %get3A_2322 = vector.shape_cast %get3A_2321 : vector<1x16xf32> to vector<16xf32>
        %add3A_2323 = arith.addf %while3A_2302, %get3A_2322 : vector<16xf32>
        %get3A_2324 = arith.index_cast %sub3A_2308 : i32 to index
        %get3A_2325 = arith.constant 48 : index
        %get3A_2326 = tpu.vector_load %arg6[%get3A_2324, %get3A_2325] {strides = array<i32>} : memref<400x128xf32, #tpu.memory_space<vmem>>, vector<1x16xf32>,
        %get3A_2327 = vector.shape_cast %get3A_2326 : vector<1x16xf32> to vector<16xf32>
        %add3A_2328 = arith.addf %while3A_2303, %get3A_2327 : vector<16xf32>
        %get3A_2329 = arith.index_cast %sub3A_2308 : i32 to index
        %get3A_2330 = arith.constant 64 : index
        %get3A_2331 = tpu.vector_load %arg6[%get3A_2329, %get3A_2330] {strides = array<i32>} : memref<400x128xf32, #tpu.memory_space<vmem>>, vector<1x16xf32>,
        %get3A_2332 = vector.shape_cast %get3A_2331 : vector<1x16xf32> to vector<16xf32>
        %add3A_2333 = arith.addf %while3A_2304, %get3A_2332 : vector<16xf32>
        %get3A_2334 = arith.index_cast %sub3A_2308 : i32 to index
        %get3A_2335 = arith.constant 80 : index
        %get3A_2336 = tpu.vector_load %arg6[%get3A_2334, %get3A_2335] {strides = array<i32>} : memref<400x128xf32, #tpu.memory_space<vmem>>, vector<1x16xf32>,
        %get3A_2337 = vector.shape_cast %get3A_2336 : vector<1x16xf32> to vector<16xf32>
        %add3A_2338 = arith.addf %while3A_2305, %get3A_2337 : vector<16xf32>
        %get3A_2339 = arith.index_cast %sub3A_2308 : i32 to index
        %get3A_2340 = arith.constant 96 : index
        %get3A_2341 = tpu.vector_load %arg6[%get3A_2339, %get3A_2340] {strides = array<i32>} : memref<400x128xf32, #tpu.memory_space<vmem>>, vector<1x16xf32>,
        %get3A_2342 = vector.shape_cast %get3A_2341 : vector<1x16xf32> to vector<16xf32>
        %add3A_2343 = arith.addf %while3A_2306, %get3A_2342 : vector<16xf32>
        %get3A_2344 = arith.index_cast %sub3A_2308 : i32 to index
        %get3A_2345 = arith.constant 112 : index
        %get3A_2346 = tpu.vector_load %arg6[%get3A_2344, %get3A_2345] {strides = array<i32>} : memref<400x128xf32, #tpu.memory_space<vmem>>, vector<1x16xf32>,
        %get3A_2347 = vector.shape_cast %get3A_2346 : vector<1x16xf32> to vector<16xf32>
        %add3A_2348 = arith.addf %while3A_2307, %get3A_2347 : vector<16xf32>
        scf.yield %add3A_2313, %add3A_2318, %add3A_2323, %add3A_2328, %add3A_2333, %add3A_2338, %add3A_2343, %add3A_2348 : vector<16xf32>, vector<16xf32>, vector<16xf32>, vector<16xf32>, vector<16xf32>, vector<16xf32>, vector<16xf32>, vector<16xf32>
      }
      %while3A_1823 = arith.constant 1 : i32
      %while3A_1824:8 = scf.for %while3A_2299 = %while3A_1820 to %while3A_1816 step %while3A_1823 iter_args(%while3A_2300 = %while3A_1822#0, %while3A_2301 = %while3A_1822#1, %while3A_2302 = %while3A_1822#2, %while3A_2303 = %while3A_1822#3, %while3A_2304 = %while3A_1822#4, %while3A_2305 = %while3A_1822#5, %while3A_2306 = %while3A_1822#6, %while3A_2307 = %while3A_1822#7) -> (vector<16xf32>, vector<16xf32>, vector<16xf32>, vector<16xf32>, vector<16xf32>, vector<16xf32>, vector<16xf32>, vector<16xf32>)  : i32 {
        %sub3A_2308 = arith.subi %while3A_2299, %mul3A_1291 : i32
        %get3A_2309 = arith.index_cast %sub3A_2308 : i32 to index
        %get3A_2310 = arith.constant 0 : index
        %get3A_2311 = tpu.vector_load %arg6[%get3A_2309, %get3A_2310] {strides = array<i32>} : memref<400x128xf32, #tpu.memory_space<vmem>>, vector<1x16xf32>,
        %get3A_2312 = vector.shape_cast %get3A_2311 : vector<1x16xf32> to vector<16xf32>
        %add3A_2313 = arith.addf %while3A_2300, %get3A_2312 : vector<16xf32>
        %get3A_2314 = arith.index_cast %sub3A_2308 : i32 to index
        %get3A_2315 = arith.constant 16 : index
        %get3A_2316 = tpu.vector_load %arg6[%get3A_2314, %get3A_2315] {strides = array<i32>} : memref<400x128xf32, #tpu.memory_space<vmem>>, vector<1x16xf32>,
        %get3A_2317 = vector.shape_cast %get3A_2316 : vector<1x16xf32> to vector<16xf32>
        %add3A_2318 = arith.addf %while3A_2301, %get3A_2317 : vector<16xf32>
        %get3A_2319 = arith.index_cast %sub3A_2308 : i32 to index
        %get3A_2320 = arith.constant 32 : index
        %get3A_2321 = tpu.vector_load %arg6[%get3A_2319, %get3A_2320] {strides = array<i32>} : memref<400x128xf32, #tpu.memory_space<vmem>>, vector<1x16xf32>,
        %get3A_2322 = vector.shape_cast %get3A_2321 : vector<1x16xf32> to vector<16xf32>
        %add3A_2323 = arith.addf %while3A_2302, %get3A_2322 : vector<16xf32>
        %get3A_2324 = arith.index_cast %sub3A_2308 : i32 to index
        %get3A_2325 = arith.constant 48 : index
        %get3A_2326 = tpu.vector_load %arg6[%get3A_2324, %get3A_2325] {strides = array<i32>} : memref<400x128xf32, #tpu.memory_space<vmem>>, vector<1x16xf32>,
        %get3A_2327 = vector.shape_cast %get3A_2326 : vector<1x16xf32> to vector<16xf32>
        %add3A_2328 = arith.addf %while3A_2303, %get3A_2327 : vector<16xf32>
        %get3A_2329 = arith.index_cast %sub3A_2308 : i32 to index
        %get3A_2330 = arith.constant 64 : index
        %get3A_2331 = tpu.vector_load %arg6[%get3A_2329, %get3A_2330] {strides = array<i32>} : memref<400x128xf32, #tpu.memory_space<vmem>>, vector<1x16xf32>,
        %get3A_2332 = vector.shape_cast %get3A_2331 : vector<1x16xf32> to vector<16xf32>
        %add3A_2333 = arith.addf %while3A_2304, %get3A_2332 : vector<16xf32>
        %get3A_2334 = arith.index_cast %sub3A_2308 : i32 to index
        %get3A_2335 = arith.constant 80 : index
        %get3A_2336 = tpu.vector_load %arg6[%get3A_2334, %get3A_2335] {strides = array<i32>} : memref<400x128xf32, #tpu.memory_space<vmem>>, vector<1x16xf32>,
        %get3A_2337 = vector.shape_cast %get3A_2336 : vector<1x16xf32> to vector<16xf32>
        %add3A_2338 = arith.addf %while3A_2305, %get3A_2337 : vector<16xf32>
        %get3A_2339 = arith.index_cast %sub3A_2308 : i32 to index
        %get3A_2340 = arith.constant 96 : index
        %get3A_2341 = tpu.vector_load %arg6[%get3A_2339, %get3A_2340] {strides = array<i32>} : memref<400x128xf32, #tpu.memory_space<vmem>>, vector<1x16xf32>,
        %get3A_2342 = vector.shape_cast %get3A_2341 : vector<1x16xf32> to vector<16xf32>
        %add3A_2343 = arith.addf %while3A_2306, %get3A_2342 : vector<16xf32>
        %get3A_2344 = arith.index_cast %sub3A_2308 : i32 to index
        %get3A_2345 = arith.constant 112 : index
        %get3A_2346 = tpu.vector_load %arg6[%get3A_2344, %get3A_2345] {strides = array<i32>} : memref<400x128xf32, #tpu.memory_space<vmem>>, vector<1x16xf32>,
        %get3A_2347 = vector.shape_cast %get3A_2346 : vector<1x16xf32> to vector<16xf32>
        %add3A_2348 = arith.addf %while3A_2307, %get3A_2347 : vector<16xf32>
        scf.yield %add3A_2313, %add3A_2318, %add3A_2323, %add3A_2328, %add3A_2333, %add3A_2338, %add3A_2343, %add3A_2348 : vector<16xf32>, vector<16xf32>, vector<16xf32>, vector<16xf32>, vector<16xf32>, vector<16xf32>, vector<16xf32>, vector<16xf32>
      }
      %get3A_1825 = arith.constant 4 : i32
      %get3A_1826 = arith.index_cast %get3A_1825 : i32 to index
      %get3A_1827 = arith.constant 0 : index
      %get3A_1828 = tpu.vector_load %arg7[%get3A_1826, %get3A_1827] {strides = array<i32>} : memref<8x128xf32, #tpu.memory_space<vmem>>, vector<1x16xf32>,
      %get3A_1829 = vector.shape_cast %get3A_1828 : vector<1x16xf32> to vector<16xf32>
      %add3A_1830 = arith.addf %get3A_1829, %while3A_1824#0 : vector<16xf32>
      %swap3A_1831 = arith.constant 4 : i32
      %swap3A_1832 = arith.index_cast %swap3A_1831 : i32 to index
      %swap3A_1833 = arith.constant 0 : index
      %swap3A_1834 = tpu.vector_load %arg7[%swap3A_1832, %swap3A_1833] {strides = array<i32>} : memref<8x128xf32, #tpu.memory_space<vmem>>, vector<1x16xf32>,
      %swap3A_1835 = vector.shape_cast %swap3A_1834 : vector<1x16xf32> to vector<16xf32>
      %swap3A_1836 = vector.shape_cast %add3A_1830 : vector<16xf32> to vector<1x16xf32>
      tpu.vector_store %arg7[%swap3A_1832, %swap3A_1833], %swap3A_1836 {strides = array<i32>} : memref<8x128xf32, #tpu.memory_space<vmem>>, vector<1x16xf32>,
      %get3A_1837 = arith.constant 4 : i32
      %get3A_1838 = arith.index_cast %get3A_1837 : i32 to index
      %get3A_1839 = arith.constant 16 : index
      %get3A_1840 = tpu.vector_load %arg7[%get3A_1838, %get3A_1839] {strides = array<i32>} : memref<8x128xf32, #tpu.memory_space<vmem>>, vector<1x16xf32>,
      %get3A_1841 = vector.shape_cast %get3A_1840 : vector<1x16xf32> to vector<16xf32>
      %add3A_1842 = arith.addf %get3A_1841, %while3A_1824#1 : vector<16xf32>
      %swap3A_1843 = arith.constant 4 : i32
      %swap3A_1844 = arith.index_cast %swap3A_1843 : i32 to index
      %swap3A_1845 = arith.constant 16 : index
      %swap3A_1846 = tpu.vector_load %arg7[%swap3A_1844, %swap3A_1845] {strides = array<i32>} : memref<8x128xf32, #tpu.memory_space<vmem>>, vector<1x16xf32>,
      %swap3A_1847 = vector.shape_cast %swap3A_1846 : vector<1x16xf32> to vector<16xf32>
      %swap3A_1848 = vector.shape_cast %add3A_1842 : vector<16xf32> to vector<1x16xf32>
      tpu.vector_store %arg7[%swap3A_1844, %swap3A_1845], %swap3A_1848 {strides = array<i32>} : memref<8x128xf32, #tpu.memory_space<vmem>>, vector<1x16xf32>,
      %get3A_1849 = arith.constant 4 : i32
      %get3A_1850 = arith.index_cast %get3A_1849 : i32 to index
      %get3A_1851 = arith.constant 32 : index
      %get3A_1852 = tpu.vector_load %arg7[%get3A_1850, %get3A_1851] {strides = array<i32>} : memref<8x128xf32, #tpu.memory_space<vmem>>, vector<1x16xf32>,
      %get3A_1853 = vector.shape_cast %get3A_1852 : vector<1x16xf32> to vector<16xf32>
      %add3A_1854 = arith.addf %get3A_1853, %while3A_1824#2 : vector<16xf32>
      %swap3A_1855 = arith.constant 4 : i32
      %swap3A_1856 = arith.index_cast %swap3A_1855 : i32 to index
      %swap3A_1857 = arith.constant 32 : index
      %swap3A_1858 = tpu.vector_load %arg7[%swap3A_1856, %swap3A_1857] {strides = array<i32>} : memref<8x128xf32, #tpu.memory_space<vmem>>, vector<1x16xf32>,
      %swap3A_1859 = vector.shape_cast %swap3A_1858 : vector<1x16xf32> to vector<16xf32>
      %swap3A_1860 = vector.shape_cast %add3A_1854 : vector<16xf32> to vector<1x16xf32>
      tpu.vector_store %arg7[%swap3A_1856, %swap3A_1857], %swap3A_1860 {strides = array<i32>} : memref<8x128xf32, #tpu.memory_space<vmem>>, vector<1x16xf32>,
      %get3A_1861 = arith.constant 4 : i32
      %get3A_1862 = arith.index_cast %get3A_1861 : i32 to index
      %get3A_1863 = arith.constant 48 : index
      %get3A_1864 = tpu.vector_load %arg7[%get3A_1862, %get3A_1863] {strides = array<i32>} : memref<8x128xf32, #tpu.memory_space<vmem>>, vector<1x16xf32>,
      %get3A_1865 = vector.shape_cast %get3A_1864 : vector<1x16xf32> to vector<16xf32>
      %add3A_1866 = arith.addf %get3A_1865, %while3A_1824#3 : vector<16xf32>
      %swap3A_1867 = arith.constant 4 : i32
      %swap3A_1868 = arith.index_cast %swap3A_1867 : i32 to index
      %swap3A_1869 = arith.constant 48 : index
      %swap3A_1870 = tpu.vector_load %arg7[%swap3A_1868, %swap3A_1869] {strides = array<i32>} : memref<8x128xf32, #tpu.memory_space<vmem>>, vector<1x16xf32>,
      %swap3A_1871 = vector.shape_cast %swap3A_1870 : vector<1x16xf32> to vector<16xf32>
      %swap3A_1872 = vector.shape_cast %add3A_1866 : vector<16xf32> to vector<1x16xf32>
      tpu.vector_store %arg7[%swap3A_1868, %swap3A_1869], %swap3A_1872 {strides = array<i32>} : memref<8x128xf32, #tpu.memory_space<vmem>>, vector<1x16xf32>,
      %get3A_1873 = arith.constant 4 : i32
      %get3A_1874 = arith.index_cast %get3A_1873 : i32 to index
      %get3A_1875 = arith.constant 64 : index
      %get3A_1876 = tpu.vector_load %arg7[%get3A_1874, %get3A_1875] {strides = array<i32>} : memref<8x128xf32, #tpu.memory_space<vmem>>, vector<1x16xf32>,
      %get3A_1877 = vector.shape_cast %get3A_1876 : vector<1x16xf32> to vector<16xf32>
      %add3A_1878 = arith.addf %get3A_1877, %while3A_1824#4 : vector<16xf32>
      %swap3A_1879 = arith.constant 4 : i32
      %swap3A_1880 = arith.index_cast %swap3A_1879 : i32 to index
      %swap3A_1881 = arith.constant 64 : index
      %swap3A_1882 = tpu.vector_load %arg7[%swap3A_1880, %swap3A_1881] {strides = array<i32>} : memref<8x128xf32, #tpu.memory_space<vmem>>, vector<1x16xf32>,
      %swap3A_1883 = vector.shape_cast %swap3A_1882 : vector<1x16xf32> to vector<16xf32>
      %swap3A_1884 = vector.shape_cast %add3A_1878 : vector<16xf32> to vector<1x16xf32>
      tpu.vector_store %arg7[%swap3A_1880, %swap3A_1881], %swap3A_1884 {strides = array<i32>} : memref<8x128xf32, #tpu.memory_space<vmem>>, vector<1x16xf32>,
      %get3A_1885 = arith.constant 4 : i32
      %get3A_1886 = arith.index_cast %get3A_1885 : i32 to index
      %get3A_1887 = arith.constant 80 : index
      %get3A_1888 = tpu.vector_load %arg7[%get3A_1886, %get3A_1887] {strides = array<i32>} : memref<8x128xf32, #tpu.memory_space<vmem>>, vector<1x16xf32>,
      %get3A_1889 = vector.shape_cast %get3A_1888 : vector<1x16xf32> to vector<16xf32>
      %add3A_1890 = arith.addf %get3A_1889, %while3A_1824#5 : vector<16xf32>
      %swap3A_1891 = arith.constant 4 : i32
      %swap3A_1892 = arith.index_cast %swap3A_1891 : i32 to index
      %swap3A_1893 = arith.constant 80 : index
      %swap3A_1894 = tpu.vector_load %arg7[%swap3A_1892, %swap3A_1893] {strides = array<i32>} : memref<8x128xf32, #tpu.memory_space<vmem>>, vector<1x16xf32>,
      %swap3A_1895 = vector.shape_cast %swap3A_1894 : vector<1x16xf32> to vector<16xf32>
      %swap3A_1896 = vector.shape_cast %add3A_1890 : vector<16xf32> to vector<1x16xf32>
      tpu.vector_store %arg7[%swap3A_1892, %swap3A_1893], %swap3A_1896 {strides = array<i32>} : memref<8x128xf32, #tpu.memory_space<vmem>>, vector<1x16xf32>,
      %get3A_1897 = arith.constant 4 : i32
      %get3A_1898 = arith.index_cast %get3A_1897 : i32 to index
      %get3A_1899 = arith.constant 96 : index
      %get3A_1900 = tpu.vector_load %arg7[%get3A_1898, %get3A_1899] {strides = array<i32>} : memref<8x128xf32, #tpu.memory_space<vmem>>, vector<1x16xf32>,
      %get3A_1901 = vector.shape_cast %get3A_1900 : vector<1x16xf32> to vector<16xf32>
      %add3A_1902 = arith.addf %get3A_1901, %while3A_1824#6 : vector<16xf32>
      %swap3A_1903 = arith.constant 4 : i32
      %swap3A_1904 = arith.index_cast %swap3A_1903 : i32 to index
      %swap3A_1905 = arith.constant 96 : index
      %swap3A_1906 = tpu.vector_load %arg7[%swap3A_1904, %swap3A_1905] {strides = array<i32>} : memref<8x128xf32, #tpu.memory_space<vmem>>, vector<1x16xf32>,
      %swap3A_1907 = vector.shape_cast %swap3A_1906 : vector<1x16xf32> to vector<16xf32>
      %swap3A_1908 = vector.shape_cast %add3A_1902 : vector<16xf32> to vector<1x16xf32>
      tpu.vector_store %arg7[%swap3A_1904, %swap3A_1905], %swap3A_1908 {strides = array<i32>} : memref<8x128xf32, #tpu.memory_space<vmem>>, vector<1x16xf32>,
      %get3A_1909 = arith.constant 4 : i32
      %get3A_1910 = arith.index_cast %get3A_1909 : i32 to index
      %get3A_1911 = arith.constant 112 : index
      %get3A_1912 = tpu.vector_load %arg7[%get3A_1910, %get3A_1911] {strides = array<i32>} : memref<8x128xf32, #tpu.memory_space<vmem>>, vector<1x16xf32>,
      %get3A_1913 = vector.shape_cast %get3A_1912 : vector<1x16xf32> to vector<16xf32>
      %add3A_1914 = arith.addf %get3A_1913, %while3A_1824#7 : vector<16xf32>
      %swap3A_1915 = arith.constant 4 : i32
      %swap3A_1916 = arith.index_cast %swap3A_1915 : i32 to index
      %swap3A_1917 = arith.constant 112 : index
      %swap3A_1918 = tpu.vector_load %arg7[%swap3A_1916, %swap3A_1917] {strides = array<i32>} : memref<8x128xf32, #tpu.memory_space<vmem>>, vector<1x16xf32>,
      %swap3A_1919 = vector.shape_cast %swap3A_1918 : vector<1x16xf32> to vector<16xf32>
      %swap3A_1920 = vector.shape_cast %add3A_1914 : vector<16xf32> to vector<1x16xf32>
      tpu.vector_store %arg7[%swap3A_1916, %swap3A_1917], %swap3A_1920 {strides = array<i32>} : memref<8x128xf32, #tpu.memory_space<vmem>>, vector<1x16xf32>,
      %max3A_1921 = arith.maxsi %squeeze3A_14, %mul3A_1291 : i32
      %add3A_1922 = arith.constant 400 : i32
      %add3A_1923 = arith.addi %mul3A_1291, %add3A_1922 : i32
      %min3A_1924 = arith.minsi %squeeze3A_16, %add3A_1923 : i32
      %broadcast_in_dim3A_1925 = arith.constant 0.000000e+00 : f32
      %broadcast_in_dim3A_1926 = vector.broadcast %broadcast_in_dim3A_1925 : f32 to vector<16xf32>
      %broadcast_in_dim3A_1927 = arith.constant 0.000000e+00 : f32
      %broadcast_in_dim3A_1928 = vector.broadcast %broadcast_in_dim3A_1927 : f32 to vector<16xf32>
      %broadcast_in_dim3A_1929 = arith.constant 0.000000e+00 : f32
      %broadcast_in_dim3A_1930 = vector.broadcast %broadcast_in_dim3A_1929 : f32 to vector<16xf32>
      %broadcast_in_dim3A_1931 = arith.constant 0.000000e+00 : f32
      %broadcast_in_dim3A_1932 = vector.broadcast %broadcast_in_dim3A_1931 : f32 to vector<16xf32>
      %broadcast_in_dim3A_1933 = arith.constant 0.000000e+00 : f32
      %broadcast_in_dim3A_1934 = vector.broadcast %broadcast_in_dim3A_1933 : f32 to vector<16xf32>
      %broadcast_in_dim3A_1935 = arith.constant 0.000000e+00 : f32
      %broadcast_in_dim3A_1936 = vector.broadcast %broadcast_in_dim3A_1935 : f32 to vector<16xf32>
      %broadcast_in_dim3A_1937 = arith.constant 0.000000e+00 : f32
      %broadcast_in_dim3A_1938 = vector.broadcast %broadcast_in_dim3A_1937 : f32 to vector<16xf32>
      %broadcast_in_dim3A_1939 = arith.constant 0.000000e+00 : f32
      %broadcast_in_dim3A_1940 = vector.broadcast %broadcast_in_dim3A_1939 : f32 to vector<16xf32>
      %while3A_1941 = arith.subi %min3A_1924, %max3A_1921 : i32
      %while3A_1942 = arith.addi %max3A_1921, %while3A_1941 : i32
      %while3A_1943 = arith.constant 1 : i32
      %while3A_1944 = arith.divsi %while3A_1941, %while3A_1943 : i32
      %while3A_1945 = arith.muli %while3A_1944, %while3A_1943 : i32
      %while3A_1946 = arith.addi %max3A_1921, %while3A_1945 : i32
      %while3A_1947 = arith.constant 1 : i32
      %while3A_1948:8 = scf.for %while3A_2299 = %max3A_1921 to %while3A_1946 step %while3A_1947 iter_args(%while3A_2300 = %broadcast_in_dim3A_1926, %while3A_2301 = %broadcast_in_dim3A_1928, %while3A_2302 = %broadcast_in_dim3A_1930, %while3A_2303 = %broadcast_in_dim3A_1932, %while3A_2304 = %broadcast_in_dim3A_1934, %while3A_2305 = %broadcast_in_dim3A_1936, %while3A_2306 = %broadcast_in_dim3A_1938, %while3A_2307 = %broadcast_in_dim3A_1940) -> (vector<16xf32>, vector<16xf32>, vector<16xf32>, vector<16xf32>, vector<16xf32>, vector<16xf32>, vector<16xf32>, vector<16xf32>)  : i32 {
        %sub3A_2308 = arith.subi %while3A_2299, %mul3A_1291 : i32
        %get3A_2309 = arith.index_cast %sub3A_2308 : i32 to index
        %get3A_2310 = arith.constant 0 : index
        %get3A_2311 = tpu.vector_load %arg6[%get3A_2309, %get3A_2310] {strides = array<i32>} : memref<400x128xf32, #tpu.memory_space<vmem>>, vector<1x16xf32>,
        %get3A_2312 = vector.shape_cast %get3A_2311 : vector<1x16xf32> to vector<16xf32>
        %add3A_2313 = arith.addf %while3A_2300, %get3A_2312 : vector<16xf32>
        %get3A_2314 = arith.index_cast %sub3A_2308 : i32 to index
        %get3A_2315 = arith.constant 16 : index
        %get3A_2316 = tpu.vector_load %arg6[%get3A_2314, %get3A_2315] {strides = array<i32>} : memref<400x128xf32, #tpu.memory_space<vmem>>, vector<1x16xf32>,
        %get3A_2317 = vector.shape_cast %get3A_2316 : vector<1x16xf32> to vector<16xf32>
        %add3A_2318 = arith.addf %while3A_2301, %get3A_2317 : vector<16xf32>
        %get3A_2319 = arith.index_cast %sub3A_2308 : i32 to index
        %get3A_2320 = arith.constant 32 : index
        %get3A_2321 = tpu.vector_load %arg6[%get3A_2319, %get3A_2320] {strides = array<i32>} : memref<400x128xf32, #tpu.memory_space<vmem>>, vector<1x16xf32>,
        %get3A_2322 = vector.shape_cast %get3A_2321 : vector<1x16xf32> to vector<16xf32>
        %add3A_2323 = arith.addf %while3A_2302, %get3A_2322 : vector<16xf32>
        %get3A_2324 = arith.index_cast %sub3A_2308 : i32 to index
        %get3A_2325 = arith.constant 48 : index
        %get3A_2326 = tpu.vector_load %arg6[%get3A_2324, %get3A_2325] {strides = array<i32>} : memref<400x128xf32, #tpu.memory_space<vmem>>, vector<1x16xf32>,
        %get3A_2327 = vector.shape_cast %get3A_2326 : vector<1x16xf32> to vector<16xf32>
        %add3A_2328 = arith.addf %while3A_2303, %get3A_2327 : vector<16xf32>
        %get3A_2329 = arith.index_cast %sub3A_2308 : i32 to index
        %get3A_2330 = arith.constant 64 : index
        %get3A_2331 = tpu.vector_load %arg6[%get3A_2329, %get3A_2330] {strides = array<i32>} : memref<400x128xf32, #tpu.memory_space<vmem>>, vector<1x16xf32>,
        %get3A_2332 = vector.shape_cast %get3A_2331 : vector<1x16xf32> to vector<16xf32>
        %add3A_2333 = arith.addf %while3A_2304, %get3A_2332 : vector<16xf32>
        %get3A_2334 = arith.index_cast %sub3A_2308 : i32 to index
        %get3A_2335 = arith.constant 80 : index
        %get3A_2336 = tpu.vector_load %arg6[%get3A_2334, %get3A_2335] {strides = array<i32>} : memref<400x128xf32, #tpu.memory_space<vmem>>, vector<1x16xf32>,
        %get3A_2337 = vector.shape_cast %get3A_2336 : vector<1x16xf32> to vector<16xf32>
        %add3A_2338 = arith.addf %while3A_2305, %get3A_2337 : vector<16xf32>
        %get3A_2339 = arith.index_cast %sub3A_2308 : i32 to index
        %get3A_2340 = arith.constant 96 : index
        %get3A_2341 = tpu.vector_load %arg6[%get3A_2339, %get3A_2340] {strides = array<i32>} : memref<400x128xf32, #tpu.memory_space<vmem>>, vector<1x16xf32>,
        %get3A_2342 = vector.shape_cast %get3A_2341 : vector<1x16xf32> to vector<16xf32>
        %add3A_2343 = arith.addf %while3A_2306, %get3A_2342 : vector<16xf32>
        %get3A_2344 = arith.index_cast %sub3A_2308 : i32 to index
        %get3A_2345 = arith.constant 112 : index
        %get3A_2346 = tpu.vector_load %arg6[%get3A_2344, %get3A_2345] {strides = array<i32>} : memref<400x128xf32, #tpu.memory_space<vmem>>, vector<1x16xf32>,
        %get3A_2347 = vector.shape_cast %get3A_2346 : vector<1x16xf32> to vector<16xf32>
        %add3A_2348 = arith.addf %while3A_2307, %get3A_2347 : vector<16xf32>
        scf.yield %add3A_2313, %add3A_2318, %add3A_2323, %add3A_2328, %add3A_2333, %add3A_2338, %add3A_2343, %add3A_2348 : vector<16xf32>, vector<16xf32>, vector<16xf32>, vector<16xf32>, vector<16xf32>, vector<16xf32>, vector<16xf32>, vector<16xf32>
      }
      %while3A_1949 = arith.constant 1 : i32
      %while3A_1950:8 = scf.for %while3A_2299 = %while3A_1946 to %while3A_1942 step %while3A_1949 iter_args(%while3A_2300 = %while3A_1948#0, %while3A_2301 = %while3A_1948#1, %while3A_2302 = %while3A_1948#2, %while3A_2303 = %while3A_1948#3, %while3A_2304 = %while3A_1948#4, %while3A_2305 = %while3A_1948#5, %while3A_2306 = %while3A_1948#6, %while3A_2307 = %while3A_1948#7) -> (vector<16xf32>, vector<16xf32>, vector<16xf32>, vector<16xf32>, vector<16xf32>, vector<16xf32>, vector<16xf32>, vector<16xf32>)  : i32 {
        %sub3A_2308 = arith.subi %while3A_2299, %mul3A_1291 : i32
        %get3A_2309 = arith.index_cast %sub3A_2308 : i32 to index
        %get3A_2310 = arith.constant 0 : index
        %get3A_2311 = tpu.vector_load %arg6[%get3A_2309, %get3A_2310] {strides = array<i32>} : memref<400x128xf32, #tpu.memory_space<vmem>>, vector<1x16xf32>,
        %get3A_2312 = vector.shape_cast %get3A_2311 : vector<1x16xf32> to vector<16xf32>
        %add3A_2313 = arith.addf %while3A_2300, %get3A_2312 : vector<16xf32>
        %get3A_2314 = arith.index_cast %sub3A_2308 : i32 to index
        %get3A_2315 = arith.constant 16 : index
        %get3A_2316 = tpu.vector_load %arg6[%get3A_2314, %get3A_2315] {strides = array<i32>} : memref<400x128xf32, #tpu.memory_space<vmem>>, vector<1x16xf32>,
        %get3A_2317 = vector.shape_cast %get3A_2316 : vector<1x16xf32> to vector<16xf32>
        %add3A_2318 = arith.addf %while3A_2301, %get3A_2317 : vector<16xf32>
        %get3A_2319 = arith.index_cast %sub3A_2308 : i32 to index
        %get3A_2320 = arith.constant 32 : index
        %get3A_2321 = tpu.vector_load %arg6[%get3A_2319, %get3A_2320] {strides = array<i32>} : memref<400x128xf32, #tpu.memory_space<vmem>>, vector<1x16xf32>,
        %get3A_2322 = vector.shape_cast %get3A_2321 : vector<1x16xf32> to vector<16xf32>
        %add3A_2323 = arith.addf %while3A_2302, %get3A_2322 : vector<16xf32>
        %get3A_2324 = arith.index_cast %sub3A_2308 : i32 to index
        %get3A_2325 = arith.constant 48 : index
        %get3A_2326 = tpu.vector_load %arg6[%get3A_2324, %get3A_2325] {strides = array<i32>} : memref<400x128xf32, #tpu.memory_space<vmem>>, vector<1x16xf32>,
        %get3A_2327 = vector.shape_cast %get3A_2326 : vector<1x16xf32> to vector<16xf32>
        %add3A_2328 = arith.addf %while3A_2303, %get3A_2327 : vector<16xf32>
        %get3A_2329 = arith.index_cast %sub3A_2308 : i32 to index
        %get3A_2330 = arith.constant 64 : index
        %get3A_2331 = tpu.vector_load %arg6[%get3A_2329, %get3A_2330] {strides = array<i32>} : memref<400x128xf32, #tpu.memory_space<vmem>>, vector<1x16xf32>,
        %get3A_2332 = vector.shape_cast %get3A_2331 : vector<1x16xf32> to vector<16xf32>
        %add3A_2333 = arith.addf %while3A_2304, %get3A_2332 : vector<16xf32>
        %get3A_2334 = arith.index_cast %sub3A_2308 : i32 to index
        %get3A_2335 = arith.constant 80 : index
        %get3A_2336 = tpu.vector_load %arg6[%get3A_2334, %get3A_2335] {strides = array<i32>} : memref<400x128xf32, #tpu.memory_space<vmem>>, vector<1x16xf32>,
        %get3A_2337 = vector.shape_cast %get3A_2336 : vector<1x16xf32> to vector<16xf32>
        %add3A_2338 = arith.addf %while3A_2305, %get3A_2337 : vector<16xf32>
        %get3A_2339 = arith.index_cast %sub3A_2308 : i32 to index
        %get3A_2340 = arith.constant 96 : index
        %get3A_2341 = tpu.vector_load %arg6[%get3A_2339, %get3A_2340] {strides = array<i32>} : memref<400x128xf32, #tpu.memory_space<vmem>>, vector<1x16xf32>,
        %get3A_2342 = vector.shape_cast %get3A_2341 : vector<1x16xf32> to vector<16xf32>
        %add3A_2343 = arith.addf %while3A_2306, %get3A_2342 : vector<16xf32>
        %get3A_2344 = arith.index_cast %sub3A_2308 : i32 to index
        %get3A_2345 = arith.constant 112 : index
        %get3A_2346 = tpu.vector_load %arg6[%get3A_2344, %get3A_2345] {strides = array<i32>} : memref<400x128xf32, #tpu.memory_space<vmem>>, vector<1x16xf32>,
        %get3A_2347 = vector.shape_cast %get3A_2346 : vector<1x16xf32> to vector<16xf32>
        %add3A_2348 = arith.addf %while3A_2307, %get3A_2347 : vector<16xf32>
        scf.yield %add3A_2313, %add3A_2318, %add3A_2323, %add3A_2328, %add3A_2333, %add3A_2338, %add3A_2343, %add3A_2348 : vector<16xf32>, vector<16xf32>, vector<16xf32>, vector<16xf32>, vector<16xf32>, vector<16xf32>, vector<16xf32>, vector<16xf32>
      }
      %get3A_1951 = arith.constant 5 : i32
      %get3A_1952 = arith.index_cast %get3A_1951 : i32 to index
      %get3A_1953 = arith.constant 0 : index
      %get3A_1954 = tpu.vector_load %arg7[%get3A_1952, %get3A_1953] {strides = array<i32>} : memref<8x128xf32, #tpu.memory_space<vmem>>, vector<1x16xf32>,
      %get3A_1955 = vector.shape_cast %get3A_1954 : vector<1x16xf32> to vector<16xf32>
      %add3A_1956 = arith.addf %get3A_1955, %while3A_1950#0 : vector<16xf32>
      %swap3A_1957 = arith.constant 5 : i32
      %swap3A_1958 = arith.index_cast %swap3A_1957 : i32 to index
      %swap3A_1959 = arith.constant 0 : index
      %swap3A_1960 = tpu.vector_load %arg7[%swap3A_1958, %swap3A_1959] {strides = array<i32>} : memref<8x128xf32, #tpu.memory_space<vmem>>, vector<1x16xf32>,
      %swap3A_1961 = vector.shape_cast %swap3A_1960 : vector<1x16xf32> to vector<16xf32>
      %swap3A_1962 = vector.shape_cast %add3A_1956 : vector<16xf32> to vector<1x16xf32>
      tpu.vector_store %arg7[%swap3A_1958, %swap3A_1959], %swap3A_1962 {strides = array<i32>} : memref<8x128xf32, #tpu.memory_space<vmem>>, vector<1x16xf32>,
      %get3A_1963 = arith.constant 5 : i32
      %get3A_1964 = arith.index_cast %get3A_1963 : i32 to index
      %get3A_1965 = arith.constant 16 : index
      %get3A_1966 = tpu.vector_load %arg7[%get3A_1964, %get3A_1965] {strides = array<i32>} : memref<8x128xf32, #tpu.memory_space<vmem>>, vector<1x16xf32>,
      %get3A_1967 = vector.shape_cast %get3A_1966 : vector<1x16xf32> to vector<16xf32>
      %add3A_1968 = arith.addf %get3A_1967, %while3A_1950#1 : vector<16xf32>
      %swap3A_1969 = arith.constant 5 : i32
      %swap3A_1970 = arith.index_cast %swap3A_1969 : i32 to index
      %swap3A_1971 = arith.constant 16 : index
      %swap3A_1972 = tpu.vector_load %arg7[%swap3A_1970, %swap3A_1971] {strides = array<i32>} : memref<8x128xf32, #tpu.memory_space<vmem>>, vector<1x16xf32>,
      %swap3A_1973 = vector.shape_cast %swap3A_1972 : vector<1x16xf32> to vector<16xf32>
      %swap3A_1974 = vector.shape_cast %add3A_1968 : vector<16xf32> to vector<1x16xf32>
      tpu.vector_store %arg7[%swap3A_1970, %swap3A_1971], %swap3A_1974 {strides = array<i32>} : memref<8x128xf32, #tpu.memory_space<vmem>>, vector<1x16xf32>,
      %get3A_1975 = arith.constant 5 : i32
      %get3A_1976 = arith.index_cast %get3A_1975 : i32 to index
      %get3A_1977 = arith.constant 32 : index
      %get3A_1978 = tpu.vector_load %arg7[%get3A_1976, %get3A_1977] {strides = array<i32>} : memref<8x128xf32, #tpu.memory_space<vmem>>, vector<1x16xf32>,
      %get3A_1979 = vector.shape_cast %get3A_1978 : vector<1x16xf32> to vector<16xf32>
      %add3A_1980 = arith.addf %get3A_1979, %while3A_1950#2 : vector<16xf32>
      %swap3A_1981 = arith.constant 5 : i32
      %swap3A_1982 = arith.index_cast %swap3A_1981 : i32 to index
      %swap3A_1983 = arith.constant 32 : index
      %swap3A_1984 = tpu.vector_load %arg7[%swap3A_1982, %swap3A_1983] {strides = array<i32>} : memref<8x128xf32, #tpu.memory_space<vmem>>, vector<1x16xf32>,
      %swap3A_1985 = vector.shape_cast %swap3A_1984 : vector<1x16xf32> to vector<16xf32>
      %swap3A_1986 = vector.shape_cast %add3A_1980 : vector<16xf32> to vector<1x16xf32>
      tpu.vector_store %arg7[%swap3A_1982, %swap3A_1983], %swap3A_1986 {strides = array<i32>} : memref<8x128xf32, #tpu.memory_space<vmem>>, vector<1x16xf32>,
      %get3A_1987 = arith.constant 5 : i32
      %get3A_1988 = arith.index_cast %get3A_1987 : i32 to index
      %get3A_1989 = arith.constant 48 : index
      %get3A_1990 = tpu.vector_load %arg7[%get3A_1988, %get3A_1989] {strides = array<i32>} : memref<8x128xf32, #tpu.memory_space<vmem>>, vector<1x16xf32>,
      %get3A_1991 = vector.shape_cast %get3A_1990 : vector<1x16xf32> to vector<16xf32>
      %add3A_1992 = arith.addf %get3A_1991, %while3A_1950#3 : vector<16xf32>
      %swap3A_1993 = arith.constant 5 : i32
      %swap3A_1994 = arith.index_cast %swap3A_1993 : i32 to index
      %swap3A_1995 = arith.constant 48 : index
      %swap3A_1996 = tpu.vector_load %arg7[%swap3A_1994, %swap3A_1995] {strides = array<i32>} : memref<8x128xf32, #tpu.memory_space<vmem>>, vector<1x16xf32>,
      %swap3A_1997 = vector.shape_cast %swap3A_1996 : vector<1x16xf32> to vector<16xf32>
      %swap3A_1998 = vector.shape_cast %add3A_1992 : vector<16xf32> to vector<1x16xf32>
      tpu.vector_store %arg7[%swap3A_1994, %swap3A_1995], %swap3A_1998 {strides = array<i32>} : memref<8x128xf32, #tpu.memory_space<vmem>>, vector<1x16xf32>,
      %get3A_1999 = arith.constant 5 : i32
      %get3A_2000 = arith.index_cast %get3A_1999 : i32 to index
      %get3A_2001 = arith.constant 64 : index
      %get3A_2002 = tpu.vector_load %arg7[%get3A_2000, %get3A_2001] {strides = array<i32>} : memref<8x128xf32, #tpu.memory_space<vmem>>, vector<1x16xf32>,
      %get3A_2003 = vector.shape_cast %get3A_2002 : vector<1x16xf32> to vector<16xf32>
      %add3A_2004 = arith.addf %get3A_2003, %while3A_1950#4 : vector<16xf32>
      %swap3A_2005 = arith.constant 5 : i32
      %swap3A_2006 = arith.index_cast %swap3A_2005 : i32 to index
      %swap3A_2007 = arith.constant 64 : index
      %swap3A_2008 = tpu.vector_load %arg7[%swap3A_2006, %swap3A_2007] {strides = array<i32>} : memref<8x128xf32, #tpu.memory_space<vmem>>, vector<1x16xf32>,
      %swap3A_2009 = vector.shape_cast %swap3A_2008 : vector<1x16xf32> to vector<16xf32>
      %swap3A_2010 = vector.shape_cast %add3A_2004 : vector<16xf32> to vector<1x16xf32>
      tpu.vector_store %arg7[%swap3A_2006, %swap3A_2007], %swap3A_2010 {strides = array<i32>} : memref<8x128xf32, #tpu.memory_space<vmem>>, vector<1x16xf32>,
      %get3A_2011 = arith.constant 5 : i32
      %get3A_2012 = arith.index_cast %get3A_2011 : i32 to index
      %get3A_2013 = arith.constant 80 : index
      %get3A_2014 = tpu.vector_load %arg7[%get3A_2012, %get3A_2013] {strides = array<i32>} : memref<8x128xf32, #tpu.memory_space<vmem>>, vector<1x16xf32>,
      %get3A_2015 = vector.shape_cast %get3A_2014 : vector<1x16xf32> to vector<16xf32>
      %add3A_2016 = arith.addf %get3A_2015, %while3A_1950#5 : vector<16xf32>
      %swap3A_2017 = arith.constant 5 : i32
      %swap3A_2018 = arith.index_cast %swap3A_2017 : i32 to index
      %swap3A_2019 = arith.constant 80 : index
      %swap3A_2020 = tpu.vector_load %arg7[%swap3A_2018, %swap3A_2019] {strides = array<i32>} : memref<8x128xf32, #tpu.memory_space<vmem>>, vector<1x16xf32>,
      %swap3A_2021 = vector.shape_cast %swap3A_2020 : vector<1x16xf32> to vector<16xf32>
      %swap3A_2022 = vector.shape_cast %add3A_2016 : vector<16xf32> to vector<1x16xf32>
      tpu.vector_store %arg7[%swap3A_2018, %swap3A_2019], %swap3A_2022 {strides = array<i32>} : memref<8x128xf32, #tpu.memory_space<vmem>>, vector<1x16xf32>,
      %get3A_2023 = arith.constant 5 : i32
      %get3A_2024 = arith.index_cast %get3A_2023 : i32 to index
      %get3A_2025 = arith.constant 96 : index
      %get3A_2026 = tpu.vector_load %arg7[%get3A_2024, %get3A_2025] {strides = array<i32>} : memref<8x128xf32, #tpu.memory_space<vmem>>, vector<1x16xf32>,
      %get3A_2027 = vector.shape_cast %get3A_2026 : vector<1x16xf32> to vector<16xf32>
      %add3A_2028 = arith.addf %get3A_2027, %while3A_1950#6 : vector<16xf32>
      %swap3A_2029 = arith.constant 5 : i32
      %swap3A_2030 = arith.index_cast %swap3A_2029 : i32 to index
      %swap3A_2031 = arith.constant 96 : index
      %swap3A_2032 = tpu.vector_load %arg7[%swap3A_2030, %swap3A_2031] {strides = array<i32>} : memref<8x128xf32, #tpu.memory_space<vmem>>, vector<1x16xf32>,
      %swap3A_2033 = vector.shape_cast %swap3A_2032 : vector<1x16xf32> to vector<16xf32>
      %swap3A_2034 = vector.shape_cast %add3A_2028 : vector<16xf32> to vector<1x16xf32>
      tpu.vector_store %arg7[%swap3A_2030, %swap3A_2031], %swap3A_2034 {strides = array<i32>} : memref<8x128xf32, #tpu.memory_space<vmem>>, vector<1x16xf32>,
      %get3A_2035 = arith.constant 5 : i32
      %get3A_2036 = arith.index_cast %get3A_2035 : i32 to index
      %get3A_2037 = arith.constant 112 : index
      %get3A_2038 = tpu.vector_load %arg7[%get3A_2036, %get3A_2037] {strides = array<i32>} : memref<8x128xf32, #tpu.memory_space<vmem>>, vector<1x16xf32>,
      %get3A_2039 = vector.shape_cast %get3A_2038 : vector<1x16xf32> to vector<16xf32>
      %add3A_2040 = arith.addf %get3A_2039, %while3A_1950#7 : vector<16xf32>
      %swap3A_2041 = arith.constant 5 : i32
      %swap3A_2042 = arith.index_cast %swap3A_2041 : i32 to index
      %swap3A_2043 = arith.constant 112 : index
      %swap3A_2044 = tpu.vector_load %arg7[%swap3A_2042, %swap3A_2043] {strides = array<i32>} : memref<8x128xf32, #tpu.memory_space<vmem>>, vector<1x16xf32>,
      %swap3A_2045 = vector.shape_cast %swap3A_2044 : vector<1x16xf32> to vector<16xf32>
      %swap3A_2046 = vector.shape_cast %add3A_2040 : vector<16xf32> to vector<1x16xf32>
      tpu.vector_store %arg7[%swap3A_2042, %swap3A_2043], %swap3A_2046 {strides = array<i32>} : memref<8x128xf32, #tpu.memory_space<vmem>>, vector<1x16xf32>,
      %max3A_2047 = arith.maxsi %squeeze3A_16, %mul3A_1291 : i32
      %add3A_2048 = arith.constant 400 : i32
      %add3A_2049 = arith.addi %mul3A_1291, %add3A_2048 : i32
      %min3A_2050 = arith.minsi %squeeze3A_18, %add3A_2049 : i32
      %broadcast_in_dim3A_2051 = arith.constant 0.000000e+00 : f32
      %broadcast_in_dim3A_2052 = vector.broadcast %broadcast_in_dim3A_2051 : f32 to vector<16xf32>
      %broadcast_in_dim3A_2053 = arith.constant 0.000000e+00 : f32
      %broadcast_in_dim3A_2054 = vector.broadcast %broadcast_in_dim3A_2053 : f32 to vector<16xf32>
      %broadcast_in_dim3A_2055 = arith.constant 0.000000e+00 : f32
      %broadcast_in_dim3A_2056 = vector.broadcast %broadcast_in_dim3A_2055 : f32 to vector<16xf32>
      %broadcast_in_dim3A_2057 = arith.constant 0.000000e+00 : f32
      %broadcast_in_dim3A_2058 = vector.broadcast %broadcast_in_dim3A_2057 : f32 to vector<16xf32>
      %broadcast_in_dim3A_2059 = arith.constant 0.000000e+00 : f32
      %broadcast_in_dim3A_2060 = vector.broadcast %broadcast_in_dim3A_2059 : f32 to vector<16xf32>
      %broadcast_in_dim3A_2061 = arith.constant 0.000000e+00 : f32
      %broadcast_in_dim3A_2062 = vector.broadcast %broadcast_in_dim3A_2061 : f32 to vector<16xf32>
      %broadcast_in_dim3A_2063 = arith.constant 0.000000e+00 : f32
      %broadcast_in_dim3A_2064 = vector.broadcast %broadcast_in_dim3A_2063 : f32 to vector<16xf32>
      %broadcast_in_dim3A_2065 = arith.constant 0.000000e+00 : f32
      %broadcast_in_dim3A_2066 = vector.broadcast %broadcast_in_dim3A_2065 : f32 to vector<16xf32>
      %while3A_2067 = arith.subi %min3A_2050, %max3A_2047 : i32
      %while3A_2068 = arith.addi %max3A_2047, %while3A_2067 : i32
      %while3A_2069 = arith.constant 1 : i32
      %while3A_2070 = arith.divsi %while3A_2067, %while3A_2069 : i32
      %while3A_2071 = arith.muli %while3A_2070, %while3A_2069 : i32
      %while3A_2072 = arith.addi %max3A_2047, %while3A_2071 : i32
      %while3A_2073 = arith.constant 1 : i32
      %while3A_2074:8 = scf.for %while3A_2299 = %max3A_2047 to %while3A_2072 step %while3A_2073 iter_args(%while3A_2300 = %broadcast_in_dim3A_2052, %while3A_2301 = %broadcast_in_dim3A_2054, %while3A_2302 = %broadcast_in_dim3A_2056, %while3A_2303 = %broadcast_in_dim3A_2058, %while3A_2304 = %broadcast_in_dim3A_2060, %while3A_2305 = %broadcast_in_dim3A_2062, %while3A_2306 = %broadcast_in_dim3A_2064, %while3A_2307 = %broadcast_in_dim3A_2066) -> (vector<16xf32>, vector<16xf32>, vector<16xf32>, vector<16xf32>, vector<16xf32>, vector<16xf32>, vector<16xf32>, vector<16xf32>)  : i32 {
        %sub3A_2308 = arith.subi %while3A_2299, %mul3A_1291 : i32
        %get3A_2309 = arith.index_cast %sub3A_2308 : i32 to index
        %get3A_2310 = arith.constant 0 : index
        %get3A_2311 = tpu.vector_load %arg6[%get3A_2309, %get3A_2310] {strides = array<i32>} : memref<400x128xf32, #tpu.memory_space<vmem>>, vector<1x16xf32>,
        %get3A_2312 = vector.shape_cast %get3A_2311 : vector<1x16xf32> to vector<16xf32>
        %add3A_2313 = arith.addf %while3A_2300, %get3A_2312 : vector<16xf32>
        %get3A_2314 = arith.index_cast %sub3A_2308 : i32 to index
        %get3A_2315 = arith.constant 16 : index
        %get3A_2316 = tpu.vector_load %arg6[%get3A_2314, %get3A_2315] {strides = array<i32>} : memref<400x128xf32, #tpu.memory_space<vmem>>, vector<1x16xf32>,
        %get3A_2317 = vector.shape_cast %get3A_2316 : vector<1x16xf32> to vector<16xf32>
        %add3A_2318 = arith.addf %while3A_2301, %get3A_2317 : vector<16xf32>
        %get3A_2319 = arith.index_cast %sub3A_2308 : i32 to index
        %get3A_2320 = arith.constant 32 : index
        %get3A_2321 = tpu.vector_load %arg6[%get3A_2319, %get3A_2320] {strides = array<i32>} : memref<400x128xf32, #tpu.memory_space<vmem>>, vector<1x16xf32>,
        %get3A_2322 = vector.shape_cast %get3A_2321 : vector<1x16xf32> to vector<16xf32>
        %add3A_2323 = arith.addf %while3A_2302, %get3A_2322 : vector<16xf32>
        %get3A_2324 = arith.index_cast %sub3A_2308 : i32 to index
        %get3A_2325 = arith.constant 48 : index
        %get3A_2326 = tpu.vector_load %arg6[%get3A_2324, %get3A_2325] {strides = array<i32>} : memref<400x128xf32, #tpu.memory_space<vmem>>, vector<1x16xf32>,
        %get3A_2327 = vector.shape_cast %get3A_2326 : vector<1x16xf32> to vector<16xf32>
        %add3A_2328 = arith.addf %while3A_2303, %get3A_2327 : vector<16xf32>
        %get3A_2329 = arith.index_cast %sub3A_2308 : i32 to index
        %get3A_2330 = arith.constant 64 : index
        %get3A_2331 = tpu.vector_load %arg6[%get3A_2329, %get3A_2330] {strides = array<i32>} : memref<400x128xf32, #tpu.memory_space<vmem>>, vector<1x16xf32>,
        %get3A_2332 = vector.shape_cast %get3A_2331 : vector<1x16xf32> to vector<16xf32>
        %add3A_2333 = arith.addf %while3A_2304, %get3A_2332 : vector<16xf32>
        %get3A_2334 = arith.index_cast %sub3A_2308 : i32 to index
        %get3A_2335 = arith.constant 80 : index
        %get3A_2336 = tpu.vector_load %arg6[%get3A_2334, %get3A_2335] {strides = array<i32>} : memref<400x128xf32, #tpu.memory_space<vmem>>, vector<1x16xf32>,
        %get3A_2337 = vector.shape_cast %get3A_2336 : vector<1x16xf32> to vector<16xf32>
        %add3A_2338 = arith.addf %while3A_2305, %get3A_2337 : vector<16xf32>
        %get3A_2339 = arith.index_cast %sub3A_2308 : i32 to index
        %get3A_2340 = arith.constant 96 : index
        %get3A_2341 = tpu.vector_load %arg6[%get3A_2339, %get3A_2340] {strides = array<i32>} : memref<400x128xf32, #tpu.memory_space<vmem>>, vector<1x16xf32>,
        %get3A_2342 = vector.shape_cast %get3A_2341 : vector<1x16xf32> to vector<16xf32>
        %add3A_2343 = arith.addf %while3A_2306, %get3A_2342 : vector<16xf32>
        %get3A_2344 = arith.index_cast %sub3A_2308 : i32 to index
        %get3A_2345 = arith.constant 112 : index
        %get3A_2346 = tpu.vector_load %arg6[%get3A_2344, %get3A_2345] {strides = array<i32>} : memref<400x128xf32, #tpu.memory_space<vmem>>, vector<1x16xf32>,
        %get3A_2347 = vector.shape_cast %get3A_2346 : vector<1x16xf32> to vector<16xf32>
        %add3A_2348 = arith.addf %while3A_2307, %get3A_2347 : vector<16xf32>
        scf.yield %add3A_2313, %add3A_2318, %add3A_2323, %add3A_2328, %add3A_2333, %add3A_2338, %add3A_2343, %add3A_2348 : vector<16xf32>, vector<16xf32>, vector<16xf32>, vector<16xf32>, vector<16xf32>, vector<16xf32>, vector<16xf32>, vector<16xf32>
      }
      %while3A_2075 = arith.constant 1 : i32
      %while3A_2076:8 = scf.for %while3A_2299 = %while3A_2072 to %while3A_2068 step %while3A_2075 iter_args(%while3A_2300 = %while3A_2074#0, %while3A_2301 = %while3A_2074#1, %while3A_2302 = %while3A_2074#2, %while3A_2303 = %while3A_2074#3, %while3A_2304 = %while3A_2074#4, %while3A_2305 = %while3A_2074#5, %while3A_2306 = %while3A_2074#6, %while3A_2307 = %while3A_2074#7) -> (vector<16xf32>, vector<16xf32>, vector<16xf32>, vector<16xf32>, vector<16xf32>, vector<16xf32>, vector<16xf32>, vector<16xf32>)  : i32 {
        %sub3A_2308 = arith.subi %while3A_2299, %mul3A_1291 : i32
        %get3A_2309 = arith.index_cast %sub3A_2308 : i32 to index
        %get3A_2310 = arith.constant 0 : index
        %get3A_2311 = tpu.vector_load %arg6[%get3A_2309, %get3A_2310] {strides = array<i32>} : memref<400x128xf32, #tpu.memory_space<vmem>>, vector<1x16xf32>,
        %get3A_2312 = vector.shape_cast %get3A_2311 : vector<1x16xf32> to vector<16xf32>
        %add3A_2313 = arith.addf %while3A_2300, %get3A_2312 : vector<16xf32>
        %get3A_2314 = arith.index_cast %sub3A_2308 : i32 to index
        %get3A_2315 = arith.constant 16 : index
        %get3A_2316 = tpu.vector_load %arg6[%get3A_2314, %get3A_2315] {strides = array<i32>} : memref<400x128xf32, #tpu.memory_space<vmem>>, vector<1x16xf32>,
        %get3A_2317 = vector.shape_cast %get3A_2316 : vector<1x16xf32> to vector<16xf32>
        %add3A_2318 = arith.addf %while3A_2301, %get3A_2317 : vector<16xf32>
        %get3A_2319 = arith.index_cast %sub3A_2308 : i32 to index
        %get3A_2320 = arith.constant 32 : index
        %get3A_2321 = tpu.vector_load %arg6[%get3A_2319, %get3A_2320] {strides = array<i32>} : memref<400x128xf32, #tpu.memory_space<vmem>>, vector<1x16xf32>,
        %get3A_2322 = vector.shape_cast %get3A_2321 : vector<1x16xf32> to vector<16xf32>
        %add3A_2323 = arith.addf %while3A_2302, %get3A_2322 : vector<16xf32>
        %get3A_2324 = arith.index_cast %sub3A_2308 : i32 to index
        %get3A_2325 = arith.constant 48 : index
        %get3A_2326 = tpu.vector_load %arg6[%get3A_2324, %get3A_2325] {strides = array<i32>} : memref<400x128xf32, #tpu.memory_space<vmem>>, vector<1x16xf32>,
        %get3A_2327 = vector.shape_cast %get3A_2326 : vector<1x16xf32> to vector<16xf32>
        %add3A_2328 = arith.addf %while3A_2303, %get3A_2327 : vector<16xf32>
        %get3A_2329 = arith.index_cast %sub3A_2308 : i32 to index
        %get3A_2330 = arith.constant 64 : index
        %get3A_2331 = tpu.vector_load %arg6[%get3A_2329, %get3A_2330] {strides = array<i32>} : memref<400x128xf32, #tpu.memory_space<vmem>>, vector<1x16xf32>,
        %get3A_2332 = vector.shape_cast %get3A_2331 : vector<1x16xf32> to vector<16xf32>
        %add3A_2333 = arith.addf %while3A_2304, %get3A_2332 : vector<16xf32>
        %get3A_2334 = arith.index_cast %sub3A_2308 : i32 to index
        %get3A_2335 = arith.constant 80 : index
        %get3A_2336 = tpu.vector_load %arg6[%get3A_2334, %get3A_2335] {strides = array<i32>} : memref<400x128xf32, #tpu.memory_space<vmem>>, vector<1x16xf32>,
        %get3A_2337 = vector.shape_cast %get3A_2336 : vector<1x16xf32> to vector<16xf32>
        %add3A_2338 = arith.addf %while3A_2305, %get3A_2337 : vector<16xf32>
        %get3A_2339 = arith.index_cast %sub3A_2308 : i32 to index
        %get3A_2340 = arith.constant 96 : index
        %get3A_2341 = tpu.vector_load %arg6[%get3A_2339, %get3A_2340] {strides = array<i32>} : memref<400x128xf32, #tpu.memory_space<vmem>>, vector<1x16xf32>,
        %get3A_2342 = vector.shape_cast %get3A_2341 : vector<1x16xf32> to vector<16xf32>
        %add3A_2343 = arith.addf %while3A_2306, %get3A_2342 : vector<16xf32>
        %get3A_2344 = arith.index_cast %sub3A_2308 : i32 to index
        %get3A_2345 = arith.constant 112 : index
        %get3A_2346 = tpu.vector_load %arg6[%get3A_2344, %get3A_2345] {strides = array<i32>} : memref<400x128xf32, #tpu.memory_space<vmem>>, vector<1x16xf32>,
        %get3A_2347 = vector.shape_cast %get3A_2346 : vector<1x16xf32> to vector<16xf32>
        %add3A_2348 = arith.addf %while3A_2307, %get3A_2347 : vector<16xf32>
        scf.yield %add3A_2313, %add3A_2318, %add3A_2323, %add3A_2328, %add3A_2333, %add3A_2338, %add3A_2343, %add3A_2348 : vector<16xf32>, vector<16xf32>, vector<16xf32>, vector<16xf32>, vector<16xf32>, vector<16xf32>, vector<16xf32>, vector<16xf32>
      }
      %get3A_2077 = arith.constant 6 : i32
      %get3A_2078 = arith.index_cast %get3A_2077 : i32 to index
      %get3A_2079 = arith.constant 0 : index
      %get3A_2080 = tpu.vector_load %arg7[%get3A_2078, %get3A_2079] {strides = array<i32>} : memref<8x128xf32, #tpu.memory_space<vmem>>, vector<1x16xf32>,
      %get3A_2081 = vector.shape_cast %get3A_2080 : vector<1x16xf32> to vector<16xf32>
      %add3A_2082 = arith.addf %get3A_2081, %while3A_2076#0 : vector<16xf32>
      %swap3A_2083 = arith.constant 6 : i32
      %swap3A_2084 = arith.index_cast %swap3A_2083 : i32 to index
      %swap3A_2085 = arith.constant 0 : index
      %swap3A_2086 = tpu.vector_load %arg7[%swap3A_2084, %swap3A_2085] {strides = array<i32>} : memref<8x128xf32, #tpu.memory_space<vmem>>, vector<1x16xf32>,
      %swap3A_2087 = vector.shape_cast %swap3A_2086 : vector<1x16xf32> to vector<16xf32>
      %swap3A_2088 = vector.shape_cast %add3A_2082 : vector<16xf32> to vector<1x16xf32>
      tpu.vector_store %arg7[%swap3A_2084, %swap3A_2085], %swap3A_2088 {strides = array<i32>} : memref<8x128xf32, #tpu.memory_space<vmem>>, vector<1x16xf32>,
      %get3A_2089 = arith.constant 6 : i32
      %get3A_2090 = arith.index_cast %get3A_2089 : i32 to index
      %get3A_2091 = arith.constant 16 : index
      %get3A_2092 = tpu.vector_load %arg7[%get3A_2090, %get3A_2091] {strides = array<i32>} : memref<8x128xf32, #tpu.memory_space<vmem>>, vector<1x16xf32>,
      %get3A_2093 = vector.shape_cast %get3A_2092 : vector<1x16xf32> to vector<16xf32>
      %add3A_2094 = arith.addf %get3A_2093, %while3A_2076#1 : vector<16xf32>
      %swap3A_2095 = arith.constant 6 : i32
      %swap3A_2096 = arith.index_cast %swap3A_2095 : i32 to index
      %swap3A_2097 = arith.constant 16 : index
      %swap3A_2098 = tpu.vector_load %arg7[%swap3A_2096, %swap3A_2097] {strides = array<i32>} : memref<8x128xf32, #tpu.memory_space<vmem>>, vector<1x16xf32>,
      %swap3A_2099 = vector.shape_cast %swap3A_2098 : vector<1x16xf32> to vector<16xf32>
      %swap3A_2100 = vector.shape_cast %add3A_2094 : vector<16xf32> to vector<1x16xf32>
      tpu.vector_store %arg7[%swap3A_2096, %swap3A_2097], %swap3A_2100 {strides = array<i32>} : memref<8x128xf32, #tpu.memory_space<vmem>>, vector<1x16xf32>,
      %get3A_2101 = arith.constant 6 : i32
      %get3A_2102 = arith.index_cast %get3A_2101 : i32 to index
      %get3A_2103 = arith.constant 32 : index
      %get3A_2104 = tpu.vector_load %arg7[%get3A_2102, %get3A_2103] {strides = array<i32>} : memref<8x128xf32, #tpu.memory_space<vmem>>, vector<1x16xf32>,
      %get3A_2105 = vector.shape_cast %get3A_2104 : vector<1x16xf32> to vector<16xf32>
      %add3A_2106 = arith.addf %get3A_2105, %while3A_2076#2 : vector<16xf32>
      %swap3A_2107 = arith.constant 6 : i32
      %swap3A_2108 = arith.index_cast %swap3A_2107 : i32 to index
      %swap3A_2109 = arith.constant 32 : index
      %swap3A_2110 = tpu.vector_load %arg7[%swap3A_2108, %swap3A_2109] {strides = array<i32>} : memref<8x128xf32, #tpu.memory_space<vmem>>, vector<1x16xf32>,
      %swap3A_2111 = vector.shape_cast %swap3A_2110 : vector<1x16xf32> to vector<16xf32>
      %swap3A_2112 = vector.shape_cast %add3A_2106 : vector<16xf32> to vector<1x16xf32>
      tpu.vector_store %arg7[%swap3A_2108, %swap3A_2109], %swap3A_2112 {strides = array<i32>} : memref<8x128xf32, #tpu.memory_space<vmem>>, vector<1x16xf32>,
      %get3A_2113 = arith.constant 6 : i32
      %get3A_2114 = arith.index_cast %get3A_2113 : i32 to index
      %get3A_2115 = arith.constant 48 : index
      %get3A_2116 = tpu.vector_load %arg7[%get3A_2114, %get3A_2115] {strides = array<i32>} : memref<8x128xf32, #tpu.memory_space<vmem>>, vector<1x16xf32>,
      %get3A_2117 = vector.shape_cast %get3A_2116 : vector<1x16xf32> to vector<16xf32>
      %add3A_2118 = arith.addf %get3A_2117, %while3A_2076#3 : vector<16xf32>
      %swap3A_2119 = arith.constant 6 : i32
      %swap3A_2120 = arith.index_cast %swap3A_2119 : i32 to index
      %swap3A_2121 = arith.constant 48 : index
      %swap3A_2122 = tpu.vector_load %arg7[%swap3A_2120, %swap3A_2121] {strides = array<i32>} : memref<8x128xf32, #tpu.memory_space<vmem>>, vector<1x16xf32>,
      %swap3A_2123 = vector.shape_cast %swap3A_2122 : vector<1x16xf32> to vector<16xf32>
      %swap3A_2124 = vector.shape_cast %add3A_2118 : vector<16xf32> to vector<1x16xf32>
      tpu.vector_store %arg7[%swap3A_2120, %swap3A_2121], %swap3A_2124 {strides = array<i32>} : memref<8x128xf32, #tpu.memory_space<vmem>>, vector<1x16xf32>,
      %get3A_2125 = arith.constant 6 : i32
      %get3A_2126 = arith.index_cast %get3A_2125 : i32 to index
      %get3A_2127 = arith.constant 64 : index
      %get3A_2128 = tpu.vector_load %arg7[%get3A_2126, %get3A_2127] {strides = array<i32>} : memref<8x128xf32, #tpu.memory_space<vmem>>, vector<1x16xf32>,
      %get3A_2129 = vector.shape_cast %get3A_2128 : vector<1x16xf32> to vector<16xf32>
      %add3A_2130 = arith.addf %get3A_2129, %while3A_2076#4 : vector<16xf32>
      %swap3A_2131 = arith.constant 6 : i32
      %swap3A_2132 = arith.index_cast %swap3A_2131 : i32 to index
      %swap3A_2133 = arith.constant 64 : index
      %swap3A_2134 = tpu.vector_load %arg7[%swap3A_2132, %swap3A_2133] {strides = array<i32>} : memref<8x128xf32, #tpu.memory_space<vmem>>, vector<1x16xf32>,
      %swap3A_2135 = vector.shape_cast %swap3A_2134 : vector<1x16xf32> to vector<16xf32>
      %swap3A_2136 = vector.shape_cast %add3A_2130 : vector<16xf32> to vector<1x16xf32>
      tpu.vector_store %arg7[%swap3A_2132, %swap3A_2133], %swap3A_2136 {strides = array<i32>} : memref<8x128xf32, #tpu.memory_space<vmem>>, vector<1x16xf32>,
      %get3A_2137 = arith.constant 6 : i32
      %get3A_2138 = arith.index_cast %get3A_2137 : i32 to index
      %get3A_2139 = arith.constant 80 : index
      %get3A_2140 = tpu.vector_load %arg7[%get3A_2138, %get3A_2139] {strides = array<i32>} : memref<8x128xf32, #tpu.memory_space<vmem>>, vector<1x16xf32>,
      %get3A_2141 = vector.shape_cast %get3A_2140 : vector<1x16xf32> to vector<16xf32>
      %add3A_2142 = arith.addf %get3A_2141, %while3A_2076#5 : vector<16xf32>
      %swap3A_2143 = arith.constant 6 : i32
      %swap3A_2144 = arith.index_cast %swap3A_2143 : i32 to index
      %swap3A_2145 = arith.constant 80 : index
      %swap3A_2146 = tpu.vector_load %arg7[%swap3A_2144, %swap3A_2145] {strides = array<i32>} : memref<8x128xf32, #tpu.memory_space<vmem>>, vector<1x16xf32>,
      %swap3A_2147 = vector.shape_cast %swap3A_2146 : vector<1x16xf32> to vector<16xf32>
      %swap3A_2148 = vector.shape_cast %add3A_2142 : vector<16xf32> to vector<1x16xf32>
      tpu.vector_store %arg7[%swap3A_2144, %swap3A_2145], %swap3A_2148 {strides = array<i32>} : memref<8x128xf32, #tpu.memory_space<vmem>>, vector<1x16xf32>,
      %get3A_2149 = arith.constant 6 : i32
      %get3A_2150 = arith.index_cast %get3A_2149 : i32 to index
      %get3A_2151 = arith.constant 96 : index
      %get3A_2152 = tpu.vector_load %arg7[%get3A_2150, %get3A_2151] {strides = array<i32>} : memref<8x128xf32, #tpu.memory_space<vmem>>, vector<1x16xf32>,
      %get3A_2153 = vector.shape_cast %get3A_2152 : vector<1x16xf32> to vector<16xf32>
      %add3A_2154 = arith.addf %get3A_2153, %while3A_2076#6 : vector<16xf32>
      %swap3A_2155 = arith.constant 6 : i32
      %swap3A_2156 = arith.index_cast %swap3A_2155 : i32 to index
      %swap3A_2157 = arith.constant 96 : index
      %swap3A_2158 = tpu.vector_load %arg7[%swap3A_2156, %swap3A_2157] {strides = array<i32>} : memref<8x128xf32, #tpu.memory_space<vmem>>, vector<1x16xf32>,
      %swap3A_2159 = vector.shape_cast %swap3A_2158 : vector<1x16xf32> to vector<16xf32>
      %swap3A_2160 = vector.shape_cast %add3A_2154 : vector<16xf32> to vector<1x16xf32>
      tpu.vector_store %arg7[%swap3A_2156, %swap3A_2157], %swap3A_2160 {strides = array<i32>} : memref<8x128xf32, #tpu.memory_space<vmem>>, vector<1x16xf32>,
      %get3A_2161 = arith.constant 6 : i32
      %get3A_2162 = arith.index_cast %get3A_2161 : i32 to index
      %get3A_2163 = arith.constant 112 : index
      %get3A_2164 = tpu.vector_load %arg7[%get3A_2162, %get3A_2163] {strides = array<i32>} : memref<8x128xf32, #tpu.memory_space<vmem>>, vector<1x16xf32>,
      %get3A_2165 = vector.shape_cast %get3A_2164 : vector<1x16xf32> to vector<16xf32>
      %add3A_2166 = arith.addf %get3A_2165, %while3A_2076#7 : vector<16xf32>
      %swap3A_2167 = arith.constant 6 : i32
      %swap3A_2168 = arith.index_cast %swap3A_2167 : i32 to index
      %swap3A_2169 = arith.constant 112 : index
      %swap3A_2170 = tpu.vector_load %arg7[%swap3A_2168, %swap3A_2169] {strides = array<i32>} : memref<8x128xf32, #tpu.memory_space<vmem>>, vector<1x16xf32>,
      %swap3A_2171 = vector.shape_cast %swap3A_2170 : vector<1x16xf32> to vector<16xf32>
      %swap3A_2172 = vector.shape_cast %add3A_2166 : vector<16xf32> to vector<1x16xf32>
      tpu.vector_store %arg7[%swap3A_2168, %swap3A_2169], %swap3A_2172 {strides = array<i32>} : memref<8x128xf32, #tpu.memory_space<vmem>>, vector<1x16xf32>,
      %max3A_2173 = arith.maxsi %squeeze3A_18, %mul3A_1291 : i32
      %add3A_2174 = arith.constant 400 : i32
      %add3A_2175 = arith.addi %mul3A_1291, %add3A_2174 : i32
      %min3A_2176 = arith.minsi %squeeze3A_20, %add3A_2175 : i32
      %broadcast_in_dim3A_2177 = arith.constant 0.000000e+00 : f32
      %broadcast_in_dim3A_2178 = vector.broadcast %broadcast_in_dim3A_2177 : f32 to vector<16xf32>
      %broadcast_in_dim3A_2179 = arith.constant 0.000000e+00 : f32
      %broadcast_in_dim3A_2180 = vector.broadcast %broadcast_in_dim3A_2179 : f32 to vector<16xf32>
      %broadcast_in_dim3A_2181 = arith.constant 0.000000e+00 : f32
      %broadcast_in_dim3A_2182 = vector.broadcast %broadcast_in_dim3A_2181 : f32 to vector<16xf32>
      %broadcast_in_dim3A_2183 = arith.constant 0.000000e+00 : f32
      %broadcast_in_dim3A_2184 = vector.broadcast %broadcast_in_dim3A_2183 : f32 to vector<16xf32>
      %broadcast_in_dim3A_2185 = arith.constant 0.000000e+00 : f32
      %broadcast_in_dim3A_2186 = vector.broadcast %broadcast_in_dim3A_2185 : f32 to vector<16xf32>
      %broadcast_in_dim3A_2187 = arith.constant 0.000000e+00 : f32
      %broadcast_in_dim3A_2188 = vector.broadcast %broadcast_in_dim3A_2187 : f32 to vector<16xf32>
      %broadcast_in_dim3A_2189 = arith.constant 0.000000e+00 : f32
      %broadcast_in_dim3A_2190 = vector.broadcast %broadcast_in_dim3A_2189 : f32 to vector<16xf32>
      %broadcast_in_dim3A_2191 = arith.constant 0.000000e+00 : f32
      %broadcast_in_dim3A_2192 = vector.broadcast %broadcast_in_dim3A_2191 : f32 to vector<16xf32>
      %while3A_2193 = arith.subi %min3A_2176, %max3A_2173 : i32
      %while3A_2194 = arith.addi %max3A_2173, %while3A_2193 : i32
      %while3A_2195 = arith.constant 1 : i32
      %while3A_2196 = arith.divsi %while3A_2193, %while3A_2195 : i32
      %while3A_2197 = arith.muli %while3A_2196, %while3A_2195 : i32
      %while3A_2198 = arith.addi %max3A_2173, %while3A_2197 : i32
      %while3A_2199 = arith.constant 1 : i32
      %while3A_2200:8 = scf.for %while3A_2299 = %max3A_2173 to %while3A_2198 step %while3A_2199 iter_args(%while3A_2300 = %broadcast_in_dim3A_2178, %while3A_2301 = %broadcast_in_dim3A_2180, %while3A_2302 = %broadcast_in_dim3A_2182, %while3A_2303 = %broadcast_in_dim3A_2184, %while3A_2304 = %broadcast_in_dim3A_2186, %while3A_2305 = %broadcast_in_dim3A_2188, %while3A_2306 = %broadcast_in_dim3A_2190, %while3A_2307 = %broadcast_in_dim3A_2192) -> (vector<16xf32>, vector<16xf32>, vector<16xf32>, vector<16xf32>, vector<16xf32>, vector<16xf32>, vector<16xf32>, vector<16xf32>)  : i32 {
        %sub3A_2308 = arith.subi %while3A_2299, %mul3A_1291 : i32
        %get3A_2309 = arith.index_cast %sub3A_2308 : i32 to index
        %get3A_2310 = arith.constant 0 : index
        %get3A_2311 = tpu.vector_load %arg6[%get3A_2309, %get3A_2310] {strides = array<i32>} : memref<400x128xf32, #tpu.memory_space<vmem>>, vector<1x16xf32>,
        %get3A_2312 = vector.shape_cast %get3A_2311 : vector<1x16xf32> to vector<16xf32>
        %add3A_2313 = arith.addf %while3A_2300, %get3A_2312 : vector<16xf32>
        %get3A_2314 = arith.index_cast %sub3A_2308 : i32 to index
        %get3A_2315 = arith.constant 16 : index
        %get3A_2316 = tpu.vector_load %arg6[%get3A_2314, %get3A_2315] {strides = array<i32>} : memref<400x128xf32, #tpu.memory_space<vmem>>, vector<1x16xf32>,
        %get3A_2317 = vector.shape_cast %get3A_2316 : vector<1x16xf32> to vector<16xf32>
        %add3A_2318 = arith.addf %while3A_2301, %get3A_2317 : vector<16xf32>
        %get3A_2319 = arith.index_cast %sub3A_2308 : i32 to index
        %get3A_2320 = arith.constant 32 : index
        %get3A_2321 = tpu.vector_load %arg6[%get3A_2319, %get3A_2320] {strides = array<i32>} : memref<400x128xf32, #tpu.memory_space<vmem>>, vector<1x16xf32>,
        %get3A_2322 = vector.shape_cast %get3A_2321 : vector<1x16xf32> to vector<16xf32>
        %add3A_2323 = arith.addf %while3A_2302, %get3A_2322 : vector<16xf32>
        %get3A_2324 = arith.index_cast %sub3A_2308 : i32 to index
        %get3A_2325 = arith.constant 48 : index
        %get3A_2326 = tpu.vector_load %arg6[%get3A_2324, %get3A_2325] {strides = array<i32>} : memref<400x128xf32, #tpu.memory_space<vmem>>, vector<1x16xf32>,
        %get3A_2327 = vector.shape_cast %get3A_2326 : vector<1x16xf32> to vector<16xf32>
        %add3A_2328 = arith.addf %while3A_2303, %get3A_2327 : vector<16xf32>
        %get3A_2329 = arith.index_cast %sub3A_2308 : i32 to index
        %get3A_2330 = arith.constant 64 : index
        %get3A_2331 = tpu.vector_load %arg6[%get3A_2329, %get3A_2330] {strides = array<i32>} : memref<400x128xf32, #tpu.memory_space<vmem>>, vector<1x16xf32>,
        %get3A_2332 = vector.shape_cast %get3A_2331 : vector<1x16xf32> to vector<16xf32>
        %add3A_2333 = arith.addf %while3A_2304, %get3A_2332 : vector<16xf32>
        %get3A_2334 = arith.index_cast %sub3A_2308 : i32 to index
        %get3A_2335 = arith.constant 80 : index
        %get3A_2336 = tpu.vector_load %arg6[%get3A_2334, %get3A_2335] {strides = array<i32>} : memref<400x128xf32, #tpu.memory_space<vmem>>, vector<1x16xf32>,
        %get3A_2337 = vector.shape_cast %get3A_2336 : vector<1x16xf32> to vector<16xf32>
        %add3A_2338 = arith.addf %while3A_2305, %get3A_2337 : vector<16xf32>
        %get3A_2339 = arith.index_cast %sub3A_2308 : i32 to index
        %get3A_2340 = arith.constant 96 : index
        %get3A_2341 = tpu.vector_load %arg6[%get3A_2339, %get3A_2340] {strides = array<i32>} : memref<400x128xf32, #tpu.memory_space<vmem>>, vector<1x16xf32>,
        %get3A_2342 = vector.shape_cast %get3A_2341 : vector<1x16xf32> to vector<16xf32>
        %add3A_2343 = arith.addf %while3A_2306, %get3A_2342 : vector<16xf32>
        %get3A_2344 = arith.index_cast %sub3A_2308 : i32 to index
        %get3A_2345 = arith.constant 112 : index
        %get3A_2346 = tpu.vector_load %arg6[%get3A_2344, %get3A_2345] {strides = array<i32>} : memref<400x128xf32, #tpu.memory_space<vmem>>, vector<1x16xf32>,
        %get3A_2347 = vector.shape_cast %get3A_2346 : vector<1x16xf32> to vector<16xf32>
        %add3A_2348 = arith.addf %while3A_2307, %get3A_2347 : vector<16xf32>
        scf.yield %add3A_2313, %add3A_2318, %add3A_2323, %add3A_2328, %add3A_2333, %add3A_2338, %add3A_2343, %add3A_2348 : vector<16xf32>, vector<16xf32>, vector<16xf32>, vector<16xf32>, vector<16xf32>, vector<16xf32>, vector<16xf32>, vector<16xf32>
      }
      %while3A_2201 = arith.constant 1 : i32
      %while3A_2202:8 = scf.for %while3A_2299 = %while3A_2198 to %while3A_2194 step %while3A_2201 iter_args(%while3A_2300 = %while3A_2200#0, %while3A_2301 = %while3A_2200#1, %while3A_2302 = %while3A_2200#2, %while3A_2303 = %while3A_2200#3, %while3A_2304 = %while3A_2200#4, %while3A_2305 = %while3A_2200#5, %while3A_2306 = %while3A_2200#6, %while3A_2307 = %while3A_2200#7) -> (vector<16xf32>, vector<16xf32>, vector<16xf32>, vector<16xf32>, vector<16xf32>, vector<16xf32>, vector<16xf32>, vector<16xf32>)  : i32 {
        %sub3A_2308 = arith.subi %while3A_2299, %mul3A_1291 : i32
        %get3A_2309 = arith.index_cast %sub3A_2308 : i32 to index
        %get3A_2310 = arith.constant 0 : index
        %get3A_2311 = tpu.vector_load %arg6[%get3A_2309, %get3A_2310] {strides = array<i32>} : memref<400x128xf32, #tpu.memory_space<vmem>>, vector<1x16xf32>,
        %get3A_2312 = vector.shape_cast %get3A_2311 : vector<1x16xf32> to vector<16xf32>
        %add3A_2313 = arith.addf %while3A_2300, %get3A_2312 : vector<16xf32>
        %get3A_2314 = arith.index_cast %sub3A_2308 : i32 to index
        %get3A_2315 = arith.constant 16 : index
        %get3A_2316 = tpu.vector_load %arg6[%get3A_2314, %get3A_2315] {strides = array<i32>} : memref<400x128xf32, #tpu.memory_space<vmem>>, vector<1x16xf32>,
        %get3A_2317 = vector.shape_cast %get3A_2316 : vector<1x16xf32> to vector<16xf32>
        %add3A_2318 = arith.addf %while3A_2301, %get3A_2317 : vector<16xf32>
        %get3A_2319 = arith.index_cast %sub3A_2308 : i32 to index
        %get3A_2320 = arith.constant 32 : index
        %get3A_2321 = tpu.vector_load %arg6[%get3A_2319, %get3A_2320] {strides = array<i32>} : memref<400x128xf32, #tpu.memory_space<vmem>>, vector<1x16xf32>,
        %get3A_2322 = vector.shape_cast %get3A_2321 : vector<1x16xf32> to vector<16xf32>
        %add3A_2323 = arith.addf %while3A_2302, %get3A_2322 : vector<16xf32>
        %get3A_2324 = arith.index_cast %sub3A_2308 : i32 to index
        %get3A_2325 = arith.constant 48 : index
        %get3A_2326 = tpu.vector_load %arg6[%get3A_2324, %get3A_2325] {strides = array<i32>} : memref<400x128xf32, #tpu.memory_space<vmem>>, vector<1x16xf32>,
        %get3A_2327 = vector.shape_cast %get3A_2326 : vector<1x16xf32> to vector<16xf32>
        %add3A_2328 = arith.addf %while3A_2303, %get3A_2327 : vector<16xf32>
        %get3A_2329 = arith.index_cast %sub3A_2308 : i32 to index
        %get3A_2330 = arith.constant 64 : index
        %get3A_2331 = tpu.vector_load %arg6[%get3A_2329, %get3A_2330] {strides = array<i32>} : memref<400x128xf32, #tpu.memory_space<vmem>>, vector<1x16xf32>,
        %get3A_2332 = vector.shape_cast %get3A_2331 : vector<1x16xf32> to vector<16xf32>
        %add3A_2333 = arith.addf %while3A_2304, %get3A_2332 : vector<16xf32>
        %get3A_2334 = arith.index_cast %sub3A_2308 : i32 to index
        %get3A_2335 = arith.constant 80 : index
        %get3A_2336 = tpu.vector_load %arg6[%get3A_2334, %get3A_2335] {strides = array<i32>} : memref<400x128xf32, #tpu.memory_space<vmem>>, vector<1x16xf32>,
        %get3A_2337 = vector.shape_cast %get3A_2336 : vector<1x16xf32> to vector<16xf32>
        %add3A_2338 = arith.addf %while3A_2305, %get3A_2337 : vector<16xf32>
        %get3A_2339 = arith.index_cast %sub3A_2308 : i32 to index
        %get3A_2340 = arith.constant 96 : index
        %get3A_2341 = tpu.vector_load %arg6[%get3A_2339, %get3A_2340] {strides = array<i32>} : memref<400x128xf32, #tpu.memory_space<vmem>>, vector<1x16xf32>,
        %get3A_2342 = vector.shape_cast %get3A_2341 : vector<1x16xf32> to vector<16xf32>
        %add3A_2343 = arith.addf %while3A_2306, %get3A_2342 : vector<16xf32>
        %get3A_2344 = arith.index_cast %sub3A_2308 : i32 to index
        %get3A_2345 = arith.constant 112 : index
        %get3A_2346 = tpu.vector_load %arg6[%get3A_2344, %get3A_2345] {strides = array<i32>} : memref<400x128xf32, #tpu.memory_space<vmem>>, vector<1x16xf32>,
        %get3A_2347 = vector.shape_cast %get3A_2346 : vector<1x16xf32> to vector<16xf32>
        %add3A_2348 = arith.addf %while3A_2307, %get3A_2347 : vector<16xf32>
        scf.yield %add3A_2313, %add3A_2318, %add3A_2323, %add3A_2328, %add3A_2333, %add3A_2338, %add3A_2343, %add3A_2348 : vector<16xf32>, vector<16xf32>, vector<16xf32>, vector<16xf32>, vector<16xf32>, vector<16xf32>, vector<16xf32>, vector<16xf32>
      }
      %get3A_2203 = arith.constant 7 : i32
      %get3A_2204 = arith.index_cast %get3A_2203 : i32 to index
      %get3A_2205 = arith.constant 0 : index
      %get3A_2206 = tpu.vector_load %arg7[%get3A_2204, %get3A_2205] {strides = array<i32>} : memref<8x128xf32, #tpu.memory_space<vmem>>, vector<1x16xf32>,
      %get3A_2207 = vector.shape_cast %get3A_2206 : vector<1x16xf32> to vector<16xf32>
      %add3A_2208 = arith.addf %get3A_2207, %while3A_2202#0 : vector<16xf32>
      %swap3A_2209 = arith.constant 7 : i32
      %swap3A_2210 = arith.index_cast %swap3A_2209 : i32 to index
      %swap3A_2211 = arith.constant 0 : index
      %swap3A_2212 = tpu.vector_load %arg7[%swap3A_2210, %swap3A_2211] {strides = array<i32>} : memref<8x128xf32, #tpu.memory_space<vmem>>, vector<1x16xf32>,
      %swap3A_2213 = vector.shape_cast %swap3A_2212 : vector<1x16xf32> to vector<16xf32>
      %swap3A_2214 = vector.shape_cast %add3A_2208 : vector<16xf32> to vector<1x16xf32>
      tpu.vector_store %arg7[%swap3A_2210, %swap3A_2211], %swap3A_2214 {strides = array<i32>} : memref<8x128xf32, #tpu.memory_space<vmem>>, vector<1x16xf32>,
      %get3A_2215 = arith.constant 7 : i32
      %get3A_2216 = arith.index_cast %get3A_2215 : i32 to index
      %get3A_2217 = arith.constant 16 : index
      %get3A_2218 = tpu.vector_load %arg7[%get3A_2216, %get3A_2217] {strides = array<i32>} : memref<8x128xf32, #tpu.memory_space<vmem>>, vector<1x16xf32>,
      %get3A_2219 = vector.shape_cast %get3A_2218 : vector<1x16xf32> to vector<16xf32>
      %add3A_2220 = arith.addf %get3A_2219, %while3A_2202#1 : vector<16xf32>
      %swap3A_2221 = arith.constant 7 : i32
      %swap3A_2222 = arith.index_cast %swap3A_2221 : i32 to index
      %swap3A_2223 = arith.constant 16 : index
      %swap3A_2224 = tpu.vector_load %arg7[%swap3A_2222, %swap3A_2223] {strides = array<i32>} : memref<8x128xf32, #tpu.memory_space<vmem>>, vector<1x16xf32>,
      %swap3A_2225 = vector.shape_cast %swap3A_2224 : vector<1x16xf32> to vector<16xf32>
      %swap3A_2226 = vector.shape_cast %add3A_2220 : vector<16xf32> to vector<1x16xf32>
      tpu.vector_store %arg7[%swap3A_2222, %swap3A_2223], %swap3A_2226 {strides = array<i32>} : memref<8x128xf32, #tpu.memory_space<vmem>>, vector<1x16xf32>,
      %get3A_2227 = arith.constant 7 : i32
      %get3A_2228 = arith.index_cast %get3A_2227 : i32 to index
      %get3A_2229 = arith.constant 32 : index
      %get3A_2230 = tpu.vector_load %arg7[%get3A_2228, %get3A_2229] {strides = array<i32>} : memref<8x128xf32, #tpu.memory_space<vmem>>, vector<1x16xf32>,
      %get3A_2231 = vector.shape_cast %get3A_2230 : vector<1x16xf32> to vector<16xf32>
      %add3A_2232 = arith.addf %get3A_2231, %while3A_2202#2 : vector<16xf32>
      %swap3A_2233 = arith.constant 7 : i32
      %swap3A_2234 = arith.index_cast %swap3A_2233 : i32 to index
      %swap3A_2235 = arith.constant 32 : index
      %swap3A_2236 = tpu.vector_load %arg7[%swap3A_2234, %swap3A_2235] {strides = array<i32>} : memref<8x128xf32, #tpu.memory_space<vmem>>, vector<1x16xf32>,
      %swap3A_2237 = vector.shape_cast %swap3A_2236 : vector<1x16xf32> to vector<16xf32>
      %swap3A_2238 = vector.shape_cast %add3A_2232 : vector<16xf32> to vector<1x16xf32>
      tpu.vector_store %arg7[%swap3A_2234, %swap3A_2235], %swap3A_2238 {strides = array<i32>} : memref<8x128xf32, #tpu.memory_space<vmem>>, vector<1x16xf32>,
      %get3A_2239 = arith.constant 7 : i32
      %get3A_2240 = arith.index_cast %get3A_2239 : i32 to index
      %get3A_2241 = arith.constant 48 : index
      %get3A_2242 = tpu.vector_load %arg7[%get3A_2240, %get3A_2241] {strides = array<i32>} : memref<8x128xf32, #tpu.memory_space<vmem>>, vector<1x16xf32>,
      %get3A_2243 = vector.shape_cast %get3A_2242 : vector<1x16xf32> to vector<16xf32>
      %add3A_2244 = arith.addf %get3A_2243, %while3A_2202#3 : vector<16xf32>
      %swap3A_2245 = arith.constant 7 : i32
      %swap3A_2246 = arith.index_cast %swap3A_2245 : i32 to index
      %swap3A_2247 = arith.constant 48 : index
      %swap3A_2248 = tpu.vector_load %arg7[%swap3A_2246, %swap3A_2247] {strides = array<i32>} : memref<8x128xf32, #tpu.memory_space<vmem>>, vector<1x16xf32>,
      %swap3A_2249 = vector.shape_cast %swap3A_2248 : vector<1x16xf32> to vector<16xf32>
      %swap3A_2250 = vector.shape_cast %add3A_2244 : vector<16xf32> to vector<1x16xf32>
      tpu.vector_store %arg7[%swap3A_2246, %swap3A_2247], %swap3A_2250 {strides = array<i32>} : memref<8x128xf32, #tpu.memory_space<vmem>>, vector<1x16xf32>,
      %get3A_2251 = arith.constant 7 : i32
      %get3A_2252 = arith.index_cast %get3A_2251 : i32 to index
      %get3A_2253 = arith.constant 64 : index
      %get3A_2254 = tpu.vector_load %arg7[%get3A_2252, %get3A_2253] {strides = array<i32>} : memref<8x128xf32, #tpu.memory_space<vmem>>, vector<1x16xf32>,
      %get3A_2255 = vector.shape_cast %get3A_2254 : vector<1x16xf32> to vector<16xf32>
      %add3A_2256 = arith.addf %get3A_2255, %while3A_2202#4 : vector<16xf32>
      %swap3A_2257 = arith.constant 7 : i32
      %swap3A_2258 = arith.index_cast %swap3A_2257 : i32 to index
      %swap3A_2259 = arith.constant 64 : index
      %swap3A_2260 = tpu.vector_load %arg7[%swap3A_2258, %swap3A_2259] {strides = array<i32>} : memref<8x128xf32, #tpu.memory_space<vmem>>, vector<1x16xf32>,
      %swap3A_2261 = vector.shape_cast %swap3A_2260 : vector<1x16xf32> to vector<16xf32>
      %swap3A_2262 = vector.shape_cast %add3A_2256 : vector<16xf32> to vector<1x16xf32>
      tpu.vector_store %arg7[%swap3A_2258, %swap3A_2259], %swap3A_2262 {strides = array<i32>} : memref<8x128xf32, #tpu.memory_space<vmem>>, vector<1x16xf32>,
      %get3A_2263 = arith.constant 7 : i32
      %get3A_2264 = arith.index_cast %get3A_2263 : i32 to index
      %get3A_2265 = arith.constant 80 : index
      %get3A_2266 = tpu.vector_load %arg7[%get3A_2264, %get3A_2265] {strides = array<i32>} : memref<8x128xf32, #tpu.memory_space<vmem>>, vector<1x16xf32>,
      %get3A_2267 = vector.shape_cast %get3A_2266 : vector<1x16xf32> to vector<16xf32>
      %add3A_2268 = arith.addf %get3A_2267, %while3A_2202#5 : vector<16xf32>
      %swap3A_2269 = arith.constant 7 : i32
      %swap3A_2270 = arith.index_cast %swap3A_2269 : i32 to index
      %swap3A_2271 = arith.constant 80 : index
      %swap3A_2272 = tpu.vector_load %arg7[%swap3A_2270, %swap3A_2271] {strides = array<i32>} : memref<8x128xf32, #tpu.memory_space<vmem>>, vector<1x16xf32>,
      %swap3A_2273 = vector.shape_cast %swap3A_2272 : vector<1x16xf32> to vector<16xf32>
      %swap3A_2274 = vector.shape_cast %add3A_2268 : vector<16xf32> to vector<1x16xf32>
      tpu.vector_store %arg7[%swap3A_2270, %swap3A_2271], %swap3A_2274 {strides = array<i32>} : memref<8x128xf32, #tpu.memory_space<vmem>>, vector<1x16xf32>,
      %get3A_2275 = arith.constant 7 : i32
      %get3A_2276 = arith.index_cast %get3A_2275 : i32 to index
      %get3A_2277 = arith.constant 96 : index
      %get3A_2278 = tpu.vector_load %arg7[%get3A_2276, %get3A_2277] {strides = array<i32>} : memref<8x128xf32, #tpu.memory_space<vmem>>, vector<1x16xf32>,
      %get3A_2279 = vector.shape_cast %get3A_2278 : vector<1x16xf32> to vector<16xf32>
      %add3A_2280 = arith.addf %get3A_2279, %while3A_2202#6 : vector<16xf32>
      %swap3A_2281 = arith.constant 7 : i32
      %swap3A_2282 = arith.index_cast %swap3A_2281 : i32 to index
      %swap3A_2283 = arith.constant 96 : index
      %swap3A_2284 = tpu.vector_load %arg7[%swap3A_2282, %swap3A_2283] {strides = array<i32>} : memref<8x128xf32, #tpu.memory_space<vmem>>, vector<1x16xf32>,
      %swap3A_2285 = vector.shape_cast %swap3A_2284 : vector<1x16xf32> to vector<16xf32>
      %swap3A_2286 = vector.shape_cast %add3A_2280 : vector<16xf32> to vector<1x16xf32>
      tpu.vector_store %arg7[%swap3A_2282, %swap3A_2283], %swap3A_2286 {strides = array<i32>} : memref<8x128xf32, #tpu.memory_space<vmem>>, vector<1x16xf32>,
      %get3A_2287 = arith.constant 7 : i32
      %get3A_2288 = arith.index_cast %get3A_2287 : i32 to index
      %get3A_2289 = arith.constant 112 : index
      %get3A_2290 = tpu.vector_load %arg7[%get3A_2288, %get3A_2289] {strides = array<i32>} : memref<8x128xf32, #tpu.memory_space<vmem>>, vector<1x16xf32>,
      %get3A_2291 = vector.shape_cast %get3A_2290 : vector<1x16xf32> to vector<16xf32>
      %add3A_2292 = arith.addf %get3A_2291, %while3A_2202#7 : vector<16xf32>
      %swap3A_2293 = arith.constant 7 : i32
      %swap3A_2294 = arith.index_cast %swap3A_2293 : i32 to index
      %swap3A_2295 = arith.constant 112 : index
      %swap3A_2296 = tpu.vector_load %arg7[%swap3A_2294, %swap3A_2295] {strides = array<i32>} : memref<8x128xf32, #tpu.memory_space<vmem>>, vector<1x16xf32>,
      %swap3A_2297 = vector.shape_cast %swap3A_2296 : vector<1x16xf32> to vector<16xf32>
      %swap3A_2298 = vector.shape_cast %add3A_2292 : vector<16xf32> to vector<1x16xf32>
      tpu.vector_store %arg7[%swap3A_2294, %swap3A_2295], %swap3A_2298 {strides = array<i32>} : memref<8x128xf32, #tpu.memory_space<vmem>>, vector<1x16xf32>,
    }
    %while3A_456 = arith.constant 1 : i32
    scf.for %while3A_1289 = %while3A_454 to %while3A_450 step %while3A_456  : i32 {
      %mul3A_1290 = arith.constant 400 : i32
      %mul3A_1291 = arith.muli %while3A_1289, %mul3A_1290 : i32
      "tpu.region"() ({
        %run_scoped3A = tpu.sem_alloc : memref<!tpu.dma_semaphore, #tpu.memory_space<semaphore_mem>>
        %dma_start3A = arith.constant 0 : i32
        %dma_start3A_2299 = tpu.memref_slice %arg2[%mul3A_1291, %dma_start3A] : memref<100000x128xf32, #tpu.memory_space<hbm>> -> memref<400x128xf32, #tpu.memory_space<hbm>>
        %dma_start3A_2300 = arith.constant 0 : i32
        %dma_start3A_2301 = tpu.memref_slice %arg2[%mul3A_1291, %dma_start3A_2300] : memref<100000x128xf32, #tpu.memory_space<hbm>> -> memref<400x128xf32, #tpu.memory_space<hbm>>
        tpu.enqueue_dma source(%dma_start3A_2301 : memref<400x128xf32, #tpu.memory_space<hbm>>) target(%arg6 : memref<400x128xf32, #tpu.memory_space<vmem>>) target_semaphore(%run_scoped3A : memref<!tpu.dma_semaphore, #tpu.memory_space<semaphore_mem>>)
        %dma_wait3A = arith.constant 0 : i32
        %dma_wait3A_2302 = tpu.memref_slice %arg2[%mul3A_1291, %dma_wait3A] : memref<100000x128xf32, #tpu.memory_space<hbm>> -> memref<400x128xf32, #tpu.memory_space<hbm>>
        %dma_wait3A_2303 = arith.constant 0 : i32
        %dma_wait3A_2304 = tpu.memref_slice %arg2[%mul3A_1291, %dma_wait3A_2303] : memref<100000x128xf32, #tpu.memory_space<hbm>> -> memref<400x128xf32, #tpu.memory_space<hbm>>
        tpu.wait_dma2 semaphore(%run_scoped3A : memref<!tpu.dma_semaphore, #tpu.memory_space<semaphore_mem>>) src(%dma_wait3A_2304 : memref<400x128xf32, #tpu.memory_space<hbm>>) dst(%arg6 : memref<400x128xf32, #tpu.memory_space<vmem>>)
        tpu.yield
      }) : () -> ()
      %max3A_1292 = arith.maxsi %squeeze3A, %mul3A_1291 : i32
      %add3A_1293 = arith.constant 400 : i32
      %add3A_1294 = arith.addi %mul3A_1291, %add3A_1293 : i32
      %min3A = arith.minsi %squeeze3A_6, %add3A_1294 : i32
      %broadcast_in_dim3A_1295 = arith.constant 0.000000e+00 : f32
      %broadcast_in_dim3A_1296 = vector.broadcast %broadcast_in_dim3A_1295 : f32 to vector<16xf32>
      %broadcast_in_dim3A_1297 = arith.constant 0.000000e+00 : f32
      %broadcast_in_dim3A_1298 = vector.broadcast %broadcast_in_dim3A_1297 : f32 to vector<16xf32>
      %broadcast_in_dim3A_1299 = arith.constant 0.000000e+00 : f32
      %broadcast_in_dim3A_1300 = vector.broadcast %broadcast_in_dim3A_1299 : f32 to vector<16xf32>
      %broadcast_in_dim3A_1301 = arith.constant 0.000000e+00 : f32
      %broadcast_in_dim3A_1302 = vector.broadcast %broadcast_in_dim3A_1301 : f32 to vector<16xf32>
      %broadcast_in_dim3A_1303 = arith.constant 0.000000e+00 : f32
      %broadcast_in_dim3A_1304 = vector.broadcast %broadcast_in_dim3A_1303 : f32 to vector<16xf32>
      %broadcast_in_dim3A_1305 = arith.constant 0.000000e+00 : f32
      %broadcast_in_dim3A_1306 = vector.broadcast %broadcast_in_dim3A_1305 : f32 to vector<16xf32>
      %broadcast_in_dim3A_1307 = arith.constant 0.000000e+00 : f32
      %broadcast_in_dim3A_1308 = vector.broadcast %broadcast_in_dim3A_1307 : f32 to vector<16xf32>
      %broadcast_in_dim3A_1309 = arith.constant 0.000000e+00 : f32
      %broadcast_in_dim3A_1310 = vector.broadcast %broadcast_in_dim3A_1309 : f32 to vector<16xf32>
      %while3A_1311 = arith.subi %min3A, %max3A_1292 : i32
      %while3A_1312 = arith.addi %max3A_1292, %while3A_1311 : i32
      %while3A_1313 = arith.constant 1 : i32
      %while3A_1314 = arith.divsi %while3A_1311, %while3A_1313 : i32
      %while3A_1315 = arith.muli %while3A_1314, %while3A_1313 : i32
      %while3A_1316 = arith.addi %max3A_1292, %while3A_1315 : i32
      %while3A_1317 = arith.constant 1 : i32
      %while3A_1318:8 = scf.for %while3A_2299 = %max3A_1292 to %while3A_1316 step %while3A_1317 iter_args(%while3A_2300 = %broadcast_in_dim3A_1296, %while3A_2301 = %broadcast_in_dim3A_1298, %while3A_2302 = %broadcast_in_dim3A_1300, %while3A_2303 = %broadcast_in_dim3A_1302, %while3A_2304 = %broadcast_in_dim3A_1304, %while3A_2305 = %broadcast_in_dim3A_1306, %while3A_2306 = %broadcast_in_dim3A_1308, %while3A_2307 = %broadcast_in_dim3A_1310) -> (vector<16xf32>, vector<16xf32>, vector<16xf32>, vector<16xf32>, vector<16xf32>, vector<16xf32>, vector<16xf32>, vector<16xf32>)  : i32 {
        %sub3A_2308 = arith.subi %while3A_2299, %mul3A_1291 : i32
        %get3A_2309 = arith.index_cast %sub3A_2308 : i32 to index
        %get3A_2310 = arith.constant 0 : index
        %get3A_2311 = tpu.vector_load %arg6[%get3A_2309, %get3A_2310] {strides = array<i32>} : memref<400x128xf32, #tpu.memory_space<vmem>>, vector<1x16xf32>,
        %get3A_2312 = vector.shape_cast %get3A_2311 : vector<1x16xf32> to vector<16xf32>
        %add3A_2313 = arith.addf %while3A_2300, %get3A_2312 : vector<16xf32>
        %get3A_2314 = arith.index_cast %sub3A_2308 : i32 to index
        %get3A_2315 = arith.constant 16 : index
        %get3A_2316 = tpu.vector_load %arg6[%get3A_2314, %get3A_2315] {strides = array<i32>} : memref<400x128xf32, #tpu.memory_space<vmem>>, vector<1x16xf32>,
        %get3A_2317 = vector.shape_cast %get3A_2316 : vector<1x16xf32> to vector<16xf32>
        %add3A_2318 = arith.addf %while3A_2301, %get3A_2317 : vector<16xf32>
        %get3A_2319 = arith.index_cast %sub3A_2308 : i32 to index
        %get3A_2320 = arith.constant 32 : index
        %get3A_2321 = tpu.vector_load %arg6[%get3A_2319, %get3A_2320] {strides = array<i32>} : memref<400x128xf32, #tpu.memory_space<vmem>>, vector<1x16xf32>,
        %get3A_2322 = vector.shape_cast %get3A_2321 : vector<1x16xf32> to vector<16xf32>
        %add3A_2323 = arith.addf %while3A_2302, %get3A_2322 : vector<16xf32>
        %get3A_2324 = arith.index_cast %sub3A_2308 : i32 to index
        %get3A_2325 = arith.constant 48 : index
        %get3A_2326 = tpu.vector_load %arg6[%get3A_2324, %get3A_2325] {strides = array<i32>} : memref<400x128xf32, #tpu.memory_space<vmem>>, vector<1x16xf32>,
        %get3A_2327 = vector.shape_cast %get3A_2326 : vector<1x16xf32> to vector<16xf32>
        %add3A_2328 = arith.addf %while3A_2303, %get3A_2327 : vector<16xf32>
        %get3A_2329 = arith.index_cast %sub3A_2308 : i32 to index
        %get3A_2330 = arith.constant 64 : index
        %get3A_2331 = tpu.vector_load %arg6[%get3A_2329, %get3A_2330] {strides = array<i32>} : memref<400x128xf32, #tpu.memory_space<vmem>>, vector<1x16xf32>,
        %get3A_2332 = vector.shape_cast %get3A_2331 : vector<1x16xf32> to vector<16xf32>
        %add3A_2333 = arith.addf %while3A_2304, %get3A_2332 : vector<16xf32>
        %get3A_2334 = arith.index_cast %sub3A_2308 : i32 to index
        %get3A_2335 = arith.constant 80 : index
        %get3A_2336 = tpu.vector_load %arg6[%get3A_2334, %get3A_2335] {strides = array<i32>} : memref<400x128xf32, #tpu.memory_space<vmem>>, vector<1x16xf32>,
        %get3A_2337 = vector.shape_cast %get3A_2336 : vector<1x16xf32> to vector<16xf32>
        %add3A_2338 = arith.addf %while3A_2305, %get3A_2337 : vector<16xf32>
        %get3A_2339 = arith.index_cast %sub3A_2308 : i32 to index
        %get3A_2340 = arith.constant 96 : index
        %get3A_2341 = tpu.vector_load %arg6[%get3A_2339, %get3A_2340] {strides = array<i32>} : memref<400x128xf32, #tpu.memory_space<vmem>>, vector<1x16xf32>,
        %get3A_2342 = vector.shape_cast %get3A_2341 : vector<1x16xf32> to vector<16xf32>
        %add3A_2343 = arith.addf %while3A_2306, %get3A_2342 : vector<16xf32>
        %get3A_2344 = arith.index_cast %sub3A_2308 : i32 to index
        %get3A_2345 = arith.constant 112 : index
        %get3A_2346 = tpu.vector_load %arg6[%get3A_2344, %get3A_2345] {strides = array<i32>} : memref<400x128xf32, #tpu.memory_space<vmem>>, vector<1x16xf32>,
        %get3A_2347 = vector.shape_cast %get3A_2346 : vector<1x16xf32> to vector<16xf32>
        %add3A_2348 = arith.addf %while3A_2307, %get3A_2347 : vector<16xf32>
        scf.yield %add3A_2313, %add3A_2318, %add3A_2323, %add3A_2328, %add3A_2333, %add3A_2338, %add3A_2343, %add3A_2348 : vector<16xf32>, vector<16xf32>, vector<16xf32>, vector<16xf32>, vector<16xf32>, vector<16xf32>, vector<16xf32>, vector<16xf32>
      }
      %while3A_1319 = arith.constant 1 : i32
      %while3A_1320:8 = scf.for %while3A_2299 = %while3A_1316 to %while3A_1312 step %while3A_1319 iter_args(%while3A_2300 = %while3A_1318#0, %while3A_2301 = %while3A_1318#1, %while3A_2302 = %while3A_1318#2, %while3A_2303 = %while3A_1318#3, %while3A_2304 = %while3A_1318#4, %while3A_2305 = %while3A_1318#5, %while3A_2306 = %while3A_1318#6, %while3A_2307 = %while3A_1318#7) -> (vector<16xf32>, vector<16xf32>, vector<16xf32>, vector<16xf32>, vector<16xf32>, vector<16xf32>, vector<16xf32>, vector<16xf32>)  : i32 {
        %sub3A_2308 = arith.subi %while3A_2299, %mul3A_1291 : i32
        %get3A_2309 = arith.index_cast %sub3A_2308 : i32 to index
        %get3A_2310 = arith.constant 0 : index
        %get3A_2311 = tpu.vector_load %arg6[%get3A_2309, %get3A_2310] {strides = array<i32>} : memref<400x128xf32, #tpu.memory_space<vmem>>, vector<1x16xf32>,
        %get3A_2312 = vector.shape_cast %get3A_2311 : vector<1x16xf32> to vector<16xf32>
        %add3A_2313 = arith.addf %while3A_2300, %get3A_2312 : vector<16xf32>
        %get3A_2314 = arith.index_cast %sub3A_2308 : i32 to index
        %get3A_2315 = arith.constant 16 : index
        %get3A_2316 = tpu.vector_load %arg6[%get3A_2314, %get3A_2315] {strides = array<i32>} : memref<400x128xf32, #tpu.memory_space<vmem>>, vector<1x16xf32>,
        %get3A_2317 = vector.shape_cast %get3A_2316 : vector<1x16xf32> to vector<16xf32>
        %add3A_2318 = arith.addf %while3A_2301, %get3A_2317 : vector<16xf32>
        %get3A_2319 = arith.index_cast %sub3A_2308 : i32 to index
        %get3A_2320 = arith.constant 32 : index
        %get3A_2321 = tpu.vector_load %arg6[%get3A_2319, %get3A_2320] {strides = array<i32>} : memref<400x128xf32, #tpu.memory_space<vmem>>, vector<1x16xf32>,
        %get3A_2322 = vector.shape_cast %get3A_2321 : vector<1x16xf32> to vector<16xf32>
        %add3A_2323 = arith.addf %while3A_2302, %get3A_2322 : vector<16xf32>
        %get3A_2324 = arith.index_cast %sub3A_2308 : i32 to index
        %get3A_2325 = arith.constant 48 : index
        %get3A_2326 = tpu.vector_load %arg6[%get3A_2324, %get3A_2325] {strides = array<i32>} : memref<400x128xf32, #tpu.memory_space<vmem>>, vector<1x16xf32>,
        %get3A_2327 = vector.shape_cast %get3A_2326 : vector<1x16xf32> to vector<16xf32>
        %add3A_2328 = arith.addf %while3A_2303, %get3A_2327 : vector<16xf32>
        %get3A_2329 = arith.index_cast %sub3A_2308 : i32 to index
        %get3A_2330 = arith.constant 64 : index
        %get3A_2331 = tpu.vector_load %arg6[%get3A_2329, %get3A_2330] {strides = array<i32>} : memref<400x128xf32, #tpu.memory_space<vmem>>, vector<1x16xf32>,
        %get3A_2332 = vector.shape_cast %get3A_2331 : vector<1x16xf32> to vector<16xf32>
        %add3A_2333 = arith.addf %while3A_2304, %get3A_2332 : vector<16xf32>
        %get3A_2334 = arith.index_cast %sub3A_2308 : i32 to index
        %get3A_2335 = arith.constant 80 : index
        %get3A_2336 = tpu.vector_load %arg6[%get3A_2334, %get3A_2335] {strides = array<i32>} : memref<400x128xf32, #tpu.memory_space<vmem>>, vector<1x16xf32>,
        %get3A_2337 = vector.shape_cast %get3A_2336 : vector<1x16xf32> to vector<16xf32>
        %add3A_2338 = arith.addf %while3A_2305, %get3A_2337 : vector<16xf32>
        %get3A_2339 = arith.index_cast %sub3A_2308 : i32 to index
        %get3A_2340 = arith.constant 96 : index
        %get3A_2341 = tpu.vector_load %arg6[%get3A_2339, %get3A_2340] {strides = array<i32>} : memref<400x128xf32, #tpu.memory_space<vmem>>, vector<1x16xf32>,
        %get3A_2342 = vector.shape_cast %get3A_2341 : vector<1x16xf32> to vector<16xf32>
        %add3A_2343 = arith.addf %while3A_2306, %get3A_2342 : vector<16xf32>
        %get3A_2344 = arith.index_cast %sub3A_2308 : i32 to index
        %get3A_2345 = arith.constant 112 : index
        %get3A_2346 = tpu.vector_load %arg6[%get3A_2344, %get3A_2345] {strides = array<i32>} : memref<400x128xf32, #tpu.memory_space<vmem>>, vector<1x16xf32>,
        %get3A_2347 = vector.shape_cast %get3A_2346 : vector<1x16xf32> to vector<16xf32>
        %add3A_2348 = arith.addf %while3A_2307, %get3A_2347 : vector<16xf32>
        scf.yield %add3A_2313, %add3A_2318, %add3A_2323, %add3A_2328, %add3A_2333, %add3A_2338, %add3A_2343, %add3A_2348 : vector<16xf32>, vector<16xf32>, vector<16xf32>, vector<16xf32>, vector<16xf32>, vector<16xf32>, vector<16xf32>, vector<16xf32>
      }
      %get3A_1321 = arith.constant 0 : i32
      %get3A_1322 = arith.index_cast %get3A_1321 : i32 to index
      %get3A_1323 = arith.constant 0 : index
      %get3A_1324 = tpu.vector_load %arg7[%get3A_1322, %get3A_1323] {strides = array<i32>} : memref<8x128xf32, #tpu.memory_space<vmem>>, vector<1x16xf32>,
      %get3A_1325 = vector.shape_cast %get3A_1324 : vector<1x16xf32> to vector<16xf32>
      %add3A_1326 = arith.addf %get3A_1325, %while3A_1320#0 : vector<16xf32>
      %swap3A_1327 = arith.constant 0 : i32
      %swap3A_1328 = arith.index_cast %swap3A_1327 : i32 to index
      %swap3A_1329 = arith.constant 0 : index
      %swap3A_1330 = tpu.vector_load %arg7[%swap3A_1328, %swap3A_1329] {strides = array<i32>} : memref<8x128xf32, #tpu.memory_space<vmem>>, vector<1x16xf32>,
      %swap3A_1331 = vector.shape_cast %swap3A_1330 : vector<1x16xf32> to vector<16xf32>
      %swap3A_1332 = vector.shape_cast %add3A_1326 : vector<16xf32> to vector<1x16xf32>
      tpu.vector_store %arg7[%swap3A_1328, %swap3A_1329], %swap3A_1332 {strides = array<i32>} : memref<8x128xf32, #tpu.memory_space<vmem>>, vector<1x16xf32>,
      %get3A_1333 = arith.constant 0 : i32
      %get3A_1334 = arith.index_cast %get3A_1333 : i32 to index
      %get3A_1335 = arith.constant 16 : index
      %get3A_1336 = tpu.vector_load %arg7[%get3A_1334, %get3A_1335] {strides = array<i32>} : memref<8x128xf32, #tpu.memory_space<vmem>>, vector<1x16xf32>,
      %get3A_1337 = vector.shape_cast %get3A_1336 : vector<1x16xf32> to vector<16xf32>
      %add3A_1338 = arith.addf %get3A_1337, %while3A_1320#1 : vector<16xf32>
      %swap3A_1339 = arith.constant 0 : i32
      %swap3A_1340 = arith.index_cast %swap3A_1339 : i32 to index
      %swap3A_1341 = arith.constant 16 : index
      %swap3A_1342 = tpu.vector_load %arg7[%swap3A_1340, %swap3A_1341] {strides = array<i32>} : memref<8x128xf32, #tpu.memory_space<vmem>>, vector<1x16xf32>,
      %swap3A_1343 = vector.shape_cast %swap3A_1342 : vector<1x16xf32> to vector<16xf32>
      %swap3A_1344 = vector.shape_cast %add3A_1338 : vector<16xf32> to vector<1x16xf32>
      tpu.vector_store %arg7[%swap3A_1340, %swap3A_1341], %swap3A_1344 {strides = array<i32>} : memref<8x128xf32, #tpu.memory_space<vmem>>, vector<1x16xf32>,
      %get3A_1345 = arith.constant 0 : i32
      %get3A_1346 = arith.index_cast %get3A_1345 : i32 to index
      %get3A_1347 = arith.constant 32 : index
      %get3A_1348 = tpu.vector_load %arg7[%get3A_1346, %get3A_1347] {strides = array<i32>} : memref<8x128xf32, #tpu.memory_space<vmem>>, vector<1x16xf32>,
      %get3A_1349 = vector.shape_cast %get3A_1348 : vector<1x16xf32> to vector<16xf32>
      %add3A_1350 = arith.addf %get3A_1349, %while3A_1320#2 : vector<16xf32>
      %swap3A_1351 = arith.constant 0 : i32
      %swap3A_1352 = arith.index_cast %swap3A_1351 : i32 to index
      %swap3A_1353 = arith.constant 32 : index
      %swap3A_1354 = tpu.vector_load %arg7[%swap3A_1352, %swap3A_1353] {strides = array<i32>} : memref<8x128xf32, #tpu.memory_space<vmem>>, vector<1x16xf32>,
      %swap3A_1355 = vector.shape_cast %swap3A_1354 : vector<1x16xf32> to vector<16xf32>
      %swap3A_1356 = vector.shape_cast %add3A_1350 : vector<16xf32> to vector<1x16xf32>
      tpu.vector_store %arg7[%swap3A_1352, %swap3A_1353], %swap3A_1356 {strides = array<i32>} : memref<8x128xf32, #tpu.memory_space<vmem>>, vector<1x16xf32>,
      %get3A_1357 = arith.constant 0 : i32
      %get3A_1358 = arith.index_cast %get3A_1357 : i32 to index
      %get3A_1359 = arith.constant 48 : index
      %get3A_1360 = tpu.vector_load %arg7[%get3A_1358, %get3A_1359] {strides = array<i32>} : memref<8x128xf32, #tpu.memory_space<vmem>>, vector<1x16xf32>,
      %get3A_1361 = vector.shape_cast %get3A_1360 : vector<1x16xf32> to vector<16xf32>
      %add3A_1362 = arith.addf %get3A_1361, %while3A_1320#3 : vector<16xf32>
      %swap3A_1363 = arith.constant 0 : i32
      %swap3A_1364 = arith.index_cast %swap3A_1363 : i32 to index
      %swap3A_1365 = arith.constant 48 : index
      %swap3A_1366 = tpu.vector_load %arg7[%swap3A_1364, %swap3A_1365] {strides = array<i32>} : memref<8x128xf32, #tpu.memory_space<vmem>>, vector<1x16xf32>,
      %swap3A_1367 = vector.shape_cast %swap3A_1366 : vector<1x16xf32> to vector<16xf32>
      %swap3A_1368 = vector.shape_cast %add3A_1362 : vector<16xf32> to vector<1x16xf32>
      tpu.vector_store %arg7[%swap3A_1364, %swap3A_1365], %swap3A_1368 {strides = array<i32>} : memref<8x128xf32, #tpu.memory_space<vmem>>, vector<1x16xf32>,
      %get3A_1369 = arith.constant 0 : i32
      %get3A_1370 = arith.index_cast %get3A_1369 : i32 to index
      %get3A_1371 = arith.constant 64 : index
      %get3A_1372 = tpu.vector_load %arg7[%get3A_1370, %get3A_1371] {strides = array<i32>} : memref<8x128xf32, #tpu.memory_space<vmem>>, vector<1x16xf32>,
      %get3A_1373 = vector.shape_cast %get3A_1372 : vector<1x16xf32> to vector<16xf32>
      %add3A_1374 = arith.addf %get3A_1373, %while3A_1320#4 : vector<16xf32>
      %swap3A_1375 = arith.constant 0 : i32
      %swap3A_1376 = arith.index_cast %swap3A_1375 : i32 to index
      %swap3A_1377 = arith.constant 64 : index
      %swap3A_1378 = tpu.vector_load %arg7[%swap3A_1376, %swap3A_1377] {strides = array<i32>} : memref<8x128xf32, #tpu.memory_space<vmem>>, vector<1x16xf32>,
      %swap3A_1379 = vector.shape_cast %swap3A_1378 : vector<1x16xf32> to vector<16xf32>
      %swap3A_1380 = vector.shape_cast %add3A_1374 : vector<16xf32> to vector<1x16xf32>
      tpu.vector_store %arg7[%swap3A_1376, %swap3A_1377], %swap3A_1380 {strides = array<i32>} : memref<8x128xf32, #tpu.memory_space<vmem>>, vector<1x16xf32>,
      %get3A_1381 = arith.constant 0 : i32
      %get3A_1382 = arith.index_cast %get3A_1381 : i32 to index
      %get3A_1383 = arith.constant 80 : index
      %get3A_1384 = tpu.vector_load %arg7[%get3A_1382, %get3A_1383] {strides = array<i32>} : memref<8x128xf32, #tpu.memory_space<vmem>>, vector<1x16xf32>,
      %get3A_1385 = vector.shape_cast %get3A_1384 : vector<1x16xf32> to vector<16xf32>
      %add3A_1386 = arith.addf %get3A_1385, %while3A_1320#5 : vector<16xf32>
      %swap3A_1387 = arith.constant 0 : i32
      %swap3A_1388 = arith.index_cast %swap3A_1387 : i32 to index
      %swap3A_1389 = arith.constant 80 : index
      %swap3A_1390 = tpu.vector_load %arg7[%swap3A_1388, %swap3A_1389] {strides = array<i32>} : memref<8x128xf32, #tpu.memory_space<vmem>>, vector<1x16xf32>,
      %swap3A_1391 = vector.shape_cast %swap3A_1390 : vector<1x16xf32> to vector<16xf32>
      %swap3A_1392 = vector.shape_cast %add3A_1386 : vector<16xf32> to vector<1x16xf32>
      tpu.vector_store %arg7[%swap3A_1388, %swap3A_1389], %swap3A_1392 {strides = array<i32>} : memref<8x128xf32, #tpu.memory_space<vmem>>, vector<1x16xf32>,
      %get3A_1393 = arith.constant 0 : i32
      %get3A_1394 = arith.index_cast %get3A_1393 : i32 to index
      %get3A_1395 = arith.constant 96 : index
      %get3A_1396 = tpu.vector_load %arg7[%get3A_1394, %get3A_1395] {strides = array<i32>} : memref<8x128xf32, #tpu.memory_space<vmem>>, vector<1x16xf32>,
      %get3A_1397 = vector.shape_cast %get3A_1396 : vector<1x16xf32> to vector<16xf32>
      %add3A_1398 = arith.addf %get3A_1397, %while3A_1320#6 : vector<16xf32>
      %swap3A_1399 = arith.constant 0 : i32
      %swap3A_1400 = arith.index_cast %swap3A_1399 : i32 to index
      %swap3A_1401 = arith.constant 96 : index
      %swap3A_1402 = tpu.vector_load %arg7[%swap3A_1400, %swap3A_1401] {strides = array<i32>} : memref<8x128xf32, #tpu.memory_space<vmem>>, vector<1x16xf32>,
      %swap3A_1403 = vector.shape_cast %swap3A_1402 : vector<1x16xf32> to vector<16xf32>
      %swap3A_1404 = vector.shape_cast %add3A_1398 : vector<16xf32> to vector<1x16xf32>
      tpu.vector_store %arg7[%swap3A_1400, %swap3A_1401], %swap3A_1404 {strides = array<i32>} : memref<8x128xf32, #tpu.memory_space<vmem>>, vector<1x16xf32>,
      %get3A_1405 = arith.constant 0 : i32
      %get3A_1406 = arith.index_cast %get3A_1405 : i32 to index
      %get3A_1407 = arith.constant 112 : index
      %get3A_1408 = tpu.vector_load %arg7[%get3A_1406, %get3A_1407] {strides = array<i32>} : memref<8x128xf32, #tpu.memory_space<vmem>>, vector<1x16xf32>,
      %get3A_1409 = vector.shape_cast %get3A_1408 : vector<1x16xf32> to vector<16xf32>
      %add3A_1410 = arith.addf %get3A_1409, %while3A_1320#7 : vector<16xf32>
      %swap3A_1411 = arith.constant 0 : i32
      %swap3A_1412 = arith.index_cast %swap3A_1411 : i32 to index
      %swap3A_1413 = arith.constant 112 : index
      %swap3A_1414 = tpu.vector_load %arg7[%swap3A_1412, %swap3A_1413] {strides = array<i32>} : memref<8x128xf32, #tpu.memory_space<vmem>>, vector<1x16xf32>,
      %swap3A_1415 = vector.shape_cast %swap3A_1414 : vector<1x16xf32> to vector<16xf32>
      %swap3A_1416 = vector.shape_cast %add3A_1410 : vector<16xf32> to vector<1x16xf32>
      tpu.vector_store %arg7[%swap3A_1412, %swap3A_1413], %swap3A_1416 {strides = array<i32>} : memref<8x128xf32, #tpu.memory_space<vmem>>, vector<1x16xf32>,
      %max3A_1417 = arith.maxsi %squeeze3A_6, %mul3A_1291 : i32
      %add3A_1418 = arith.constant 400 : i32
      %add3A_1419 = arith.addi %mul3A_1291, %add3A_1418 : i32
      %min3A_1420 = arith.minsi %squeeze3A_8, %add3A_1419 : i32
      %broadcast_in_dim3A_1421 = arith.constant 0.000000e+00 : f32
      %broadcast_in_dim3A_1422 = vector.broadcast %broadcast_in_dim3A_1421 : f32 to vector<16xf32>
      %broadcast_in_dim3A_1423 = arith.constant 0.000000e+00 : f32
      %broadcast_in_dim3A_1424 = vector.broadcast %broadcast_in_dim3A_1423 : f32 to vector<16xf32>
      %broadcast_in_dim3A_1425 = arith.constant 0.000000e+00 : f32
      %broadcast_in_dim3A_1426 = vector.broadcast %broadcast_in_dim3A_1425 : f32 to vector<16xf32>
      %broadcast_in_dim3A_1427 = arith.constant 0.000000e+00 : f32
      %broadcast_in_dim3A_1428 = vector.broadcast %broadcast_in_dim3A_1427 : f32 to vector<16xf32>
      %broadcast_in_dim3A_1429 = arith.constant 0.000000e+00 : f32
      %broadcast_in_dim3A_1430 = vector.broadcast %broadcast_in_dim3A_1429 : f32 to vector<16xf32>
      %broadcast_in_dim3A_1431 = arith.constant 0.000000e+00 : f32
      %broadcast_in_dim3A_1432 = vector.broadcast %broadcast_in_dim3A_1431 : f32 to vector<16xf32>
      %broadcast_in_dim3A_1433 = arith.constant 0.000000e+00 : f32
      %broadcast_in_dim3A_1434 = vector.broadcast %broadcast_in_dim3A_1433 : f32 to vector<16xf32>
      %broadcast_in_dim3A_1435 = arith.constant 0.000000e+00 : f32
      %broadcast_in_dim3A_1436 = vector.broadcast %broadcast_in_dim3A_1435 : f32 to vector<16xf32>
      %while3A_1437 = arith.subi %min3A_1420, %max3A_1417 : i32
      %while3A_1438 = arith.addi %max3A_1417, %while3A_1437 : i32
      %while3A_1439 = arith.constant 1 : i32
      %while3A_1440 = arith.divsi %while3A_1437, %while3A_1439 : i32
      %while3A_1441 = arith.muli %while3A_1440, %while3A_1439 : i32
      %while3A_1442 = arith.addi %max3A_1417, %while3A_1441 : i32
      %while3A_1443 = arith.constant 1 : i32
      %while3A_1444:8 = scf.for %while3A_2299 = %max3A_1417 to %while3A_1442 step %while3A_1443 iter_args(%while3A_2300 = %broadcast_in_dim3A_1422, %while3A_2301 = %broadcast_in_dim3A_1424, %while3A_2302 = %broadcast_in_dim3A_1426, %while3A_2303 = %broadcast_in_dim3A_1428, %while3A_2304 = %broadcast_in_dim3A_1430, %while3A_2305 = %broadcast_in_dim3A_1432, %while3A_2306 = %broadcast_in_dim3A_1434, %while3A_2307 = %broadcast_in_dim3A_1436) -> (vector<16xf32>, vector<16xf32>, vector<16xf32>, vector<16xf32>, vector<16xf32>, vector<16xf32>, vector<16xf32>, vector<16xf32>)  : i32 {
        %sub3A_2308 = arith.subi %while3A_2299, %mul3A_1291 : i32
        %get3A_2309 = arith.index_cast %sub3A_2308 : i32 to index
        %get3A_2310 = arith.constant 0 : index
        %get3A_2311 = tpu.vector_load %arg6[%get3A_2309, %get3A_2310] {strides = array<i32>} : memref<400x128xf32, #tpu.memory_space<vmem>>, vector<1x16xf32>,
        %get3A_2312 = vector.shape_cast %get3A_2311 : vector<1x16xf32> to vector<16xf32>
        %add3A_2313 = arith.addf %while3A_2300, %get3A_2312 : vector<16xf32>
        %get3A_2314 = arith.index_cast %sub3A_2308 : i32 to index
        %get3A_2315 = arith.constant 16 : index
        %get3A_2316 = tpu.vector_load %arg6[%get3A_2314, %get3A_2315] {strides = array<i32>} : memref<400x128xf32, #tpu.memory_space<vmem>>, vector<1x16xf32>,
        %get3A_2317 = vector.shape_cast %get3A_2316 : vector<1x16xf32> to vector<16xf32>
        %add3A_2318 = arith.addf %while3A_2301, %get3A_2317 : vector<16xf32>
        %get3A_2319 = arith.index_cast %sub3A_2308 : i32 to index
        %get3A_2320 = arith.constant 32 : index
        %get3A_2321 = tpu.vector_load %arg6[%get3A_2319, %get3A_2320] {strides = array<i32>} : memref<400x128xf32, #tpu.memory_space<vmem>>, vector<1x16xf32>,
        %get3A_2322 = vector.shape_cast %get3A_2321 : vector<1x16xf32> to vector<16xf32>
        %add3A_2323 = arith.addf %while3A_2302, %get3A_2322 : vector<16xf32>
        %get3A_2324 = arith.index_cast %sub3A_2308 : i32 to index
        %get3A_2325 = arith.constant 48 : index
        %get3A_2326 = tpu.vector_load %arg6[%get3A_2324, %get3A_2325] {strides = array<i32>} : memref<400x128xf32, #tpu.memory_space<vmem>>, vector<1x16xf32>,
        %get3A_2327 = vector.shape_cast %get3A_2326 : vector<1x16xf32> to vector<16xf32>
        %add3A_2328 = arith.addf %while3A_2303, %get3A_2327 : vector<16xf32>
        %get3A_2329 = arith.index_cast %sub3A_2308 : i32 to index
        %get3A_2330 = arith.constant 64 : index
        %get3A_2331 = tpu.vector_load %arg6[%get3A_2329, %get3A_2330] {strides = array<i32>} : memref<400x128xf32, #tpu.memory_space<vmem>>, vector<1x16xf32>,
        %get3A_2332 = vector.shape_cast %get3A_2331 : vector<1x16xf32> to vector<16xf32>
        %add3A_2333 = arith.addf %while3A_2304, %get3A_2332 : vector<16xf32>
        %get3A_2334 = arith.index_cast %sub3A_2308 : i32 to index
        %get3A_2335 = arith.constant 80 : index
        %get3A_2336 = tpu.vector_load %arg6[%get3A_2334, %get3A_2335] {strides = array<i32>} : memref<400x128xf32, #tpu.memory_space<vmem>>, vector<1x16xf32>,
        %get3A_2337 = vector.shape_cast %get3A_2336 : vector<1x16xf32> to vector<16xf32>
        %add3A_2338 = arith.addf %while3A_2305, %get3A_2337 : vector<16xf32>
        %get3A_2339 = arith.index_cast %sub3A_2308 : i32 to index
        %get3A_2340 = arith.constant 96 : index
        %get3A_2341 = tpu.vector_load %arg6[%get3A_2339, %get3A_2340] {strides = array<i32>} : memref<400x128xf32, #tpu.memory_space<vmem>>, vector<1x16xf32>,
        %get3A_2342 = vector.shape_cast %get3A_2341 : vector<1x16xf32> to vector<16xf32>
        %add3A_2343 = arith.addf %while3A_2306, %get3A_2342 : vector<16xf32>
        %get3A_2344 = arith.index_cast %sub3A_2308 : i32 to index
        %get3A_2345 = arith.constant 112 : index
        %get3A_2346 = tpu.vector_load %arg6[%get3A_2344, %get3A_2345] {strides = array<i32>} : memref<400x128xf32, #tpu.memory_space<vmem>>, vector<1x16xf32>,
        %get3A_2347 = vector.shape_cast %get3A_2346 : vector<1x16xf32> to vector<16xf32>
        %add3A_2348 = arith.addf %while3A_2307, %get3A_2347 : vector<16xf32>
        scf.yield %add3A_2313, %add3A_2318, %add3A_2323, %add3A_2328, %add3A_2333, %add3A_2338, %add3A_2343, %add3A_2348 : vector<16xf32>, vector<16xf32>, vector<16xf32>, vector<16xf32>, vector<16xf32>, vector<16xf32>, vector<16xf32>, vector<16xf32>
      }
      %while3A_1445 = arith.constant 1 : i32
      %while3A_1446:8 = scf.for %while3A_2299 = %while3A_1442 to %while3A_1438 step %while3A_1445 iter_args(%while3A_2300 = %while3A_1444#0, %while3A_2301 = %while3A_1444#1, %while3A_2302 = %while3A_1444#2, %while3A_2303 = %while3A_1444#3, %while3A_2304 = %while3A_1444#4, %while3A_2305 = %while3A_1444#5, %while3A_2306 = %while3A_1444#6, %while3A_2307 = %while3A_1444#7) -> (vector<16xf32>, vector<16xf32>, vector<16xf32>, vector<16xf32>, vector<16xf32>, vector<16xf32>, vector<16xf32>, vector<16xf32>)  : i32 {
        %sub3A_2308 = arith.subi %while3A_2299, %mul3A_1291 : i32
        %get3A_2309 = arith.index_cast %sub3A_2308 : i32 to index
        %get3A_2310 = arith.constant 0 : index
        %get3A_2311 = tpu.vector_load %arg6[%get3A_2309, %get3A_2310] {strides = array<i32>} : memref<400x128xf32, #tpu.memory_space<vmem>>, vector<1x16xf32>,
        %get3A_2312 = vector.shape_cast %get3A_2311 : vector<1x16xf32> to vector<16xf32>
        %add3A_2313 = arith.addf %while3A_2300, %get3A_2312 : vector<16xf32>
        %get3A_2314 = arith.index_cast %sub3A_2308 : i32 to index
        %get3A_2315 = arith.constant 16 : index
        %get3A_2316 = tpu.vector_load %arg6[%get3A_2314, %get3A_2315] {strides = array<i32>} : memref<400x128xf32, #tpu.memory_space<vmem>>, vector<1x16xf32>,
        %get3A_2317 = vector.shape_cast %get3A_2316 : vector<1x16xf32> to vector<16xf32>
        %add3A_2318 = arith.addf %while3A_2301, %get3A_2317 : vector<16xf32>
        %get3A_2319 = arith.index_cast %sub3A_2308 : i32 to index
        %get3A_2320 = arith.constant 32 : index
        %get3A_2321 = tpu.vector_load %arg6[%get3A_2319, %get3A_2320] {strides = array<i32>} : memref<400x128xf32, #tpu.memory_space<vmem>>, vector<1x16xf32>,
        %get3A_2322 = vector.shape_cast %get3A_2321 : vector<1x16xf32> to vector<16xf32>
        %add3A_2323 = arith.addf %while3A_2302, %get3A_2322 : vector<16xf32>
        %get3A_2324 = arith.index_cast %sub3A_2308 : i32 to index
        %get3A_2325 = arith.constant 48 : index
        %get3A_2326 = tpu.vector_load %arg6[%get3A_2324, %get3A_2325] {strides = array<i32>} : memref<400x128xf32, #tpu.memory_space<vmem>>, vector<1x16xf32>,
        %get3A_2327 = vector.shape_cast %get3A_2326 : vector<1x16xf32> to vector<16xf32>
        %add3A_2328 = arith.addf %while3A_2303, %get3A_2327 : vector<16xf32>
        %get3A_2329 = arith.index_cast %sub3A_2308 : i32 to index
        %get3A_2330 = arith.constant 64 : index
        %get3A_2331 = tpu.vector_load %arg6[%get3A_2329, %get3A_2330] {strides = array<i32>} : memref<400x128xf32, #tpu.memory_space<vmem>>, vector<1x16xf32>,
        %get3A_2332 = vector.shape_cast %get3A_2331 : vector<1x16xf32> to vector<16xf32>
        %add3A_2333 = arith.addf %while3A_2304, %get3A_2332 : vector<16xf32>
        %get3A_2334 = arith.index_cast %sub3A_2308 : i32 to index
        %get3A_2335 = arith.constant 80 : index
        %get3A_2336 = tpu.vector_load %arg6[%get3A_2334, %get3A_2335] {strides = array<i32>} : memref<400x128xf32, #tpu.memory_space<vmem>>, vector<1x16xf32>,
        %get3A_2337 = vector.shape_cast %get3A_2336 : vector<1x16xf32> to vector<16xf32>
        %add3A_2338 = arith.addf %while3A_2305, %get3A_2337 : vector<16xf32>
        %get3A_2339 = arith.index_cast %sub3A_2308 : i32 to index
        %get3A_2340 = arith.constant 96 : index
        %get3A_2341 = tpu.vector_load %arg6[%get3A_2339, %get3A_2340] {strides = array<i32>} : memref<400x128xf32, #tpu.memory_space<vmem>>, vector<1x16xf32>,
        %get3A_2342 = vector.shape_cast %get3A_2341 : vector<1x16xf32> to vector<16xf32>
        %add3A_2343 = arith.addf %while3A_2306, %get3A_2342 : vector<16xf32>
        %get3A_2344 = arith.index_cast %sub3A_2308 : i32 to index
        %get3A_2345 = arith.constant 112 : index
        %get3A_2346 = tpu.vector_load %arg6[%get3A_2344, %get3A_2345] {strides = array<i32>} : memref<400x128xf32, #tpu.memory_space<vmem>>, vector<1x16xf32>,
        %get3A_2347 = vector.shape_cast %get3A_2346 : vector<1x16xf32> to vector<16xf32>
        %add3A_2348 = arith.addf %while3A_2307, %get3A_2347 : vector<16xf32>
        scf.yield %add3A_2313, %add3A_2318, %add3A_2323, %add3A_2328, %add3A_2333, %add3A_2338, %add3A_2343, %add3A_2348 : vector<16xf32>, vector<16xf32>, vector<16xf32>, vector<16xf32>, vector<16xf32>, vector<16xf32>, vector<16xf32>, vector<16xf32>
      }
      %get3A_1447 = arith.constant 1 : i32
      %get3A_1448 = arith.index_cast %get3A_1447 : i32 to index
      %get3A_1449 = arith.constant 0 : index
      %get3A_1450 = tpu.vector_load %arg7[%get3A_1448, %get3A_1449] {strides = array<i32>} : memref<8x128xf32, #tpu.memory_space<vmem>>, vector<1x16xf32>,
      %get3A_1451 = vector.shape_cast %get3A_1450 : vector<1x16xf32> to vector<16xf32>
      %add3A_1452 = arith.addf %get3A_1451, %while3A_1446#0 : vector<16xf32>
      %swap3A_1453 = arith.constant 1 : i32
      %swap3A_1454 = arith.index_cast %swap3A_1453 : i32 to index
      %swap3A_1455 = arith.constant 0 : index
      %swap3A_1456 = tpu.vector_load %arg7[%swap3A_1454, %swap3A_1455] {strides = array<i32>} : memref<8x128xf32, #tpu.memory_space<vmem>>, vector<1x16xf32>,
      %swap3A_1457 = vector.shape_cast %swap3A_1456 : vector<1x16xf32> to vector<16xf32>
      %swap3A_1458 = vector.shape_cast %add3A_1452 : vector<16xf32> to vector<1x16xf32>
      tpu.vector_store %arg7[%swap3A_1454, %swap3A_1455], %swap3A_1458 {strides = array<i32>} : memref<8x128xf32, #tpu.memory_space<vmem>>, vector<1x16xf32>,
      %get3A_1459 = arith.constant 1 : i32
      %get3A_1460 = arith.index_cast %get3A_1459 : i32 to index
      %get3A_1461 = arith.constant 16 : index
      %get3A_1462 = tpu.vector_load %arg7[%get3A_1460, %get3A_1461] {strides = array<i32>} : memref<8x128xf32, #tpu.memory_space<vmem>>, vector<1x16xf32>,
      %get3A_1463 = vector.shape_cast %get3A_1462 : vector<1x16xf32> to vector<16xf32>
      %add3A_1464 = arith.addf %get3A_1463, %while3A_1446#1 : vector<16xf32>
      %swap3A_1465 = arith.constant 1 : i32
      %swap3A_1466 = arith.index_cast %swap3A_1465 : i32 to index
      %swap3A_1467 = arith.constant 16 : index
      %swap3A_1468 = tpu.vector_load %arg7[%swap3A_1466, %swap3A_1467] {strides = array<i32>} : memref<8x128xf32, #tpu.memory_space<vmem>>, vector<1x16xf32>,
      %swap3A_1469 = vector.shape_cast %swap3A_1468 : vector<1x16xf32> to vector<16xf32>
      %swap3A_1470 = vector.shape_cast %add3A_1464 : vector<16xf32> to vector<1x16xf32>
      tpu.vector_store %arg7[%swap3A_1466, %swap3A_1467], %swap3A_1470 {strides = array<i32>} : memref<8x128xf32, #tpu.memory_space<vmem>>, vector<1x16xf32>,
      %get3A_1471 = arith.constant 1 : i32
      %get3A_1472 = arith.index_cast %get3A_1471 : i32 to index
      %get3A_1473 = arith.constant 32 : index
      %get3A_1474 = tpu.vector_load %arg7[%get3A_1472, %get3A_1473] {strides = array<i32>} : memref<8x128xf32, #tpu.memory_space<vmem>>, vector<1x16xf32>,
      %get3A_1475 = vector.shape_cast %get3A_1474 : vector<1x16xf32> to vector<16xf32>
      %add3A_1476 = arith.addf %get3A_1475, %while3A_1446#2 : vector<16xf32>
      %swap3A_1477 = arith.constant 1 : i32
      %swap3A_1478 = arith.index_cast %swap3A_1477 : i32 to index
      %swap3A_1479 = arith.constant 32 : index
      %swap3A_1480 = tpu.vector_load %arg7[%swap3A_1478, %swap3A_1479] {strides = array<i32>} : memref<8x128xf32, #tpu.memory_space<vmem>>, vector<1x16xf32>,
      %swap3A_1481 = vector.shape_cast %swap3A_1480 : vector<1x16xf32> to vector<16xf32>
      %swap3A_1482 = vector.shape_cast %add3A_1476 : vector<16xf32> to vector<1x16xf32>
      tpu.vector_store %arg7[%swap3A_1478, %swap3A_1479], %swap3A_1482 {strides = array<i32>} : memref<8x128xf32, #tpu.memory_space<vmem>>, vector<1x16xf32>,
      %get3A_1483 = arith.constant 1 : i32
      %get3A_1484 = arith.index_cast %get3A_1483 : i32 to index
      %get3A_1485 = arith.constant 48 : index
      %get3A_1486 = tpu.vector_load %arg7[%get3A_1484, %get3A_1485] {strides = array<i32>} : memref<8x128xf32, #tpu.memory_space<vmem>>, vector<1x16xf32>,
      %get3A_1487 = vector.shape_cast %get3A_1486 : vector<1x16xf32> to vector<16xf32>
      %add3A_1488 = arith.addf %get3A_1487, %while3A_1446#3 : vector<16xf32>
      %swap3A_1489 = arith.constant 1 : i32
      %swap3A_1490 = arith.index_cast %swap3A_1489 : i32 to index
      %swap3A_1491 = arith.constant 48 : index
      %swap3A_1492 = tpu.vector_load %arg7[%swap3A_1490, %swap3A_1491] {strides = array<i32>} : memref<8x128xf32, #tpu.memory_space<vmem>>, vector<1x16xf32>,
      %swap3A_1493 = vector.shape_cast %swap3A_1492 : vector<1x16xf32> to vector<16xf32>
      %swap3A_1494 = vector.shape_cast %add3A_1488 : vector<16xf32> to vector<1x16xf32>
      tpu.vector_store %arg7[%swap3A_1490, %swap3A_1491], %swap3A_1494 {strides = array<i32>} : memref<8x128xf32, #tpu.memory_space<vmem>>, vector<1x16xf32>,
      %get3A_1495 = arith.constant 1 : i32
      %get3A_1496 = arith.index_cast %get3A_1495 : i32 to index
      %get3A_1497 = arith.constant 64 : index
      %get3A_1498 = tpu.vector_load %arg7[%get3A_1496, %get3A_1497] {strides = array<i32>} : memref<8x128xf32, #tpu.memory_space<vmem>>, vector<1x16xf32>,
      %get3A_1499 = vector.shape_cast %get3A_1498 : vector<1x16xf32> to vector<16xf32>
      %add3A_1500 = arith.addf %get3A_1499, %while3A_1446#4 : vector<16xf32>
      %swap3A_1501 = arith.constant 1 : i32
      %swap3A_1502 = arith.index_cast %swap3A_1501 : i32 to index
      %swap3A_1503 = arith.constant 64 : index
      %swap3A_1504 = tpu.vector_load %arg7[%swap3A_1502, %swap3A_1503] {strides = array<i32>} : memref<8x128xf32, #tpu.memory_space<vmem>>, vector<1x16xf32>,
      %swap3A_1505 = vector.shape_cast %swap3A_1504 : vector<1x16xf32> to vector<16xf32>
      %swap3A_1506 = vector.shape_cast %add3A_1500 : vector<16xf32> to vector<1x16xf32>
      tpu.vector_store %arg7[%swap3A_1502, %swap3A_1503], %swap3A_1506 {strides = array<i32>} : memref<8x128xf32, #tpu.memory_space<vmem>>, vector<1x16xf32>,
      %get3A_1507 = arith.constant 1 : i32
      %get3A_1508 = arith.index_cast %get3A_1507 : i32 to index
      %get3A_1509 = arith.constant 80 : index
      %get3A_1510 = tpu.vector_load %arg7[%get3A_1508, %get3A_1509] {strides = array<i32>} : memref<8x128xf32, #tpu.memory_space<vmem>>, vector<1x16xf32>,
      %get3A_1511 = vector.shape_cast %get3A_1510 : vector<1x16xf32> to vector<16xf32>
      %add3A_1512 = arith.addf %get3A_1511, %while3A_1446#5 : vector<16xf32>
      %swap3A_1513 = arith.constant 1 : i32
      %swap3A_1514 = arith.index_cast %swap3A_1513 : i32 to index
      %swap3A_1515 = arith.constant 80 : index
      %swap3A_1516 = tpu.vector_load %arg7[%swap3A_1514, %swap3A_1515] {strides = array<i32>} : memref<8x128xf32, #tpu.memory_space<vmem>>, vector<1x16xf32>,
      %swap3A_1517 = vector.shape_cast %swap3A_1516 : vector<1x16xf32> to vector<16xf32>
      %swap3A_1518 = vector.shape_cast %add3A_1512 : vector<16xf32> to vector<1x16xf32>
      tpu.vector_store %arg7[%swap3A_1514, %swap3A_1515], %swap3A_1518 {strides = array<i32>} : memref<8x128xf32, #tpu.memory_space<vmem>>, vector<1x16xf32>,
      %get3A_1519 = arith.constant 1 : i32
      %get3A_1520 = arith.index_cast %get3A_1519 : i32 to index
      %get3A_1521 = arith.constant 96 : index
      %get3A_1522 = tpu.vector_load %arg7[%get3A_1520, %get3A_1521] {strides = array<i32>} : memref<8x128xf32, #tpu.memory_space<vmem>>, vector<1x16xf32>,
      %get3A_1523 = vector.shape_cast %get3A_1522 : vector<1x16xf32> to vector<16xf32>
      %add3A_1524 = arith.addf %get3A_1523, %while3A_1446#6 : vector<16xf32>
      %swap3A_1525 = arith.constant 1 : i32
      %swap3A_1526 = arith.index_cast %swap3A_1525 : i32 to index
      %swap3A_1527 = arith.constant 96 : index
      %swap3A_1528 = tpu.vector_load %arg7[%swap3A_1526, %swap3A_1527] {strides = array<i32>} : memref<8x128xf32, #tpu.memory_space<vmem>>, vector<1x16xf32>,
      %swap3A_1529 = vector.shape_cast %swap3A_1528 : vector<1x16xf32> to vector<16xf32>
      %swap3A_1530 = vector.shape_cast %add3A_1524 : vector<16xf32> to vector<1x16xf32>
      tpu.vector_store %arg7[%swap3A_1526, %swap3A_1527], %swap3A_1530 {strides = array<i32>} : memref<8x128xf32, #tpu.memory_space<vmem>>, vector<1x16xf32>,
      %get3A_1531 = arith.constant 1 : i32
      %get3A_1532 = arith.index_cast %get3A_1531 : i32 to index
      %get3A_1533 = arith.constant 112 : index
      %get3A_1534 = tpu.vector_load %arg7[%get3A_1532, %get3A_1533] {strides = array<i32>} : memref<8x128xf32, #tpu.memory_space<vmem>>, vector<1x16xf32>,
      %get3A_1535 = vector.shape_cast %get3A_1534 : vector<1x16xf32> to vector<16xf32>
      %add3A_1536 = arith.addf %get3A_1535, %while3A_1446#7 : vector<16xf32>
      %swap3A_1537 = arith.constant 1 : i32
      %swap3A_1538 = arith.index_cast %swap3A_1537 : i32 to index
      %swap3A_1539 = arith.constant 112 : index
      %swap3A_1540 = tpu.vector_load %arg7[%swap3A_1538, %swap3A_1539] {strides = array<i32>} : memref<8x128xf32, #tpu.memory_space<vmem>>, vector<1x16xf32>,
      %swap3A_1541 = vector.shape_cast %swap3A_1540 : vector<1x16xf32> to vector<16xf32>
      %swap3A_1542 = vector.shape_cast %add3A_1536 : vector<16xf32> to vector<1x16xf32>
      tpu.vector_store %arg7[%swap3A_1538, %swap3A_1539], %swap3A_1542 {strides = array<i32>} : memref<8x128xf32, #tpu.memory_space<vmem>>, vector<1x16xf32>,
      %max3A_1543 = arith.maxsi %squeeze3A_8, %mul3A_1291 : i32
      %add3A_1544 = arith.constant 400 : i32
      %add3A_1545 = arith.addi %mul3A_1291, %add3A_1544 : i32
      %min3A_1546 = arith.minsi %squeeze3A_10, %add3A_1545 : i32
      %broadcast_in_dim3A_1547 = arith.constant 0.000000e+00 : f32
      %broadcast_in_dim3A_1548 = vector.broadcast %broadcast_in_dim3A_1547 : f32 to vector<16xf32>
      %broadcast_in_dim3A_1549 = arith.constant 0.000000e+00 : f32
      %broadcast_in_dim3A_1550 = vector.broadcast %broadcast_in_dim3A_1549 : f32 to vector<16xf32>
      %broadcast_in_dim3A_1551 = arith.constant 0.000000e+00 : f32
      %broadcast_in_dim3A_1552 = vector.broadcast %broadcast_in_dim3A_1551 : f32 to vector<16xf32>
      %broadcast_in_dim3A_1553 = arith.constant 0.000000e+00 : f32
      %broadcast_in_dim3A_1554 = vector.broadcast %broadcast_in_dim3A_1553 : f32 to vector<16xf32>
      %broadcast_in_dim3A_1555 = arith.constant 0.000000e+00 : f32
      %broadcast_in_dim3A_1556 = vector.broadcast %broadcast_in_dim3A_1555 : f32 to vector<16xf32>
      %broadcast_in_dim3A_1557 = arith.constant 0.000000e+00 : f32
      %broadcast_in_dim3A_1558 = vector.broadcast %broadcast_in_dim3A_1557 : f32 to vector<16xf32>
      %broadcast_in_dim3A_1559 = arith.constant 0.000000e+00 : f32
      %broadcast_in_dim3A_1560 = vector.broadcast %broadcast_in_dim3A_1559 : f32 to vector<16xf32>
      %broadcast_in_dim3A_1561 = arith.constant 0.000000e+00 : f32
      %broadcast_in_dim3A_1562 = vector.broadcast %broadcast_in_dim3A_1561 : f32 to vector<16xf32>
      %while3A_1563 = arith.subi %min3A_1546, %max3A_1543 : i32
      %while3A_1564 = arith.addi %max3A_1543, %while3A_1563 : i32
      %while3A_1565 = arith.constant 1 : i32
      %while3A_1566 = arith.divsi %while3A_1563, %while3A_1565 : i32
      %while3A_1567 = arith.muli %while3A_1566, %while3A_1565 : i32
      %while3A_1568 = arith.addi %max3A_1543, %while3A_1567 : i32
      %while3A_1569 = arith.constant 1 : i32
      %while3A_1570:8 = scf.for %while3A_2299 = %max3A_1543 to %while3A_1568 step %while3A_1569 iter_args(%while3A_2300 = %broadcast_in_dim3A_1548, %while3A_2301 = %broadcast_in_dim3A_1550, %while3A_2302 = %broadcast_in_dim3A_1552, %while3A_2303 = %broadcast_in_dim3A_1554, %while3A_2304 = %broadcast_in_dim3A_1556, %while3A_2305 = %broadcast_in_dim3A_1558, %while3A_2306 = %broadcast_in_dim3A_1560, %while3A_2307 = %broadcast_in_dim3A_1562) -> (vector<16xf32>, vector<16xf32>, vector<16xf32>, vector<16xf32>, vector<16xf32>, vector<16xf32>, vector<16xf32>, vector<16xf32>)  : i32 {
        %sub3A_2308 = arith.subi %while3A_2299, %mul3A_1291 : i32
        %get3A_2309 = arith.index_cast %sub3A_2308 : i32 to index
        %get3A_2310 = arith.constant 0 : index
        %get3A_2311 = tpu.vector_load %arg6[%get3A_2309, %get3A_2310] {strides = array<i32>} : memref<400x128xf32, #tpu.memory_space<vmem>>, vector<1x16xf32>,
        %get3A_2312 = vector.shape_cast %get3A_2311 : vector<1x16xf32> to vector<16xf32>
        %add3A_2313 = arith.addf %while3A_2300, %get3A_2312 : vector<16xf32>
        %get3A_2314 = arith.index_cast %sub3A_2308 : i32 to index
        %get3A_2315 = arith.constant 16 : index
        %get3A_2316 = tpu.vector_load %arg6[%get3A_2314, %get3A_2315] {strides = array<i32>} : memref<400x128xf32, #tpu.memory_space<vmem>>, vector<1x16xf32>,
        %get3A_2317 = vector.shape_cast %get3A_2316 : vector<1x16xf32> to vector<16xf32>
        %add3A_2318 = arith.addf %while3A_2301, %get3A_2317 : vector<16xf32>
        %get3A_2319 = arith.index_cast %sub3A_2308 : i32 to index
        %get3A_2320 = arith.constant 32 : index
        %get3A_2321 = tpu.vector_load %arg6[%get3A_2319, %get3A_2320] {strides = array<i32>} : memref<400x128xf32, #tpu.memory_space<vmem>>, vector<1x16xf32>,
        %get3A_2322 = vector.shape_cast %get3A_2321 : vector<1x16xf32> to vector<16xf32>
        %add3A_2323 = arith.addf %while3A_2302, %get3A_2322 : vector<16xf32>
        %get3A_2324 = arith.index_cast %sub3A_2308 : i32 to index
        %get3A_2325 = arith.constant 48 : index
        %get3A_2326 = tpu.vector_load %arg6[%get3A_2324, %get3A_2325] {strides = array<i32>} : memref<400x128xf32, #tpu.memory_space<vmem>>, vector<1x16xf32>,
        %get3A_2327 = vector.shape_cast %get3A_2326 : vector<1x16xf32> to vector<16xf32>
        %add3A_2328 = arith.addf %while3A_2303, %get3A_2327 : vector<16xf32>
        %get3A_2329 = arith.index_cast %sub3A_2308 : i32 to index
        %get3A_2330 = arith.constant 64 : index
        %get3A_2331 = tpu.vector_load %arg6[%get3A_2329, %get3A_2330] {strides = array<i32>} : memref<400x128xf32, #tpu.memory_space<vmem>>, vector<1x16xf32>,
        %get3A_2332 = vector.shape_cast %get3A_2331 : vector<1x16xf32> to vector<16xf32>
        %add3A_2333 = arith.addf %while3A_2304, %get3A_2332 : vector<16xf32>
        %get3A_2334 = arith.index_cast %sub3A_2308 : i32 to index
        %get3A_2335 = arith.constant 80 : index
        %get3A_2336 = tpu.vector_load %arg6[%get3A_2334, %get3A_2335] {strides = array<i32>} : memref<400x128xf32, #tpu.memory_space<vmem>>, vector<1x16xf32>,
        %get3A_2337 = vector.shape_cast %get3A_2336 : vector<1x16xf32> to vector<16xf32>
        %add3A_2338 = arith.addf %while3A_2305, %get3A_2337 : vector<16xf32>
        %get3A_2339 = arith.index_cast %sub3A_2308 : i32 to index
        %get3A_2340 = arith.constant 96 : index
        %get3A_2341 = tpu.vector_load %arg6[%get3A_2339, %get3A_2340] {strides = array<i32>} : memref<400x128xf32, #tpu.memory_space<vmem>>, vector<1x16xf32>,
        %get3A_2342 = vector.shape_cast %get3A_2341 : vector<1x16xf32> to vector<16xf32>
        %add3A_2343 = arith.addf %while3A_2306, %get3A_2342 : vector<16xf32>
        %get3A_2344 = arith.index_cast %sub3A_2308 : i32 to index
        %get3A_2345 = arith.constant 112 : index
        %get3A_2346 = tpu.vector_load %arg6[%get3A_2344, %get3A_2345] {strides = array<i32>} : memref<400x128xf32, #tpu.memory_space<vmem>>, vector<1x16xf32>,
        %get3A_2347 = vector.shape_cast %get3A_2346 : vector<1x16xf32> to vector<16xf32>
        %add3A_2348 = arith.addf %while3A_2307, %get3A_2347 : vector<16xf32>
        scf.yield %add3A_2313, %add3A_2318, %add3A_2323, %add3A_2328, %add3A_2333, %add3A_2338, %add3A_2343, %add3A_2348 : vector<16xf32>, vector<16xf32>, vector<16xf32>, vector<16xf32>, vector<16xf32>, vector<16xf32>, vector<16xf32>, vector<16xf32>
      }
      %while3A_1571 = arith.constant 1 : i32
      %while3A_1572:8 = scf.for %while3A_2299 = %while3A_1568 to %while3A_1564 step %while3A_1571 iter_args(%while3A_2300 = %while3A_1570#0, %while3A_2301 = %while3A_1570#1, %while3A_2302 = %while3A_1570#2, %while3A_2303 = %while3A_1570#3, %while3A_2304 = %while3A_1570#4, %while3A_2305 = %while3A_1570#5, %while3A_2306 = %while3A_1570#6, %while3A_2307 = %while3A_1570#7) -> (vector<16xf32>, vector<16xf32>, vector<16xf32>, vector<16xf32>, vector<16xf32>, vector<16xf32>, vector<16xf32>, vector<16xf32>)  : i32 {
        %sub3A_2308 = arith.subi %while3A_2299, %mul3A_1291 : i32
        %get3A_2309 = arith.index_cast %sub3A_2308 : i32 to index
        %get3A_2310 = arith.constant 0 : index
        %get3A_2311 = tpu.vector_load %arg6[%get3A_2309, %get3A_2310] {strides = array<i32>} : memref<400x128xf32, #tpu.memory_space<vmem>>, vector<1x16xf32>,
        %get3A_2312 = vector.shape_cast %get3A_2311 : vector<1x16xf32> to vector<16xf32>
        %add3A_2313 = arith.addf %while3A_2300, %get3A_2312 : vector<16xf32>
        %get3A_2314 = arith.index_cast %sub3A_2308 : i32 to index
        %get3A_2315 = arith.constant 16 : index
        %get3A_2316 = tpu.vector_load %arg6[%get3A_2314, %get3A_2315] {strides = array<i32>} : memref<400x128xf32, #tpu.memory_space<vmem>>, vector<1x16xf32>,
        %get3A_2317 = vector.shape_cast %get3A_2316 : vector<1x16xf32> to vector<16xf32>
        %add3A_2318 = arith.addf %while3A_2301, %get3A_2317 : vector<16xf32>
        %get3A_2319 = arith.index_cast %sub3A_2308 : i32 to index
        %get3A_2320 = arith.constant 32 : index
        %get3A_2321 = tpu.vector_load %arg6[%get3A_2319, %get3A_2320] {strides = array<i32>} : memref<400x128xf32, #tpu.memory_space<vmem>>, vector<1x16xf32>,
        %get3A_2322 = vector.shape_cast %get3A_2321 : vector<1x16xf32> to vector<16xf32>
        %add3A_2323 = arith.addf %while3A_2302, %get3A_2322 : vector<16xf32>
        %get3A_2324 = arith.index_cast %sub3A_2308 : i32 to index
        %get3A_2325 = arith.constant 48 : index
        %get3A_2326 = tpu.vector_load %arg6[%get3A_2324, %get3A_2325] {strides = array<i32>} : memref<400x128xf32, #tpu.memory_space<vmem>>, vector<1x16xf32>,
        %get3A_2327 = vector.shape_cast %get3A_2326 : vector<1x16xf32> to vector<16xf32>
        %add3A_2328 = arith.addf %while3A_2303, %get3A_2327 : vector<16xf32>
        %get3A_2329 = arith.index_cast %sub3A_2308 : i32 to index
        %get3A_2330 = arith.constant 64 : index
        %get3A_2331 = tpu.vector_load %arg6[%get3A_2329, %get3A_2330] {strides = array<i32>} : memref<400x128xf32, #tpu.memory_space<vmem>>, vector<1x16xf32>,
        %get3A_2332 = vector.shape_cast %get3A_2331 : vector<1x16xf32> to vector<16xf32>
        %add3A_2333 = arith.addf %while3A_2304, %get3A_2332 : vector<16xf32>
        %get3A_2334 = arith.index_cast %sub3A_2308 : i32 to index
        %get3A_2335 = arith.constant 80 : index
        %get3A_2336 = tpu.vector_load %arg6[%get3A_2334, %get3A_2335] {strides = array<i32>} : memref<400x128xf32, #tpu.memory_space<vmem>>, vector<1x16xf32>,
        %get3A_2337 = vector.shape_cast %get3A_2336 : vector<1x16xf32> to vector<16xf32>
        %add3A_2338 = arith.addf %while3A_2305, %get3A_2337 : vector<16xf32>
        %get3A_2339 = arith.index_cast %sub3A_2308 : i32 to index
        %get3A_2340 = arith.constant 96 : index
        %get3A_2341 = tpu.vector_load %arg6[%get3A_2339, %get3A_2340] {strides = array<i32>} : memref<400x128xf32, #tpu.memory_space<vmem>>, vector<1x16xf32>,
        %get3A_2342 = vector.shape_cast %get3A_2341 : vector<1x16xf32> to vector<16xf32>
        %add3A_2343 = arith.addf %while3A_2306, %get3A_2342 : vector<16xf32>
        %get3A_2344 = arith.index_cast %sub3A_2308 : i32 to index
        %get3A_2345 = arith.constant 112 : index
        %get3A_2346 = tpu.vector_load %arg6[%get3A_2344, %get3A_2345] {strides = array<i32>} : memref<400x128xf32, #tpu.memory_space<vmem>>, vector<1x16xf32>,
        %get3A_2347 = vector.shape_cast %get3A_2346 : vector<1x16xf32> to vector<16xf32>
        %add3A_2348 = arith.addf %while3A_2307, %get3A_2347 : vector<16xf32>
        scf.yield %add3A_2313, %add3A_2318, %add3A_2323, %add3A_2328, %add3A_2333, %add3A_2338, %add3A_2343, %add3A_2348 : vector<16xf32>, vector<16xf32>, vector<16xf32>, vector<16xf32>, vector<16xf32>, vector<16xf32>, vector<16xf32>, vector<16xf32>
      }
      %get3A_1573 = arith.constant 2 : i32
      %get3A_1574 = arith.index_cast %get3A_1573 : i32 to index
      %get3A_1575 = arith.constant 0 : index
      %get3A_1576 = tpu.vector_load %arg7[%get3A_1574, %get3A_1575] {strides = array<i32>} : memref<8x128xf32, #tpu.memory_space<vmem>>, vector<1x16xf32>,
      %get3A_1577 = vector.shape_cast %get3A_1576 : vector<1x16xf32> to vector<16xf32>
      %add3A_1578 = arith.addf %get3A_1577, %while3A_1572#0 : vector<16xf32>
      %swap3A_1579 = arith.constant 2 : i32
      %swap3A_1580 = arith.index_cast %swap3A_1579 : i32 to index
      %swap3A_1581 = arith.constant 0 : index
      %swap3A_1582 = tpu.vector_load %arg7[%swap3A_1580, %swap3A_1581] {strides = array<i32>} : memref<8x128xf32, #tpu.memory_space<vmem>>, vector<1x16xf32>,
      %swap3A_1583 = vector.shape_cast %swap3A_1582 : vector<1x16xf32> to vector<16xf32>
      %swap3A_1584 = vector.shape_cast %add3A_1578 : vector<16xf32> to vector<1x16xf32>
      tpu.vector_store %arg7[%swap3A_1580, %swap3A_1581], %swap3A_1584 {strides = array<i32>} : memref<8x128xf32, #tpu.memory_space<vmem>>, vector<1x16xf32>,
      %get3A_1585 = arith.constant 2 : i32
      %get3A_1586 = arith.index_cast %get3A_1585 : i32 to index
      %get3A_1587 = arith.constant 16 : index
      %get3A_1588 = tpu.vector_load %arg7[%get3A_1586, %get3A_1587] {strides = array<i32>} : memref<8x128xf32, #tpu.memory_space<vmem>>, vector<1x16xf32>,
      %get3A_1589 = vector.shape_cast %get3A_1588 : vector<1x16xf32> to vector<16xf32>
      %add3A_1590 = arith.addf %get3A_1589, %while3A_1572#1 : vector<16xf32>
      %swap3A_1591 = arith.constant 2 : i32
      %swap3A_1592 = arith.index_cast %swap3A_1591 : i32 to index
      %swap3A_1593 = arith.constant 16 : index
      %swap3A_1594 = tpu.vector_load %arg7[%swap3A_1592, %swap3A_1593] {strides = array<i32>} : memref<8x128xf32, #tpu.memory_space<vmem>>, vector<1x16xf32>,
      %swap3A_1595 = vector.shape_cast %swap3A_1594 : vector<1x16xf32> to vector<16xf32>
      %swap3A_1596 = vector.shape_cast %add3A_1590 : vector<16xf32> to vector<1x16xf32>
      tpu.vector_store %arg7[%swap3A_1592, %swap3A_1593], %swap3A_1596 {strides = array<i32>} : memref<8x128xf32, #tpu.memory_space<vmem>>, vector<1x16xf32>,
      %get3A_1597 = arith.constant 2 : i32
      %get3A_1598 = arith.index_cast %get3A_1597 : i32 to index
      %get3A_1599 = arith.constant 32 : index
      %get3A_1600 = tpu.vector_load %arg7[%get3A_1598, %get3A_1599] {strides = array<i32>} : memref<8x128xf32, #tpu.memory_space<vmem>>, vector<1x16xf32>,
      %get3A_1601 = vector.shape_cast %get3A_1600 : vector<1x16xf32> to vector<16xf32>
      %add3A_1602 = arith.addf %get3A_1601, %while3A_1572#2 : vector<16xf32>
      %swap3A_1603 = arith.constant 2 : i32
      %swap3A_1604 = arith.index_cast %swap3A_1603 : i32 to index
      %swap3A_1605 = arith.constant 32 : index
      %swap3A_1606 = tpu.vector_load %arg7[%swap3A_1604, %swap3A_1605] {strides = array<i32>} : memref<8x128xf32, #tpu.memory_space<vmem>>, vector<1x16xf32>,
      %swap3A_1607 = vector.shape_cast %swap3A_1606 : vector<1x16xf32> to vector<16xf32>
      %swap3A_1608 = vector.shape_cast %add3A_1602 : vector<16xf32> to vector<1x16xf32>
      tpu.vector_store %arg7[%swap3A_1604, %swap3A_1605], %swap3A_1608 {strides = array<i32>} : memref<8x128xf32, #tpu.memory_space<vmem>>, vector<1x16xf32>,
      %get3A_1609 = arith.constant 2 : i32
      %get3A_1610 = arith.index_cast %get3A_1609 : i32 to index
      %get3A_1611 = arith.constant 48 : index
      %get3A_1612 = tpu.vector_load %arg7[%get3A_1610, %get3A_1611] {strides = array<i32>} : memref<8x128xf32, #tpu.memory_space<vmem>>, vector<1x16xf32>,
      %get3A_1613 = vector.shape_cast %get3A_1612 : vector<1x16xf32> to vector<16xf32>
      %add3A_1614 = arith.addf %get3A_1613, %while3A_1572#3 : vector<16xf32>
      %swap3A_1615 = arith.constant 2 : i32
      %swap3A_1616 = arith.index_cast %swap3A_1615 : i32 to index
      %swap3A_1617 = arith.constant 48 : index
      %swap3A_1618 = tpu.vector_load %arg7[%swap3A_1616, %swap3A_1617] {strides = array<i32>} : memref<8x128xf32, #tpu.memory_space<vmem>>, vector<1x16xf32>,
      %swap3A_1619 = vector.shape_cast %swap3A_1618 : vector<1x16xf32> to vector<16xf32>
      %swap3A_1620 = vector.shape_cast %add3A_1614 : vector<16xf32> to vector<1x16xf32>
      tpu.vector_store %arg7[%swap3A_1616, %swap3A_1617], %swap3A_1620 {strides = array<i32>} : memref<8x128xf32, #tpu.memory_space<vmem>>, vector<1x16xf32>,
      %get3A_1621 = arith.constant 2 : i32
      %get3A_1622 = arith.index_cast %get3A_1621 : i32 to index
      %get3A_1623 = arith.constant 64 : index
      %get3A_1624 = tpu.vector_load %arg7[%get3A_1622, %get3A_1623] {strides = array<i32>} : memref<8x128xf32, #tpu.memory_space<vmem>>, vector<1x16xf32>,
      %get3A_1625 = vector.shape_cast %get3A_1624 : vector<1x16xf32> to vector<16xf32>
      %add3A_1626 = arith.addf %get3A_1625, %while3A_1572#4 : vector<16xf32>
      %swap3A_1627 = arith.constant 2 : i32
      %swap3A_1628 = arith.index_cast %swap3A_1627 : i32 to index
      %swap3A_1629 = arith.constant 64 : index
      %swap3A_1630 = tpu.vector_load %arg7[%swap3A_1628, %swap3A_1629] {strides = array<i32>} : memref<8x128xf32, #tpu.memory_space<vmem>>, vector<1x16xf32>,
      %swap3A_1631 = vector.shape_cast %swap3A_1630 : vector<1x16xf32> to vector<16xf32>
      %swap3A_1632 = vector.shape_cast %add3A_1626 : vector<16xf32> to vector<1x16xf32>
      tpu.vector_store %arg7[%swap3A_1628, %swap3A_1629], %swap3A_1632 {strides = array<i32>} : memref<8x128xf32, #tpu.memory_space<vmem>>, vector<1x16xf32>,
      %get3A_1633 = arith.constant 2 : i32
      %get3A_1634 = arith.index_cast %get3A_1633 : i32 to index
      %get3A_1635 = arith.constant 80 : index
      %get3A_1636 = tpu.vector_load %arg7[%get3A_1634, %get3A_1635] {strides = array<i32>} : memref<8x128xf32, #tpu.memory_space<vmem>>, vector<1x16xf32>,
      %get3A_1637 = vector.shape_cast %get3A_1636 : vector<1x16xf32> to vector<16xf32>
      %add3A_1638 = arith.addf %get3A_1637, %while3A_1572#5 : vector<16xf32>
      %swap3A_1639 = arith.constant 2 : i32
      %swap3A_1640 = arith.index_cast %swap3A_1639 : i32 to index
      %swap3A_1641 = arith.constant 80 : index
      %swap3A_1642 = tpu.vector_load %arg7[%swap3A_1640, %swap3A_1641] {strides = array<i32>} : memref<8x128xf32, #tpu.memory_space<vmem>>, vector<1x16xf32>,
      %swap3A_1643 = vector.shape_cast %swap3A_1642 : vector<1x16xf32> to vector<16xf32>
      %swap3A_1644 = vector.shape_cast %add3A_1638 : vector<16xf32> to vector<1x16xf32>
      tpu.vector_store %arg7[%swap3A_1640, %swap3A_1641], %swap3A_1644 {strides = array<i32>} : memref<8x128xf32, #tpu.memory_space<vmem>>, vector<1x16xf32>,
      %get3A_1645 = arith.constant 2 : i32
      %get3A_1646 = arith.index_cast %get3A_1645 : i32 to index
      %get3A_1647 = arith.constant 96 : index
      %get3A_1648 = tpu.vector_load %arg7[%get3A_1646, %get3A_1647] {strides = array<i32>} : memref<8x128xf32, #tpu.memory_space<vmem>>, vector<1x16xf32>,
      %get3A_1649 = vector.shape_cast %get3A_1648 : vector<1x16xf32> to vector<16xf32>
      %add3A_1650 = arith.addf %get3A_1649, %while3A_1572#6 : vector<16xf32>
      %swap3A_1651 = arith.constant 2 : i32
      %swap3A_1652 = arith.index_cast %swap3A_1651 : i32 to index
      %swap3A_1653 = arith.constant 96 : index
      %swap3A_1654 = tpu.vector_load %arg7[%swap3A_1652, %swap3A_1653] {strides = array<i32>} : memref<8x128xf32, #tpu.memory_space<vmem>>, vector<1x16xf32>,
      %swap3A_1655 = vector.shape_cast %swap3A_1654 : vector<1x16xf32> to vector<16xf32>
      %swap3A_1656 = vector.shape_cast %add3A_1650 : vector<16xf32> to vector<1x16xf32>
      tpu.vector_store %arg7[%swap3A_1652, %swap3A_1653], %swap3A_1656 {strides = array<i32>} : memref<8x128xf32, #tpu.memory_space<vmem>>, vector<1x16xf32>,
      %get3A_1657 = arith.constant 2 : i32
      %get3A_1658 = arith.index_cast %get3A_1657 : i32 to index
      %get3A_1659 = arith.constant 112 : index
      %get3A_1660 = tpu.vector_load %arg7[%get3A_1658, %get3A_1659] {strides = array<i32>} : memref<8x128xf32, #tpu.memory_space<vmem>>, vector<1x16xf32>,
      %get3A_1661 = vector.shape_cast %get3A_1660 : vector<1x16xf32> to vector<16xf32>
      %add3A_1662 = arith.addf %get3A_1661, %while3A_1572#7 : vector<16xf32>
      %swap3A_1663 = arith.constant 2 : i32
      %swap3A_1664 = arith.index_cast %swap3A_1663 : i32 to index
      %swap3A_1665 = arith.constant 112 : index
      %swap3A_1666 = tpu.vector_load %arg7[%swap3A_1664, %swap3A_1665] {strides = array<i32>} : memref<8x128xf32, #tpu.memory_space<vmem>>, vector<1x16xf32>,
      %swap3A_1667 = vector.shape_cast %swap3A_1666 : vector<1x16xf32> to vector<16xf32>
      %swap3A_1668 = vector.shape_cast %add3A_1662 : vector<16xf32> to vector<1x16xf32>
      tpu.vector_store %arg7[%swap3A_1664, %swap3A_1665], %swap3A_1668 {strides = array<i32>} : memref<8x128xf32, #tpu.memory_space<vmem>>, vector<1x16xf32>,
      %max3A_1669 = arith.maxsi %squeeze3A_10, %mul3A_1291 : i32
      %add3A_1670 = arith.constant 400 : i32
      %add3A_1671 = arith.addi %mul3A_1291, %add3A_1670 : i32
      %min3A_1672 = arith.minsi %squeeze3A_12, %add3A_1671 : i32
      %broadcast_in_dim3A_1673 = arith.constant 0.000000e+00 : f32
      %broadcast_in_dim3A_1674 = vector.broadcast %broadcast_in_dim3A_1673 : f32 to vector<16xf32>
      %broadcast_in_dim3A_1675 = arith.constant 0.000000e+00 : f32
      %broadcast_in_dim3A_1676 = vector.broadcast %broadcast_in_dim3A_1675 : f32 to vector<16xf32>
      %broadcast_in_dim3A_1677 = arith.constant 0.000000e+00 : f32
      %broadcast_in_dim3A_1678 = vector.broadcast %broadcast_in_dim3A_1677 : f32 to vector<16xf32>
      %broadcast_in_dim3A_1679 = arith.constant 0.000000e+00 : f32
      %broadcast_in_dim3A_1680 = vector.broadcast %broadcast_in_dim3A_1679 : f32 to vector<16xf32>
      %broadcast_in_dim3A_1681 = arith.constant 0.000000e+00 : f32
      %broadcast_in_dim3A_1682 = vector.broadcast %broadcast_in_dim3A_1681 : f32 to vector<16xf32>
      %broadcast_in_dim3A_1683 = arith.constant 0.000000e+00 : f32
      %broadcast_in_dim3A_1684 = vector.broadcast %broadcast_in_dim3A_1683 : f32 to vector<16xf32>
      %broadcast_in_dim3A_1685 = arith.constant 0.000000e+00 : f32
      %broadcast_in_dim3A_1686 = vector.broadcast %broadcast_in_dim3A_1685 : f32 to vector<16xf32>
      %broadcast_in_dim3A_1687 = arith.constant 0.000000e+00 : f32
      %broadcast_in_dim3A_1688 = vector.broadcast %broadcast_in_dim3A_1687 : f32 to vector<16xf32>
      %while3A_1689 = arith.subi %min3A_1672, %max3A_1669 : i32
      %while3A_1690 = arith.addi %max3A_1669, %while3A_1689 : i32
      %while3A_1691 = arith.constant 1 : i32
      %while3A_1692 = arith.divsi %while3A_1689, %while3A_1691 : i32
      %while3A_1693 = arith.muli %while3A_1692, %while3A_1691 : i32
      %while3A_1694 = arith.addi %max3A_1669, %while3A_1693 : i32
      %while3A_1695 = arith.constant 1 : i32
      %while3A_1696:8 = scf.for %while3A_2299 = %max3A_1669 to %while3A_1694 step %while3A_1695 iter_args(%while3A_2300 = %broadcast_in_dim3A_1674, %while3A_2301 = %broadcast_in_dim3A_1676, %while3A_2302 = %broadcast_in_dim3A_1678, %while3A_2303 = %broadcast_in_dim3A_1680, %while3A_2304 = %broadcast_in_dim3A_1682, %while3A_2305 = %broadcast_in_dim3A_1684, %while3A_2306 = %broadcast_in_dim3A_1686, %while3A_2307 = %broadcast_in_dim3A_1688) -> (vector<16xf32>, vector<16xf32>, vector<16xf32>, vector<16xf32>, vector<16xf32>, vector<16xf32>, vector<16xf32>, vector<16xf32>)  : i32 {
        %sub3A_2308 = arith.subi %while3A_2299, %mul3A_1291 : i32
        %get3A_2309 = arith.index_cast %sub3A_2308 : i32 to index
        %get3A_2310 = arith.constant 0 : index
        %get3A_2311 = tpu.vector_load %arg6[%get3A_2309, %get3A_2310] {strides = array<i32>} : memref<400x128xf32, #tpu.memory_space<vmem>>, vector<1x16xf32>,
        %get3A_2312 = vector.shape_cast %get3A_2311 : vector<1x16xf32> to vector<16xf32>
        %add3A_2313 = arith.addf %while3A_2300, %get3A_2312 : vector<16xf32>
        %get3A_2314 = arith.index_cast %sub3A_2308 : i32 to index
        %get3A_2315 = arith.constant 16 : index
        %get3A_2316 = tpu.vector_load %arg6[%get3A_2314, %get3A_2315] {strides = array<i32>} : memref<400x128xf32, #tpu.memory_space<vmem>>, vector<1x16xf32>,
        %get3A_2317 = vector.shape_cast %get3A_2316 : vector<1x16xf32> to vector<16xf32>
        %add3A_2318 = arith.addf %while3A_2301, %get3A_2317 : vector<16xf32>
        %get3A_2319 = arith.index_cast %sub3A_2308 : i32 to index
        %get3A_2320 = arith.constant 32 : index
        %get3A_2321 = tpu.vector_load %arg6[%get3A_2319, %get3A_2320] {strides = array<i32>} : memref<400x128xf32, #tpu.memory_space<vmem>>, vector<1x16xf32>,
        %get3A_2322 = vector.shape_cast %get3A_2321 : vector<1x16xf32> to vector<16xf32>
        %add3A_2323 = arith.addf %while3A_2302, %get3A_2322 : vector<16xf32>
        %get3A_2324 = arith.index_cast %sub3A_2308 : i32 to index
        %get3A_2325 = arith.constant 48 : index
        %get3A_2326 = tpu.vector_load %arg6[%get3A_2324, %get3A_2325] {strides = array<i32>} : memref<400x128xf32, #tpu.memory_space<vmem>>, vector<1x16xf32>,
        %get3A_2327 = vector.shape_cast %get3A_2326 : vector<1x16xf32> to vector<16xf32>
        %add3A_2328 = arith.addf %while3A_2303, %get3A_2327 : vector<16xf32>
        %get3A_2329 = arith.index_cast %sub3A_2308 : i32 to index
        %get3A_2330 = arith.constant 64 : index
        %get3A_2331 = tpu.vector_load %arg6[%get3A_2329, %get3A_2330] {strides = array<i32>} : memref<400x128xf32, #tpu.memory_space<vmem>>, vector<1x16xf32>,
        %get3A_2332 = vector.shape_cast %get3A_2331 : vector<1x16xf32> to vector<16xf32>
        %add3A_2333 = arith.addf %while3A_2304, %get3A_2332 : vector<16xf32>
        %get3A_2334 = arith.index_cast %sub3A_2308 : i32 to index
        %get3A_2335 = arith.constant 80 : index
        %get3A_2336 = tpu.vector_load %arg6[%get3A_2334, %get3A_2335] {strides = array<i32>} : memref<400x128xf32, #tpu.memory_space<vmem>>, vector<1x16xf32>,
        %get3A_2337 = vector.shape_cast %get3A_2336 : vector<1x16xf32> to vector<16xf32>
        %add3A_2338 = arith.addf %while3A_2305, %get3A_2337 : vector<16xf32>
        %get3A_2339 = arith.index_cast %sub3A_2308 : i32 to index
        %get3A_2340 = arith.constant 96 : index
        %get3A_2341 = tpu.vector_load %arg6[%get3A_2339, %get3A_2340] {strides = array<i32>} : memref<400x128xf32, #tpu.memory_space<vmem>>, vector<1x16xf32>,
        %get3A_2342 = vector.shape_cast %get3A_2341 : vector<1x16xf32> to vector<16xf32>
        %add3A_2343 = arith.addf %while3A_2306, %get3A_2342 : vector<16xf32>
        %get3A_2344 = arith.index_cast %sub3A_2308 : i32 to index
        %get3A_2345 = arith.constant 112 : index
        %get3A_2346 = tpu.vector_load %arg6[%get3A_2344, %get3A_2345] {strides = array<i32>} : memref<400x128xf32, #tpu.memory_space<vmem>>, vector<1x16xf32>,
        %get3A_2347 = vector.shape_cast %get3A_2346 : vector<1x16xf32> to vector<16xf32>
        %add3A_2348 = arith.addf %while3A_2307, %get3A_2347 : vector<16xf32>
        scf.yield %add3A_2313, %add3A_2318, %add3A_2323, %add3A_2328, %add3A_2333, %add3A_2338, %add3A_2343, %add3A_2348 : vector<16xf32>, vector<16xf32>, vector<16xf32>, vector<16xf32>, vector<16xf32>, vector<16xf32>, vector<16xf32>, vector<16xf32>
      }
      %while3A_1697 = arith.constant 1 : i32
      %while3A_1698:8 = scf.for %while3A_2299 = %while3A_1694 to %while3A_1690 step %while3A_1697 iter_args(%while3A_2300 = %while3A_1696#0, %while3A_2301 = %while3A_1696#1, %while3A_2302 = %while3A_1696#2, %while3A_2303 = %while3A_1696#3, %while3A_2304 = %while3A_1696#4, %while3A_2305 = %while3A_1696#5, %while3A_2306 = %while3A_1696#6, %while3A_2307 = %while3A_1696#7) -> (vector<16xf32>, vector<16xf32>, vector<16xf32>, vector<16xf32>, vector<16xf32>, vector<16xf32>, vector<16xf32>, vector<16xf32>)  : i32 {
        %sub3A_2308 = arith.subi %while3A_2299, %mul3A_1291 : i32
        %get3A_2309 = arith.index_cast %sub3A_2308 : i32 to index
        %get3A_2310 = arith.constant 0 : index
        %get3A_2311 = tpu.vector_load %arg6[%get3A_2309, %get3A_2310] {strides = array<i32>} : memref<400x128xf32, #tpu.memory_space<vmem>>, vector<1x16xf32>,
        %get3A_2312 = vector.shape_cast %get3A_2311 : vector<1x16xf32> to vector<16xf32>
        %add3A_2313 = arith.addf %while3A_2300, %get3A_2312 : vector<16xf32>
        %get3A_2314 = arith.index_cast %sub3A_2308 : i32 to index
        %get3A_2315 = arith.constant 16 : index
        %get3A_2316 = tpu.vector_load %arg6[%get3A_2314, %get3A_2315] {strides = array<i32>} : memref<400x128xf32, #tpu.memory_space<vmem>>, vector<1x16xf32>,
        %get3A_2317 = vector.shape_cast %get3A_2316 : vector<1x16xf32> to vector<16xf32>
        %add3A_2318 = arith.addf %while3A_2301, %get3A_2317 : vector<16xf32>
        %get3A_2319 = arith.index_cast %sub3A_2308 : i32 to index
        %get3A_2320 = arith.constant 32 : index
        %get3A_2321 = tpu.vector_load %arg6[%get3A_2319, %get3A_2320] {strides = array<i32>} : memref<400x128xf32, #tpu.memory_space<vmem>>, vector<1x16xf32>,
        %get3A_2322 = vector.shape_cast %get3A_2321 : vector<1x16xf32> to vector<16xf32>
        %add3A_2323 = arith.addf %while3A_2302, %get3A_2322 : vector<16xf32>
        %get3A_2324 = arith.index_cast %sub3A_2308 : i32 to index
        %get3A_2325 = arith.constant 48 : index
        %get3A_2326 = tpu.vector_load %arg6[%get3A_2324, %get3A_2325] {strides = array<i32>} : memref<400x128xf32, #tpu.memory_space<vmem>>, vector<1x16xf32>,
        %get3A_2327 = vector.shape_cast %get3A_2326 : vector<1x16xf32> to vector<16xf32>
        %add3A_2328 = arith.addf %while3A_2303, %get3A_2327 : vector<16xf32>
        %get3A_2329 = arith.index_cast %sub3A_2308 : i32 to index
        %get3A_2330 = arith.constant 64 : index
        %get3A_2331 = tpu.vector_load %arg6[%get3A_2329, %get3A_2330] {strides = array<i32>} : memref<400x128xf32, #tpu.memory_space<vmem>>, vector<1x16xf32>,
        %get3A_2332 = vector.shape_cast %get3A_2331 : vector<1x16xf32> to vector<16xf32>
        %add3A_2333 = arith.addf %while3A_2304, %get3A_2332 : vector<16xf32>
        %get3A_2334 = arith.index_cast %sub3A_2308 : i32 to index
        %get3A_2335 = arith.constant 80 : index
        %get3A_2336 = tpu.vector_load %arg6[%get3A_2334, %get3A_2335] {strides = array<i32>} : memref<400x128xf32, #tpu.memory_space<vmem>>, vector<1x16xf32>,
        %get3A_2337 = vector.shape_cast %get3A_2336 : vector<1x16xf32> to vector<16xf32>
        %add3A_2338 = arith.addf %while3A_2305, %get3A_2337 : vector<16xf32>
        %get3A_2339 = arith.index_cast %sub3A_2308 : i32 to index
        %get3A_2340 = arith.constant 96 : index
        %get3A_2341 = tpu.vector_load %arg6[%get3A_2339, %get3A_2340] {strides = array<i32>} : memref<400x128xf32, #tpu.memory_space<vmem>>, vector<1x16xf32>,
        %get3A_2342 = vector.shape_cast %get3A_2341 : vector<1x16xf32> to vector<16xf32>
        %add3A_2343 = arith.addf %while3A_2306, %get3A_2342 : vector<16xf32>
        %get3A_2344 = arith.index_cast %sub3A_2308 : i32 to index
        %get3A_2345 = arith.constant 112 : index
        %get3A_2346 = tpu.vector_load %arg6[%get3A_2344, %get3A_2345] {strides = array<i32>} : memref<400x128xf32, #tpu.memory_space<vmem>>, vector<1x16xf32>,
        %get3A_2347 = vector.shape_cast %get3A_2346 : vector<1x16xf32> to vector<16xf32>
        %add3A_2348 = arith.addf %while3A_2307, %get3A_2347 : vector<16xf32>
        scf.yield %add3A_2313, %add3A_2318, %add3A_2323, %add3A_2328, %add3A_2333, %add3A_2338, %add3A_2343, %add3A_2348 : vector<16xf32>, vector<16xf32>, vector<16xf32>, vector<16xf32>, vector<16xf32>, vector<16xf32>, vector<16xf32>, vector<16xf32>
      }
      %get3A_1699 = arith.constant 3 : i32
      %get3A_1700 = arith.index_cast %get3A_1699 : i32 to index
      %get3A_1701 = arith.constant 0 : index
      %get3A_1702 = tpu.vector_load %arg7[%get3A_1700, %get3A_1701] {strides = array<i32>} : memref<8x128xf32, #tpu.memory_space<vmem>>, vector<1x16xf32>,
      %get3A_1703 = vector.shape_cast %get3A_1702 : vector<1x16xf32> to vector<16xf32>
      %add3A_1704 = arith.addf %get3A_1703, %while3A_1698#0 : vector<16xf32>
      %swap3A_1705 = arith.constant 3 : i32
      %swap3A_1706 = arith.index_cast %swap3A_1705 : i32 to index
      %swap3A_1707 = arith.constant 0 : index
      %swap3A_1708 = tpu.vector_load %arg7[%swap3A_1706, %swap3A_1707] {strides = array<i32>} : memref<8x128xf32, #tpu.memory_space<vmem>>, vector<1x16xf32>,
      %swap3A_1709 = vector.shape_cast %swap3A_1708 : vector<1x16xf32> to vector<16xf32>
      %swap3A_1710 = vector.shape_cast %add3A_1704 : vector<16xf32> to vector<1x16xf32>
      tpu.vector_store %arg7[%swap3A_1706, %swap3A_1707], %swap3A_1710 {strides = array<i32>} : memref<8x128xf32, #tpu.memory_space<vmem>>, vector<1x16xf32>,
      %get3A_1711 = arith.constant 3 : i32
      %get3A_1712 = arith.index_cast %get3A_1711 : i32 to index
      %get3A_1713 = arith.constant 16 : index
      %get3A_1714 = tpu.vector_load %arg7[%get3A_1712, %get3A_1713] {strides = array<i32>} : memref<8x128xf32, #tpu.memory_space<vmem>>, vector<1x16xf32>,
      %get3A_1715 = vector.shape_cast %get3A_1714 : vector<1x16xf32> to vector<16xf32>
      %add3A_1716 = arith.addf %get3A_1715, %while3A_1698#1 : vector<16xf32>
      %swap3A_1717 = arith.constant 3 : i32
      %swap3A_1718 = arith.index_cast %swap3A_1717 : i32 to index
      %swap3A_1719 = arith.constant 16 : index
      %swap3A_1720 = tpu.vector_load %arg7[%swap3A_1718, %swap3A_1719] {strides = array<i32>} : memref<8x128xf32, #tpu.memory_space<vmem>>, vector<1x16xf32>,
      %swap3A_1721 = vector.shape_cast %swap3A_1720 : vector<1x16xf32> to vector<16xf32>
      %swap3A_1722 = vector.shape_cast %add3A_1716 : vector<16xf32> to vector<1x16xf32>
      tpu.vector_store %arg7[%swap3A_1718, %swap3A_1719], %swap3A_1722 {strides = array<i32>} : memref<8x128xf32, #tpu.memory_space<vmem>>, vector<1x16xf32>,
      %get3A_1723 = arith.constant 3 : i32
      %get3A_1724 = arith.index_cast %get3A_1723 : i32 to index
      %get3A_1725 = arith.constant 32 : index
      %get3A_1726 = tpu.vector_load %arg7[%get3A_1724, %get3A_1725] {strides = array<i32>} : memref<8x128xf32, #tpu.memory_space<vmem>>, vector<1x16xf32>,
      %get3A_1727 = vector.shape_cast %get3A_1726 : vector<1x16xf32> to vector<16xf32>
      %add3A_1728 = arith.addf %get3A_1727, %while3A_1698#2 : vector<16xf32>
      %swap3A_1729 = arith.constant 3 : i32
      %swap3A_1730 = arith.index_cast %swap3A_1729 : i32 to index
      %swap3A_1731 = arith.constant 32 : index
      %swap3A_1732 = tpu.vector_load %arg7[%swap3A_1730, %swap3A_1731] {strides = array<i32>} : memref<8x128xf32, #tpu.memory_space<vmem>>, vector<1x16xf32>,
      %swap3A_1733 = vector.shape_cast %swap3A_1732 : vector<1x16xf32> to vector<16xf32>
      %swap3A_1734 = vector.shape_cast %add3A_1728 : vector<16xf32> to vector<1x16xf32>
      tpu.vector_store %arg7[%swap3A_1730, %swap3A_1731], %swap3A_1734 {strides = array<i32>} : memref<8x128xf32, #tpu.memory_space<vmem>>, vector<1x16xf32>,
      %get3A_1735 = arith.constant 3 : i32
      %get3A_1736 = arith.index_cast %get3A_1735 : i32 to index
      %get3A_1737 = arith.constant 48 : index
      %get3A_1738 = tpu.vector_load %arg7[%get3A_1736, %get3A_1737] {strides = array<i32>} : memref<8x128xf32, #tpu.memory_space<vmem>>, vector<1x16xf32>,
      %get3A_1739 = vector.shape_cast %get3A_1738 : vector<1x16xf32> to vector<16xf32>
      %add3A_1740 = arith.addf %get3A_1739, %while3A_1698#3 : vector<16xf32>
      %swap3A_1741 = arith.constant 3 : i32
      %swap3A_1742 = arith.index_cast %swap3A_1741 : i32 to index
      %swap3A_1743 = arith.constant 48 : index
      %swap3A_1744 = tpu.vector_load %arg7[%swap3A_1742, %swap3A_1743] {strides = array<i32>} : memref<8x128xf32, #tpu.memory_space<vmem>>, vector<1x16xf32>,
      %swap3A_1745 = vector.shape_cast %swap3A_1744 : vector<1x16xf32> to vector<16xf32>
      %swap3A_1746 = vector.shape_cast %add3A_1740 : vector<16xf32> to vector<1x16xf32>
      tpu.vector_store %arg7[%swap3A_1742, %swap3A_1743], %swap3A_1746 {strides = array<i32>} : memref<8x128xf32, #tpu.memory_space<vmem>>, vector<1x16xf32>,
      %get3A_1747 = arith.constant 3 : i32
      %get3A_1748 = arith.index_cast %get3A_1747 : i32 to index
      %get3A_1749 = arith.constant 64 : index
      %get3A_1750 = tpu.vector_load %arg7[%get3A_1748, %get3A_1749] {strides = array<i32>} : memref<8x128xf32, #tpu.memory_space<vmem>>, vector<1x16xf32>,
      %get3A_1751 = vector.shape_cast %get3A_1750 : vector<1x16xf32> to vector<16xf32>
      %add3A_1752 = arith.addf %get3A_1751, %while3A_1698#4 : vector<16xf32>
      %swap3A_1753 = arith.constant 3 : i32
      %swap3A_1754 = arith.index_cast %swap3A_1753 : i32 to index
      %swap3A_1755 = arith.constant 64 : index
      %swap3A_1756 = tpu.vector_load %arg7[%swap3A_1754, %swap3A_1755] {strides = array<i32>} : memref<8x128xf32, #tpu.memory_space<vmem>>, vector<1x16xf32>,
      %swap3A_1757 = vector.shape_cast %swap3A_1756 : vector<1x16xf32> to vector<16xf32>
      %swap3A_1758 = vector.shape_cast %add3A_1752 : vector<16xf32> to vector<1x16xf32>
      tpu.vector_store %arg7[%swap3A_1754, %swap3A_1755], %swap3A_1758 {strides = array<i32>} : memref<8x128xf32, #tpu.memory_space<vmem>>, vector<1x16xf32>,
      %get3A_1759 = arith.constant 3 : i32
      %get3A_1760 = arith.index_cast %get3A_1759 : i32 to index
      %get3A_1761 = arith.constant 80 : index
      %get3A_1762 = tpu.vector_load %arg7[%get3A_1760, %get3A_1761] {strides = array<i32>} : memref<8x128xf32, #tpu.memory_space<vmem>>, vector<1x16xf32>,
      %get3A_1763 = vector.shape_cast %get3A_1762 : vector<1x16xf32> to vector<16xf32>
      %add3A_1764 = arith.addf %get3A_1763, %while3A_1698#5 : vector<16xf32>
      %swap3A_1765 = arith.constant 3 : i32
      %swap3A_1766 = arith.index_cast %swap3A_1765 : i32 to index
      %swap3A_1767 = arith.constant 80 : index
      %swap3A_1768 = tpu.vector_load %arg7[%swap3A_1766, %swap3A_1767] {strides = array<i32>} : memref<8x128xf32, #tpu.memory_space<vmem>>, vector<1x16xf32>,
      %swap3A_1769 = vector.shape_cast %swap3A_1768 : vector<1x16xf32> to vector<16xf32>
      %swap3A_1770 = vector.shape_cast %add3A_1764 : vector<16xf32> to vector<1x16xf32>
      tpu.vector_store %arg7[%swap3A_1766, %swap3A_1767], %swap3A_1770 {strides = array<i32>} : memref<8x128xf32, #tpu.memory_space<vmem>>, vector<1x16xf32>,
      %get3A_1771 = arith.constant 3 : i32
      %get3A_1772 = arith.index_cast %get3A_1771 : i32 to index
      %get3A_1773 = arith.constant 96 : index
      %get3A_1774 = tpu.vector_load %arg7[%get3A_1772, %get3A_1773] {strides = array<i32>} : memref<8x128xf32, #tpu.memory_space<vmem>>, vector<1x16xf32>,
      %get3A_1775 = vector.shape_cast %get3A_1774 : vector<1x16xf32> to vector<16xf32>
      %add3A_1776 = arith.addf %get3A_1775, %while3A_1698#6 : vector<16xf32>
      %swap3A_1777 = arith.constant 3 : i32
      %swap3A_1778 = arith.index_cast %swap3A_1777 : i32 to index
      %swap3A_1779 = arith.constant 96 : index
      %swap3A_1780 = tpu.vector_load %arg7[%swap3A_1778, %swap3A_1779] {strides = array<i32>} : memref<8x128xf32, #tpu.memory_space<vmem>>, vector<1x16xf32>,
      %swap3A_1781 = vector.shape_cast %swap3A_1780 : vector<1x16xf32> to vector<16xf32>
      %swap3A_1782 = vector.shape_cast %add3A_1776 : vector<16xf32> to vector<1x16xf32>
      tpu.vector_store %arg7[%swap3A_1778, %swap3A_1779], %swap3A_1782 {strides = array<i32>} : memref<8x128xf32, #tpu.memory_space<vmem>>, vector<1x16xf32>,
      %get3A_1783 = arith.constant 3 : i32
      %get3A_1784 = arith.index_cast %get3A_1783 : i32 to index
      %get3A_1785 = arith.constant 112 : index
      %get3A_1786 = tpu.vector_load %arg7[%get3A_1784, %get3A_1785] {strides = array<i32>} : memref<8x128xf32, #tpu.memory_space<vmem>>, vector<1x16xf32>,
      %get3A_1787 = vector.shape_cast %get3A_1786 : vector<1x16xf32> to vector<16xf32>
      %add3A_1788 = arith.addf %get3A_1787, %while3A_1698#7 : vector<16xf32>
      %swap3A_1789 = arith.constant 3 : i32
      %swap3A_1790 = arith.index_cast %swap3A_1789 : i32 to index
      %swap3A_1791 = arith.constant 112 : index
      %swap3A_1792 = tpu.vector_load %arg7[%swap3A_1790, %swap3A_1791] {strides = array<i32>} : memref<8x128xf32, #tpu.memory_space<vmem>>, vector<1x16xf32>,
      %swap3A_1793 = vector.shape_cast %swap3A_1792 : vector<1x16xf32> to vector<16xf32>
      %swap3A_1794 = vector.shape_cast %add3A_1788 : vector<16xf32> to vector<1x16xf32>
      tpu.vector_store %arg7[%swap3A_1790, %swap3A_1791], %swap3A_1794 {strides = array<i32>} : memref<8x128xf32, #tpu.memory_space<vmem>>, vector<1x16xf32>,
      %max3A_1795 = arith.maxsi %squeeze3A_12, %mul3A_1291 : i32
      %add3A_1796 = arith.constant 400 : i32
      %add3A_1797 = arith.addi %mul3A_1291, %add3A_1796 : i32
      %min3A_1798 = arith.minsi %squeeze3A_14, %add3A_1797 : i32
      %broadcast_in_dim3A_1799 = arith.constant 0.000000e+00 : f32
      %broadcast_in_dim3A_1800 = vector.broadcast %broadcast_in_dim3A_1799 : f32 to vector<16xf32>
      %broadcast_in_dim3A_1801 = arith.constant 0.000000e+00 : f32
      %broadcast_in_dim3A_1802 = vector.broadcast %broadcast_in_dim3A_1801 : f32 to vector<16xf32>
      %broadcast_in_dim3A_1803 = arith.constant 0.000000e+00 : f32
      %broadcast_in_dim3A_1804 = vector.broadcast %broadcast_in_dim3A_1803 : f32 to vector<16xf32>
      %broadcast_in_dim3A_1805 = arith.constant 0.000000e+00 : f32
      %broadcast_in_dim3A_1806 = vector.broadcast %broadcast_in_dim3A_1805 : f32 to vector<16xf32>
      %broadcast_in_dim3A_1807 = arith.constant 0.000000e+00 : f32
      %broadcast_in_dim3A_1808 = vector.broadcast %broadcast_in_dim3A_1807 : f32 to vector<16xf32>
      %broadcast_in_dim3A_1809 = arith.constant 0.000000e+00 : f32
      %broadcast_in_dim3A_1810 = vector.broadcast %broadcast_in_dim3A_1809 : f32 to vector<16xf32>
      %broadcast_in_dim3A_1811 = arith.constant 0.000000e+00 : f32
      %broadcast_in_dim3A_1812 = vector.broadcast %broadcast_in_dim3A_1811 : f32 to vector<16xf32>
      %broadcast_in_dim3A_1813 = arith.constant 0.000000e+00 : f32
      %broadcast_in_dim3A_1814 = vector.broadcast %broadcast_in_dim3A_1813 : f32 to vector<16xf32>
      %while3A_1815 = arith.subi %min3A_1798, %max3A_1795 : i32
      %while3A_1816 = arith.addi %max3A_1795, %while3A_1815 : i32
      %while3A_1817 = arith.constant 1 : i32
      %while3A_1818 = arith.divsi %while3A_1815, %while3A_1817 : i32
      %while3A_1819 = arith.muli %while3A_1818, %while3A_1817 : i32
      %while3A_1820 = arith.addi %max3A_1795, %while3A_1819 : i32
      %while3A_1821 = arith.constant 1 : i32
      %while3A_1822:8 = scf.for %while3A_2299 = %max3A_1795 to %while3A_1820 step %while3A_1821 iter_args(%while3A_2300 = %broadcast_in_dim3A_1800, %while3A_2301 = %broadcast_in_dim3A_1802, %while3A_2302 = %broadcast_in_dim3A_1804, %while3A_2303 = %broadcast_in_dim3A_1806, %while3A_2304 = %broadcast_in_dim3A_1808, %while3A_2305 = %broadcast_in_dim3A_1810, %while3A_2306 = %broadcast_in_dim3A_1812, %while3A_2307 = %broadcast_in_dim3A_1814) -> (vector<16xf32>, vector<16xf32>, vector<16xf32>, vector<16xf32>, vector<16xf32>, vector<16xf32>, vector<16xf32>, vector<16xf32>)  : i32 {
        %sub3A_2308 = arith.subi %while3A_2299, %mul3A_1291 : i32
        %get3A_2309 = arith.index_cast %sub3A_2308 : i32 to index
        %get3A_2310 = arith.constant 0 : index
        %get3A_2311 = tpu.vector_load %arg6[%get3A_2309, %get3A_2310] {strides = array<i32>} : memref<400x128xf32, #tpu.memory_space<vmem>>, vector<1x16xf32>,
        %get3A_2312 = vector.shape_cast %get3A_2311 : vector<1x16xf32> to vector<16xf32>
        %add3A_2313 = arith.addf %while3A_2300, %get3A_2312 : vector<16xf32>
        %get3A_2314 = arith.index_cast %sub3A_2308 : i32 to index
        %get3A_2315 = arith.constant 16 : index
        %get3A_2316 = tpu.vector_load %arg6[%get3A_2314, %get3A_2315] {strides = array<i32>} : memref<400x128xf32, #tpu.memory_space<vmem>>, vector<1x16xf32>,
        %get3A_2317 = vector.shape_cast %get3A_2316 : vector<1x16xf32> to vector<16xf32>
        %add3A_2318 = arith.addf %while3A_2301, %get3A_2317 : vector<16xf32>
        %get3A_2319 = arith.index_cast %sub3A_2308 : i32 to index
        %get3A_2320 = arith.constant 32 : index
        %get3A_2321 = tpu.vector_load %arg6[%get3A_2319, %get3A_2320] {strides = array<i32>} : memref<400x128xf32, #tpu.memory_space<vmem>>, vector<1x16xf32>,
        %get3A_2322 = vector.shape_cast %get3A_2321 : vector<1x16xf32> to vector<16xf32>
        %add3A_2323 = arith.addf %while3A_2302, %get3A_2322 : vector<16xf32>
        %get3A_2324 = arith.index_cast %sub3A_2308 : i32 to index
        %get3A_2325 = arith.constant 48 : index
        %get3A_2326 = tpu.vector_load %arg6[%get3A_2324, %get3A_2325] {strides = array<i32>} : memref<400x128xf32, #tpu.memory_space<vmem>>, vector<1x16xf32>,
        %get3A_2327 = vector.shape_cast %get3A_2326 : vector<1x16xf32> to vector<16xf32>
        %add3A_2328 = arith.addf %while3A_2303, %get3A_2327 : vector<16xf32>
        %get3A_2329 = arith.index_cast %sub3A_2308 : i32 to index
        %get3A_2330 = arith.constant 64 : index
        %get3A_2331 = tpu.vector_load %arg6[%get3A_2329, %get3A_2330] {strides = array<i32>} : memref<400x128xf32, #tpu.memory_space<vmem>>, vector<1x16xf32>,
        %get3A_2332 = vector.shape_cast %get3A_2331 : vector<1x16xf32> to vector<16xf32>
        %add3A_2333 = arith.addf %while3A_2304, %get3A_2332 : vector<16xf32>
        %get3A_2334 = arith.index_cast %sub3A_2308 : i32 to index
        %get3A_2335 = arith.constant 80 : index
        %get3A_2336 = tpu.vector_load %arg6[%get3A_2334, %get3A_2335] {strides = array<i32>} : memref<400x128xf32, #tpu.memory_space<vmem>>, vector<1x16xf32>,
        %get3A_2337 = vector.shape_cast %get3A_2336 : vector<1x16xf32> to vector<16xf32>
        %add3A_2338 = arith.addf %while3A_2305, %get3A_2337 : vector<16xf32>
        %get3A_2339 = arith.index_cast %sub3A_2308 : i32 to index
        %get3A_2340 = arith.constant 96 : index
        %get3A_2341 = tpu.vector_load %arg6[%get3A_2339, %get3A_2340] {strides = array<i32>} : memref<400x128xf32, #tpu.memory_space<vmem>>, vector<1x16xf32>,
        %get3A_2342 = vector.shape_cast %get3A_2341 : vector<1x16xf32> to vector<16xf32>
        %add3A_2343 = arith.addf %while3A_2306, %get3A_2342 : vector<16xf32>
        %get3A_2344 = arith.index_cast %sub3A_2308 : i32 to index
        %get3A_2345 = arith.constant 112 : index
        %get3A_2346 = tpu.vector_load %arg6[%get3A_2344, %get3A_2345] {strides = array<i32>} : memref<400x128xf32, #tpu.memory_space<vmem>>, vector<1x16xf32>,
        %get3A_2347 = vector.shape_cast %get3A_2346 : vector<1x16xf32> to vector<16xf32>
        %add3A_2348 = arith.addf %while3A_2307, %get3A_2347 : vector<16xf32>
        scf.yield %add3A_2313, %add3A_2318, %add3A_2323, %add3A_2328, %add3A_2333, %add3A_2338, %add3A_2343, %add3A_2348 : vector<16xf32>, vector<16xf32>, vector<16xf32>, vector<16xf32>, vector<16xf32>, vector<16xf32>, vector<16xf32>, vector<16xf32>
      }
      %while3A_1823 = arith.constant 1 : i32
      %while3A_1824:8 = scf.for %while3A_2299 = %while3A_1820 to %while3A_1816 step %while3A_1823 iter_args(%while3A_2300 = %while3A_1822#0, %while3A_2301 = %while3A_1822#1, %while3A_2302 = %while3A_1822#2, %while3A_2303 = %while3A_1822#3, %while3A_2304 = %while3A_1822#4, %while3A_2305 = %while3A_1822#5, %while3A_2306 = %while3A_1822#6, %while3A_2307 = %while3A_1822#7) -> (vector<16xf32>, vector<16xf32>, vector<16xf32>, vector<16xf32>, vector<16xf32>, vector<16xf32>, vector<16xf32>, vector<16xf32>)  : i32 {
        %sub3A_2308 = arith.subi %while3A_2299, %mul3A_1291 : i32
        %get3A_2309 = arith.index_cast %sub3A_2308 : i32 to index
        %get3A_2310 = arith.constant 0 : index
        %get3A_2311 = tpu.vector_load %arg6[%get3A_2309, %get3A_2310] {strides = array<i32>} : memref<400x128xf32, #tpu.memory_space<vmem>>, vector<1x16xf32>,
        %get3A_2312 = vector.shape_cast %get3A_2311 : vector<1x16xf32> to vector<16xf32>
        %add3A_2313 = arith.addf %while3A_2300, %get3A_2312 : vector<16xf32>
        %get3A_2314 = arith.index_cast %sub3A_2308 : i32 to index
        %get3A_2315 = arith.constant 16 : index
        %get3A_2316 = tpu.vector_load %arg6[%get3A_2314, %get3A_2315] {strides = array<i32>} : memref<400x128xf32, #tpu.memory_space<vmem>>, vector<1x16xf32>,
        %get3A_2317 = vector.shape_cast %get3A_2316 : vector<1x16xf32> to vector<16xf32>
        %add3A_2318 = arith.addf %while3A_2301, %get3A_2317 : vector<16xf32>
        %get3A_2319 = arith.index_cast %sub3A_2308 : i32 to index
        %get3A_2320 = arith.constant 32 : index
        %get3A_2321 = tpu.vector_load %arg6[%get3A_2319, %get3A_2320] {strides = array<i32>} : memref<400x128xf32, #tpu.memory_space<vmem>>, vector<1x16xf32>,
        %get3A_2322 = vector.shape_cast %get3A_2321 : vector<1x16xf32> to vector<16xf32>
        %add3A_2323 = arith.addf %while3A_2302, %get3A_2322 : vector<16xf32>
        %get3A_2324 = arith.index_cast %sub3A_2308 : i32 to index
        %get3A_2325 = arith.constant 48 : index
        %get3A_2326 = tpu.vector_load %arg6[%get3A_2324, %get3A_2325] {strides = array<i32>} : memref<400x128xf32, #tpu.memory_space<vmem>>, vector<1x16xf32>,
        %get3A_2327 = vector.shape_cast %get3A_2326 : vector<1x16xf32> to vector<16xf32>
        %add3A_2328 = arith.addf %while3A_2303, %get3A_2327 : vector<16xf32>
        %get3A_2329 = arith.index_cast %sub3A_2308 : i32 to index
        %get3A_2330 = arith.constant 64 : index
        %get3A_2331 = tpu.vector_load %arg6[%get3A_2329, %get3A_2330] {strides = array<i32>} : memref<400x128xf32, #tpu.memory_space<vmem>>, vector<1x16xf32>,
        %get3A_2332 = vector.shape_cast %get3A_2331 : vector<1x16xf32> to vector<16xf32>
        %add3A_2333 = arith.addf %while3A_2304, %get3A_2332 : vector<16xf32>
        %get3A_2334 = arith.index_cast %sub3A_2308 : i32 to index
        %get3A_2335 = arith.constant 80 : index
        %get3A_2336 = tpu.vector_load %arg6[%get3A_2334, %get3A_2335] {strides = array<i32>} : memref<400x128xf32, #tpu.memory_space<vmem>>, vector<1x16xf32>,
        %get3A_2337 = vector.shape_cast %get3A_2336 : vector<1x16xf32> to vector<16xf32>
        %add3A_2338 = arith.addf %while3A_2305, %get3A_2337 : vector<16xf32>
        %get3A_2339 = arith.index_cast %sub3A_2308 : i32 to index
        %get3A_2340 = arith.constant 96 : index
        %get3A_2341 = tpu.vector_load %arg6[%get3A_2339, %get3A_2340] {strides = array<i32>} : memref<400x128xf32, #tpu.memory_space<vmem>>, vector<1x16xf32>,
        %get3A_2342 = vector.shape_cast %get3A_2341 : vector<1x16xf32> to vector<16xf32>
        %add3A_2343 = arith.addf %while3A_2306, %get3A_2342 : vector<16xf32>
        %get3A_2344 = arith.index_cast %sub3A_2308 : i32 to index
        %get3A_2345 = arith.constant 112 : index
        %get3A_2346 = tpu.vector_load %arg6[%get3A_2344, %get3A_2345] {strides = array<i32>} : memref<400x128xf32, #tpu.memory_space<vmem>>, vector<1x16xf32>,
        %get3A_2347 = vector.shape_cast %get3A_2346 : vector<1x16xf32> to vector<16xf32>
        %add3A_2348 = arith.addf %while3A_2307, %get3A_2347 : vector<16xf32>
        scf.yield %add3A_2313, %add3A_2318, %add3A_2323, %add3A_2328, %add3A_2333, %add3A_2338, %add3A_2343, %add3A_2348 : vector<16xf32>, vector<16xf32>, vector<16xf32>, vector<16xf32>, vector<16xf32>, vector<16xf32>, vector<16xf32>, vector<16xf32>
      }
      %get3A_1825 = arith.constant 4 : i32
      %get3A_1826 = arith.index_cast %get3A_1825 : i32 to index
      %get3A_1827 = arith.constant 0 : index
      %get3A_1828 = tpu.vector_load %arg7[%get3A_1826, %get3A_1827] {strides = array<i32>} : memref<8x128xf32, #tpu.memory_space<vmem>>, vector<1x16xf32>,
      %get3A_1829 = vector.shape_cast %get3A_1828 : vector<1x16xf32> to vector<16xf32>
      %add3A_1830 = arith.addf %get3A_1829, %while3A_1824#0 : vector<16xf32>
      %swap3A_1831 = arith.constant 4 : i32
      %swap3A_1832 = arith.index_cast %swap3A_1831 : i32 to index
      %swap3A_1833 = arith.constant 0 : index
      %swap3A_1834 = tpu.vector_load %arg7[%swap3A_1832, %swap3A_1833] {strides = array<i32>} : memref<8x128xf32, #tpu.memory_space<vmem>>, vector<1x16xf32>,
      %swap3A_1835 = vector.shape_cast %swap3A_1834 : vector<1x16xf32> to vector<16xf32>
      %swap3A_1836 = vector.shape_cast %add3A_1830 : vector<16xf32> to vector<1x16xf32>
      tpu.vector_store %arg7[%swap3A_1832, %swap3A_1833], %swap3A_1836 {strides = array<i32>} : memref<8x128xf32, #tpu.memory_space<vmem>>, vector<1x16xf32>,
      %get3A_1837 = arith.constant 4 : i32
      %get3A_1838 = arith.index_cast %get3A_1837 : i32 to index
      %get3A_1839 = arith.constant 16 : index
      %get3A_1840 = tpu.vector_load %arg7[%get3A_1838, %get3A_1839] {strides = array<i32>} : memref<8x128xf32, #tpu.memory_space<vmem>>, vector<1x16xf32>,
      %get3A_1841 = vector.shape_cast %get3A_1840 : vector<1x16xf32> to vector<16xf32>
      %add3A_1842 = arith.addf %get3A_1841, %while3A_1824#1 : vector<16xf32>
      %swap3A_1843 = arith.constant 4 : i32
      %swap3A_1844 = arith.index_cast %swap3A_1843 : i32 to index
      %swap3A_1845 = arith.constant 16 : index
      %swap3A_1846 = tpu.vector_load %arg7[%swap3A_1844, %swap3A_1845] {strides = array<i32>} : memref<8x128xf32, #tpu.memory_space<vmem>>, vector<1x16xf32>,
      %swap3A_1847 = vector.shape_cast %swap3A_1846 : vector<1x16xf32> to vector<16xf32>
      %swap3A_1848 = vector.shape_cast %add3A_1842 : vector<16xf32> to vector<1x16xf32>
      tpu.vector_store %arg7[%swap3A_1844, %swap3A_1845], %swap3A_1848 {strides = array<i32>} : memref<8x128xf32, #tpu.memory_space<vmem>>, vector<1x16xf32>,
      %get3A_1849 = arith.constant 4 : i32
      %get3A_1850 = arith.index_cast %get3A_1849 : i32 to index
      %get3A_1851 = arith.constant 32 : index
      %get3A_1852 = tpu.vector_load %arg7[%get3A_1850, %get3A_1851] {strides = array<i32>} : memref<8x128xf32, #tpu.memory_space<vmem>>, vector<1x16xf32>,
      %get3A_1853 = vector.shape_cast %get3A_1852 : vector<1x16xf32> to vector<16xf32>
      %add3A_1854 = arith.addf %get3A_1853, %while3A_1824#2 : vector<16xf32>
      %swap3A_1855 = arith.constant 4 : i32
      %swap3A_1856 = arith.index_cast %swap3A_1855 : i32 to index
      %swap3A_1857 = arith.constant 32 : index
      %swap3A_1858 = tpu.vector_load %arg7[%swap3A_1856, %swap3A_1857] {strides = array<i32>} : memref<8x128xf32, #tpu.memory_space<vmem>>, vector<1x16xf32>,
      %swap3A_1859 = vector.shape_cast %swap3A_1858 : vector<1x16xf32> to vector<16xf32>
      %swap3A_1860 = vector.shape_cast %add3A_1854 : vector<16xf32> to vector<1x16xf32>
      tpu.vector_store %arg7[%swap3A_1856, %swap3A_1857], %swap3A_1860 {strides = array<i32>} : memref<8x128xf32, #tpu.memory_space<vmem>>, vector<1x16xf32>,
      %get3A_1861 = arith.constant 4 : i32
      %get3A_1862 = arith.index_cast %get3A_1861 : i32 to index
      %get3A_1863 = arith.constant 48 : index
      %get3A_1864 = tpu.vector_load %arg7[%get3A_1862, %get3A_1863] {strides = array<i32>} : memref<8x128xf32, #tpu.memory_space<vmem>>, vector<1x16xf32>,
      %get3A_1865 = vector.shape_cast %get3A_1864 : vector<1x16xf32> to vector<16xf32>
      %add3A_1866 = arith.addf %get3A_1865, %while3A_1824#3 : vector<16xf32>
      %swap3A_1867 = arith.constant 4 : i32
      %swap3A_1868 = arith.index_cast %swap3A_1867 : i32 to index
      %swap3A_1869 = arith.constant 48 : index
      %swap3A_1870 = tpu.vector_load %arg7[%swap3A_1868, %swap3A_1869] {strides = array<i32>} : memref<8x128xf32, #tpu.memory_space<vmem>>, vector<1x16xf32>,
      %swap3A_1871 = vector.shape_cast %swap3A_1870 : vector<1x16xf32> to vector<16xf32>
      %swap3A_1872 = vector.shape_cast %add3A_1866 : vector<16xf32> to vector<1x16xf32>
      tpu.vector_store %arg7[%swap3A_1868, %swap3A_1869], %swap3A_1872 {strides = array<i32>} : memref<8x128xf32, #tpu.memory_space<vmem>>, vector<1x16xf32>,
      %get3A_1873 = arith.constant 4 : i32
      %get3A_1874 = arith.index_cast %get3A_1873 : i32 to index
      %get3A_1875 = arith.constant 64 : index
      %get3A_1876 = tpu.vector_load %arg7[%get3A_1874, %get3A_1875] {strides = array<i32>} : memref<8x128xf32, #tpu.memory_space<vmem>>, vector<1x16xf32>,
      %get3A_1877 = vector.shape_cast %get3A_1876 : vector<1x16xf32> to vector<16xf32>
      %add3A_1878 = arith.addf %get3A_1877, %while3A_1824#4 : vector<16xf32>
      %swap3A_1879 = arith.constant 4 : i32
      %swap3A_1880 = arith.index_cast %swap3A_1879 : i32 to index
      %swap3A_1881 = arith.constant 64 : index
      %swap3A_1882 = tpu.vector_load %arg7[%swap3A_1880, %swap3A_1881] {strides = array<i32>} : memref<8x128xf32, #tpu.memory_space<vmem>>, vector<1x16xf32>,
      %swap3A_1883 = vector.shape_cast %swap3A_1882 : vector<1x16xf32> to vector<16xf32>
      %swap3A_1884 = vector.shape_cast %add3A_1878 : vector<16xf32> to vector<1x16xf32>
      tpu.vector_store %arg7[%swap3A_1880, %swap3A_1881], %swap3A_1884 {strides = array<i32>} : memref<8x128xf32, #tpu.memory_space<vmem>>, vector<1x16xf32>,
      %get3A_1885 = arith.constant 4 : i32
      %get3A_1886 = arith.index_cast %get3A_1885 : i32 to index
      %get3A_1887 = arith.constant 80 : index
      %get3A_1888 = tpu.vector_load %arg7[%get3A_1886, %get3A_1887] {strides = array<i32>} : memref<8x128xf32, #tpu.memory_space<vmem>>, vector<1x16xf32>,
      %get3A_1889 = vector.shape_cast %get3A_1888 : vector<1x16xf32> to vector<16xf32>
      %add3A_1890 = arith.addf %get3A_1889, %while3A_1824#5 : vector<16xf32>
      %swap3A_1891 = arith.constant 4 : i32
      %swap3A_1892 = arith.index_cast %swap3A_1891 : i32 to index
      %swap3A_1893 = arith.constant 80 : index
      %swap3A_1894 = tpu.vector_load %arg7[%swap3A_1892, %swap3A_1893] {strides = array<i32>} : memref<8x128xf32, #tpu.memory_space<vmem>>, vector<1x16xf32>,
      %swap3A_1895 = vector.shape_cast %swap3A_1894 : vector<1x16xf32> to vector<16xf32>
      %swap3A_1896 = vector.shape_cast %add3A_1890 : vector<16xf32> to vector<1x16xf32>
      tpu.vector_store %arg7[%swap3A_1892, %swap3A_1893], %swap3A_1896 {strides = array<i32>} : memref<8x128xf32, #tpu.memory_space<vmem>>, vector<1x16xf32>,
      %get3A_1897 = arith.constant 4 : i32
      %get3A_1898 = arith.index_cast %get3A_1897 : i32 to index
      %get3A_1899 = arith.constant 96 : index
      %get3A_1900 = tpu.vector_load %arg7[%get3A_1898, %get3A_1899] {strides = array<i32>} : memref<8x128xf32, #tpu.memory_space<vmem>>, vector<1x16xf32>,
      %get3A_1901 = vector.shape_cast %get3A_1900 : vector<1x16xf32> to vector<16xf32>
      %add3A_1902 = arith.addf %get3A_1901, %while3A_1824#6 : vector<16xf32>
      %swap3A_1903 = arith.constant 4 : i32
      %swap3A_1904 = arith.index_cast %swap3A_1903 : i32 to index
      %swap3A_1905 = arith.constant 96 : index
      %swap3A_1906 = tpu.vector_load %arg7[%swap3A_1904, %swap3A_1905] {strides = array<i32>} : memref<8x128xf32, #tpu.memory_space<vmem>>, vector<1x16xf32>,
      %swap3A_1907 = vector.shape_cast %swap3A_1906 : vector<1x16xf32> to vector<16xf32>
      %swap3A_1908 = vector.shape_cast %add3A_1902 : vector<16xf32> to vector<1x16xf32>
      tpu.vector_store %arg7[%swap3A_1904, %swap3A_1905], %swap3A_1908 {strides = array<i32>} : memref<8x128xf32, #tpu.memory_space<vmem>>, vector<1x16xf32>,
      %get3A_1909 = arith.constant 4 : i32
      %get3A_1910 = arith.index_cast %get3A_1909 : i32 to index
      %get3A_1911 = arith.constant 112 : index
      %get3A_1912 = tpu.vector_load %arg7[%get3A_1910, %get3A_1911] {strides = array<i32>} : memref<8x128xf32, #tpu.memory_space<vmem>>, vector<1x16xf32>,
      %get3A_1913 = vector.shape_cast %get3A_1912 : vector<1x16xf32> to vector<16xf32>
      %add3A_1914 = arith.addf %get3A_1913, %while3A_1824#7 : vector<16xf32>
      %swap3A_1915 = arith.constant 4 : i32
      %swap3A_1916 = arith.index_cast %swap3A_1915 : i32 to index
      %swap3A_1917 = arith.constant 112 : index
      %swap3A_1918 = tpu.vector_load %arg7[%swap3A_1916, %swap3A_1917] {strides = array<i32>} : memref<8x128xf32, #tpu.memory_space<vmem>>, vector<1x16xf32>,
      %swap3A_1919 = vector.shape_cast %swap3A_1918 : vector<1x16xf32> to vector<16xf32>
      %swap3A_1920 = vector.shape_cast %add3A_1914 : vector<16xf32> to vector<1x16xf32>
      tpu.vector_store %arg7[%swap3A_1916, %swap3A_1917], %swap3A_1920 {strides = array<i32>} : memref<8x128xf32, #tpu.memory_space<vmem>>, vector<1x16xf32>,
      %max3A_1921 = arith.maxsi %squeeze3A_14, %mul3A_1291 : i32
      %add3A_1922 = arith.constant 400 : i32
      %add3A_1923 = arith.addi %mul3A_1291, %add3A_1922 : i32
      %min3A_1924 = arith.minsi %squeeze3A_16, %add3A_1923 : i32
      %broadcast_in_dim3A_1925 = arith.constant 0.000000e+00 : f32
      %broadcast_in_dim3A_1926 = vector.broadcast %broadcast_in_dim3A_1925 : f32 to vector<16xf32>
      %broadcast_in_dim3A_1927 = arith.constant 0.000000e+00 : f32
      %broadcast_in_dim3A_1928 = vector.broadcast %broadcast_in_dim3A_1927 : f32 to vector<16xf32>
      %broadcast_in_dim3A_1929 = arith.constant 0.000000e+00 : f32
      %broadcast_in_dim3A_1930 = vector.broadcast %broadcast_in_dim3A_1929 : f32 to vector<16xf32>
      %broadcast_in_dim3A_1931 = arith.constant 0.000000e+00 : f32
      %broadcast_in_dim3A_1932 = vector.broadcast %broadcast_in_dim3A_1931 : f32 to vector<16xf32>
      %broadcast_in_dim3A_1933 = arith.constant 0.000000e+00 : f32
      %broadcast_in_dim3A_1934 = vector.broadcast %broadcast_in_dim3A_1933 : f32 to vector<16xf32>
      %broadcast_in_dim3A_1935 = arith.constant 0.000000e+00 : f32
      %broadcast_in_dim3A_1936 = vector.broadcast %broadcast_in_dim3A_1935 : f32 to vector<16xf32>
      %broadcast_in_dim3A_1937 = arith.constant 0.000000e+00 : f32
      %broadcast_in_dim3A_1938 = vector.broadcast %broadcast_in_dim3A_1937 : f32 to vector<16xf32>
      %broadcast_in_dim3A_1939 = arith.constant 0.000000e+00 : f32
      %broadcast_in_dim3A_1940 = vector.broadcast %broadcast_in_dim3A_1939 : f32 to vector<16xf32>
      %while3A_1941 = arith.subi %min3A_1924, %max3A_1921 : i32
      %while3A_1942 = arith.addi %max3A_1921, %while3A_1941 : i32
      %while3A_1943 = arith.constant 1 : i32
      %while3A_1944 = arith.divsi %while3A_1941, %while3A_1943 : i32
      %while3A_1945 = arith.muli %while3A_1944, %while3A_1943 : i32
      %while3A_1946 = arith.addi %max3A_1921, %while3A_1945 : i32
      %while3A_1947 = arith.constant 1 : i32
      %while3A_1948:8 = scf.for %while3A_2299 = %max3A_1921 to %while3A_1946 step %while3A_1947 iter_args(%while3A_2300 = %broadcast_in_dim3A_1926, %while3A_2301 = %broadcast_in_dim3A_1928, %while3A_2302 = %broadcast_in_dim3A_1930, %while3A_2303 = %broadcast_in_dim3A_1932, %while3A_2304 = %broadcast_in_dim3A_1934, %while3A_2305 = %broadcast_in_dim3A_1936, %while3A_2306 = %broadcast_in_dim3A_1938, %while3A_2307 = %broadcast_in_dim3A_1940) -> (vector<16xf32>, vector<16xf32>, vector<16xf32>, vector<16xf32>, vector<16xf32>, vector<16xf32>, vector<16xf32>, vector<16xf32>)  : i32 {
        %sub3A_2308 = arith.subi %while3A_2299, %mul3A_1291 : i32
        %get3A_2309 = arith.index_cast %sub3A_2308 : i32 to index
        %get3A_2310 = arith.constant 0 : index
        %get3A_2311 = tpu.vector_load %arg6[%get3A_2309, %get3A_2310] {strides = array<i32>} : memref<400x128xf32, #tpu.memory_space<vmem>>, vector<1x16xf32>,
        %get3A_2312 = vector.shape_cast %get3A_2311 : vector<1x16xf32> to vector<16xf32>
        %add3A_2313 = arith.addf %while3A_2300, %get3A_2312 : vector<16xf32>
        %get3A_2314 = arith.index_cast %sub3A_2308 : i32 to index
        %get3A_2315 = arith.constant 16 : index
        %get3A_2316 = tpu.vector_load %arg6[%get3A_2314, %get3A_2315] {strides = array<i32>} : memref<400x128xf32, #tpu.memory_space<vmem>>, vector<1x16xf32>,
        %get3A_2317 = vector.shape_cast %get3A_2316 : vector<1x16xf32> to vector<16xf32>
        %add3A_2318 = arith.addf %while3A_2301, %get3A_2317 : vector<16xf32>
        %get3A_2319 = arith.index_cast %sub3A_2308 : i32 to index
        %get3A_2320 = arith.constant 32 : index
        %get3A_2321 = tpu.vector_load %arg6[%get3A_2319, %get3A_2320] {strides = array<i32>} : memref<400x128xf32, #tpu.memory_space<vmem>>, vector<1x16xf32>,
        %get3A_2322 = vector.shape_cast %get3A_2321 : vector<1x16xf32> to vector<16xf32>
        %add3A_2323 = arith.addf %while3A_2302, %get3A_2322 : vector<16xf32>
        %get3A_2324 = arith.index_cast %sub3A_2308 : i32 to index
        %get3A_2325 = arith.constant 48 : index
        %get3A_2326 = tpu.vector_load %arg6[%get3A_2324, %get3A_2325] {strides = array<i32>} : memref<400x128xf32, #tpu.memory_space<vmem>>, vector<1x16xf32>,
        %get3A_2327 = vector.shape_cast %get3A_2326 : vector<1x16xf32> to vector<16xf32>
        %add3A_2328 = arith.addf %while3A_2303, %get3A_2327 : vector<16xf32>
        %get3A_2329 = arith.index_cast %sub3A_2308 : i32 to index
        %get3A_2330 = arith.constant 64 : index
        %get3A_2331 = tpu.vector_load %arg6[%get3A_2329, %get3A_2330] {strides = array<i32>} : memref<400x128xf32, #tpu.memory_space<vmem>>, vector<1x16xf32>,
        %get3A_2332 = vector.shape_cast %get3A_2331 : vector<1x16xf32> to vector<16xf32>
        %add3A_2333 = arith.addf %while3A_2304, %get3A_2332 : vector<16xf32>
        %get3A_2334 = arith.index_cast %sub3A_2308 : i32 to index
        %get3A_2335 = arith.constant 80 : index
        %get3A_2336 = tpu.vector_load %arg6[%get3A_2334, %get3A_2335] {strides = array<i32>} : memref<400x128xf32, #tpu.memory_space<vmem>>, vector<1x16xf32>,
        %get3A_2337 = vector.shape_cast %get3A_2336 : vector<1x16xf32> to vector<16xf32>
        %add3A_2338 = arith.addf %while3A_2305, %get3A_2337 : vector<16xf32>
        %get3A_2339 = arith.index_cast %sub3A_2308 : i32 to index
        %get3A_2340 = arith.constant 96 : index
        %get3A_2341 = tpu.vector_load %arg6[%get3A_2339, %get3A_2340] {strides = array<i32>} : memref<400x128xf32, #tpu.memory_space<vmem>>, vector<1x16xf32>,
        %get3A_2342 = vector.shape_cast %get3A_2341 : vector<1x16xf32> to vector<16xf32>
        %add3A_2343 = arith.addf %while3A_2306, %get3A_2342 : vector<16xf32>
        %get3A_2344 = arith.index_cast %sub3A_2308 : i32 to index
        %get3A_2345 = arith.constant 112 : index
        %get3A_2346 = tpu.vector_load %arg6[%get3A_2344, %get3A_2345] {strides = array<i32>} : memref<400x128xf32, #tpu.memory_space<vmem>>, vector<1x16xf32>,
        %get3A_2347 = vector.shape_cast %get3A_2346 : vector<1x16xf32> to vector<16xf32>
        %add3A_2348 = arith.addf %while3A_2307, %get3A_2347 : vector<16xf32>
        scf.yield %add3A_2313, %add3A_2318, %add3A_2323, %add3A_2328, %add3A_2333, %add3A_2338, %add3A_2343, %add3A_2348 : vector<16xf32>, vector<16xf32>, vector<16xf32>, vector<16xf32>, vector<16xf32>, vector<16xf32>, vector<16xf32>, vector<16xf32>
      }
      %while3A_1949 = arith.constant 1 : i32
      %while3A_1950:8 = scf.for %while3A_2299 = %while3A_1946 to %while3A_1942 step %while3A_1949 iter_args(%while3A_2300 = %while3A_1948#0, %while3A_2301 = %while3A_1948#1, %while3A_2302 = %while3A_1948#2, %while3A_2303 = %while3A_1948#3, %while3A_2304 = %while3A_1948#4, %while3A_2305 = %while3A_1948#5, %while3A_2306 = %while3A_1948#6, %while3A_2307 = %while3A_1948#7) -> (vector<16xf32>, vector<16xf32>, vector<16xf32>, vector<16xf32>, vector<16xf32>, vector<16xf32>, vector<16xf32>, vector<16xf32>)  : i32 {
        %sub3A_2308 = arith.subi %while3A_2299, %mul3A_1291 : i32
        %get3A_2309 = arith.index_cast %sub3A_2308 : i32 to index
        %get3A_2310 = arith.constant 0 : index
        %get3A_2311 = tpu.vector_load %arg6[%get3A_2309, %get3A_2310] {strides = array<i32>} : memref<400x128xf32, #tpu.memory_space<vmem>>, vector<1x16xf32>,
        %get3A_2312 = vector.shape_cast %get3A_2311 : vector<1x16xf32> to vector<16xf32>
        %add3A_2313 = arith.addf %while3A_2300, %get3A_2312 : vector<16xf32>
        %get3A_2314 = arith.index_cast %sub3A_2308 : i32 to index
        %get3A_2315 = arith.constant 16 : index
        %get3A_2316 = tpu.vector_load %arg6[%get3A_2314, %get3A_2315] {strides = array<i32>} : memref<400x128xf32, #tpu.memory_space<vmem>>, vector<1x16xf32>,
        %get3A_2317 = vector.shape_cast %get3A_2316 : vector<1x16xf32> to vector<16xf32>
        %add3A_2318 = arith.addf %while3A_2301, %get3A_2317 : vector<16xf32>
        %get3A_2319 = arith.index_cast %sub3A_2308 : i32 to index
        %get3A_2320 = arith.constant 32 : index
        %get3A_2321 = tpu.vector_load %arg6[%get3A_2319, %get3A_2320] {strides = array<i32>} : memref<400x128xf32, #tpu.memory_space<vmem>>, vector<1x16xf32>,
        %get3A_2322 = vector.shape_cast %get3A_2321 : vector<1x16xf32> to vector<16xf32>
        %add3A_2323 = arith.addf %while3A_2302, %get3A_2322 : vector<16xf32>
        %get3A_2324 = arith.index_cast %sub3A_2308 : i32 to index
        %get3A_2325 = arith.constant 48 : index
        %get3A_2326 = tpu.vector_load %arg6[%get3A_2324, %get3A_2325] {strides = array<i32>} : memref<400x128xf32, #tpu.memory_space<vmem>>, vector<1x16xf32>,
        %get3A_2327 = vector.shape_cast %get3A_2326 : vector<1x16xf32> to vector<16xf32>
        %add3A_2328 = arith.addf %while3A_2303, %get3A_2327 : vector<16xf32>
        %get3A_2329 = arith.index_cast %sub3A_2308 : i32 to index
        %get3A_2330 = arith.constant 64 : index
        %get3A_2331 = tpu.vector_load %arg6[%get3A_2329, %get3A_2330] {strides = array<i32>} : memref<400x128xf32, #tpu.memory_space<vmem>>, vector<1x16xf32>,
        %get3A_2332 = vector.shape_cast %get3A_2331 : vector<1x16xf32> to vector<16xf32>
        %add3A_2333 = arith.addf %while3A_2304, %get3A_2332 : vector<16xf32>
        %get3A_2334 = arith.index_cast %sub3A_2308 : i32 to index
        %get3A_2335 = arith.constant 80 : index
        %get3A_2336 = tpu.vector_load %arg6[%get3A_2334, %get3A_2335] {strides = array<i32>} : memref<400x128xf32, #tpu.memory_space<vmem>>, vector<1x16xf32>,
        %get3A_2337 = vector.shape_cast %get3A_2336 : vector<1x16xf32> to vector<16xf32>
        %add3A_2338 = arith.addf %while3A_2305, %get3A_2337 : vector<16xf32>
        %get3A_2339 = arith.index_cast %sub3A_2308 : i32 to index
        %get3A_2340 = arith.constant 96 : index
        %get3A_2341 = tpu.vector_load %arg6[%get3A_2339, %get3A_2340] {strides = array<i32>} : memref<400x128xf32, #tpu.memory_space<vmem>>, vector<1x16xf32>,
        %get3A_2342 = vector.shape_cast %get3A_2341 : vector<1x16xf32> to vector<16xf32>
        %add3A_2343 = arith.addf %while3A_2306, %get3A_2342 : vector<16xf32>
        %get3A_2344 = arith.index_cast %sub3A_2308 : i32 to index
        %get3A_2345 = arith.constant 112 : index
        %get3A_2346 = tpu.vector_load %arg6[%get3A_2344, %get3A_2345] {strides = array<i32>} : memref<400x128xf32, #tpu.memory_space<vmem>>, vector<1x16xf32>,
        %get3A_2347 = vector.shape_cast %get3A_2346 : vector<1x16xf32> to vector<16xf32>
        %add3A_2348 = arith.addf %while3A_2307, %get3A_2347 : vector<16xf32>
        scf.yield %add3A_2313, %add3A_2318, %add3A_2323, %add3A_2328, %add3A_2333, %add3A_2338, %add3A_2343, %add3A_2348 : vector<16xf32>, vector<16xf32>, vector<16xf32>, vector<16xf32>, vector<16xf32>, vector<16xf32>, vector<16xf32>, vector<16xf32>
      }
      %get3A_1951 = arith.constant 5 : i32
      %get3A_1952 = arith.index_cast %get3A_1951 : i32 to index
      %get3A_1953 = arith.constant 0 : index
      %get3A_1954 = tpu.vector_load %arg7[%get3A_1952, %get3A_1953] {strides = array<i32>} : memref<8x128xf32, #tpu.memory_space<vmem>>, vector<1x16xf32>,
      %get3A_1955 = vector.shape_cast %get3A_1954 : vector<1x16xf32> to vector<16xf32>
      %add3A_1956 = arith.addf %get3A_1955, %while3A_1950#0 : vector<16xf32>
      %swap3A_1957 = arith.constant 5 : i32
      %swap3A_1958 = arith.index_cast %swap3A_1957 : i32 to index
      %swap3A_1959 = arith.constant 0 : index
      %swap3A_1960 = tpu.vector_load %arg7[%swap3A_1958, %swap3A_1959] {strides = array<i32>} : memref<8x128xf32, #tpu.memory_space<vmem>>, vector<1x16xf32>,
      %swap3A_1961 = vector.shape_cast %swap3A_1960 : vector<1x16xf32> to vector<16xf32>
      %swap3A_1962 = vector.shape_cast %add3A_1956 : vector<16xf32> to vector<1x16xf32>
      tpu.vector_store %arg7[%swap3A_1958, %swap3A_1959], %swap3A_1962 {strides = array<i32>} : memref<8x128xf32, #tpu.memory_space<vmem>>, vector<1x16xf32>,
      %get3A_1963 = arith.constant 5 : i32
      %get3A_1964 = arith.index_cast %get3A_1963 : i32 to index
      %get3A_1965 = arith.constant 16 : index
      %get3A_1966 = tpu.vector_load %arg7[%get3A_1964, %get3A_1965] {strides = array<i32>} : memref<8x128xf32, #tpu.memory_space<vmem>>, vector<1x16xf32>,
      %get3A_1967 = vector.shape_cast %get3A_1966 : vector<1x16xf32> to vector<16xf32>
      %add3A_1968 = arith.addf %get3A_1967, %while3A_1950#1 : vector<16xf32>
      %swap3A_1969 = arith.constant 5 : i32
      %swap3A_1970 = arith.index_cast %swap3A_1969 : i32 to index
      %swap3A_1971 = arith.constant 16 : index
      %swap3A_1972 = tpu.vector_load %arg7[%swap3A_1970, %swap3A_1971] {strides = array<i32>} : memref<8x128xf32, #tpu.memory_space<vmem>>, vector<1x16xf32>,
      %swap3A_1973 = vector.shape_cast %swap3A_1972 : vector<1x16xf32> to vector<16xf32>
      %swap3A_1974 = vector.shape_cast %add3A_1968 : vector<16xf32> to vector<1x16xf32>
      tpu.vector_store %arg7[%swap3A_1970, %swap3A_1971], %swap3A_1974 {strides = array<i32>} : memref<8x128xf32, #tpu.memory_space<vmem>>, vector<1x16xf32>,
      %get3A_1975 = arith.constant 5 : i32
      %get3A_1976 = arith.index_cast %get3A_1975 : i32 to index
      %get3A_1977 = arith.constant 32 : index
      %get3A_1978 = tpu.vector_load %arg7[%get3A_1976, %get3A_1977] {strides = array<i32>} : memref<8x128xf32, #tpu.memory_space<vmem>>, vector<1x16xf32>,
      %get3A_1979 = vector.shape_cast %get3A_1978 : vector<1x16xf32> to vector<16xf32>
      %add3A_1980 = arith.addf %get3A_1979, %while3A_1950#2 : vector<16xf32>
      %swap3A_1981 = arith.constant 5 : i32
      %swap3A_1982 = arith.index_cast %swap3A_1981 : i32 to index
      %swap3A_1983 = arith.constant 32 : index
      %swap3A_1984 = tpu.vector_load %arg7[%swap3A_1982, %swap3A_1983] {strides = array<i32>} : memref<8x128xf32, #tpu.memory_space<vmem>>, vector<1x16xf32>,
      %swap3A_1985 = vector.shape_cast %swap3A_1984 : vector<1x16xf32> to vector<16xf32>
      %swap3A_1986 = vector.shape_cast %add3A_1980 : vector<16xf32> to vector<1x16xf32>
      tpu.vector_store %arg7[%swap3A_1982, %swap3A_1983], %swap3A_1986 {strides = array<i32>} : memref<8x128xf32, #tpu.memory_space<vmem>>, vector<1x16xf32>,
      %get3A_1987 = arith.constant 5 : i32
      %get3A_1988 = arith.index_cast %get3A_1987 : i32 to index
      %get3A_1989 = arith.constant 48 : index
      %get3A_1990 = tpu.vector_load %arg7[%get3A_1988, %get3A_1989] {strides = array<i32>} : memref<8x128xf32, #tpu.memory_space<vmem>>, vector<1x16xf32>,
      %get3A_1991 = vector.shape_cast %get3A_1990 : vector<1x16xf32> to vector<16xf32>
      %add3A_1992 = arith.addf %get3A_1991, %while3A_1950#3 : vector<16xf32>
      %swap3A_1993 = arith.constant 5 : i32
      %swap3A_1994 = arith.index_cast %swap3A_1993 : i32 to index
      %swap3A_1995 = arith.constant 48 : index
      %swap3A_1996 = tpu.vector_load %arg7[%swap3A_1994, %swap3A_1995] {strides = array<i32>} : memref<8x128xf32, #tpu.memory_space<vmem>>, vector<1x16xf32>,
      %swap3A_1997 = vector.shape_cast %swap3A_1996 : vector<1x16xf32> to vector<16xf32>
      %swap3A_1998 = vector.shape_cast %add3A_1992 : vector<16xf32> to vector<1x16xf32>
      tpu.vector_store %arg7[%swap3A_1994, %swap3A_1995], %swap3A_1998 {strides = array<i32>} : memref<8x128xf32, #tpu.memory_space<vmem>>, vector<1x16xf32>,
      %get3A_1999 = arith.constant 5 : i32
      %get3A_2000 = arith.index_cast %get3A_1999 : i32 to index
      %get3A_2001 = arith.constant 64 : index
      %get3A_2002 = tpu.vector_load %arg7[%get3A_2000, %get3A_2001] {strides = array<i32>} : memref<8x128xf32, #tpu.memory_space<vmem>>, vector<1x16xf32>,
      %get3A_2003 = vector.shape_cast %get3A_2002 : vector<1x16xf32> to vector<16xf32>
      %add3A_2004 = arith.addf %get3A_2003, %while3A_1950#4 : vector<16xf32>
      %swap3A_2005 = arith.constant 5 : i32
      %swap3A_2006 = arith.index_cast %swap3A_2005 : i32 to index
      %swap3A_2007 = arith.constant 64 : index
      %swap3A_2008 = tpu.vector_load %arg7[%swap3A_2006, %swap3A_2007] {strides = array<i32>} : memref<8x128xf32, #tpu.memory_space<vmem>>, vector<1x16xf32>,
      %swap3A_2009 = vector.shape_cast %swap3A_2008 : vector<1x16xf32> to vector<16xf32>
      %swap3A_2010 = vector.shape_cast %add3A_2004 : vector<16xf32> to vector<1x16xf32>
      tpu.vector_store %arg7[%swap3A_2006, %swap3A_2007], %swap3A_2010 {strides = array<i32>} : memref<8x128xf32, #tpu.memory_space<vmem>>, vector<1x16xf32>,
      %get3A_2011 = arith.constant 5 : i32
      %get3A_2012 = arith.index_cast %get3A_2011 : i32 to index
      %get3A_2013 = arith.constant 80 : index
      %get3A_2014 = tpu.vector_load %arg7[%get3A_2012, %get3A_2013] {strides = array<i32>} : memref<8x128xf32, #tpu.memory_space<vmem>>, vector<1x16xf32>,
      %get3A_2015 = vector.shape_cast %get3A_2014 : vector<1x16xf32> to vector<16xf32>
      %add3A_2016 = arith.addf %get3A_2015, %while3A_1950#5 : vector<16xf32>
      %swap3A_2017 = arith.constant 5 : i32
      %swap3A_2018 = arith.index_cast %swap3A_2017 : i32 to index
      %swap3A_2019 = arith.constant 80 : index
      %swap3A_2020 = tpu.vector_load %arg7[%swap3A_2018, %swap3A_2019] {strides = array<i32>} : memref<8x128xf32, #tpu.memory_space<vmem>>, vector<1x16xf32>,
      %swap3A_2021 = vector.shape_cast %swap3A_2020 : vector<1x16xf32> to vector<16xf32>
      %swap3A_2022 = vector.shape_cast %add3A_2016 : vector<16xf32> to vector<1x16xf32>
      tpu.vector_store %arg7[%swap3A_2018, %swap3A_2019], %swap3A_2022 {strides = array<i32>} : memref<8x128xf32, #tpu.memory_space<vmem>>, vector<1x16xf32>,
      %get3A_2023 = arith.constant 5 : i32
      %get3A_2024 = arith.index_cast %get3A_2023 : i32 to index
      %get3A_2025 = arith.constant 96 : index
      %get3A_2026 = tpu.vector_load %arg7[%get3A_2024, %get3A_2025] {strides = array<i32>} : memref<8x128xf32, #tpu.memory_space<vmem>>, vector<1x16xf32>,
      %get3A_2027 = vector.shape_cast %get3A_2026 : vector<1x16xf32> to vector<16xf32>
      %add3A_2028 = arith.addf %get3A_2027, %while3A_1950#6 : vector<16xf32>
      %swap3A_2029 = arith.constant 5 : i32
      %swap3A_2030 = arith.index_cast %swap3A_2029 : i32 to index
      %swap3A_2031 = arith.constant 96 : index
      %swap3A_2032 = tpu.vector_load %arg7[%swap3A_2030, %swap3A_2031] {strides = array<i32>} : memref<8x128xf32, #tpu.memory_space<vmem>>, vector<1x16xf32>,
      %swap3A_2033 = vector.shape_cast %swap3A_2032 : vector<1x16xf32> to vector<16xf32>
      %swap3A_2034 = vector.shape_cast %add3A_2028 : vector<16xf32> to vector<1x16xf32>
      tpu.vector_store %arg7[%swap3A_2030, %swap3A_2031], %swap3A_2034 {strides = array<i32>} : memref<8x128xf32, #tpu.memory_space<vmem>>, vector<1x16xf32>,
      %get3A_2035 = arith.constant 5 : i32
      %get3A_2036 = arith.index_cast %get3A_2035 : i32 to index
      %get3A_2037 = arith.constant 112 : index
      %get3A_2038 = tpu.vector_load %arg7[%get3A_2036, %get3A_2037] {strides = array<i32>} : memref<8x128xf32, #tpu.memory_space<vmem>>, vector<1x16xf32>,
      %get3A_2039 = vector.shape_cast %get3A_2038 : vector<1x16xf32> to vector<16xf32>
      %add3A_2040 = arith.addf %get3A_2039, %while3A_1950#7 : vector<16xf32>
      %swap3A_2041 = arith.constant 5 : i32
      %swap3A_2042 = arith.index_cast %swap3A_2041 : i32 to index
      %swap3A_2043 = arith.constant 112 : index
      %swap3A_2044 = tpu.vector_load %arg7[%swap3A_2042, %swap3A_2043] {strides = array<i32>} : memref<8x128xf32, #tpu.memory_space<vmem>>, vector<1x16xf32>,
      %swap3A_2045 = vector.shape_cast %swap3A_2044 : vector<1x16xf32> to vector<16xf32>
      %swap3A_2046 = vector.shape_cast %add3A_2040 : vector<16xf32> to vector<1x16xf32>
      tpu.vector_store %arg7[%swap3A_2042, %swap3A_2043], %swap3A_2046 {strides = array<i32>} : memref<8x128xf32, #tpu.memory_space<vmem>>, vector<1x16xf32>,
      %max3A_2047 = arith.maxsi %squeeze3A_16, %mul3A_1291 : i32
      %add3A_2048 = arith.constant 400 : i32
      %add3A_2049 = arith.addi %mul3A_1291, %add3A_2048 : i32
      %min3A_2050 = arith.minsi %squeeze3A_18, %add3A_2049 : i32
      %broadcast_in_dim3A_2051 = arith.constant 0.000000e+00 : f32
      %broadcast_in_dim3A_2052 = vector.broadcast %broadcast_in_dim3A_2051 : f32 to vector<16xf32>
      %broadcast_in_dim3A_2053 = arith.constant 0.000000e+00 : f32
      %broadcast_in_dim3A_2054 = vector.broadcast %broadcast_in_dim3A_2053 : f32 to vector<16xf32>
      %broadcast_in_dim3A_2055 = arith.constant 0.000000e+00 : f32
      %broadcast_in_dim3A_2056 = vector.broadcast %broadcast_in_dim3A_2055 : f32 to vector<16xf32>
      %broadcast_in_dim3A_2057 = arith.constant 0.000000e+00 : f32
      %broadcast_in_dim3A_2058 = vector.broadcast %broadcast_in_dim3A_2057 : f32 to vector<16xf32>
      %broadcast_in_dim3A_2059 = arith.constant 0.000000e+00 : f32
      %broadcast_in_dim3A_2060 = vector.broadcast %broadcast_in_dim3A_2059 : f32 to vector<16xf32>
      %broadcast_in_dim3A_2061 = arith.constant 0.000000e+00 : f32
      %broadcast_in_dim3A_2062 = vector.broadcast %broadcast_in_dim3A_2061 : f32 to vector<16xf32>
      %broadcast_in_dim3A_2063 = arith.constant 0.000000e+00 : f32
      %broadcast_in_dim3A_2064 = vector.broadcast %broadcast_in_dim3A_2063 : f32 to vector<16xf32>
      %broadcast_in_dim3A_2065 = arith.constant 0.000000e+00 : f32
      %broadcast_in_dim3A_2066 = vector.broadcast %broadcast_in_dim3A_2065 : f32 to vector<16xf32>
      %while3A_2067 = arith.subi %min3A_2050, %max3A_2047 : i32
      %while3A_2068 = arith.addi %max3A_2047, %while3A_2067 : i32
      %while3A_2069 = arith.constant 1 : i32
      %while3A_2070 = arith.divsi %while3A_2067, %while3A_2069 : i32
      %while3A_2071 = arith.muli %while3A_2070, %while3A_2069 : i32
      %while3A_2072 = arith.addi %max3A_2047, %while3A_2071 : i32
      %while3A_2073 = arith.constant 1 : i32
      %while3A_2074:8 = scf.for %while3A_2299 = %max3A_2047 to %while3A_2072 step %while3A_2073 iter_args(%while3A_2300 = %broadcast_in_dim3A_2052, %while3A_2301 = %broadcast_in_dim3A_2054, %while3A_2302 = %broadcast_in_dim3A_2056, %while3A_2303 = %broadcast_in_dim3A_2058, %while3A_2304 = %broadcast_in_dim3A_2060, %while3A_2305 = %broadcast_in_dim3A_2062, %while3A_2306 = %broadcast_in_dim3A_2064, %while3A_2307 = %broadcast_in_dim3A_2066) -> (vector<16xf32>, vector<16xf32>, vector<16xf32>, vector<16xf32>, vector<16xf32>, vector<16xf32>, vector<16xf32>, vector<16xf32>)  : i32 {
        %sub3A_2308 = arith.subi %while3A_2299, %mul3A_1291 : i32
        %get3A_2309 = arith.index_cast %sub3A_2308 : i32 to index
        %get3A_2310 = arith.constant 0 : index
        %get3A_2311 = tpu.vector_load %arg6[%get3A_2309, %get3A_2310] {strides = array<i32>} : memref<400x128xf32, #tpu.memory_space<vmem>>, vector<1x16xf32>,
        %get3A_2312 = vector.shape_cast %get3A_2311 : vector<1x16xf32> to vector<16xf32>
        %add3A_2313 = arith.addf %while3A_2300, %get3A_2312 : vector<16xf32>
        %get3A_2314 = arith.index_cast %sub3A_2308 : i32 to index
        %get3A_2315 = arith.constant 16 : index
        %get3A_2316 = tpu.vector_load %arg6[%get3A_2314, %get3A_2315] {strides = array<i32>} : memref<400x128xf32, #tpu.memory_space<vmem>>, vector<1x16xf32>,
        %get3A_2317 = vector.shape_cast %get3A_2316 : vector<1x16xf32> to vector<16xf32>
        %add3A_2318 = arith.addf %while3A_2301, %get3A_2317 : vector<16xf32>
        %get3A_2319 = arith.index_cast %sub3A_2308 : i32 to index
        %get3A_2320 = arith.constant 32 : index
        %get3A_2321 = tpu.vector_load %arg6[%get3A_2319, %get3A_2320] {strides = array<i32>} : memref<400x128xf32, #tpu.memory_space<vmem>>, vector<1x16xf32>,
        %get3A_2322 = vector.shape_cast %get3A_2321 : vector<1x16xf32> to vector<16xf32>
        %add3A_2323 = arith.addf %while3A_2302, %get3A_2322 : vector<16xf32>
        %get3A_2324 = arith.index_cast %sub3A_2308 : i32 to index
        %get3A_2325 = arith.constant 48 : index
        %get3A_2326 = tpu.vector_load %arg6[%get3A_2324, %get3A_2325] {strides = array<i32>} : memref<400x128xf32, #tpu.memory_space<vmem>>, vector<1x16xf32>,
        %get3A_2327 = vector.shape_cast %get3A_2326 : vector<1x16xf32> to vector<16xf32>
        %add3A_2328 = arith.addf %while3A_2303, %get3A_2327 : vector<16xf32>
        %get3A_2329 = arith.index_cast %sub3A_2308 : i32 to index
        %get3A_2330 = arith.constant 64 : index
        %get3A_2331 = tpu.vector_load %arg6[%get3A_2329, %get3A_2330] {strides = array<i32>} : memref<400x128xf32, #tpu.memory_space<vmem>>, vector<1x16xf32>,
        %get3A_2332 = vector.shape_cast %get3A_2331 : vector<1x16xf32> to vector<16xf32>
        %add3A_2333 = arith.addf %while3A_2304, %get3A_2332 : vector<16xf32>
        %get3A_2334 = arith.index_cast %sub3A_2308 : i32 to index
        %get3A_2335 = arith.constant 80 : index
        %get3A_2336 = tpu.vector_load %arg6[%get3A_2334, %get3A_2335] {strides = array<i32>} : memref<400x128xf32, #tpu.memory_space<vmem>>, vector<1x16xf32>,
        %get3A_2337 = vector.shape_cast %get3A_2336 : vector<1x16xf32> to vector<16xf32>
        %add3A_2338 = arith.addf %while3A_2305, %get3A_2337 : vector<16xf32>
        %get3A_2339 = arith.index_cast %sub3A_2308 : i32 to index
        %get3A_2340 = arith.constant 96 : index
        %get3A_2341 = tpu.vector_load %arg6[%get3A_2339, %get3A_2340] {strides = array<i32>} : memref<400x128xf32, #tpu.memory_space<vmem>>, vector<1x16xf32>,
        %get3A_2342 = vector.shape_cast %get3A_2341 : vector<1x16xf32> to vector<16xf32>
        %add3A_2343 = arith.addf %while3A_2306, %get3A_2342 : vector<16xf32>
        %get3A_2344 = arith.index_cast %sub3A_2308 : i32 to index
        %get3A_2345 = arith.constant 112 : index
        %get3A_2346 = tpu.vector_load %arg6[%get3A_2344, %get3A_2345] {strides = array<i32>} : memref<400x128xf32, #tpu.memory_space<vmem>>, vector<1x16xf32>,
        %get3A_2347 = vector.shape_cast %get3A_2346 : vector<1x16xf32> to vector<16xf32>
        %add3A_2348 = arith.addf %while3A_2307, %get3A_2347 : vector<16xf32>
        scf.yield %add3A_2313, %add3A_2318, %add3A_2323, %add3A_2328, %add3A_2333, %add3A_2338, %add3A_2343, %add3A_2348 : vector<16xf32>, vector<16xf32>, vector<16xf32>, vector<16xf32>, vector<16xf32>, vector<16xf32>, vector<16xf32>, vector<16xf32>
      }
      %while3A_2075 = arith.constant 1 : i32
      %while3A_2076:8 = scf.for %while3A_2299 = %while3A_2072 to %while3A_2068 step %while3A_2075 iter_args(%while3A_2300 = %while3A_2074#0, %while3A_2301 = %while3A_2074#1, %while3A_2302 = %while3A_2074#2, %while3A_2303 = %while3A_2074#3, %while3A_2304 = %while3A_2074#4, %while3A_2305 = %while3A_2074#5, %while3A_2306 = %while3A_2074#6, %while3A_2307 = %while3A_2074#7) -> (vector<16xf32>, vector<16xf32>, vector<16xf32>, vector<16xf32>, vector<16xf32>, vector<16xf32>, vector<16xf32>, vector<16xf32>)  : i32 {
        %sub3A_2308 = arith.subi %while3A_2299, %mul3A_1291 : i32
        %get3A_2309 = arith.index_cast %sub3A_2308 : i32 to index
        %get3A_2310 = arith.constant 0 : index
        %get3A_2311 = tpu.vector_load %arg6[%get3A_2309, %get3A_2310] {strides = array<i32>} : memref<400x128xf32, #tpu.memory_space<vmem>>, vector<1x16xf32>,
        %get3A_2312 = vector.shape_cast %get3A_2311 : vector<1x16xf32> to vector<16xf32>
        %add3A_2313 = arith.addf %while3A_2300, %get3A_2312 : vector<16xf32>
        %get3A_2314 = arith.index_cast %sub3A_2308 : i32 to index
        %get3A_2315 = arith.constant 16 : index
        %get3A_2316 = tpu.vector_load %arg6[%get3A_2314, %get3A_2315] {strides = array<i32>} : memref<400x128xf32, #tpu.memory_space<vmem>>, vector<1x16xf32>,
        %get3A_2317 = vector.shape_cast %get3A_2316 : vector<1x16xf32> to vector<16xf32>
        %add3A_2318 = arith.addf %while3A_2301, %get3A_2317 : vector<16xf32>
        %get3A_2319 = arith.index_cast %sub3A_2308 : i32 to index
        %get3A_2320 = arith.constant 32 : index
        %get3A_2321 = tpu.vector_load %arg6[%get3A_2319, %get3A_2320] {strides = array<i32>} : memref<400x128xf32, #tpu.memory_space<vmem>>, vector<1x16xf32>,
        %get3A_2322 = vector.shape_cast %get3A_2321 : vector<1x16xf32> to vector<16xf32>
        %add3A_2323 = arith.addf %while3A_2302, %get3A_2322 : vector<16xf32>
        %get3A_2324 = arith.index_cast %sub3A_2308 : i32 to index
        %get3A_2325 = arith.constant 48 : index
        %get3A_2326 = tpu.vector_load %arg6[%get3A_2324, %get3A_2325] {strides = array<i32>} : memref<400x128xf32, #tpu.memory_space<vmem>>, vector<1x16xf32>,
        %get3A_2327 = vector.shape_cast %get3A_2326 : vector<1x16xf32> to vector<16xf32>
        %add3A_2328 = arith.addf %while3A_2303, %get3A_2327 : vector<16xf32>
        %get3A_2329 = arith.index_cast %sub3A_2308 : i32 to index
        %get3A_2330 = arith.constant 64 : index
        %get3A_2331 = tpu.vector_load %arg6[%get3A_2329, %get3A_2330] {strides = array<i32>} : memref<400x128xf32, #tpu.memory_space<vmem>>, vector<1x16xf32>,
        %get3A_2332 = vector.shape_cast %get3A_2331 : vector<1x16xf32> to vector<16xf32>
        %add3A_2333 = arith.addf %while3A_2304, %get3A_2332 : vector<16xf32>
        %get3A_2334 = arith.index_cast %sub3A_2308 : i32 to index
        %get3A_2335 = arith.constant 80 : index
        %get3A_2336 = tpu.vector_load %arg6[%get3A_2334, %get3A_2335] {strides = array<i32>} : memref<400x128xf32, #tpu.memory_space<vmem>>, vector<1x16xf32>,
        %get3A_2337 = vector.shape_cast %get3A_2336 : vector<1x16xf32> to vector<16xf32>
        %add3A_2338 = arith.addf %while3A_2305, %get3A_2337 : vector<16xf32>
        %get3A_2339 = arith.index_cast %sub3A_2308 : i32 to index
        %get3A_2340 = arith.constant 96 : index
        %get3A_2341 = tpu.vector_load %arg6[%get3A_2339, %get3A_2340] {strides = array<i32>} : memref<400x128xf32, #tpu.memory_space<vmem>>, vector<1x16xf32>,
        %get3A_2342 = vector.shape_cast %get3A_2341 : vector<1x16xf32> to vector<16xf32>
        %add3A_2343 = arith.addf %while3A_2306, %get3A_2342 : vector<16xf32>
        %get3A_2344 = arith.index_cast %sub3A_2308 : i32 to index
        %get3A_2345 = arith.constant 112 : index
        %get3A_2346 = tpu.vector_load %arg6[%get3A_2344, %get3A_2345] {strides = array<i32>} : memref<400x128xf32, #tpu.memory_space<vmem>>, vector<1x16xf32>,
        %get3A_2347 = vector.shape_cast %get3A_2346 : vector<1x16xf32> to vector<16xf32>
        %add3A_2348 = arith.addf %while3A_2307, %get3A_2347 : vector<16xf32>
        scf.yield %add3A_2313, %add3A_2318, %add3A_2323, %add3A_2328, %add3A_2333, %add3A_2338, %add3A_2343, %add3A_2348 : vector<16xf32>, vector<16xf32>, vector<16xf32>, vector<16xf32>, vector<16xf32>, vector<16xf32>, vector<16xf32>, vector<16xf32>
      }
      %get3A_2077 = arith.constant 6 : i32
      %get3A_2078 = arith.index_cast %get3A_2077 : i32 to index
      %get3A_2079 = arith.constant 0 : index
      %get3A_2080 = tpu.vector_load %arg7[%get3A_2078, %get3A_2079] {strides = array<i32>} : memref<8x128xf32, #tpu.memory_space<vmem>>, vector<1x16xf32>,
      %get3A_2081 = vector.shape_cast %get3A_2080 : vector<1x16xf32> to vector<16xf32>
      %add3A_2082 = arith.addf %get3A_2081, %while3A_2076#0 : vector<16xf32>
      %swap3A_2083 = arith.constant 6 : i32
      %swap3A_2084 = arith.index_cast %swap3A_2083 : i32 to index
      %swap3A_2085 = arith.constant 0 : index
      %swap3A_2086 = tpu.vector_load %arg7[%swap3A_2084, %swap3A_2085] {strides = array<i32>} : memref<8x128xf32, #tpu.memory_space<vmem>>, vector<1x16xf32>,
      %swap3A_2087 = vector.shape_cast %swap3A_2086 : vector<1x16xf32> to vector<16xf32>
      %swap3A_2088 = vector.shape_cast %add3A_2082 : vector<16xf32> to vector<1x16xf32>
      tpu.vector_store %arg7[%swap3A_2084, %swap3A_2085], %swap3A_2088 {strides = array<i32>} : memref<8x128xf32, #tpu.memory_space<vmem>>, vector<1x16xf32>,
      %get3A_2089 = arith.constant 6 : i32
      %get3A_2090 = arith.index_cast %get3A_2089 : i32 to index
      %get3A_2091 = arith.constant 16 : index
      %get3A_2092 = tpu.vector_load %arg7[%get3A_2090, %get3A_2091] {strides = array<i32>} : memref<8x128xf32, #tpu.memory_space<vmem>>, vector<1x16xf32>,
      %get3A_2093 = vector.shape_cast %get3A_2092 : vector<1x16xf32> to vector<16xf32>
      %add3A_2094 = arith.addf %get3A_2093, %while3A_2076#1 : vector<16xf32>
      %swap3A_2095 = arith.constant 6 : i32
      %swap3A_2096 = arith.index_cast %swap3A_2095 : i32 to index
      %swap3A_2097 = arith.constant 16 : index
      %swap3A_2098 = tpu.vector_load %arg7[%swap3A_2096, %swap3A_2097] {strides = array<i32>} : memref<8x128xf32, #tpu.memory_space<vmem>>, vector<1x16xf32>,
      %swap3A_2099 = vector.shape_cast %swap3A_2098 : vector<1x16xf32> to vector<16xf32>
      %swap3A_2100 = vector.shape_cast %add3A_2094 : vector<16xf32> to vector<1x16xf32>
      tpu.vector_store %arg7[%swap3A_2096, %swap3A_2097], %swap3A_2100 {strides = array<i32>} : memref<8x128xf32, #tpu.memory_space<vmem>>, vector<1x16xf32>,
      %get3A_2101 = arith.constant 6 : i32
      %get3A_2102 = arith.index_cast %get3A_2101 : i32 to index
      %get3A_2103 = arith.constant 32 : index
      %get3A_2104 = tpu.vector_load %arg7[%get3A_2102, %get3A_2103] {strides = array<i32>} : memref<8x128xf32, #tpu.memory_space<vmem>>, vector<1x16xf32>,
      %get3A_2105 = vector.shape_cast %get3A_2104 : vector<1x16xf32> to vector<16xf32>
      %add3A_2106 = arith.addf %get3A_2105, %while3A_2076#2 : vector<16xf32>
      %swap3A_2107 = arith.constant 6 : i32
      %swap3A_2108 = arith.index_cast %swap3A_2107 : i32 to index
      %swap3A_2109 = arith.constant 32 : index
      %swap3A_2110 = tpu.vector_load %arg7[%swap3A_2108, %swap3A_2109] {strides = array<i32>} : memref<8x128xf32, #tpu.memory_space<vmem>>, vector<1x16xf32>,
      %swap3A_2111 = vector.shape_cast %swap3A_2110 : vector<1x16xf32> to vector<16xf32>
      %swap3A_2112 = vector.shape_cast %add3A_2106 : vector<16xf32> to vector<1x16xf32>
      tpu.vector_store %arg7[%swap3A_2108, %swap3A_2109], %swap3A_2112 {strides = array<i32>} : memref<8x128xf32, #tpu.memory_space<vmem>>, vector<1x16xf32>,
      %get3A_2113 = arith.constant 6 : i32
      %get3A_2114 = arith.index_cast %get3A_2113 : i32 to index
      %get3A_2115 = arith.constant 48 : index
      %get3A_2116 = tpu.vector_load %arg7[%get3A_2114, %get3A_2115] {strides = array<i32>} : memref<8x128xf32, #tpu.memory_space<vmem>>, vector<1x16xf32>,
      %get3A_2117 = vector.shape_cast %get3A_2116 : vector<1x16xf32> to vector<16xf32>
      %add3A_2118 = arith.addf %get3A_2117, %while3A_2076#3 : vector<16xf32>
      %swap3A_2119 = arith.constant 6 : i32
      %swap3A_2120 = arith.index_cast %swap3A_2119 : i32 to index
      %swap3A_2121 = arith.constant 48 : index
      %swap3A_2122 = tpu.vector_load %arg7[%swap3A_2120, %swap3A_2121] {strides = array<i32>} : memref<8x128xf32, #tpu.memory_space<vmem>>, vector<1x16xf32>,
      %swap3A_2123 = vector.shape_cast %swap3A_2122 : vector<1x16xf32> to vector<16xf32>
      %swap3A_2124 = vector.shape_cast %add3A_2118 : vector<16xf32> to vector<1x16xf32>
      tpu.vector_store %arg7[%swap3A_2120, %swap3A_2121], %swap3A_2124 {strides = array<i32>} : memref<8x128xf32, #tpu.memory_space<vmem>>, vector<1x16xf32>,
      %get3A_2125 = arith.constant 6 : i32
      %get3A_2126 = arith.index_cast %get3A_2125 : i32 to index
      %get3A_2127 = arith.constant 64 : index
      %get3A_2128 = tpu.vector_load %arg7[%get3A_2126, %get3A_2127] {strides = array<i32>} : memref<8x128xf32, #tpu.memory_space<vmem>>, vector<1x16xf32>,
      %get3A_2129 = vector.shape_cast %get3A_2128 : vector<1x16xf32> to vector<16xf32>
      %add3A_2130 = arith.addf %get3A_2129, %while3A_2076#4 : vector<16xf32>
      %swap3A_2131 = arith.constant 6 : i32
      %swap3A_2132 = arith.index_cast %swap3A_2131 : i32 to index
      %swap3A_2133 = arith.constant 64 : index
      %swap3A_2134 = tpu.vector_load %arg7[%swap3A_2132, %swap3A_2133] {strides = array<i32>} : memref<8x128xf32, #tpu.memory_space<vmem>>, vector<1x16xf32>,
      %swap3A_2135 = vector.shape_cast %swap3A_2134 : vector<1x16xf32> to vector<16xf32>
      %swap3A_2136 = vector.shape_cast %add3A_2130 : vector<16xf32> to vector<1x16xf32>
      tpu.vector_store %arg7[%swap3A_2132, %swap3A_2133], %swap3A_2136 {strides = array<i32>} : memref<8x128xf32, #tpu.memory_space<vmem>>, vector<1x16xf32>,
      %get3A_2137 = arith.constant 6 : i32
      %get3A_2138 = arith.index_cast %get3A_2137 : i32 to index
      %get3A_2139 = arith.constant 80 : index
      %get3A_2140 = tpu.vector_load %arg7[%get3A_2138, %get3A_2139] {strides = array<i32>} : memref<8x128xf32, #tpu.memory_space<vmem>>, vector<1x16xf32>,
      %get3A_2141 = vector.shape_cast %get3A_2140 : vector<1x16xf32> to vector<16xf32>
      %add3A_2142 = arith.addf %get3A_2141, %while3A_2076#5 : vector<16xf32>
      %swap3A_2143 = arith.constant 6 : i32
      %swap3A_2144 = arith.index_cast %swap3A_2143 : i32 to index
      %swap3A_2145 = arith.constant 80 : index
      %swap3A_2146 = tpu.vector_load %arg7[%swap3A_2144, %swap3A_2145] {strides = array<i32>} : memref<8x128xf32, #tpu.memory_space<vmem>>, vector<1x16xf32>,
      %swap3A_2147 = vector.shape_cast %swap3A_2146 : vector<1x16xf32> to vector<16xf32>
      %swap3A_2148 = vector.shape_cast %add3A_2142 : vector<16xf32> to vector<1x16xf32>
      tpu.vector_store %arg7[%swap3A_2144, %swap3A_2145], %swap3A_2148 {strides = array<i32>} : memref<8x128xf32, #tpu.memory_space<vmem>>, vector<1x16xf32>,
      %get3A_2149 = arith.constant 6 : i32
      %get3A_2150 = arith.index_cast %get3A_2149 : i32 to index
      %get3A_2151 = arith.constant 96 : index
      %get3A_2152 = tpu.vector_load %arg7[%get3A_2150, %get3A_2151] {strides = array<i32>} : memref<8x128xf32, #tpu.memory_space<vmem>>, vector<1x16xf32>,
      %get3A_2153 = vector.shape_cast %get3A_2152 : vector<1x16xf32> to vector<16xf32>
      %add3A_2154 = arith.addf %get3A_2153, %while3A_2076#6 : vector<16xf32>
      %swap3A_2155 = arith.constant 6 : i32
      %swap3A_2156 = arith.index_cast %swap3A_2155 : i32 to index
      %swap3A_2157 = arith.constant 96 : index
      %swap3A_2158 = tpu.vector_load %arg7[%swap3A_2156, %swap3A_2157] {strides = array<i32>} : memref<8x128xf32, #tpu.memory_space<vmem>>, vector<1x16xf32>,
      %swap3A_2159 = vector.shape_cast %swap3A_2158 : vector<1x16xf32> to vector<16xf32>
      %swap3A_2160 = vector.shape_cast %add3A_2154 : vector<16xf32> to vector<1x16xf32>
      tpu.vector_store %arg7[%swap3A_2156, %swap3A_2157], %swap3A_2160 {strides = array<i32>} : memref<8x128xf32, #tpu.memory_space<vmem>>, vector<1x16xf32>,
      %get3A_2161 = arith.constant 6 : i32
      %get3A_2162 = arith.index_cast %get3A_2161 : i32 to index
      %get3A_2163 = arith.constant 112 : index
      %get3A_2164 = tpu.vector_load %arg7[%get3A_2162, %get3A_2163] {strides = array<i32>} : memref<8x128xf32, #tpu.memory_space<vmem>>, vector<1x16xf32>,
      %get3A_2165 = vector.shape_cast %get3A_2164 : vector<1x16xf32> to vector<16xf32>
      %add3A_2166 = arith.addf %get3A_2165, %while3A_2076#7 : vector<16xf32>
      %swap3A_2167 = arith.constant 6 : i32
      %swap3A_2168 = arith.index_cast %swap3A_2167 : i32 to index
      %swap3A_2169 = arith.constant 112 : index
      %swap3A_2170 = tpu.vector_load %arg7[%swap3A_2168, %swap3A_2169] {strides = array<i32>} : memref<8x128xf32, #tpu.memory_space<vmem>>, vector<1x16xf32>,
      %swap3A_2171 = vector.shape_cast %swap3A_2170 : vector<1x16xf32> to vector<16xf32>
      %swap3A_2172 = vector.shape_cast %add3A_2166 : vector<16xf32> to vector<1x16xf32>
      tpu.vector_store %arg7[%swap3A_2168, %swap3A_2169], %swap3A_2172 {strides = array<i32>} : memref<8x128xf32, #tpu.memory_space<vmem>>, vector<1x16xf32>,
      %max3A_2173 = arith.maxsi %squeeze3A_18, %mul3A_1291 : i32
      %add3A_2174 = arith.constant 400 : i32
      %add3A_2175 = arith.addi %mul3A_1291, %add3A_2174 : i32
      %min3A_2176 = arith.minsi %squeeze3A_20, %add3A_2175 : i32
      %broadcast_in_dim3A_2177 = arith.constant 0.000000e+00 : f32
      %broadcast_in_dim3A_2178 = vector.broadcast %broadcast_in_dim3A_2177 : f32 to vector<16xf32>
      %broadcast_in_dim3A_2179 = arith.constant 0.000000e+00 : f32
      %broadcast_in_dim3A_2180 = vector.broadcast %broadcast_in_dim3A_2179 : f32 to vector<16xf32>
      %broadcast_in_dim3A_2181 = arith.constant 0.000000e+00 : f32
      %broadcast_in_dim3A_2182 = vector.broadcast %broadcast_in_dim3A_2181 : f32 to vector<16xf32>
      %broadcast_in_dim3A_2183 = arith.constant 0.000000e+00 : f32
      %broadcast_in_dim3A_2184 = vector.broadcast %broadcast_in_dim3A_2183 : f32 to vector<16xf32>
      %broadcast_in_dim3A_2185 = arith.constant 0.000000e+00 : f32
      %broadcast_in_dim3A_2186 = vector.broadcast %broadcast_in_dim3A_2185 : f32 to vector<16xf32>
      %broadcast_in_dim3A_2187 = arith.constant 0.000000e+00 : f32
      %broadcast_in_dim3A_2188 = vector.broadcast %broadcast_in_dim3A_2187 : f32 to vector<16xf32>
      %broadcast_in_dim3A_2189 = arith.constant 0.000000e+00 : f32
      %broadcast_in_dim3A_2190 = vector.broadcast %broadcast_in_dim3A_2189 : f32 to vector<16xf32>
      %broadcast_in_dim3A_2191 = arith.constant 0.000000e+00 : f32
      %broadcast_in_dim3A_2192 = vector.broadcast %broadcast_in_dim3A_2191 : f32 to vector<16xf32>
      %while3A_2193 = arith.subi %min3A_2176, %max3A_2173 : i32
      %while3A_2194 = arith.addi %max3A_2173, %while3A_2193 : i32
      %while3A_2195 = arith.constant 1 : i32
      %while3A_2196 = arith.divsi %while3A_2193, %while3A_2195 : i32
      %while3A_2197 = arith.muli %while3A_2196, %while3A_2195 : i32
      %while3A_2198 = arith.addi %max3A_2173, %while3A_2197 : i32
      %while3A_2199 = arith.constant 1 : i32
      %while3A_2200:8 = scf.for %while3A_2299 = %max3A_2173 to %while3A_2198 step %while3A_2199 iter_args(%while3A_2300 = %broadcast_in_dim3A_2178, %while3A_2301 = %broadcast_in_dim3A_2180, %while3A_2302 = %broadcast_in_dim3A_2182, %while3A_2303 = %broadcast_in_dim3A_2184, %while3A_2304 = %broadcast_in_dim3A_2186, %while3A_2305 = %broadcast_in_dim3A_2188, %while3A_2306 = %broadcast_in_dim3A_2190, %while3A_2307 = %broadcast_in_dim3A_2192) -> (vector<16xf32>, vector<16xf32>, vector<16xf32>, vector<16xf32>, vector<16xf32>, vector<16xf32>, vector<16xf32>, vector<16xf32>)  : i32 {
        %sub3A_2308 = arith.subi %while3A_2299, %mul3A_1291 : i32
        %get3A_2309 = arith.index_cast %sub3A_2308 : i32 to index
        %get3A_2310 = arith.constant 0 : index
        %get3A_2311 = tpu.vector_load %arg6[%get3A_2309, %get3A_2310] {strides = array<i32>} : memref<400x128xf32, #tpu.memory_space<vmem>>, vector<1x16xf32>,
        %get3A_2312 = vector.shape_cast %get3A_2311 : vector<1x16xf32> to vector<16xf32>
        %add3A_2313 = arith.addf %while3A_2300, %get3A_2312 : vector<16xf32>
        %get3A_2314 = arith.index_cast %sub3A_2308 : i32 to index
        %get3A_2315 = arith.constant 16 : index
        %get3A_2316 = tpu.vector_load %arg6[%get3A_2314, %get3A_2315] {strides = array<i32>} : memref<400x128xf32, #tpu.memory_space<vmem>>, vector<1x16xf32>,
        %get3A_2317 = vector.shape_cast %get3A_2316 : vector<1x16xf32> to vector<16xf32>
        %add3A_2318 = arith.addf %while3A_2301, %get3A_2317 : vector<16xf32>
        %get3A_2319 = arith.index_cast %sub3A_2308 : i32 to index
        %get3A_2320 = arith.constant 32 : index
        %get3A_2321 = tpu.vector_load %arg6[%get3A_2319, %get3A_2320] {strides = array<i32>} : memref<400x128xf32, #tpu.memory_space<vmem>>, vector<1x16xf32>,
        %get3A_2322 = vector.shape_cast %get3A_2321 : vector<1x16xf32> to vector<16xf32>
        %add3A_2323 = arith.addf %while3A_2302, %get3A_2322 : vector<16xf32>
        %get3A_2324 = arith.index_cast %sub3A_2308 : i32 to index
        %get3A_2325 = arith.constant 48 : index
        %get3A_2326 = tpu.vector_load %arg6[%get3A_2324, %get3A_2325] {strides = array<i32>} : memref<400x128xf32, #tpu.memory_space<vmem>>, vector<1x16xf32>,
        %get3A_2327 = vector.shape_cast %get3A_2326 : vector<1x16xf32> to vector<16xf32>
        %add3A_2328 = arith.addf %while3A_2303, %get3A_2327 : vector<16xf32>
        %get3A_2329 = arith.index_cast %sub3A_2308 : i32 to index
        %get3A_2330 = arith.constant 64 : index
        %get3A_2331 = tpu.vector_load %arg6[%get3A_2329, %get3A_2330] {strides = array<i32>} : memref<400x128xf32, #tpu.memory_space<vmem>>, vector<1x16xf32>,
        %get3A_2332 = vector.shape_cast %get3A_2331 : vector<1x16xf32> to vector<16xf32>
        %add3A_2333 = arith.addf %while3A_2304, %get3A_2332 : vector<16xf32>
        %get3A_2334 = arith.index_cast %sub3A_2308 : i32 to index
        %get3A_2335 = arith.constant 80 : index
        %get3A_2336 = tpu.vector_load %arg6[%get3A_2334, %get3A_2335] {strides = array<i32>} : memref<400x128xf32, #tpu.memory_space<vmem>>, vector<1x16xf32>,
        %get3A_2337 = vector.shape_cast %get3A_2336 : vector<1x16xf32> to vector<16xf32>
        %add3A_2338 = arith.addf %while3A_2305, %get3A_2337 : vector<16xf32>
        %get3A_2339 = arith.index_cast %sub3A_2308 : i32 to index
        %get3A_2340 = arith.constant 96 : index
        %get3A_2341 = tpu.vector_load %arg6[%get3A_2339, %get3A_2340] {strides = array<i32>} : memref<400x128xf32, #tpu.memory_space<vmem>>, vector<1x16xf32>,
        %get3A_2342 = vector.shape_cast %get3A_2341 : vector<1x16xf32> to vector<16xf32>
        %add3A_2343 = arith.addf %while3A_2306, %get3A_2342 : vector<16xf32>
        %get3A_2344 = arith.index_cast %sub3A_2308 : i32 to index
        %get3A_2345 = arith.constant 112 : index
        %get3A_2346 = tpu.vector_load %arg6[%get3A_2344, %get3A_2345] {strides = array<i32>} : memref<400x128xf32, #tpu.memory_space<vmem>>, vector<1x16xf32>,
        %get3A_2347 = vector.shape_cast %get3A_2346 : vector<1x16xf32> to vector<16xf32>
        %add3A_2348 = arith.addf %while3A_2307, %get3A_2347 : vector<16xf32>
        scf.yield %add3A_2313, %add3A_2318, %add3A_2323, %add3A_2328, %add3A_2333, %add3A_2338, %add3A_2343, %add3A_2348 : vector<16xf32>, vector<16xf32>, vector<16xf32>, vector<16xf32>, vector<16xf32>, vector<16xf32>, vector<16xf32>, vector<16xf32>
      }
      %while3A_2201 = arith.constant 1 : i32
      %while3A_2202:8 = scf.for %while3A_2299 = %while3A_2198 to %while3A_2194 step %while3A_2201 iter_args(%while3A_2300 = %while3A_2200#0, %while3A_2301 = %while3A_2200#1, %while3A_2302 = %while3A_2200#2, %while3A_2303 = %while3A_2200#3, %while3A_2304 = %while3A_2200#4, %while3A_2305 = %while3A_2200#5, %while3A_2306 = %while3A_2200#6, %while3A_2307 = %while3A_2200#7) -> (vector<16xf32>, vector<16xf32>, vector<16xf32>, vector<16xf32>, vector<16xf32>, vector<16xf32>, vector<16xf32>, vector<16xf32>)  : i32 {
        %sub3A_2308 = arith.subi %while3A_2299, %mul3A_1291 : i32
        %get3A_2309 = arith.index_cast %sub3A_2308 : i32 to index
        %get3A_2310 = arith.constant 0 : index
        %get3A_2311 = tpu.vector_load %arg6[%get3A_2309, %get3A_2310] {strides = array<i32>} : memref<400x128xf32, #tpu.memory_space<vmem>>, vector<1x16xf32>,
        %get3A_2312 = vector.shape_cast %get3A_2311 : vector<1x16xf32> to vector<16xf32>
        %add3A_2313 = arith.addf %while3A_2300, %get3A_2312 : vector<16xf32>
        %get3A_2314 = arith.index_cast %sub3A_2308 : i32 to index
        %get3A_2315 = arith.constant 16 : index
        %get3A_2316 = tpu.vector_load %arg6[%get3A_2314, %get3A_2315] {strides = array<i32>} : memref<400x128xf32, #tpu.memory_space<vmem>>, vector<1x16xf32>,
        %get3A_2317 = vector.shape_cast %get3A_2316 : vector<1x16xf32> to vector<16xf32>
        %add3A_2318 = arith.addf %while3A_2301, %get3A_2317 : vector<16xf32>
        %get3A_2319 = arith.index_cast %sub3A_2308 : i32 to index
        %get3A_2320 = arith.constant 32 : index
        %get3A_2321 = tpu.vector_load %arg6[%get3A_2319, %get3A_2320] {strides = array<i32>} : memref<400x128xf32, #tpu.memory_space<vmem>>, vector<1x16xf32>,
        %get3A_2322 = vector.shape_cast %get3A_2321 : vector<1x16xf32> to vector<16xf32>
        %add3A_2323 = arith.addf %while3A_2302, %get3A_2322 : vector<16xf32>
        %get3A_2324 = arith.index_cast %sub3A_2308 : i32 to index
        %get3A_2325 = arith.constant 48 : index
        %get3A_2326 = tpu.vector_load %arg6[%get3A_2324, %get3A_2325] {strides = array<i32>} : memref<400x128xf32, #tpu.memory_space<vmem>>, vector<1x16xf32>,
        %get3A_2327 = vector.shape_cast %get3A_2326 : vector<1x16xf32> to vector<16xf32>
        %add3A_2328 = arith.addf %while3A_2303, %get3A_2327 : vector<16xf32>
        %get3A_2329 = arith.index_cast %sub3A_2308 : i32 to index
        %get3A_2330 = arith.constant 64 : index
        %get3A_2331 = tpu.vector_load %arg6[%get3A_2329, %get3A_2330] {strides = array<i32>} : memref<400x128xf32, #tpu.memory_space<vmem>>, vector<1x16xf32>,
        %get3A_2332 = vector.shape_cast %get3A_2331 : vector<1x16xf32> to vector<16xf32>
        %add3A_2333 = arith.addf %while3A_2304, %get3A_2332 : vector<16xf32>
        %get3A_2334 = arith.index_cast %sub3A_2308 : i32 to index
        %get3A_2335 = arith.constant 80 : index
        %get3A_2336 = tpu.vector_load %arg6[%get3A_2334, %get3A_2335] {strides = array<i32>} : memref<400x128xf32, #tpu.memory_space<vmem>>, vector<1x16xf32>,
        %get3A_2337 = vector.shape_cast %get3A_2336 : vector<1x16xf32> to vector<16xf32>
        %add3A_2338 = arith.addf %while3A_2305, %get3A_2337 : vector<16xf32>
        %get3A_2339 = arith.index_cast %sub3A_2308 : i32 to index
        %get3A_2340 = arith.constant 96 : index
        %get3A_2341 = tpu.vector_load %arg6[%get3A_2339, %get3A_2340] {strides = array<i32>} : memref<400x128xf32, #tpu.memory_space<vmem>>, vector<1x16xf32>,
        %get3A_2342 = vector.shape_cast %get3A_2341 : vector<1x16xf32> to vector<16xf32>
        %add3A_2343 = arith.addf %while3A_2306, %get3A_2342 : vector<16xf32>
        %get3A_2344 = arith.index_cast %sub3A_2308 : i32 to index
        %get3A_2345 = arith.constant 112 : index
        %get3A_2346 = tpu.vector_load %arg6[%get3A_2344, %get3A_2345] {strides = array<i32>} : memref<400x128xf32, #tpu.memory_space<vmem>>, vector<1x16xf32>,
        %get3A_2347 = vector.shape_cast %get3A_2346 : vector<1x16xf32> to vector<16xf32>
        %add3A_2348 = arith.addf %while3A_2307, %get3A_2347 : vector<16xf32>
        scf.yield %add3A_2313, %add3A_2318, %add3A_2323, %add3A_2328, %add3A_2333, %add3A_2338, %add3A_2343, %add3A_2348 : vector<16xf32>, vector<16xf32>, vector<16xf32>, vector<16xf32>, vector<16xf32>, vector<16xf32>, vector<16xf32>, vector<16xf32>
      }
      %get3A_2203 = arith.constant 7 : i32
      %get3A_2204 = arith.index_cast %get3A_2203 : i32 to index
      %get3A_2205 = arith.constant 0 : index
      %get3A_2206 = tpu.vector_load %arg7[%get3A_2204, %get3A_2205] {strides = array<i32>} : memref<8x128xf32, #tpu.memory_space<vmem>>, vector<1x16xf32>,
      %get3A_2207 = vector.shape_cast %get3A_2206 : vector<1x16xf32> to vector<16xf32>
      %add3A_2208 = arith.addf %get3A_2207, %while3A_2202#0 : vector<16xf32>
      %swap3A_2209 = arith.constant 7 : i32
      %swap3A_2210 = arith.index_cast %swap3A_2209 : i32 to index
      %swap3A_2211 = arith.constant 0 : index
      %swap3A_2212 = tpu.vector_load %arg7[%swap3A_2210, %swap3A_2211] {strides = array<i32>} : memref<8x128xf32, #tpu.memory_space<vmem>>, vector<1x16xf32>,
      %swap3A_2213 = vector.shape_cast %swap3A_2212 : vector<1x16xf32> to vector<16xf32>
      %swap3A_2214 = vector.shape_cast %add3A_2208 : vector<16xf32> to vector<1x16xf32>
      tpu.vector_store %arg7[%swap3A_2210, %swap3A_2211], %swap3A_2214 {strides = array<i32>} : memref<8x128xf32, #tpu.memory_space<vmem>>, vector<1x16xf32>,
      %get3A_2215 = arith.constant 7 : i32
      %get3A_2216 = arith.index_cast %get3A_2215 : i32 to index
      %get3A_2217 = arith.constant 16 : index
      %get3A_2218 = tpu.vector_load %arg7[%get3A_2216, %get3A_2217] {strides = array<i32>} : memref<8x128xf32, #tpu.memory_space<vmem>>, vector<1x16xf32>,
      %get3A_2219 = vector.shape_cast %get3A_2218 : vector<1x16xf32> to vector<16xf32>
      %add3A_2220 = arith.addf %get3A_2219, %while3A_2202#1 : vector<16xf32>
      %swap3A_2221 = arith.constant 7 : i32
      %swap3A_2222 = arith.index_cast %swap3A_2221 : i32 to index
      %swap3A_2223 = arith.constant 16 : index
      %swap3A_2224 = tpu.vector_load %arg7[%swap3A_2222, %swap3A_2223] {strides = array<i32>} : memref<8x128xf32, #tpu.memory_space<vmem>>, vector<1x16xf32>,
      %swap3A_2225 = vector.shape_cast %swap3A_2224 : vector<1x16xf32> to vector<16xf32>
      %swap3A_2226 = vector.shape_cast %add3A_2220 : vector<16xf32> to vector<1x16xf32>
      tpu.vector_store %arg7[%swap3A_2222, %swap3A_2223], %swap3A_2226 {strides = array<i32>} : memref<8x128xf32, #tpu.memory_space<vmem>>, vector<1x16xf32>,
      %get3A_2227 = arith.constant 7 : i32
      %get3A_2228 = arith.index_cast %get3A_2227 : i32 to index
      %get3A_2229 = arith.constant 32 : index
      %get3A_2230 = tpu.vector_load %arg7[%get3A_2228, %get3A_2229] {strides = array<i32>} : memref<8x128xf32, #tpu.memory_space<vmem>>, vector<1x16xf32>,
      %get3A_2231 = vector.shape_cast %get3A_2230 : vector<1x16xf32> to vector<16xf32>
      %add3A_2232 = arith.addf %get3A_2231, %while3A_2202#2 : vector<16xf32>
      %swap3A_2233 = arith.constant 7 : i32
      %swap3A_2234 = arith.index_cast %swap3A_2233 : i32 to index
      %swap3A_2235 = arith.constant 32 : index
      %swap3A_2236 = tpu.vector_load %arg7[%swap3A_2234, %swap3A_2235] {strides = array<i32>} : memref<8x128xf32, #tpu.memory_space<vmem>>, vector<1x16xf32>,
      %swap3A_2237 = vector.shape_cast %swap3A_2236 : vector<1x16xf32> to vector<16xf32>
      %swap3A_2238 = vector.shape_cast %add3A_2232 : vector<16xf32> to vector<1x16xf32>
      tpu.vector_store %arg7[%swap3A_2234, %swap3A_2235], %swap3A_2238 {strides = array<i32>} : memref<8x128xf32, #tpu.memory_space<vmem>>, vector<1x16xf32>,
      %get3A_2239 = arith.constant 7 : i32
      %get3A_2240 = arith.index_cast %get3A_2239 : i32 to index
      %get3A_2241 = arith.constant 48 : index
      %get3A_2242 = tpu.vector_load %arg7[%get3A_2240, %get3A_2241] {strides = array<i32>} : memref<8x128xf32, #tpu.memory_space<vmem>>, vector<1x16xf32>,
      %get3A_2243 = vector.shape_cast %get3A_2242 : vector<1x16xf32> to vector<16xf32>
      %add3A_2244 = arith.addf %get3A_2243, %while3A_2202#3 : vector<16xf32>
      %swap3A_2245 = arith.constant 7 : i32
      %swap3A_2246 = arith.index_cast %swap3A_2245 : i32 to index
      %swap3A_2247 = arith.constant 48 : index
      %swap3A_2248 = tpu.vector_load %arg7[%swap3A_2246, %swap3A_2247] {strides = array<i32>} : memref<8x128xf32, #tpu.memory_space<vmem>>, vector<1x16xf32>,
      %swap3A_2249 = vector.shape_cast %swap3A_2248 : vector<1x16xf32> to vector<16xf32>
      %swap3A_2250 = vector.shape_cast %add3A_2244 : vector<16xf32> to vector<1x16xf32>
      tpu.vector_store %arg7[%swap3A_2246, %swap3A_2247], %swap3A_2250 {strides = array<i32>} : memref<8x128xf32, #tpu.memory_space<vmem>>, vector<1x16xf32>,
      %get3A_2251 = arith.constant 7 : i32
      %get3A_2252 = arith.index_cast %get3A_2251 : i32 to index
      %get3A_2253 = arith.constant 64 : index
      %get3A_2254 = tpu.vector_load %arg7[%get3A_2252, %get3A_2253] {strides = array<i32>} : memref<8x128xf32, #tpu.memory_space<vmem>>, vector<1x16xf32>,
      %get3A_2255 = vector.shape_cast %get3A_2254 : vector<1x16xf32> to vector<16xf32>
      %add3A_2256 = arith.addf %get3A_2255, %while3A_2202#4 : vector<16xf32>
      %swap3A_2257 = arith.constant 7 : i32
      %swap3A_2258 = arith.index_cast %swap3A_2257 : i32 to index
      %swap3A_2259 = arith.constant 64 : index
      %swap3A_2260 = tpu.vector_load %arg7[%swap3A_2258, %swap3A_2259] {strides = array<i32>} : memref<8x128xf32, #tpu.memory_space<vmem>>, vector<1x16xf32>,
      %swap3A_2261 = vector.shape_cast %swap3A_2260 : vector<1x16xf32> to vector<16xf32>
      %swap3A_2262 = vector.shape_cast %add3A_2256 : vector<16xf32> to vector<1x16xf32>
      tpu.vector_store %arg7[%swap3A_2258, %swap3A_2259], %swap3A_2262 {strides = array<i32>} : memref<8x128xf32, #tpu.memory_space<vmem>>, vector<1x16xf32>,
      %get3A_2263 = arith.constant 7 : i32
      %get3A_2264 = arith.index_cast %get3A_2263 : i32 to index
      %get3A_2265 = arith.constant 80 : index
      %get3A_2266 = tpu.vector_load %arg7[%get3A_2264, %get3A_2265] {strides = array<i32>} : memref<8x128xf32, #tpu.memory_space<vmem>>, vector<1x16xf32>,
      %get3A_2267 = vector.shape_cast %get3A_2266 : vector<1x16xf32> to vector<16xf32>
      %add3A_2268 = arith.addf %get3A_2267, %while3A_2202#5 : vector<16xf32>
      %swap3A_2269 = arith.constant 7 : i32
      %swap3A_2270 = arith.index_cast %swap3A_2269 : i32 to index
      %swap3A_2271 = arith.constant 80 : index
      %swap3A_2272 = tpu.vector_load %arg7[%swap3A_2270, %swap3A_2271] {strides = array<i32>} : memref<8x128xf32, #tpu.memory_space<vmem>>, vector<1x16xf32>,
      %swap3A_2273 = vector.shape_cast %swap3A_2272 : vector<1x16xf32> to vector<16xf32>
      %swap3A_2274 = vector.shape_cast %add3A_2268 : vector<16xf32> to vector<1x16xf32>
      tpu.vector_store %arg7[%swap3A_2270, %swap3A_2271], %swap3A_2274 {strides = array<i32>} : memref<8x128xf32, #tpu.memory_space<vmem>>, vector<1x16xf32>,
      %get3A_2275 = arith.constant 7 : i32
      %get3A_2276 = arith.index_cast %get3A_2275 : i32 to index
      %get3A_2277 = arith.constant 96 : index
      %get3A_2278 = tpu.vector_load %arg7[%get3A_2276, %get3A_2277] {strides = array<i32>} : memref<8x128xf32, #tpu.memory_space<vmem>>, vector<1x16xf32>,
      %get3A_2279 = vector.shape_cast %get3A_2278 : vector<1x16xf32> to vector<16xf32>
      %add3A_2280 = arith.addf %get3A_2279, %while3A_2202#6 : vector<16xf32>
      %swap3A_2281 = arith.constant 7 : i32
      %swap3A_2282 = arith.index_cast %swap3A_2281 : i32 to index
      %swap3A_2283 = arith.constant 96 : index
      %swap3A_2284 = tpu.vector_load %arg7[%swap3A_2282, %swap3A_2283] {strides = array<i32>} : memref<8x128xf32, #tpu.memory_space<vmem>>, vector<1x16xf32>,
      %swap3A_2285 = vector.shape_cast %swap3A_2284 : vector<1x16xf32> to vector<16xf32>
      %swap3A_2286 = vector.shape_cast %add3A_2280 : vector<16xf32> to vector<1x16xf32>
      tpu.vector_store %arg7[%swap3A_2282, %swap3A_2283], %swap3A_2286 {strides = array<i32>} : memref<8x128xf32, #tpu.memory_space<vmem>>, vector<1x16xf32>,
      %get3A_2287 = arith.constant 7 : i32
      %get3A_2288 = arith.index_cast %get3A_2287 : i32 to index
      %get3A_2289 = arith.constant 112 : index
      %get3A_2290 = tpu.vector_load %arg7[%get3A_2288, %get3A_2289] {strides = array<i32>} : memref<8x128xf32, #tpu.memory_space<vmem>>, vector<1x16xf32>,
      %get3A_2291 = vector.shape_cast %get3A_2290 : vector<1x16xf32> to vector<16xf32>
      %add3A_2292 = arith.addf %get3A_2291, %while3A_2202#7 : vector<16xf32>
      %swap3A_2293 = arith.constant 7 : i32
      %swap3A_2294 = arith.index_cast %swap3A_2293 : i32 to index
      %swap3A_2295 = arith.constant 112 : index
      %swap3A_2296 = tpu.vector_load %arg7[%swap3A_2294, %swap3A_2295] {strides = array<i32>} : memref<8x128xf32, #tpu.memory_space<vmem>>, vector<1x16xf32>,
      %swap3A_2297 = vector.shape_cast %swap3A_2296 : vector<1x16xf32> to vector<16xf32>
      %swap3A_2298 = vector.shape_cast %add3A_2292 : vector<16xf32> to vector<1x16xf32>
      tpu.vector_store %arg7[%swap3A_2294, %swap3A_2295], %swap3A_2298 {strides = array<i32>} : memref<8x128xf32, #tpu.memory_space<vmem>>, vector<1x16xf32>,
    }
    %sub3A_457 = arith.subi %squeeze3A_6, %squeeze3A : i32
    %max3A = arith.constant 1 : i32
    %max3A_458 = arith.maxsi %sub3A_457, %max3A : i32
    %convert_element_type3A = arith.sitofp %max3A_458 : i32 to f32
    %broadcast_in_dim3A_459 = vector.broadcast %convert_element_type3A : f32 to vector<16xf32>
    %div3A_460 = arith.constant 1.000000e+00 : f32
    %div3A_461 = vector.broadcast %div3A_460 : f32 to vector<16xf32>
    %div3A_462 = arith.divf %div3A_461, %broadcast_in_dim3A_459 : vector<16xf32>
    %get3A_463 = arith.constant 0 : i32
    %get3A_464 = arith.index_cast %get3A_463 : i32 to index
    %get3A_465 = arith.constant 0 : index
    %get3A_466 = tpu.vector_load %arg7[%get3A_464, %get3A_465] {strides = array<i32>} : memref<8x128xf32, #tpu.memory_space<vmem>>, vector<1x16xf32>,
    %get3A_467 = vector.shape_cast %get3A_466 : vector<1x16xf32> to vector<16xf32>
    %mul3A_468 = arith.mulf %get3A_467, %div3A_462 : vector<16xf32>
    %swap3A_469 = arith.constant 0 : i32
    %swap3A_470 = arith.index_cast %swap3A_469 : i32 to index
    %swap3A_471 = arith.constant 0 : index
    %swap3A_472 = tpu.vector_load %arg7[%swap3A_470, %swap3A_471] {strides = array<i32>} : memref<8x128xf32, #tpu.memory_space<vmem>>, vector<1x16xf32>,
    %swap3A_473 = vector.shape_cast %swap3A_472 : vector<1x16xf32> to vector<16xf32>
    %swap3A_474 = vector.shape_cast %mul3A_468 : vector<16xf32> to vector<1x16xf32>
    tpu.vector_store %arg7[%swap3A_470, %swap3A_471], %swap3A_474 {strides = array<i32>} : memref<8x128xf32, #tpu.memory_space<vmem>>, vector<1x16xf32>,
    %get3A_475 = arith.constant 0 : i32
    %get3A_476 = arith.index_cast %get3A_475 : i32 to index
    %get3A_477 = arith.constant 16 : index
    %get3A_478 = tpu.vector_load %arg7[%get3A_476, %get3A_477] {strides = array<i32>} : memref<8x128xf32, #tpu.memory_space<vmem>>, vector<1x16xf32>,
    %get3A_479 = vector.shape_cast %get3A_478 : vector<1x16xf32> to vector<16xf32>
    %mul3A_480 = arith.mulf %get3A_479, %div3A_462 : vector<16xf32>
    %swap3A_481 = arith.constant 0 : i32
    %swap3A_482 = arith.index_cast %swap3A_481 : i32 to index
    %swap3A_483 = arith.constant 16 : index
    %swap3A_484 = tpu.vector_load %arg7[%swap3A_482, %swap3A_483] {strides = array<i32>} : memref<8x128xf32, #tpu.memory_space<vmem>>, vector<1x16xf32>,
    %swap3A_485 = vector.shape_cast %swap3A_484 : vector<1x16xf32> to vector<16xf32>
    %swap3A_486 = vector.shape_cast %mul3A_480 : vector<16xf32> to vector<1x16xf32>
    tpu.vector_store %arg7[%swap3A_482, %swap3A_483], %swap3A_486 {strides = array<i32>} : memref<8x128xf32, #tpu.memory_space<vmem>>, vector<1x16xf32>,
    %get3A_487 = arith.constant 0 : i32
    %get3A_488 = arith.index_cast %get3A_487 : i32 to index
    %get3A_489 = arith.constant 32 : index
    %get3A_490 = tpu.vector_load %arg7[%get3A_488, %get3A_489] {strides = array<i32>} : memref<8x128xf32, #tpu.memory_space<vmem>>, vector<1x16xf32>,
    %get3A_491 = vector.shape_cast %get3A_490 : vector<1x16xf32> to vector<16xf32>
    %mul3A_492 = arith.mulf %get3A_491, %div3A_462 : vector<16xf32>
    %swap3A_493 = arith.constant 0 : i32
    %swap3A_494 = arith.index_cast %swap3A_493 : i32 to index
    %swap3A_495 = arith.constant 32 : index
    %swap3A_496 = tpu.vector_load %arg7[%swap3A_494, %swap3A_495] {strides = array<i32>} : memref<8x128xf32, #tpu.memory_space<vmem>>, vector<1x16xf32>,
    %swap3A_497 = vector.shape_cast %swap3A_496 : vector<1x16xf32> to vector<16xf32>
    %swap3A_498 = vector.shape_cast %mul3A_492 : vector<16xf32> to vector<1x16xf32>
    tpu.vector_store %arg7[%swap3A_494, %swap3A_495], %swap3A_498 {strides = array<i32>} : memref<8x128xf32, #tpu.memory_space<vmem>>, vector<1x16xf32>,
    %get3A_499 = arith.constant 0 : i32
    %get3A_500 = arith.index_cast %get3A_499 : i32 to index
    %get3A_501 = arith.constant 48 : index
    %get3A_502 = tpu.vector_load %arg7[%get3A_500, %get3A_501] {strides = array<i32>} : memref<8x128xf32, #tpu.memory_space<vmem>>, vector<1x16xf32>,
    %get3A_503 = vector.shape_cast %get3A_502 : vector<1x16xf32> to vector<16xf32>
    %mul3A_504 = arith.mulf %get3A_503, %div3A_462 : vector<16xf32>
    %swap3A_505 = arith.constant 0 : i32
    %swap3A_506 = arith.index_cast %swap3A_505 : i32 to index
    %swap3A_507 = arith.constant 48 : index
    %swap3A_508 = tpu.vector_load %arg7[%swap3A_506, %swap3A_507] {strides = array<i32>} : memref<8x128xf32, #tpu.memory_space<vmem>>, vector<1x16xf32>,
    %swap3A_509 = vector.shape_cast %swap3A_508 : vector<1x16xf32> to vector<16xf32>
    %swap3A_510 = vector.shape_cast %mul3A_504 : vector<16xf32> to vector<1x16xf32>
    tpu.vector_store %arg7[%swap3A_506, %swap3A_507], %swap3A_510 {strides = array<i32>} : memref<8x128xf32, #tpu.memory_space<vmem>>, vector<1x16xf32>,
    %get3A_511 = arith.constant 0 : i32
    %get3A_512 = arith.index_cast %get3A_511 : i32 to index
    %get3A_513 = arith.constant 64 : index
    %get3A_514 = tpu.vector_load %arg7[%get3A_512, %get3A_513] {strides = array<i32>} : memref<8x128xf32, #tpu.memory_space<vmem>>, vector<1x16xf32>,
    %get3A_515 = vector.shape_cast %get3A_514 : vector<1x16xf32> to vector<16xf32>
    %mul3A_516 = arith.mulf %get3A_515, %div3A_462 : vector<16xf32>
    %swap3A_517 = arith.constant 0 : i32
    %swap3A_518 = arith.index_cast %swap3A_517 : i32 to index
    %swap3A_519 = arith.constant 64 : index
    %swap3A_520 = tpu.vector_load %arg7[%swap3A_518, %swap3A_519] {strides = array<i32>} : memref<8x128xf32, #tpu.memory_space<vmem>>, vector<1x16xf32>,
    %swap3A_521 = vector.shape_cast %swap3A_520 : vector<1x16xf32> to vector<16xf32>
    %swap3A_522 = vector.shape_cast %mul3A_516 : vector<16xf32> to vector<1x16xf32>
    tpu.vector_store %arg7[%swap3A_518, %swap3A_519], %swap3A_522 {strides = array<i32>} : memref<8x128xf32, #tpu.memory_space<vmem>>, vector<1x16xf32>,
    %get3A_523 = arith.constant 0 : i32
    %get3A_524 = arith.index_cast %get3A_523 : i32 to index
    %get3A_525 = arith.constant 80 : index
    %get3A_526 = tpu.vector_load %arg7[%get3A_524, %get3A_525] {strides = array<i32>} : memref<8x128xf32, #tpu.memory_space<vmem>>, vector<1x16xf32>,
    %get3A_527 = vector.shape_cast %get3A_526 : vector<1x16xf32> to vector<16xf32>
    %mul3A_528 = arith.mulf %get3A_527, %div3A_462 : vector<16xf32>
    %swap3A_529 = arith.constant 0 : i32
    %swap3A_530 = arith.index_cast %swap3A_529 : i32 to index
    %swap3A_531 = arith.constant 80 : index
    %swap3A_532 = tpu.vector_load %arg7[%swap3A_530, %swap3A_531] {strides = array<i32>} : memref<8x128xf32, #tpu.memory_space<vmem>>, vector<1x16xf32>,
    %swap3A_533 = vector.shape_cast %swap3A_532 : vector<1x16xf32> to vector<16xf32>
    %swap3A_534 = vector.shape_cast %mul3A_528 : vector<16xf32> to vector<1x16xf32>
    tpu.vector_store %arg7[%swap3A_530, %swap3A_531], %swap3A_534 {strides = array<i32>} : memref<8x128xf32, #tpu.memory_space<vmem>>, vector<1x16xf32>,
    %get3A_535 = arith.constant 0 : i32
    %get3A_536 = arith.index_cast %get3A_535 : i32 to index
    %get3A_537 = arith.constant 96 : index
    %get3A_538 = tpu.vector_load %arg7[%get3A_536, %get3A_537] {strides = array<i32>} : memref<8x128xf32, #tpu.memory_space<vmem>>, vector<1x16xf32>,
    %get3A_539 = vector.shape_cast %get3A_538 : vector<1x16xf32> to vector<16xf32>
    %mul3A_540 = arith.mulf %get3A_539, %div3A_462 : vector<16xf32>
    %swap3A_541 = arith.constant 0 : i32
    %swap3A_542 = arith.index_cast %swap3A_541 : i32 to index
    %swap3A_543 = arith.constant 96 : index
    %swap3A_544 = tpu.vector_load %arg7[%swap3A_542, %swap3A_543] {strides = array<i32>} : memref<8x128xf32, #tpu.memory_space<vmem>>, vector<1x16xf32>,
    %swap3A_545 = vector.shape_cast %swap3A_544 : vector<1x16xf32> to vector<16xf32>
    %swap3A_546 = vector.shape_cast %mul3A_540 : vector<16xf32> to vector<1x16xf32>
    tpu.vector_store %arg7[%swap3A_542, %swap3A_543], %swap3A_546 {strides = array<i32>} : memref<8x128xf32, #tpu.memory_space<vmem>>, vector<1x16xf32>,
    %get3A_547 = arith.constant 0 : i32
    %get3A_548 = arith.index_cast %get3A_547 : i32 to index
    %get3A_549 = arith.constant 112 : index
    %get3A_550 = tpu.vector_load %arg7[%get3A_548, %get3A_549] {strides = array<i32>} : memref<8x128xf32, #tpu.memory_space<vmem>>, vector<1x16xf32>,
    %get3A_551 = vector.shape_cast %get3A_550 : vector<1x16xf32> to vector<16xf32>
    %mul3A_552 = arith.mulf %get3A_551, %div3A_462 : vector<16xf32>
    %swap3A_553 = arith.constant 0 : i32
    %swap3A_554 = arith.index_cast %swap3A_553 : i32 to index
    %swap3A_555 = arith.constant 112 : index
    %swap3A_556 = tpu.vector_load %arg7[%swap3A_554, %swap3A_555] {strides = array<i32>} : memref<8x128xf32, #tpu.memory_space<vmem>>, vector<1x16xf32>,
    %swap3A_557 = vector.shape_cast %swap3A_556 : vector<1x16xf32> to vector<16xf32>
    %swap3A_558 = vector.shape_cast %mul3A_552 : vector<16xf32> to vector<1x16xf32>
    tpu.vector_store %arg7[%swap3A_554, %swap3A_555], %swap3A_558 {strides = array<i32>} : memref<8x128xf32, #tpu.memory_space<vmem>>, vector<1x16xf32>,
    %sub3A_559 = arith.subi %squeeze3A_8, %squeeze3A_6 : i32
    %max3A_560 = arith.constant 1 : i32
    %max3A_561 = arith.maxsi %sub3A_559, %max3A_560 : i32
    %convert_element_type3A_562 = arith.sitofp %max3A_561 : i32 to f32
    %broadcast_in_dim3A_563 = vector.broadcast %convert_element_type3A_562 : f32 to vector<16xf32>
    %div3A_564 = arith.constant 1.000000e+00 : f32
    %div3A_565 = vector.broadcast %div3A_564 : f32 to vector<16xf32>
    %div3A_566 = arith.divf %div3A_565, %broadcast_in_dim3A_563 : vector<16xf32>
    %get3A_567 = arith.constant 1 : i32
    %get3A_568 = arith.index_cast %get3A_567 : i32 to index
    %get3A_569 = arith.constant 0 : index
    %get3A_570 = tpu.vector_load %arg7[%get3A_568, %get3A_569] {strides = array<i32>} : memref<8x128xf32, #tpu.memory_space<vmem>>, vector<1x16xf32>,
    %get3A_571 = vector.shape_cast %get3A_570 : vector<1x16xf32> to vector<16xf32>
    %mul3A_572 = arith.mulf %get3A_571, %div3A_566 : vector<16xf32>
    %swap3A_573 = arith.constant 1 : i32
    %swap3A_574 = arith.index_cast %swap3A_573 : i32 to index
    %swap3A_575 = arith.constant 0 : index
    %swap3A_576 = tpu.vector_load %arg7[%swap3A_574, %swap3A_575] {strides = array<i32>} : memref<8x128xf32, #tpu.memory_space<vmem>>, vector<1x16xf32>,
    %swap3A_577 = vector.shape_cast %swap3A_576 : vector<1x16xf32> to vector<16xf32>
    %swap3A_578 = vector.shape_cast %mul3A_572 : vector<16xf32> to vector<1x16xf32>
    tpu.vector_store %arg7[%swap3A_574, %swap3A_575], %swap3A_578 {strides = array<i32>} : memref<8x128xf32, #tpu.memory_space<vmem>>, vector<1x16xf32>,
    %get3A_579 = arith.constant 1 : i32
    %get3A_580 = arith.index_cast %get3A_579 : i32 to index
    %get3A_581 = arith.constant 16 : index
    %get3A_582 = tpu.vector_load %arg7[%get3A_580, %get3A_581] {strides = array<i32>} : memref<8x128xf32, #tpu.memory_space<vmem>>, vector<1x16xf32>,
    %get3A_583 = vector.shape_cast %get3A_582 : vector<1x16xf32> to vector<16xf32>
    %mul3A_584 = arith.mulf %get3A_583, %div3A_566 : vector<16xf32>
    %swap3A_585 = arith.constant 1 : i32
    %swap3A_586 = arith.index_cast %swap3A_585 : i32 to index
    %swap3A_587 = arith.constant 16 : index
    %swap3A_588 = tpu.vector_load %arg7[%swap3A_586, %swap3A_587] {strides = array<i32>} : memref<8x128xf32, #tpu.memory_space<vmem>>, vector<1x16xf32>,
    %swap3A_589 = vector.shape_cast %swap3A_588 : vector<1x16xf32> to vector<16xf32>
    %swap3A_590 = vector.shape_cast %mul3A_584 : vector<16xf32> to vector<1x16xf32>
    tpu.vector_store %arg7[%swap3A_586, %swap3A_587], %swap3A_590 {strides = array<i32>} : memref<8x128xf32, #tpu.memory_space<vmem>>, vector<1x16xf32>,
    %get3A_591 = arith.constant 1 : i32
    %get3A_592 = arith.index_cast %get3A_591 : i32 to index
    %get3A_593 = arith.constant 32 : index
    %get3A_594 = tpu.vector_load %arg7[%get3A_592, %get3A_593] {strides = array<i32>} : memref<8x128xf32, #tpu.memory_space<vmem>>, vector<1x16xf32>,
    %get3A_595 = vector.shape_cast %get3A_594 : vector<1x16xf32> to vector<16xf32>
    %mul3A_596 = arith.mulf %get3A_595, %div3A_566 : vector<16xf32>
    %swap3A_597 = arith.constant 1 : i32
    %swap3A_598 = arith.index_cast %swap3A_597 : i32 to index
    %swap3A_599 = arith.constant 32 : index
    %swap3A_600 = tpu.vector_load %arg7[%swap3A_598, %swap3A_599] {strides = array<i32>} : memref<8x128xf32, #tpu.memory_space<vmem>>, vector<1x16xf32>,
    %swap3A_601 = vector.shape_cast %swap3A_600 : vector<1x16xf32> to vector<16xf32>
    %swap3A_602 = vector.shape_cast %mul3A_596 : vector<16xf32> to vector<1x16xf32>
    tpu.vector_store %arg7[%swap3A_598, %swap3A_599], %swap3A_602 {strides = array<i32>} : memref<8x128xf32, #tpu.memory_space<vmem>>, vector<1x16xf32>,
    %get3A_603 = arith.constant 1 : i32
    %get3A_604 = arith.index_cast %get3A_603 : i32 to index
    %get3A_605 = arith.constant 48 : index
    %get3A_606 = tpu.vector_load %arg7[%get3A_604, %get3A_605] {strides = array<i32>} : memref<8x128xf32, #tpu.memory_space<vmem>>, vector<1x16xf32>,
    %get3A_607 = vector.shape_cast %get3A_606 : vector<1x16xf32> to vector<16xf32>
    %mul3A_608 = arith.mulf %get3A_607, %div3A_566 : vector<16xf32>
    %swap3A_609 = arith.constant 1 : i32
    %swap3A_610 = arith.index_cast %swap3A_609 : i32 to index
    %swap3A_611 = arith.constant 48 : index
    %swap3A_612 = tpu.vector_load %arg7[%swap3A_610, %swap3A_611] {strides = array<i32>} : memref<8x128xf32, #tpu.memory_space<vmem>>, vector<1x16xf32>,
    %swap3A_613 = vector.shape_cast %swap3A_612 : vector<1x16xf32> to vector<16xf32>
    %swap3A_614 = vector.shape_cast %mul3A_608 : vector<16xf32> to vector<1x16xf32>
    tpu.vector_store %arg7[%swap3A_610, %swap3A_611], %swap3A_614 {strides = array<i32>} : memref<8x128xf32, #tpu.memory_space<vmem>>, vector<1x16xf32>,
    %get3A_615 = arith.constant 1 : i32
    %get3A_616 = arith.index_cast %get3A_615 : i32 to index
    %get3A_617 = arith.constant 64 : index
    %get3A_618 = tpu.vector_load %arg7[%get3A_616, %get3A_617] {strides = array<i32>} : memref<8x128xf32, #tpu.memory_space<vmem>>, vector<1x16xf32>,
    %get3A_619 = vector.shape_cast %get3A_618 : vector<1x16xf32> to vector<16xf32>
    %mul3A_620 = arith.mulf %get3A_619, %div3A_566 : vector<16xf32>
    %swap3A_621 = arith.constant 1 : i32
    %swap3A_622 = arith.index_cast %swap3A_621 : i32 to index
    %swap3A_623 = arith.constant 64 : index
    %swap3A_624 = tpu.vector_load %arg7[%swap3A_622, %swap3A_623] {strides = array<i32>} : memref<8x128xf32, #tpu.memory_space<vmem>>, vector<1x16xf32>,
    %swap3A_625 = vector.shape_cast %swap3A_624 : vector<1x16xf32> to vector<16xf32>
    %swap3A_626 = vector.shape_cast %mul3A_620 : vector<16xf32> to vector<1x16xf32>
    tpu.vector_store %arg7[%swap3A_622, %swap3A_623], %swap3A_626 {strides = array<i32>} : memref<8x128xf32, #tpu.memory_space<vmem>>, vector<1x16xf32>,
    %get3A_627 = arith.constant 1 : i32
    %get3A_628 = arith.index_cast %get3A_627 : i32 to index
    %get3A_629 = arith.constant 80 : index
    %get3A_630 = tpu.vector_load %arg7[%get3A_628, %get3A_629] {strides = array<i32>} : memref<8x128xf32, #tpu.memory_space<vmem>>, vector<1x16xf32>,
    %get3A_631 = vector.shape_cast %get3A_630 : vector<1x16xf32> to vector<16xf32>
    %mul3A_632 = arith.mulf %get3A_631, %div3A_566 : vector<16xf32>
    %swap3A_633 = arith.constant 1 : i32
    %swap3A_634 = arith.index_cast %swap3A_633 : i32 to index
    %swap3A_635 = arith.constant 80 : index
    %swap3A_636 = tpu.vector_load %arg7[%swap3A_634, %swap3A_635] {strides = array<i32>} : memref<8x128xf32, #tpu.memory_space<vmem>>, vector<1x16xf32>,
    %swap3A_637 = vector.shape_cast %swap3A_636 : vector<1x16xf32> to vector<16xf32>
    %swap3A_638 = vector.shape_cast %mul3A_632 : vector<16xf32> to vector<1x16xf32>
    tpu.vector_store %arg7[%swap3A_634, %swap3A_635], %swap3A_638 {strides = array<i32>} : memref<8x128xf32, #tpu.memory_space<vmem>>, vector<1x16xf32>,
    %get3A_639 = arith.constant 1 : i32
    %get3A_640 = arith.index_cast %get3A_639 : i32 to index
    %get3A_641 = arith.constant 96 : index
    %get3A_642 = tpu.vector_load %arg7[%get3A_640, %get3A_641] {strides = array<i32>} : memref<8x128xf32, #tpu.memory_space<vmem>>, vector<1x16xf32>,
    %get3A_643 = vector.shape_cast %get3A_642 : vector<1x16xf32> to vector<16xf32>
    %mul3A_644 = arith.mulf %get3A_643, %div3A_566 : vector<16xf32>
    %swap3A_645 = arith.constant 1 : i32
    %swap3A_646 = arith.index_cast %swap3A_645 : i32 to index
    %swap3A_647 = arith.constant 96 : index
    %swap3A_648 = tpu.vector_load %arg7[%swap3A_646, %swap3A_647] {strides = array<i32>} : memref<8x128xf32, #tpu.memory_space<vmem>>, vector<1x16xf32>,
    %swap3A_649 = vector.shape_cast %swap3A_648 : vector<1x16xf32> to vector<16xf32>
    %swap3A_650 = vector.shape_cast %mul3A_644 : vector<16xf32> to vector<1x16xf32>
    tpu.vector_store %arg7[%swap3A_646, %swap3A_647], %swap3A_650 {strides = array<i32>} : memref<8x128xf32, #tpu.memory_space<vmem>>, vector<1x16xf32>,
    %get3A_651 = arith.constant 1 : i32
    %get3A_652 = arith.index_cast %get3A_651 : i32 to index
    %get3A_653 = arith.constant 112 : index
    %get3A_654 = tpu.vector_load %arg7[%get3A_652, %get3A_653] {strides = array<i32>} : memref<8x128xf32, #tpu.memory_space<vmem>>, vector<1x16xf32>,
    %get3A_655 = vector.shape_cast %get3A_654 : vector<1x16xf32> to vector<16xf32>
    %mul3A_656 = arith.mulf %get3A_655, %div3A_566 : vector<16xf32>
    %swap3A_657 = arith.constant 1 : i32
    %swap3A_658 = arith.index_cast %swap3A_657 : i32 to index
    %swap3A_659 = arith.constant 112 : index
    %swap3A_660 = tpu.vector_load %arg7[%swap3A_658, %swap3A_659] {strides = array<i32>} : memref<8x128xf32, #tpu.memory_space<vmem>>, vector<1x16xf32>,
    %swap3A_661 = vector.shape_cast %swap3A_660 : vector<1x16xf32> to vector<16xf32>
    %swap3A_662 = vector.shape_cast %mul3A_656 : vector<16xf32> to vector<1x16xf32>
    tpu.vector_store %arg7[%swap3A_658, %swap3A_659], %swap3A_662 {strides = array<i32>} : memref<8x128xf32, #tpu.memory_space<vmem>>, vector<1x16xf32>,
    %sub3A_663 = arith.subi %squeeze3A_10, %squeeze3A_8 : i32
    %max3A_664 = arith.constant 1 : i32
    %max3A_665 = arith.maxsi %sub3A_663, %max3A_664 : i32
    %convert_element_type3A_666 = arith.sitofp %max3A_665 : i32 to f32
    %broadcast_in_dim3A_667 = vector.broadcast %convert_element_type3A_666 : f32 to vector<16xf32>
    %div3A_668 = arith.constant 1.000000e+00 : f32
    %div3A_669 = vector.broadcast %div3A_668 : f32 to vector<16xf32>
    %div3A_670 = arith.divf %div3A_669, %broadcast_in_dim3A_667 : vector<16xf32>
    %get3A_671 = arith.constant 2 : i32
    %get3A_672 = arith.index_cast %get3A_671 : i32 to index
    %get3A_673 = arith.constant 0 : index
    %get3A_674 = tpu.vector_load %arg7[%get3A_672, %get3A_673] {strides = array<i32>} : memref<8x128xf32, #tpu.memory_space<vmem>>, vector<1x16xf32>,
    %get3A_675 = vector.shape_cast %get3A_674 : vector<1x16xf32> to vector<16xf32>
    %mul3A_676 = arith.mulf %get3A_675, %div3A_670 : vector<16xf32>
    %swap3A_677 = arith.constant 2 : i32
    %swap3A_678 = arith.index_cast %swap3A_677 : i32 to index
    %swap3A_679 = arith.constant 0 : index
    %swap3A_680 = tpu.vector_load %arg7[%swap3A_678, %swap3A_679] {strides = array<i32>} : memref<8x128xf32, #tpu.memory_space<vmem>>, vector<1x16xf32>,
    %swap3A_681 = vector.shape_cast %swap3A_680 : vector<1x16xf32> to vector<16xf32>
    %swap3A_682 = vector.shape_cast %mul3A_676 : vector<16xf32> to vector<1x16xf32>
    tpu.vector_store %arg7[%swap3A_678, %swap3A_679], %swap3A_682 {strides = array<i32>} : memref<8x128xf32, #tpu.memory_space<vmem>>, vector<1x16xf32>,
    %get3A_683 = arith.constant 2 : i32
    %get3A_684 = arith.index_cast %get3A_683 : i32 to index
    %get3A_685 = arith.constant 16 : index
    %get3A_686 = tpu.vector_load %arg7[%get3A_684, %get3A_685] {strides = array<i32>} : memref<8x128xf32, #tpu.memory_space<vmem>>, vector<1x16xf32>,
    %get3A_687 = vector.shape_cast %get3A_686 : vector<1x16xf32> to vector<16xf32>
    %mul3A_688 = arith.mulf %get3A_687, %div3A_670 : vector<16xf32>
    %swap3A_689 = arith.constant 2 : i32
    %swap3A_690 = arith.index_cast %swap3A_689 : i32 to index
    %swap3A_691 = arith.constant 16 : index
    %swap3A_692 = tpu.vector_load %arg7[%swap3A_690, %swap3A_691] {strides = array<i32>} : memref<8x128xf32, #tpu.memory_space<vmem>>, vector<1x16xf32>,
    %swap3A_693 = vector.shape_cast %swap3A_692 : vector<1x16xf32> to vector<16xf32>
    %swap3A_694 = vector.shape_cast %mul3A_688 : vector<16xf32> to vector<1x16xf32>
    tpu.vector_store %arg7[%swap3A_690, %swap3A_691], %swap3A_694 {strides = array<i32>} : memref<8x128xf32, #tpu.memory_space<vmem>>, vector<1x16xf32>,
    %get3A_695 = arith.constant 2 : i32
    %get3A_696 = arith.index_cast %get3A_695 : i32 to index
    %get3A_697 = arith.constant 32 : index
    %get3A_698 = tpu.vector_load %arg7[%get3A_696, %get3A_697] {strides = array<i32>} : memref<8x128xf32, #tpu.memory_space<vmem>>, vector<1x16xf32>,
    %get3A_699 = vector.shape_cast %get3A_698 : vector<1x16xf32> to vector<16xf32>
    %mul3A_700 = arith.mulf %get3A_699, %div3A_670 : vector<16xf32>
    %swap3A_701 = arith.constant 2 : i32
    %swap3A_702 = arith.index_cast %swap3A_701 : i32 to index
    %swap3A_703 = arith.constant 32 : index
    %swap3A_704 = tpu.vector_load %arg7[%swap3A_702, %swap3A_703] {strides = array<i32>} : memref<8x128xf32, #tpu.memory_space<vmem>>, vector<1x16xf32>,
    %swap3A_705 = vector.shape_cast %swap3A_704 : vector<1x16xf32> to vector<16xf32>
    %swap3A_706 = vector.shape_cast %mul3A_700 : vector<16xf32> to vector<1x16xf32>
    tpu.vector_store %arg7[%swap3A_702, %swap3A_703], %swap3A_706 {strides = array<i32>} : memref<8x128xf32, #tpu.memory_space<vmem>>, vector<1x16xf32>,
    %get3A_707 = arith.constant 2 : i32
    %get3A_708 = arith.index_cast %get3A_707 : i32 to index
    %get3A_709 = arith.constant 48 : index
    %get3A_710 = tpu.vector_load %arg7[%get3A_708, %get3A_709] {strides = array<i32>} : memref<8x128xf32, #tpu.memory_space<vmem>>, vector<1x16xf32>,
    %get3A_711 = vector.shape_cast %get3A_710 : vector<1x16xf32> to vector<16xf32>
    %mul3A_712 = arith.mulf %get3A_711, %div3A_670 : vector<16xf32>
    %swap3A_713 = arith.constant 2 : i32
    %swap3A_714 = arith.index_cast %swap3A_713 : i32 to index
    %swap3A_715 = arith.constant 48 : index
    %swap3A_716 = tpu.vector_load %arg7[%swap3A_714, %swap3A_715] {strides = array<i32>} : memref<8x128xf32, #tpu.memory_space<vmem>>, vector<1x16xf32>,
    %swap3A_717 = vector.shape_cast %swap3A_716 : vector<1x16xf32> to vector<16xf32>
    %swap3A_718 = vector.shape_cast %mul3A_712 : vector<16xf32> to vector<1x16xf32>
    tpu.vector_store %arg7[%swap3A_714, %swap3A_715], %swap3A_718 {strides = array<i32>} : memref<8x128xf32, #tpu.memory_space<vmem>>, vector<1x16xf32>,
    %get3A_719 = arith.constant 2 : i32
    %get3A_720 = arith.index_cast %get3A_719 : i32 to index
    %get3A_721 = arith.constant 64 : index
    %get3A_722 = tpu.vector_load %arg7[%get3A_720, %get3A_721] {strides = array<i32>} : memref<8x128xf32, #tpu.memory_space<vmem>>, vector<1x16xf32>,
    %get3A_723 = vector.shape_cast %get3A_722 : vector<1x16xf32> to vector<16xf32>
    %mul3A_724 = arith.mulf %get3A_723, %div3A_670 : vector<16xf32>
    %swap3A_725 = arith.constant 2 : i32
    %swap3A_726 = arith.index_cast %swap3A_725 : i32 to index
    %swap3A_727 = arith.constant 64 : index
    %swap3A_728 = tpu.vector_load %arg7[%swap3A_726, %swap3A_727] {strides = array<i32>} : memref<8x128xf32, #tpu.memory_space<vmem>>, vector<1x16xf32>,
    %swap3A_729 = vector.shape_cast %swap3A_728 : vector<1x16xf32> to vector<16xf32>
    %swap3A_730 = vector.shape_cast %mul3A_724 : vector<16xf32> to vector<1x16xf32>
    tpu.vector_store %arg7[%swap3A_726, %swap3A_727], %swap3A_730 {strides = array<i32>} : memref<8x128xf32, #tpu.memory_space<vmem>>, vector<1x16xf32>,
    %get3A_731 = arith.constant 2 : i32
    %get3A_732 = arith.index_cast %get3A_731 : i32 to index
    %get3A_733 = arith.constant 80 : index
    %get3A_734 = tpu.vector_load %arg7[%get3A_732, %get3A_733] {strides = array<i32>} : memref<8x128xf32, #tpu.memory_space<vmem>>, vector<1x16xf32>,
    %get3A_735 = vector.shape_cast %get3A_734 : vector<1x16xf32> to vector<16xf32>
    %mul3A_736 = arith.mulf %get3A_735, %div3A_670 : vector<16xf32>
    %swap3A_737 = arith.constant 2 : i32
    %swap3A_738 = arith.index_cast %swap3A_737 : i32 to index
    %swap3A_739 = arith.constant 80 : index
    %swap3A_740 = tpu.vector_load %arg7[%swap3A_738, %swap3A_739] {strides = array<i32>} : memref<8x128xf32, #tpu.memory_space<vmem>>, vector<1x16xf32>,
    %swap3A_741 = vector.shape_cast %swap3A_740 : vector<1x16xf32> to vector<16xf32>
    %swap3A_742 = vector.shape_cast %mul3A_736 : vector<16xf32> to vector<1x16xf32>
    tpu.vector_store %arg7[%swap3A_738, %swap3A_739], %swap3A_742 {strides = array<i32>} : memref<8x128xf32, #tpu.memory_space<vmem>>, vector<1x16xf32>,
    %get3A_743 = arith.constant 2 : i32
    %get3A_744 = arith.index_cast %get3A_743 : i32 to index
    %get3A_745 = arith.constant 96 : index
    %get3A_746 = tpu.vector_load %arg7[%get3A_744, %get3A_745] {strides = array<i32>} : memref<8x128xf32, #tpu.memory_space<vmem>>, vector<1x16xf32>,
    %get3A_747 = vector.shape_cast %get3A_746 : vector<1x16xf32> to vector<16xf32>
    %mul3A_748 = arith.mulf %get3A_747, %div3A_670 : vector<16xf32>
    %swap3A_749 = arith.constant 2 : i32
    %swap3A_750 = arith.index_cast %swap3A_749 : i32 to index
    %swap3A_751 = arith.constant 96 : index
    %swap3A_752 = tpu.vector_load %arg7[%swap3A_750, %swap3A_751] {strides = array<i32>} : memref<8x128xf32, #tpu.memory_space<vmem>>, vector<1x16xf32>,
    %swap3A_753 = vector.shape_cast %swap3A_752 : vector<1x16xf32> to vector<16xf32>
    %swap3A_754 = vector.shape_cast %mul3A_748 : vector<16xf32> to vector<1x16xf32>
    tpu.vector_store %arg7[%swap3A_750, %swap3A_751], %swap3A_754 {strides = array<i32>} : memref<8x128xf32, #tpu.memory_space<vmem>>, vector<1x16xf32>,
    %get3A_755 = arith.constant 2 : i32
    %get3A_756 = arith.index_cast %get3A_755 : i32 to index
    %get3A_757 = arith.constant 112 : index
    %get3A_758 = tpu.vector_load %arg7[%get3A_756, %get3A_757] {strides = array<i32>} : memref<8x128xf32, #tpu.memory_space<vmem>>, vector<1x16xf32>,
    %get3A_759 = vector.shape_cast %get3A_758 : vector<1x16xf32> to vector<16xf32>
    %mul3A_760 = arith.mulf %get3A_759, %div3A_670 : vector<16xf32>
    %swap3A_761 = arith.constant 2 : i32
    %swap3A_762 = arith.index_cast %swap3A_761 : i32 to index
    %swap3A_763 = arith.constant 112 : index
    %swap3A_764 = tpu.vector_load %arg7[%swap3A_762, %swap3A_763] {strides = array<i32>} : memref<8x128xf32, #tpu.memory_space<vmem>>, vector<1x16xf32>,
    %swap3A_765 = vector.shape_cast %swap3A_764 : vector<1x16xf32> to vector<16xf32>
    %swap3A_766 = vector.shape_cast %mul3A_760 : vector<16xf32> to vector<1x16xf32>
    tpu.vector_store %arg7[%swap3A_762, %swap3A_763], %swap3A_766 {strides = array<i32>} : memref<8x128xf32, #tpu.memory_space<vmem>>, vector<1x16xf32>,
    %sub3A_767 = arith.subi %squeeze3A_12, %squeeze3A_10 : i32
    %max3A_768 = arith.constant 1 : i32
    %max3A_769 = arith.maxsi %sub3A_767, %max3A_768 : i32
    %convert_element_type3A_770 = arith.sitofp %max3A_769 : i32 to f32
    %broadcast_in_dim3A_771 = vector.broadcast %convert_element_type3A_770 : f32 to vector<16xf32>
    %div3A_772 = arith.constant 1.000000e+00 : f32
    %div3A_773 = vector.broadcast %div3A_772 : f32 to vector<16xf32>
    %div3A_774 = arith.divf %div3A_773, %broadcast_in_dim3A_771 : vector<16xf32>
    %get3A_775 = arith.constant 3 : i32
    %get3A_776 = arith.index_cast %get3A_775 : i32 to index
    %get3A_777 = arith.constant 0 : index
    %get3A_778 = tpu.vector_load %arg7[%get3A_776, %get3A_777] {strides = array<i32>} : memref<8x128xf32, #tpu.memory_space<vmem>>, vector<1x16xf32>,
    %get3A_779 = vector.shape_cast %get3A_778 : vector<1x16xf32> to vector<16xf32>
    %mul3A_780 = arith.mulf %get3A_779, %div3A_774 : vector<16xf32>
    %swap3A_781 = arith.constant 3 : i32
    %swap3A_782 = arith.index_cast %swap3A_781 : i32 to index
    %swap3A_783 = arith.constant 0 : index
    %swap3A_784 = tpu.vector_load %arg7[%swap3A_782, %swap3A_783] {strides = array<i32>} : memref<8x128xf32, #tpu.memory_space<vmem>>, vector<1x16xf32>,
    %swap3A_785 = vector.shape_cast %swap3A_784 : vector<1x16xf32> to vector<16xf32>
    %swap3A_786 = vector.shape_cast %mul3A_780 : vector<16xf32> to vector<1x16xf32>
    tpu.vector_store %arg7[%swap3A_782, %swap3A_783], %swap3A_786 {strides = array<i32>} : memref<8x128xf32, #tpu.memory_space<vmem>>, vector<1x16xf32>,
    %get3A_787 = arith.constant 3 : i32
    %get3A_788 = arith.index_cast %get3A_787 : i32 to index
    %get3A_789 = arith.constant 16 : index
    %get3A_790 = tpu.vector_load %arg7[%get3A_788, %get3A_789] {strides = array<i32>} : memref<8x128xf32, #tpu.memory_space<vmem>>, vector<1x16xf32>,
    %get3A_791 = vector.shape_cast %get3A_790 : vector<1x16xf32> to vector<16xf32>
    %mul3A_792 = arith.mulf %get3A_791, %div3A_774 : vector<16xf32>
    %swap3A_793 = arith.constant 3 : i32
    %swap3A_794 = arith.index_cast %swap3A_793 : i32 to index
    %swap3A_795 = arith.constant 16 : index
    %swap3A_796 = tpu.vector_load %arg7[%swap3A_794, %swap3A_795] {strides = array<i32>} : memref<8x128xf32, #tpu.memory_space<vmem>>, vector<1x16xf32>,
    %swap3A_797 = vector.shape_cast %swap3A_796 : vector<1x16xf32> to vector<16xf32>
    %swap3A_798 = vector.shape_cast %mul3A_792 : vector<16xf32> to vector<1x16xf32>
    tpu.vector_store %arg7[%swap3A_794, %swap3A_795], %swap3A_798 {strides = array<i32>} : memref<8x128xf32, #tpu.memory_space<vmem>>, vector<1x16xf32>,
    %get3A_799 = arith.constant 3 : i32
    %get3A_800 = arith.index_cast %get3A_799 : i32 to index
    %get3A_801 = arith.constant 32 : index
    %get3A_802 = tpu.vector_load %arg7[%get3A_800, %get3A_801] {strides = array<i32>} : memref<8x128xf32, #tpu.memory_space<vmem>>, vector<1x16xf32>,
    %get3A_803 = vector.shape_cast %get3A_802 : vector<1x16xf32> to vector<16xf32>
    %mul3A_804 = arith.mulf %get3A_803, %div3A_774 : vector<16xf32>
    %swap3A_805 = arith.constant 3 : i32
    %swap3A_806 = arith.index_cast %swap3A_805 : i32 to index
    %swap3A_807 = arith.constant 32 : index
    %swap3A_808 = tpu.vector_load %arg7[%swap3A_806, %swap3A_807] {strides = array<i32>} : memref<8x128xf32, #tpu.memory_space<vmem>>, vector<1x16xf32>,
    %swap3A_809 = vector.shape_cast %swap3A_808 : vector<1x16xf32> to vector<16xf32>
    %swap3A_810 = vector.shape_cast %mul3A_804 : vector<16xf32> to vector<1x16xf32>
    tpu.vector_store %arg7[%swap3A_806, %swap3A_807], %swap3A_810 {strides = array<i32>} : memref<8x128xf32, #tpu.memory_space<vmem>>, vector<1x16xf32>,
    %get3A_811 = arith.constant 3 : i32
    %get3A_812 = arith.index_cast %get3A_811 : i32 to index
    %get3A_813 = arith.constant 48 : index
    %get3A_814 = tpu.vector_load %arg7[%get3A_812, %get3A_813] {strides = array<i32>} : memref<8x128xf32, #tpu.memory_space<vmem>>, vector<1x16xf32>,
    %get3A_815 = vector.shape_cast %get3A_814 : vector<1x16xf32> to vector<16xf32>
    %mul3A_816 = arith.mulf %get3A_815, %div3A_774 : vector<16xf32>
    %swap3A_817 = arith.constant 3 : i32
    %swap3A_818 = arith.index_cast %swap3A_817 : i32 to index
    %swap3A_819 = arith.constant 48 : index
    %swap3A_820 = tpu.vector_load %arg7[%swap3A_818, %swap3A_819] {strides = array<i32>} : memref<8x128xf32, #tpu.memory_space<vmem>>, vector<1x16xf32>,
    %swap3A_821 = vector.shape_cast %swap3A_820 : vector<1x16xf32> to vector<16xf32>
    %swap3A_822 = vector.shape_cast %mul3A_816 : vector<16xf32> to vector<1x16xf32>
    tpu.vector_store %arg7[%swap3A_818, %swap3A_819], %swap3A_822 {strides = array<i32>} : memref<8x128xf32, #tpu.memory_space<vmem>>, vector<1x16xf32>,
    %get3A_823 = arith.constant 3 : i32
    %get3A_824 = arith.index_cast %get3A_823 : i32 to index
    %get3A_825 = arith.constant 64 : index
    %get3A_826 = tpu.vector_load %arg7[%get3A_824, %get3A_825] {strides = array<i32>} : memref<8x128xf32, #tpu.memory_space<vmem>>, vector<1x16xf32>,
    %get3A_827 = vector.shape_cast %get3A_826 : vector<1x16xf32> to vector<16xf32>
    %mul3A_828 = arith.mulf %get3A_827, %div3A_774 : vector<16xf32>
    %swap3A_829 = arith.constant 3 : i32
    %swap3A_830 = arith.index_cast %swap3A_829 : i32 to index
    %swap3A_831 = arith.constant 64 : index
    %swap3A_832 = tpu.vector_load %arg7[%swap3A_830, %swap3A_831] {strides = array<i32>} : memref<8x128xf32, #tpu.memory_space<vmem>>, vector<1x16xf32>,
    %swap3A_833 = vector.shape_cast %swap3A_832 : vector<1x16xf32> to vector<16xf32>
    %swap3A_834 = vector.shape_cast %mul3A_828 : vector<16xf32> to vector<1x16xf32>
    tpu.vector_store %arg7[%swap3A_830, %swap3A_831], %swap3A_834 {strides = array<i32>} : memref<8x128xf32, #tpu.memory_space<vmem>>, vector<1x16xf32>,
    %get3A_835 = arith.constant 3 : i32
    %get3A_836 = arith.index_cast %get3A_835 : i32 to index
    %get3A_837 = arith.constant 80 : index
    %get3A_838 = tpu.vector_load %arg7[%get3A_836, %get3A_837] {strides = array<i32>} : memref<8x128xf32, #tpu.memory_space<vmem>>, vector<1x16xf32>,
    %get3A_839 = vector.shape_cast %get3A_838 : vector<1x16xf32> to vector<16xf32>
    %mul3A_840 = arith.mulf %get3A_839, %div3A_774 : vector<16xf32>
    %swap3A_841 = arith.constant 3 : i32
    %swap3A_842 = arith.index_cast %swap3A_841 : i32 to index
    %swap3A_843 = arith.constant 80 : index
    %swap3A_844 = tpu.vector_load %arg7[%swap3A_842, %swap3A_843] {strides = array<i32>} : memref<8x128xf32, #tpu.memory_space<vmem>>, vector<1x16xf32>,
    %swap3A_845 = vector.shape_cast %swap3A_844 : vector<1x16xf32> to vector<16xf32>
    %swap3A_846 = vector.shape_cast %mul3A_840 : vector<16xf32> to vector<1x16xf32>
    tpu.vector_store %arg7[%swap3A_842, %swap3A_843], %swap3A_846 {strides = array<i32>} : memref<8x128xf32, #tpu.memory_space<vmem>>, vector<1x16xf32>,
    %get3A_847 = arith.constant 3 : i32
    %get3A_848 = arith.index_cast %get3A_847 : i32 to index
    %get3A_849 = arith.constant 96 : index
    %get3A_850 = tpu.vector_load %arg7[%get3A_848, %get3A_849] {strides = array<i32>} : memref<8x128xf32, #tpu.memory_space<vmem>>, vector<1x16xf32>,
    %get3A_851 = vector.shape_cast %get3A_850 : vector<1x16xf32> to vector<16xf32>
    %mul3A_852 = arith.mulf %get3A_851, %div3A_774 : vector<16xf32>
    %swap3A_853 = arith.constant 3 : i32
    %swap3A_854 = arith.index_cast %swap3A_853 : i32 to index
    %swap3A_855 = arith.constant 96 : index
    %swap3A_856 = tpu.vector_load %arg7[%swap3A_854, %swap3A_855] {strides = array<i32>} : memref<8x128xf32, #tpu.memory_space<vmem>>, vector<1x16xf32>,
    %swap3A_857 = vector.shape_cast %swap3A_856 : vector<1x16xf32> to vector<16xf32>
    %swap3A_858 = vector.shape_cast %mul3A_852 : vector<16xf32> to vector<1x16xf32>
    tpu.vector_store %arg7[%swap3A_854, %swap3A_855], %swap3A_858 {strides = array<i32>} : memref<8x128xf32, #tpu.memory_space<vmem>>, vector<1x16xf32>,
    %get3A_859 = arith.constant 3 : i32
    %get3A_860 = arith.index_cast %get3A_859 : i32 to index
    %get3A_861 = arith.constant 112 : index
    %get3A_862 = tpu.vector_load %arg7[%get3A_860, %get3A_861] {strides = array<i32>} : memref<8x128xf32, #tpu.memory_space<vmem>>, vector<1x16xf32>,
    %get3A_863 = vector.shape_cast %get3A_862 : vector<1x16xf32> to vector<16xf32>
    %mul3A_864 = arith.mulf %get3A_863, %div3A_774 : vector<16xf32>
    %swap3A_865 = arith.constant 3 : i32
    %swap3A_866 = arith.index_cast %swap3A_865 : i32 to index
    %swap3A_867 = arith.constant 112 : index
    %swap3A_868 = tpu.vector_load %arg7[%swap3A_866, %swap3A_867] {strides = array<i32>} : memref<8x128xf32, #tpu.memory_space<vmem>>, vector<1x16xf32>,
    %swap3A_869 = vector.shape_cast %swap3A_868 : vector<1x16xf32> to vector<16xf32>
    %swap3A_870 = vector.shape_cast %mul3A_864 : vector<16xf32> to vector<1x16xf32>
    tpu.vector_store %arg7[%swap3A_866, %swap3A_867], %swap3A_870 {strides = array<i32>} : memref<8x128xf32, #tpu.memory_space<vmem>>, vector<1x16xf32>,
    %sub3A_871 = arith.subi %squeeze3A_14, %squeeze3A_12 : i32
    %max3A_872 = arith.constant 1 : i32
    %max3A_873 = arith.maxsi %sub3A_871, %max3A_872 : i32
    %convert_element_type3A_874 = arith.sitofp %max3A_873 : i32 to f32
    %broadcast_in_dim3A_875 = vector.broadcast %convert_element_type3A_874 : f32 to vector<16xf32>
    %div3A_876 = arith.constant 1.000000e+00 : f32
    %div3A_877 = vector.broadcast %div3A_876 : f32 to vector<16xf32>
    %div3A_878 = arith.divf %div3A_877, %broadcast_in_dim3A_875 : vector<16xf32>
    %get3A_879 = arith.constant 4 : i32
    %get3A_880 = arith.index_cast %get3A_879 : i32 to index
    %get3A_881 = arith.constant 0 : index
    %get3A_882 = tpu.vector_load %arg7[%get3A_880, %get3A_881] {strides = array<i32>} : memref<8x128xf32, #tpu.memory_space<vmem>>, vector<1x16xf32>,
    %get3A_883 = vector.shape_cast %get3A_882 : vector<1x16xf32> to vector<16xf32>
    %mul3A_884 = arith.mulf %get3A_883, %div3A_878 : vector<16xf32>
    %swap3A_885 = arith.constant 4 : i32
    %swap3A_886 = arith.index_cast %swap3A_885 : i32 to index
    %swap3A_887 = arith.constant 0 : index
    %swap3A_888 = tpu.vector_load %arg7[%swap3A_886, %swap3A_887] {strides = array<i32>} : memref<8x128xf32, #tpu.memory_space<vmem>>, vector<1x16xf32>,
    %swap3A_889 = vector.shape_cast %swap3A_888 : vector<1x16xf32> to vector<16xf32>
    %swap3A_890 = vector.shape_cast %mul3A_884 : vector<16xf32> to vector<1x16xf32>
    tpu.vector_store %arg7[%swap3A_886, %swap3A_887], %swap3A_890 {strides = array<i32>} : memref<8x128xf32, #tpu.memory_space<vmem>>, vector<1x16xf32>,
    %get3A_891 = arith.constant 4 : i32
    %get3A_892 = arith.index_cast %get3A_891 : i32 to index
    %get3A_893 = arith.constant 16 : index
    %get3A_894 = tpu.vector_load %arg7[%get3A_892, %get3A_893] {strides = array<i32>} : memref<8x128xf32, #tpu.memory_space<vmem>>, vector<1x16xf32>,
    %get3A_895 = vector.shape_cast %get3A_894 : vector<1x16xf32> to vector<16xf32>
    %mul3A_896 = arith.mulf %get3A_895, %div3A_878 : vector<16xf32>
    %swap3A_897 = arith.constant 4 : i32
    %swap3A_898 = arith.index_cast %swap3A_897 : i32 to index
    %swap3A_899 = arith.constant 16 : index
    %swap3A_900 = tpu.vector_load %arg7[%swap3A_898, %swap3A_899] {strides = array<i32>} : memref<8x128xf32, #tpu.memory_space<vmem>>, vector<1x16xf32>,
    %swap3A_901 = vector.shape_cast %swap3A_900 : vector<1x16xf32> to vector<16xf32>
    %swap3A_902 = vector.shape_cast %mul3A_896 : vector<16xf32> to vector<1x16xf32>
    tpu.vector_store %arg7[%swap3A_898, %swap3A_899], %swap3A_902 {strides = array<i32>} : memref<8x128xf32, #tpu.memory_space<vmem>>, vector<1x16xf32>,
    %get3A_903 = arith.constant 4 : i32
    %get3A_904 = arith.index_cast %get3A_903 : i32 to index
    %get3A_905 = arith.constant 32 : index
    %get3A_906 = tpu.vector_load %arg7[%get3A_904, %get3A_905] {strides = array<i32>} : memref<8x128xf32, #tpu.memory_space<vmem>>, vector<1x16xf32>,
    %get3A_907 = vector.shape_cast %get3A_906 : vector<1x16xf32> to vector<16xf32>
    %mul3A_908 = arith.mulf %get3A_907, %div3A_878 : vector<16xf32>
    %swap3A_909 = arith.constant 4 : i32
    %swap3A_910 = arith.index_cast %swap3A_909 : i32 to index
    %swap3A_911 = arith.constant 32 : index
    %swap3A_912 = tpu.vector_load %arg7[%swap3A_910, %swap3A_911] {strides = array<i32>} : memref<8x128xf32, #tpu.memory_space<vmem>>, vector<1x16xf32>,
    %swap3A_913 = vector.shape_cast %swap3A_912 : vector<1x16xf32> to vector<16xf32>
    %swap3A_914 = vector.shape_cast %mul3A_908 : vector<16xf32> to vector<1x16xf32>
    tpu.vector_store %arg7[%swap3A_910, %swap3A_911], %swap3A_914 {strides = array<i32>} : memref<8x128xf32, #tpu.memory_space<vmem>>, vector<1x16xf32>,
    %get3A_915 = arith.constant 4 : i32
    %get3A_916 = arith.index_cast %get3A_915 : i32 to index
    %get3A_917 = arith.constant 48 : index
    %get3A_918 = tpu.vector_load %arg7[%get3A_916, %get3A_917] {strides = array<i32>} : memref<8x128xf32, #tpu.memory_space<vmem>>, vector<1x16xf32>,
    %get3A_919 = vector.shape_cast %get3A_918 : vector<1x16xf32> to vector<16xf32>
    %mul3A_920 = arith.mulf %get3A_919, %div3A_878 : vector<16xf32>
    %swap3A_921 = arith.constant 4 : i32
    %swap3A_922 = arith.index_cast %swap3A_921 : i32 to index
    %swap3A_923 = arith.constant 48 : index
    %swap3A_924 = tpu.vector_load %arg7[%swap3A_922, %swap3A_923] {strides = array<i32>} : memref<8x128xf32, #tpu.memory_space<vmem>>, vector<1x16xf32>,
    %swap3A_925 = vector.shape_cast %swap3A_924 : vector<1x16xf32> to vector<16xf32>
    %swap3A_926 = vector.shape_cast %mul3A_920 : vector<16xf32> to vector<1x16xf32>
    tpu.vector_store %arg7[%swap3A_922, %swap3A_923], %swap3A_926 {strides = array<i32>} : memref<8x128xf32, #tpu.memory_space<vmem>>, vector<1x16xf32>,
    %get3A_927 = arith.constant 4 : i32
    %get3A_928 = arith.index_cast %get3A_927 : i32 to index
    %get3A_929 = arith.constant 64 : index
    %get3A_930 = tpu.vector_load %arg7[%get3A_928, %get3A_929] {strides = array<i32>} : memref<8x128xf32, #tpu.memory_space<vmem>>, vector<1x16xf32>,
    %get3A_931 = vector.shape_cast %get3A_930 : vector<1x16xf32> to vector<16xf32>
    %mul3A_932 = arith.mulf %get3A_931, %div3A_878 : vector<16xf32>
    %swap3A_933 = arith.constant 4 : i32
    %swap3A_934 = arith.index_cast %swap3A_933 : i32 to index
    %swap3A_935 = arith.constant 64 : index
    %swap3A_936 = tpu.vector_load %arg7[%swap3A_934, %swap3A_935] {strides = array<i32>} : memref<8x128xf32, #tpu.memory_space<vmem>>, vector<1x16xf32>,
    %swap3A_937 = vector.shape_cast %swap3A_936 : vector<1x16xf32> to vector<16xf32>
    %swap3A_938 = vector.shape_cast %mul3A_932 : vector<16xf32> to vector<1x16xf32>
    tpu.vector_store %arg7[%swap3A_934, %swap3A_935], %swap3A_938 {strides = array<i32>} : memref<8x128xf32, #tpu.memory_space<vmem>>, vector<1x16xf32>,
    %get3A_939 = arith.constant 4 : i32
    %get3A_940 = arith.index_cast %get3A_939 : i32 to index
    %get3A_941 = arith.constant 80 : index
    %get3A_942 = tpu.vector_load %arg7[%get3A_940, %get3A_941] {strides = array<i32>} : memref<8x128xf32, #tpu.memory_space<vmem>>, vector<1x16xf32>,
    %get3A_943 = vector.shape_cast %get3A_942 : vector<1x16xf32> to vector<16xf32>
    %mul3A_944 = arith.mulf %get3A_943, %div3A_878 : vector<16xf32>
    %swap3A_945 = arith.constant 4 : i32
    %swap3A_946 = arith.index_cast %swap3A_945 : i32 to index
    %swap3A_947 = arith.constant 80 : index
    %swap3A_948 = tpu.vector_load %arg7[%swap3A_946, %swap3A_947] {strides = array<i32>} : memref<8x128xf32, #tpu.memory_space<vmem>>, vector<1x16xf32>,
    %swap3A_949 = vector.shape_cast %swap3A_948 : vector<1x16xf32> to vector<16xf32>
    %swap3A_950 = vector.shape_cast %mul3A_944 : vector<16xf32> to vector<1x16xf32>
    tpu.vector_store %arg7[%swap3A_946, %swap3A_947], %swap3A_950 {strides = array<i32>} : memref<8x128xf32, #tpu.memory_space<vmem>>, vector<1x16xf32>,
    %get3A_951 = arith.constant 4 : i32
    %get3A_952 = arith.index_cast %get3A_951 : i32 to index
    %get3A_953 = arith.constant 96 : index
    %get3A_954 = tpu.vector_load %arg7[%get3A_952, %get3A_953] {strides = array<i32>} : memref<8x128xf32, #tpu.memory_space<vmem>>, vector<1x16xf32>,
    %get3A_955 = vector.shape_cast %get3A_954 : vector<1x16xf32> to vector<16xf32>
    %mul3A_956 = arith.mulf %get3A_955, %div3A_878 : vector<16xf32>
    %swap3A_957 = arith.constant 4 : i32
    %swap3A_958 = arith.index_cast %swap3A_957 : i32 to index
    %swap3A_959 = arith.constant 96 : index
    %swap3A_960 = tpu.vector_load %arg7[%swap3A_958, %swap3A_959] {strides = array<i32>} : memref<8x128xf32, #tpu.memory_space<vmem>>, vector<1x16xf32>,
    %swap3A_961 = vector.shape_cast %swap3A_960 : vector<1x16xf32> to vector<16xf32>
    %swap3A_962 = vector.shape_cast %mul3A_956 : vector<16xf32> to vector<1x16xf32>
    tpu.vector_store %arg7[%swap3A_958, %swap3A_959], %swap3A_962 {strides = array<i32>} : memref<8x128xf32, #tpu.memory_space<vmem>>, vector<1x16xf32>,
    %get3A_963 = arith.constant 4 : i32
    %get3A_964 = arith.index_cast %get3A_963 : i32 to index
    %get3A_965 = arith.constant 112 : index
    %get3A_966 = tpu.vector_load %arg7[%get3A_964, %get3A_965] {strides = array<i32>} : memref<8x128xf32, #tpu.memory_space<vmem>>, vector<1x16xf32>,
    %get3A_967 = vector.shape_cast %get3A_966 : vector<1x16xf32> to vector<16xf32>
    %mul3A_968 = arith.mulf %get3A_967, %div3A_878 : vector<16xf32>
    %swap3A_969 = arith.constant 4 : i32
    %swap3A_970 = arith.index_cast %swap3A_969 : i32 to index
    %swap3A_971 = arith.constant 112 : index
    %swap3A_972 = tpu.vector_load %arg7[%swap3A_970, %swap3A_971] {strides = array<i32>} : memref<8x128xf32, #tpu.memory_space<vmem>>, vector<1x16xf32>,
    %swap3A_973 = vector.shape_cast %swap3A_972 : vector<1x16xf32> to vector<16xf32>
    %swap3A_974 = vector.shape_cast %mul3A_968 : vector<16xf32> to vector<1x16xf32>
    tpu.vector_store %arg7[%swap3A_970, %swap3A_971], %swap3A_974 {strides = array<i32>} : memref<8x128xf32, #tpu.memory_space<vmem>>, vector<1x16xf32>,
    %sub3A_975 = arith.subi %squeeze3A_16, %squeeze3A_14 : i32
    %max3A_976 = arith.constant 1 : i32
    %max3A_977 = arith.maxsi %sub3A_975, %max3A_976 : i32
    %convert_element_type3A_978 = arith.sitofp %max3A_977 : i32 to f32
    %broadcast_in_dim3A_979 = vector.broadcast %convert_element_type3A_978 : f32 to vector<16xf32>
    %div3A_980 = arith.constant 1.000000e+00 : f32
    %div3A_981 = vector.broadcast %div3A_980 : f32 to vector<16xf32>
    %div3A_982 = arith.divf %div3A_981, %broadcast_in_dim3A_979 : vector<16xf32>
    %get3A_983 = arith.constant 5 : i32
    %get3A_984 = arith.index_cast %get3A_983 : i32 to index
    %get3A_985 = arith.constant 0 : index
    %get3A_986 = tpu.vector_load %arg7[%get3A_984, %get3A_985] {strides = array<i32>} : memref<8x128xf32, #tpu.memory_space<vmem>>, vector<1x16xf32>,
    %get3A_987 = vector.shape_cast %get3A_986 : vector<1x16xf32> to vector<16xf32>
    %mul3A_988 = arith.mulf %get3A_987, %div3A_982 : vector<16xf32>
    %swap3A_989 = arith.constant 5 : i32
    %swap3A_990 = arith.index_cast %swap3A_989 : i32 to index
    %swap3A_991 = arith.constant 0 : index
    %swap3A_992 = tpu.vector_load %arg7[%swap3A_990, %swap3A_991] {strides = array<i32>} : memref<8x128xf32, #tpu.memory_space<vmem>>, vector<1x16xf32>,
    %swap3A_993 = vector.shape_cast %swap3A_992 : vector<1x16xf32> to vector<16xf32>
    %swap3A_994 = vector.shape_cast %mul3A_988 : vector<16xf32> to vector<1x16xf32>
    tpu.vector_store %arg7[%swap3A_990, %swap3A_991], %swap3A_994 {strides = array<i32>} : memref<8x128xf32, #tpu.memory_space<vmem>>, vector<1x16xf32>,
    %get3A_995 = arith.constant 5 : i32
    %get3A_996 = arith.index_cast %get3A_995 : i32 to index
    %get3A_997 = arith.constant 16 : index
    %get3A_998 = tpu.vector_load %arg7[%get3A_996, %get3A_997] {strides = array<i32>} : memref<8x128xf32, #tpu.memory_space<vmem>>, vector<1x16xf32>,
    %get3A_999 = vector.shape_cast %get3A_998 : vector<1x16xf32> to vector<16xf32>
    %mul3A_1000 = arith.mulf %get3A_999, %div3A_982 : vector<16xf32>
    %swap3A_1001 = arith.constant 5 : i32
    %swap3A_1002 = arith.index_cast %swap3A_1001 : i32 to index
    %swap3A_1003 = arith.constant 16 : index
    %swap3A_1004 = tpu.vector_load %arg7[%swap3A_1002, %swap3A_1003] {strides = array<i32>} : memref<8x128xf32, #tpu.memory_space<vmem>>, vector<1x16xf32>,
    %swap3A_1005 = vector.shape_cast %swap3A_1004 : vector<1x16xf32> to vector<16xf32>
    %swap3A_1006 = vector.shape_cast %mul3A_1000 : vector<16xf32> to vector<1x16xf32>
    tpu.vector_store %arg7[%swap3A_1002, %swap3A_1003], %swap3A_1006 {strides = array<i32>} : memref<8x128xf32, #tpu.memory_space<vmem>>, vector<1x16xf32>,
    %get3A_1007 = arith.constant 5 : i32
    %get3A_1008 = arith.index_cast %get3A_1007 : i32 to index
    %get3A_1009 = arith.constant 32 : index
    %get3A_1010 = tpu.vector_load %arg7[%get3A_1008, %get3A_1009] {strides = array<i32>} : memref<8x128xf32, #tpu.memory_space<vmem>>, vector<1x16xf32>,
    %get3A_1011 = vector.shape_cast %get3A_1010 : vector<1x16xf32> to vector<16xf32>
    %mul3A_1012 = arith.mulf %get3A_1011, %div3A_982 : vector<16xf32>
    %swap3A_1013 = arith.constant 5 : i32
    %swap3A_1014 = arith.index_cast %swap3A_1013 : i32 to index
    %swap3A_1015 = arith.constant 32 : index
    %swap3A_1016 = tpu.vector_load %arg7[%swap3A_1014, %swap3A_1015] {strides = array<i32>} : memref<8x128xf32, #tpu.memory_space<vmem>>, vector<1x16xf32>,
    %swap3A_1017 = vector.shape_cast %swap3A_1016 : vector<1x16xf32> to vector<16xf32>
    %swap3A_1018 = vector.shape_cast %mul3A_1012 : vector<16xf32> to vector<1x16xf32>
    tpu.vector_store %arg7[%swap3A_1014, %swap3A_1015], %swap3A_1018 {strides = array<i32>} : memref<8x128xf32, #tpu.memory_space<vmem>>, vector<1x16xf32>,
    %get3A_1019 = arith.constant 5 : i32
    %get3A_1020 = arith.index_cast %get3A_1019 : i32 to index
    %get3A_1021 = arith.constant 48 : index
    %get3A_1022 = tpu.vector_load %arg7[%get3A_1020, %get3A_1021] {strides = array<i32>} : memref<8x128xf32, #tpu.memory_space<vmem>>, vector<1x16xf32>,
    %get3A_1023 = vector.shape_cast %get3A_1022 : vector<1x16xf32> to vector<16xf32>
    %mul3A_1024 = arith.mulf %get3A_1023, %div3A_982 : vector<16xf32>
    %swap3A_1025 = arith.constant 5 : i32
    %swap3A_1026 = arith.index_cast %swap3A_1025 : i32 to index
    %swap3A_1027 = arith.constant 48 : index
    %swap3A_1028 = tpu.vector_load %arg7[%swap3A_1026, %swap3A_1027] {strides = array<i32>} : memref<8x128xf32, #tpu.memory_space<vmem>>, vector<1x16xf32>,
    %swap3A_1029 = vector.shape_cast %swap3A_1028 : vector<1x16xf32> to vector<16xf32>
    %swap3A_1030 = vector.shape_cast %mul3A_1024 : vector<16xf32> to vector<1x16xf32>
    tpu.vector_store %arg7[%swap3A_1026, %swap3A_1027], %swap3A_1030 {strides = array<i32>} : memref<8x128xf32, #tpu.memory_space<vmem>>, vector<1x16xf32>,
    %get3A_1031 = arith.constant 5 : i32
    %get3A_1032 = arith.index_cast %get3A_1031 : i32 to index
    %get3A_1033 = arith.constant 64 : index
    %get3A_1034 = tpu.vector_load %arg7[%get3A_1032, %get3A_1033] {strides = array<i32>} : memref<8x128xf32, #tpu.memory_space<vmem>>, vector<1x16xf32>,
    %get3A_1035 = vector.shape_cast %get3A_1034 : vector<1x16xf32> to vector<16xf32>
    %mul3A_1036 = arith.mulf %get3A_1035, %div3A_982 : vector<16xf32>
    %swap3A_1037 = arith.constant 5 : i32
    %swap3A_1038 = arith.index_cast %swap3A_1037 : i32 to index
    %swap3A_1039 = arith.constant 64 : index
    %swap3A_1040 = tpu.vector_load %arg7[%swap3A_1038, %swap3A_1039] {strides = array<i32>} : memref<8x128xf32, #tpu.memory_space<vmem>>, vector<1x16xf32>,
    %swap3A_1041 = vector.shape_cast %swap3A_1040 : vector<1x16xf32> to vector<16xf32>
    %swap3A_1042 = vector.shape_cast %mul3A_1036 : vector<16xf32> to vector<1x16xf32>
    tpu.vector_store %arg7[%swap3A_1038, %swap3A_1039], %swap3A_1042 {strides = array<i32>} : memref<8x128xf32, #tpu.memory_space<vmem>>, vector<1x16xf32>,
    %get3A_1043 = arith.constant 5 : i32
    %get3A_1044 = arith.index_cast %get3A_1043 : i32 to index
    %get3A_1045 = arith.constant 80 : index
    %get3A_1046 = tpu.vector_load %arg7[%get3A_1044, %get3A_1045] {strides = array<i32>} : memref<8x128xf32, #tpu.memory_space<vmem>>, vector<1x16xf32>,
    %get3A_1047 = vector.shape_cast %get3A_1046 : vector<1x16xf32> to vector<16xf32>
    %mul3A_1048 = arith.mulf %get3A_1047, %div3A_982 : vector<16xf32>
    %swap3A_1049 = arith.constant 5 : i32
    %swap3A_1050 = arith.index_cast %swap3A_1049 : i32 to index
    %swap3A_1051 = arith.constant 80 : index
    %swap3A_1052 = tpu.vector_load %arg7[%swap3A_1050, %swap3A_1051] {strides = array<i32>} : memref<8x128xf32, #tpu.memory_space<vmem>>, vector<1x16xf32>,
    %swap3A_1053 = vector.shape_cast %swap3A_1052 : vector<1x16xf32> to vector<16xf32>
    %swap3A_1054 = vector.shape_cast %mul3A_1048 : vector<16xf32> to vector<1x16xf32>
    tpu.vector_store %arg7[%swap3A_1050, %swap3A_1051], %swap3A_1054 {strides = array<i32>} : memref<8x128xf32, #tpu.memory_space<vmem>>, vector<1x16xf32>,
    %get3A_1055 = arith.constant 5 : i32
    %get3A_1056 = arith.index_cast %get3A_1055 : i32 to index
    %get3A_1057 = arith.constant 96 : index
    %get3A_1058 = tpu.vector_load %arg7[%get3A_1056, %get3A_1057] {strides = array<i32>} : memref<8x128xf32, #tpu.memory_space<vmem>>, vector<1x16xf32>,
    %get3A_1059 = vector.shape_cast %get3A_1058 : vector<1x16xf32> to vector<16xf32>
    %mul3A_1060 = arith.mulf %get3A_1059, %div3A_982 : vector<16xf32>
    %swap3A_1061 = arith.constant 5 : i32
    %swap3A_1062 = arith.index_cast %swap3A_1061 : i32 to index
    %swap3A_1063 = arith.constant 96 : index
    %swap3A_1064 = tpu.vector_load %arg7[%swap3A_1062, %swap3A_1063] {strides = array<i32>} : memref<8x128xf32, #tpu.memory_space<vmem>>, vector<1x16xf32>,
    %swap3A_1065 = vector.shape_cast %swap3A_1064 : vector<1x16xf32> to vector<16xf32>
    %swap3A_1066 = vector.shape_cast %mul3A_1060 : vector<16xf32> to vector<1x16xf32>
    tpu.vector_store %arg7[%swap3A_1062, %swap3A_1063], %swap3A_1066 {strides = array<i32>} : memref<8x128xf32, #tpu.memory_space<vmem>>, vector<1x16xf32>,
    %get3A_1067 = arith.constant 5 : i32
    %get3A_1068 = arith.index_cast %get3A_1067 : i32 to index
    %get3A_1069 = arith.constant 112 : index
    %get3A_1070 = tpu.vector_load %arg7[%get3A_1068, %get3A_1069] {strides = array<i32>} : memref<8x128xf32, #tpu.memory_space<vmem>>, vector<1x16xf32>,
    %get3A_1071 = vector.shape_cast %get3A_1070 : vector<1x16xf32> to vector<16xf32>
    %mul3A_1072 = arith.mulf %get3A_1071, %div3A_982 : vector<16xf32>
    %swap3A_1073 = arith.constant 5 : i32
    %swap3A_1074 = arith.index_cast %swap3A_1073 : i32 to index
    %swap3A_1075 = arith.constant 112 : index
    %swap3A_1076 = tpu.vector_load %arg7[%swap3A_1074, %swap3A_1075] {strides = array<i32>} : memref<8x128xf32, #tpu.memory_space<vmem>>, vector<1x16xf32>,
    %swap3A_1077 = vector.shape_cast %swap3A_1076 : vector<1x16xf32> to vector<16xf32>
    %swap3A_1078 = vector.shape_cast %mul3A_1072 : vector<16xf32> to vector<1x16xf32>
    tpu.vector_store %arg7[%swap3A_1074, %swap3A_1075], %swap3A_1078 {strides = array<i32>} : memref<8x128xf32, #tpu.memory_space<vmem>>, vector<1x16xf32>,
    %sub3A_1079 = arith.subi %squeeze3A_18, %squeeze3A_16 : i32
    %max3A_1080 = arith.constant 1 : i32
    %max3A_1081 = arith.maxsi %sub3A_1079, %max3A_1080 : i32
    %convert_element_type3A_1082 = arith.sitofp %max3A_1081 : i32 to f32
    %broadcast_in_dim3A_1083 = vector.broadcast %convert_element_type3A_1082 : f32 to vector<16xf32>
    %div3A_1084 = arith.constant 1.000000e+00 : f32
    %div3A_1085 = vector.broadcast %div3A_1084 : f32 to vector<16xf32>
    %div3A_1086 = arith.divf %div3A_1085, %broadcast_in_dim3A_1083 : vector<16xf32>
    %get3A_1087 = arith.constant 6 : i32
    %get3A_1088 = arith.index_cast %get3A_1087 : i32 to index
    %get3A_1089 = arith.constant 0 : index
    %get3A_1090 = tpu.vector_load %arg7[%get3A_1088, %get3A_1089] {strides = array<i32>} : memref<8x128xf32, #tpu.memory_space<vmem>>, vector<1x16xf32>,
    %get3A_1091 = vector.shape_cast %get3A_1090 : vector<1x16xf32> to vector<16xf32>
    %mul3A_1092 = arith.mulf %get3A_1091, %div3A_1086 : vector<16xf32>
    %swap3A_1093 = arith.constant 6 : i32
    %swap3A_1094 = arith.index_cast %swap3A_1093 : i32 to index
    %swap3A_1095 = arith.constant 0 : index
    %swap3A_1096 = tpu.vector_load %arg7[%swap3A_1094, %swap3A_1095] {strides = array<i32>} : memref<8x128xf32, #tpu.memory_space<vmem>>, vector<1x16xf32>,
    %swap3A_1097 = vector.shape_cast %swap3A_1096 : vector<1x16xf32> to vector<16xf32>
    %swap3A_1098 = vector.shape_cast %mul3A_1092 : vector<16xf32> to vector<1x16xf32>
    tpu.vector_store %arg7[%swap3A_1094, %swap3A_1095], %swap3A_1098 {strides = array<i32>} : memref<8x128xf32, #tpu.memory_space<vmem>>, vector<1x16xf32>,
    %get3A_1099 = arith.constant 6 : i32
    %get3A_1100 = arith.index_cast %get3A_1099 : i32 to index
    %get3A_1101 = arith.constant 16 : index
    %get3A_1102 = tpu.vector_load %arg7[%get3A_1100, %get3A_1101] {strides = array<i32>} : memref<8x128xf32, #tpu.memory_space<vmem>>, vector<1x16xf32>,
    %get3A_1103 = vector.shape_cast %get3A_1102 : vector<1x16xf32> to vector<16xf32>
    %mul3A_1104 = arith.mulf %get3A_1103, %div3A_1086 : vector<16xf32>
    %swap3A_1105 = arith.constant 6 : i32
    %swap3A_1106 = arith.index_cast %swap3A_1105 : i32 to index
    %swap3A_1107 = arith.constant 16 : index
    %swap3A_1108 = tpu.vector_load %arg7[%swap3A_1106, %swap3A_1107] {strides = array<i32>} : memref<8x128xf32, #tpu.memory_space<vmem>>, vector<1x16xf32>,
    %swap3A_1109 = vector.shape_cast %swap3A_1108 : vector<1x16xf32> to vector<16xf32>
    %swap3A_1110 = vector.shape_cast %mul3A_1104 : vector<16xf32> to vector<1x16xf32>
    tpu.vector_store %arg7[%swap3A_1106, %swap3A_1107], %swap3A_1110 {strides = array<i32>} : memref<8x128xf32, #tpu.memory_space<vmem>>, vector<1x16xf32>,
    %get3A_1111 = arith.constant 6 : i32
    %get3A_1112 = arith.index_cast %get3A_1111 : i32 to index
    %get3A_1113 = arith.constant 32 : index
    %get3A_1114 = tpu.vector_load %arg7[%get3A_1112, %get3A_1113] {strides = array<i32>} : memref<8x128xf32, #tpu.memory_space<vmem>>, vector<1x16xf32>,
    %get3A_1115 = vector.shape_cast %get3A_1114 : vector<1x16xf32> to vector<16xf32>
    %mul3A_1116 = arith.mulf %get3A_1115, %div3A_1086 : vector<16xf32>
    %swap3A_1117 = arith.constant 6 : i32
    %swap3A_1118 = arith.index_cast %swap3A_1117 : i32 to index
    %swap3A_1119 = arith.constant 32 : index
    %swap3A_1120 = tpu.vector_load %arg7[%swap3A_1118, %swap3A_1119] {strides = array<i32>} : memref<8x128xf32, #tpu.memory_space<vmem>>, vector<1x16xf32>,
    %swap3A_1121 = vector.shape_cast %swap3A_1120 : vector<1x16xf32> to vector<16xf32>
    %swap3A_1122 = vector.shape_cast %mul3A_1116 : vector<16xf32> to vector<1x16xf32>
    tpu.vector_store %arg7[%swap3A_1118, %swap3A_1119], %swap3A_1122 {strides = array<i32>} : memref<8x128xf32, #tpu.memory_space<vmem>>, vector<1x16xf32>,
    %get3A_1123 = arith.constant 6 : i32
    %get3A_1124 = arith.index_cast %get3A_1123 : i32 to index
    %get3A_1125 = arith.constant 48 : index
    %get3A_1126 = tpu.vector_load %arg7[%get3A_1124, %get3A_1125] {strides = array<i32>} : memref<8x128xf32, #tpu.memory_space<vmem>>, vector<1x16xf32>,
    %get3A_1127 = vector.shape_cast %get3A_1126 : vector<1x16xf32> to vector<16xf32>
    %mul3A_1128 = arith.mulf %get3A_1127, %div3A_1086 : vector<16xf32>
    %swap3A_1129 = arith.constant 6 : i32
    %swap3A_1130 = arith.index_cast %swap3A_1129 : i32 to index
    %swap3A_1131 = arith.constant 48 : index
    %swap3A_1132 = tpu.vector_load %arg7[%swap3A_1130, %swap3A_1131] {strides = array<i32>} : memref<8x128xf32, #tpu.memory_space<vmem>>, vector<1x16xf32>,
    %swap3A_1133 = vector.shape_cast %swap3A_1132 : vector<1x16xf32> to vector<16xf32>
    %swap3A_1134 = vector.shape_cast %mul3A_1128 : vector<16xf32> to vector<1x16xf32>
    tpu.vector_store %arg7[%swap3A_1130, %swap3A_1131], %swap3A_1134 {strides = array<i32>} : memref<8x128xf32, #tpu.memory_space<vmem>>, vector<1x16xf32>,
    %get3A_1135 = arith.constant 6 : i32
    %get3A_1136 = arith.index_cast %get3A_1135 : i32 to index
    %get3A_1137 = arith.constant 64 : index
    %get3A_1138 = tpu.vector_load %arg7[%get3A_1136, %get3A_1137] {strides = array<i32>} : memref<8x128xf32, #tpu.memory_space<vmem>>, vector<1x16xf32>,
    %get3A_1139 = vector.shape_cast %get3A_1138 : vector<1x16xf32> to vector<16xf32>
    %mul3A_1140 = arith.mulf %get3A_1139, %div3A_1086 : vector<16xf32>
    %swap3A_1141 = arith.constant 6 : i32
    %swap3A_1142 = arith.index_cast %swap3A_1141 : i32 to index
    %swap3A_1143 = arith.constant 64 : index
    %swap3A_1144 = tpu.vector_load %arg7[%swap3A_1142, %swap3A_1143] {strides = array<i32>} : memref<8x128xf32, #tpu.memory_space<vmem>>, vector<1x16xf32>,
    %swap3A_1145 = vector.shape_cast %swap3A_1144 : vector<1x16xf32> to vector<16xf32>
    %swap3A_1146 = vector.shape_cast %mul3A_1140 : vector<16xf32> to vector<1x16xf32>
    tpu.vector_store %arg7[%swap3A_1142, %swap3A_1143], %swap3A_1146 {strides = array<i32>} : memref<8x128xf32, #tpu.memory_space<vmem>>, vector<1x16xf32>,
    %get3A_1147 = arith.constant 6 : i32
    %get3A_1148 = arith.index_cast %get3A_1147 : i32 to index
    %get3A_1149 = arith.constant 80 : index
    %get3A_1150 = tpu.vector_load %arg7[%get3A_1148, %get3A_1149] {strides = array<i32>} : memref<8x128xf32, #tpu.memory_space<vmem>>, vector<1x16xf32>,
    %get3A_1151 = vector.shape_cast %get3A_1150 : vector<1x16xf32> to vector<16xf32>
    %mul3A_1152 = arith.mulf %get3A_1151, %div3A_1086 : vector<16xf32>
    %swap3A_1153 = arith.constant 6 : i32
    %swap3A_1154 = arith.index_cast %swap3A_1153 : i32 to index
    %swap3A_1155 = arith.constant 80 : index
    %swap3A_1156 = tpu.vector_load %arg7[%swap3A_1154, %swap3A_1155] {strides = array<i32>} : memref<8x128xf32, #tpu.memory_space<vmem>>, vector<1x16xf32>,
    %swap3A_1157 = vector.shape_cast %swap3A_1156 : vector<1x16xf32> to vector<16xf32>
    %swap3A_1158 = vector.shape_cast %mul3A_1152 : vector<16xf32> to vector<1x16xf32>
    tpu.vector_store %arg7[%swap3A_1154, %swap3A_1155], %swap3A_1158 {strides = array<i32>} : memref<8x128xf32, #tpu.memory_space<vmem>>, vector<1x16xf32>,
    %get3A_1159 = arith.constant 6 : i32
    %get3A_1160 = arith.index_cast %get3A_1159 : i32 to index
    %get3A_1161 = arith.constant 96 : index
    %get3A_1162 = tpu.vector_load %arg7[%get3A_1160, %get3A_1161] {strides = array<i32>} : memref<8x128xf32, #tpu.memory_space<vmem>>, vector<1x16xf32>,
    %get3A_1163 = vector.shape_cast %get3A_1162 : vector<1x16xf32> to vector<16xf32>
    %mul3A_1164 = arith.mulf %get3A_1163, %div3A_1086 : vector<16xf32>
    %swap3A_1165 = arith.constant 6 : i32
    %swap3A_1166 = arith.index_cast %swap3A_1165 : i32 to index
    %swap3A_1167 = arith.constant 96 : index
    %swap3A_1168 = tpu.vector_load %arg7[%swap3A_1166, %swap3A_1167] {strides = array<i32>} : memref<8x128xf32, #tpu.memory_space<vmem>>, vector<1x16xf32>,
    %swap3A_1169 = vector.shape_cast %swap3A_1168 : vector<1x16xf32> to vector<16xf32>
    %swap3A_1170 = vector.shape_cast %mul3A_1164 : vector<16xf32> to vector<1x16xf32>
    tpu.vector_store %arg7[%swap3A_1166, %swap3A_1167], %swap3A_1170 {strides = array<i32>} : memref<8x128xf32, #tpu.memory_space<vmem>>, vector<1x16xf32>,
    %get3A_1171 = arith.constant 6 : i32
    %get3A_1172 = arith.index_cast %get3A_1171 : i32 to index
    %get3A_1173 = arith.constant 112 : index
    %get3A_1174 = tpu.vector_load %arg7[%get3A_1172, %get3A_1173] {strides = array<i32>} : memref<8x128xf32, #tpu.memory_space<vmem>>, vector<1x16xf32>,
    %get3A_1175 = vector.shape_cast %get3A_1174 : vector<1x16xf32> to vector<16xf32>
    %mul3A_1176 = arith.mulf %get3A_1175, %div3A_1086 : vector<16xf32>
    %swap3A_1177 = arith.constant 6 : i32
    %swap3A_1178 = arith.index_cast %swap3A_1177 : i32 to index
    %swap3A_1179 = arith.constant 112 : index
    %swap3A_1180 = tpu.vector_load %arg7[%swap3A_1178, %swap3A_1179] {strides = array<i32>} : memref<8x128xf32, #tpu.memory_space<vmem>>, vector<1x16xf32>,
    %swap3A_1181 = vector.shape_cast %swap3A_1180 : vector<1x16xf32> to vector<16xf32>
    %swap3A_1182 = vector.shape_cast %mul3A_1176 : vector<16xf32> to vector<1x16xf32>
    tpu.vector_store %arg7[%swap3A_1178, %swap3A_1179], %swap3A_1182 {strides = array<i32>} : memref<8x128xf32, #tpu.memory_space<vmem>>, vector<1x16xf32>,
    %sub3A_1183 = arith.subi %squeeze3A_20, %squeeze3A_18 : i32
    %max3A_1184 = arith.constant 1 : i32
    %max3A_1185 = arith.maxsi %sub3A_1183, %max3A_1184 : i32
    %convert_element_type3A_1186 = arith.sitofp %max3A_1185 : i32 to f32
    %broadcast_in_dim3A_1187 = vector.broadcast %convert_element_type3A_1186 : f32 to vector<16xf32>
    %div3A_1188 = arith.constant 1.000000e+00 : f32
    %div3A_1189 = vector.broadcast %div3A_1188 : f32 to vector<16xf32>
    %div3A_1190 = arith.divf %div3A_1189, %broadcast_in_dim3A_1187 : vector<16xf32>
    %get3A_1191 = arith.constant 7 : i32
    %get3A_1192 = arith.index_cast %get3A_1191 : i32 to index
    %get3A_1193 = arith.constant 0 : index
    %get3A_1194 = tpu.vector_load %arg7[%get3A_1192, %get3A_1193] {strides = array<i32>} : memref<8x128xf32, #tpu.memory_space<vmem>>, vector<1x16xf32>,
    %get3A_1195 = vector.shape_cast %get3A_1194 : vector<1x16xf32> to vector<16xf32>
    %mul3A_1196 = arith.mulf %get3A_1195, %div3A_1190 : vector<16xf32>
    %swap3A_1197 = arith.constant 7 : i32
    %swap3A_1198 = arith.index_cast %swap3A_1197 : i32 to index
    %swap3A_1199 = arith.constant 0 : index
    %swap3A_1200 = tpu.vector_load %arg7[%swap3A_1198, %swap3A_1199] {strides = array<i32>} : memref<8x128xf32, #tpu.memory_space<vmem>>, vector<1x16xf32>,
    %swap3A_1201 = vector.shape_cast %swap3A_1200 : vector<1x16xf32> to vector<16xf32>
    %swap3A_1202 = vector.shape_cast %mul3A_1196 : vector<16xf32> to vector<1x16xf32>
    tpu.vector_store %arg7[%swap3A_1198, %swap3A_1199], %swap3A_1202 {strides = array<i32>} : memref<8x128xf32, #tpu.memory_space<vmem>>, vector<1x16xf32>,
    %get3A_1203 = arith.constant 7 : i32
    %get3A_1204 = arith.index_cast %get3A_1203 : i32 to index
    %get3A_1205 = arith.constant 16 : index
    %get3A_1206 = tpu.vector_load %arg7[%get3A_1204, %get3A_1205] {strides = array<i32>} : memref<8x128xf32, #tpu.memory_space<vmem>>, vector<1x16xf32>,
    %get3A_1207 = vector.shape_cast %get3A_1206 : vector<1x16xf32> to vector<16xf32>
    %mul3A_1208 = arith.mulf %get3A_1207, %div3A_1190 : vector<16xf32>
    %swap3A_1209 = arith.constant 7 : i32
    %swap3A_1210 = arith.index_cast %swap3A_1209 : i32 to index
    %swap3A_1211 = arith.constant 16 : index
    %swap3A_1212 = tpu.vector_load %arg7[%swap3A_1210, %swap3A_1211] {strides = array<i32>} : memref<8x128xf32, #tpu.memory_space<vmem>>, vector<1x16xf32>,
    %swap3A_1213 = vector.shape_cast %swap3A_1212 : vector<1x16xf32> to vector<16xf32>
    %swap3A_1214 = vector.shape_cast %mul3A_1208 : vector<16xf32> to vector<1x16xf32>
    tpu.vector_store %arg7[%swap3A_1210, %swap3A_1211], %swap3A_1214 {strides = array<i32>} : memref<8x128xf32, #tpu.memory_space<vmem>>, vector<1x16xf32>,
    %get3A_1215 = arith.constant 7 : i32
    %get3A_1216 = arith.index_cast %get3A_1215 : i32 to index
    %get3A_1217 = arith.constant 32 : index
    %get3A_1218 = tpu.vector_load %arg7[%get3A_1216, %get3A_1217] {strides = array<i32>} : memref<8x128xf32, #tpu.memory_space<vmem>>, vector<1x16xf32>,
    %get3A_1219 = vector.shape_cast %get3A_1218 : vector<1x16xf32> to vector<16xf32>
    %mul3A_1220 = arith.mulf %get3A_1219, %div3A_1190 : vector<16xf32>
    %swap3A_1221 = arith.constant 7 : i32
    %swap3A_1222 = arith.index_cast %swap3A_1221 : i32 to index
    %swap3A_1223 = arith.constant 32 : index
    %swap3A_1224 = tpu.vector_load %arg7[%swap3A_1222, %swap3A_1223] {strides = array<i32>} : memref<8x128xf32, #tpu.memory_space<vmem>>, vector<1x16xf32>,
    %swap3A_1225 = vector.shape_cast %swap3A_1224 : vector<1x16xf32> to vector<16xf32>
    %swap3A_1226 = vector.shape_cast %mul3A_1220 : vector<16xf32> to vector<1x16xf32>
    tpu.vector_store %arg7[%swap3A_1222, %swap3A_1223], %swap3A_1226 {strides = array<i32>} : memref<8x128xf32, #tpu.memory_space<vmem>>, vector<1x16xf32>,
    %get3A_1227 = arith.constant 7 : i32
    %get3A_1228 = arith.index_cast %get3A_1227 : i32 to index
    %get3A_1229 = arith.constant 48 : index
    %get3A_1230 = tpu.vector_load %arg7[%get3A_1228, %get3A_1229] {strides = array<i32>} : memref<8x128xf32, #tpu.memory_space<vmem>>, vector<1x16xf32>,
    %get3A_1231 = vector.shape_cast %get3A_1230 : vector<1x16xf32> to vector<16xf32>
    %mul3A_1232 = arith.mulf %get3A_1231, %div3A_1190 : vector<16xf32>
    %swap3A_1233 = arith.constant 7 : i32
    %swap3A_1234 = arith.index_cast %swap3A_1233 : i32 to index
    %swap3A_1235 = arith.constant 48 : index
    %swap3A_1236 = tpu.vector_load %arg7[%swap3A_1234, %swap3A_1235] {strides = array<i32>} : memref<8x128xf32, #tpu.memory_space<vmem>>, vector<1x16xf32>,
    %swap3A_1237 = vector.shape_cast %swap3A_1236 : vector<1x16xf32> to vector<16xf32>
    %swap3A_1238 = vector.shape_cast %mul3A_1232 : vector<16xf32> to vector<1x16xf32>
    tpu.vector_store %arg7[%swap3A_1234, %swap3A_1235], %swap3A_1238 {strides = array<i32>} : memref<8x128xf32, #tpu.memory_space<vmem>>, vector<1x16xf32>,
    %get3A_1239 = arith.constant 7 : i32
    %get3A_1240 = arith.index_cast %get3A_1239 : i32 to index
    %get3A_1241 = arith.constant 64 : index
    %get3A_1242 = tpu.vector_load %arg7[%get3A_1240, %get3A_1241] {strides = array<i32>} : memref<8x128xf32, #tpu.memory_space<vmem>>, vector<1x16xf32>,
    %get3A_1243 = vector.shape_cast %get3A_1242 : vector<1x16xf32> to vector<16xf32>
    %mul3A_1244 = arith.mulf %get3A_1243, %div3A_1190 : vector<16xf32>
    %swap3A_1245 = arith.constant 7 : i32
    %swap3A_1246 = arith.index_cast %swap3A_1245 : i32 to index
    %swap3A_1247 = arith.constant 64 : index
    %swap3A_1248 = tpu.vector_load %arg7[%swap3A_1246, %swap3A_1247] {strides = array<i32>} : memref<8x128xf32, #tpu.memory_space<vmem>>, vector<1x16xf32>,
    %swap3A_1249 = vector.shape_cast %swap3A_1248 : vector<1x16xf32> to vector<16xf32>
    %swap3A_1250 = vector.shape_cast %mul3A_1244 : vector<16xf32> to vector<1x16xf32>
    tpu.vector_store %arg7[%swap3A_1246, %swap3A_1247], %swap3A_1250 {strides = array<i32>} : memref<8x128xf32, #tpu.memory_space<vmem>>, vector<1x16xf32>,
    %get3A_1251 = arith.constant 7 : i32
    %get3A_1252 = arith.index_cast %get3A_1251 : i32 to index
    %get3A_1253 = arith.constant 80 : index
    %get3A_1254 = tpu.vector_load %arg7[%get3A_1252, %get3A_1253] {strides = array<i32>} : memref<8x128xf32, #tpu.memory_space<vmem>>, vector<1x16xf32>,
    %get3A_1255 = vector.shape_cast %get3A_1254 : vector<1x16xf32> to vector<16xf32>
    %mul3A_1256 = arith.mulf %get3A_1255, %div3A_1190 : vector<16xf32>
    %swap3A_1257 = arith.constant 7 : i32
    %swap3A_1258 = arith.index_cast %swap3A_1257 : i32 to index
    %swap3A_1259 = arith.constant 80 : index
    %swap3A_1260 = tpu.vector_load %arg7[%swap3A_1258, %swap3A_1259] {strides = array<i32>} : memref<8x128xf32, #tpu.memory_space<vmem>>, vector<1x16xf32>,
    %swap3A_1261 = vector.shape_cast %swap3A_1260 : vector<1x16xf32> to vector<16xf32>
    %swap3A_1262 = vector.shape_cast %mul3A_1256 : vector<16xf32> to vector<1x16xf32>
    tpu.vector_store %arg7[%swap3A_1258, %swap3A_1259], %swap3A_1262 {strides = array<i32>} : memref<8x128xf32, #tpu.memory_space<vmem>>, vector<1x16xf32>,
    %get3A_1263 = arith.constant 7 : i32
    %get3A_1264 = arith.index_cast %get3A_1263 : i32 to index
    %get3A_1265 = arith.constant 96 : index
    %get3A_1266 = tpu.vector_load %arg7[%get3A_1264, %get3A_1265] {strides = array<i32>} : memref<8x128xf32, #tpu.memory_space<vmem>>, vector<1x16xf32>,
    %get3A_1267 = vector.shape_cast %get3A_1266 : vector<1x16xf32> to vector<16xf32>
    %mul3A_1268 = arith.mulf %get3A_1267, %div3A_1190 : vector<16xf32>
    %swap3A_1269 = arith.constant 7 : i32
    %swap3A_1270 = arith.index_cast %swap3A_1269 : i32 to index
    %swap3A_1271 = arith.constant 96 : index
    %swap3A_1272 = tpu.vector_load %arg7[%swap3A_1270, %swap3A_1271] {strides = array<i32>} : memref<8x128xf32, #tpu.memory_space<vmem>>, vector<1x16xf32>,
    %swap3A_1273 = vector.shape_cast %swap3A_1272 : vector<1x16xf32> to vector<16xf32>
    %swap3A_1274 = vector.shape_cast %mul3A_1268 : vector<16xf32> to vector<1x16xf32>
    tpu.vector_store %arg7[%swap3A_1270, %swap3A_1271], %swap3A_1274 {strides = array<i32>} : memref<8x128xf32, #tpu.memory_space<vmem>>, vector<1x16xf32>,
    %get3A_1275 = arith.constant 7 : i32
    %get3A_1276 = arith.index_cast %get3A_1275 : i32 to index
    %get3A_1277 = arith.constant 112 : index
    %get3A_1278 = tpu.vector_load %arg7[%get3A_1276, %get3A_1277] {strides = array<i32>} : memref<8x128xf32, #tpu.memory_space<vmem>>, vector<1x16xf32>,
    %get3A_1279 = vector.shape_cast %get3A_1278 : vector<1x16xf32> to vector<16xf32>
    %mul3A_1280 = arith.mulf %get3A_1279, %div3A_1190 : vector<16xf32>
    %swap3A_1281 = arith.constant 7 : i32
    %swap3A_1282 = arith.index_cast %swap3A_1281 : i32 to index
    %swap3A_1283 = arith.constant 112 : index
    %swap3A_1284 = tpu.vector_load %arg7[%swap3A_1282, %swap3A_1283] {strides = array<i32>} : memref<8x128xf32, #tpu.memory_space<vmem>>, vector<1x16xf32>,
    %swap3A_1285 = vector.shape_cast %swap3A_1284 : vector<1x16xf32> to vector<16xf32>
    %swap3A_1286 = vector.shape_cast %mul3A_1280 : vector<16xf32> to vector<1x16xf32>
    tpu.vector_store %arg7[%swap3A_1282, %swap3A_1283], %swap3A_1286 {strides = array<i32>} : memref<8x128xf32, #tpu.memory_space<vmem>>, vector<1x16xf32>,
    %mul3A_1287 = arith.constant 8 : i32
    %mul3A_1288 = arith.muli %add3A, %mul3A_1287 : i32
    "tpu.region"() ({
      %run_scoped3A = tpu.sem_alloc : memref<!tpu.dma_semaphore, #tpu.memory_space<semaphore_mem>>
      %dma_start3A = arith.constant 0 : i32
      %dma_start3A_1289 = tpu.memref_slice %arg4[%mul3A_1288, %dma_start3A] : memref<256x128xf32, #tpu.memory_space<hbm>> -> memref<8x128xf32, #tpu.memory_space<hbm>>
      %dma_start3A_1290 = arith.constant 0 : i32
      %dma_start3A_1291 = tpu.memref_slice %arg4[%mul3A_1288, %dma_start3A_1290] : memref<256x128xf32, #tpu.memory_space<hbm>> -> memref<8x128xf32, #tpu.memory_space<hbm>>
      tpu.enqueue_dma source(%arg7 : memref<8x128xf32, #tpu.memory_space<vmem>>) target(%dma_start3A_1291 : memref<8x128xf32, #tpu.memory_space<hbm>>) target_semaphore(%run_scoped3A : memref<!tpu.dma_semaphore, #tpu.memory_space<semaphore_mem>>)
      %dma_wait3A = arith.constant 0 : i32
      %dma_wait3A_1292 = tpu.memref_slice %arg4[%mul3A_1288, %dma_wait3A] : memref<256x128xf32, #tpu.memory_space<hbm>> -> memref<8x128xf32, #tpu.memory_space<hbm>>
      %dma_wait3A_1293 = arith.constant 0 : i32
      %dma_wait3A_1294 = tpu.memref_slice %arg4[%mul3A_1288, %dma_wait3A_1293] : memref<256x128xf32, #tpu.memory_space<hbm>> -> memref<8x128xf32, #tpu.memory_space<hbm>>
      tpu.wait_dma2 semaphore(%run_scoped3A : memref<!tpu.dma_semaphore, #tpu.memory_space<semaphore_mem>>) src(%arg7 : memref<8x128xf32, #tpu.memory_space<vmem>>) dst(%dma_wait3A_1294 : memref<8x128xf32, #tpu.memory_space<hbm>>)
      tpu.yield
    }) : () -> ()
    return
  }
}

</mosaic_0001>

<sc_bundles>
// kernel: kernel.3.cloned.1.call-start
scs
__scs_entry_jumppad:
0x0: {  	(pc) =	sbr.rel $0x88, $3  }
0x1: {  	(tag) =	ssettag $0x0;
	lr =	simm.s32 $0x1  }
0x2: {  	[smem:$0x3F9F] =	sst lr;
	_ =	strace $0xD0000000  }
0x3: {  	_ = 	snop  }
0x4: {  	_ = 	snop  }
0x5: {  	_ = 	snop  }
0x6: {  	_ = 	snop  }
0x7: {  	_ = 	snop  }
__scs_overlays_trampoline_lowered:
0x8: {  	[smem:$0x3FAE] =	sst s0  }
0x9: {  	[smem:$0x3FAF] =	sst s1  }
0xa: {  	[smem:$0x3FB0] =	sst s2  }
0xb: {  	[smem:$0x3FB1] =	sst s3  }
0xc: {  	[smem:$0x3FB2] =	sst s4  }
0xd: {  	[smem:$0x3FB3] =	sst s5  }
0xe: {  	[smem:$0x3FB4] =	sst s6  }
0xf: {  	[smem:$0x3FB5] =	sst s7  }
0x10: {  	[smem:$0x3FB6] =	sst s8  }
0x11: {  	[smem:$0x3FB7] =	sst s9;
	s0 =	simm.s32 @!p0 $0x0  }
0x12: {  	s1 =	sld [smem:$0x3F9D];
	s0 =	simm.s32 @p0 $0x1  }
0x13: {  	[smem:$0x3FB8] =	sst s0;
	s0 =	simm.s32 @!p1 $0x0  }
0x14: {  	s2 =	sld [smem:$0x3F9C];
	s0 =	simm.s32 @p1 $0x1  }
0x15: {  	[smem:$0x3FB9] =	sst s0;
	s0 =	simm.s32 @!p2 $0x0  }
0x16: {  	s3 =	sld [smem:$0x3FDB];
	s0 =	simm.s32 @p2 $0x1  }
0x17: {  	s4 =	simm.s32 $0x1BF5;
	[smem:$0x3FBB] =	sst s0  }
0x18: {  	s0 =	sld [smem:$0x3F9E];
	_ =	swait.ge [sflag:s4], $0x0  }
0x19: {  	s7 =	sld [smem:$0x3F9F]  }
0x1a: {  	s8 =	sadd.s32 $0xFFFFE003, lr  }
0x1b: {  	s9 =	sadd.s32 $0xFFFFFEF7, lr;
	s5 =	simm.s32 $0xFFFFFFFF;
	p2 =	slt.u32 s8, $0xFFFFF086  }
0x1c: {  	p1 =	slt.u32 s9, $0xF7A;
	s5 =	simm.s32 @!p2 $0x0  }
0x1d: {  	s5 =	simm.s32 @p1 $0x1;
	p0 =	seq.s32 s7, s2  }
0x1e: {  	s7 =	smul.u32 @!p0 $0xF7A, s2;
	p2 =	seq.s32 @!p0 s5, $0x0  }
0x1f: {  	s9 =	smul.u32 $0xF7A, s1;
	s8 =	simm.s32 @!p0 $0x1BF5;
	p2 =	por !p2, p0  }
0x20: {  	[sflag:s8] =	ssyncset.s32 @!p0 $0xFFFFF086;
	s6 =	sadd.s32 @!p0 s3, s7;
	s7 =	simm.s32 @!p0 $0x108  }
0x21: {  	s3 =	sadd.s32 s3, s9;
	s6 =	sadd.s32 @!p0 $0x88, s6;
	s7 =	simm.s32 @p2 $0x1082  }
0x22: {  	[simem:s7], [sflag:s8] =	dma.local @!p0 [hbm:s6], $0xF7A  }
0x23: {  	s9 =	sor.u32 $0xD0000000, s2;
	s6 =	simm.s32 $0x108;
	_ =	swait.ge @!p0 [sflag:s8], $0x0  }
0x24: {  	s3 =	sadd.s32 $0x88, s3;
	s6 =	simm.s32 @!p1 $0x1082;
	[sflag:s4] =	ssyncset.s32 $0xFFFFF086  }
0x25: {  	[simem:s6], [sflag:s4] =	dma.local [hbm:s3], $0xF7A  }
0x26: {  	[smem:$0x3F9F] =	sst s1;
	(tag) =	ssettag s2;
	_ =	strace s9  }
0x27: {  	s1 =	sld [smem:$0x3FAF]  }
0x28: {  	s2 =	sld [smem:$0x3FB0]  }
0x29: {  	s4 =	sld [smem:$0x3FB2]  }
0x2a: {  	p0 =	seq.s32 s5, $0x0;
	s5 =	sld [smem:$0x3FB3]  }
0x2b: {  	s6 =	sld [smem:$0x3FB4]  }
0x2c: {  	s7 =	sld [smem:$0x3FB5]  }
0x2d: {  	s3 =	simm.s32 $0x108;
	s8 =	sld [smem:$0x3FB6]  }
0x2e: {  	s3 =	simm.s32 @!p0 $0x1082;
	s9 =	sld [smem:$0x3FB7]  }
0x2f: {  	lr =	sadd.s32 s0, s3;
	s0 =	sld [smem:$0x3FAE]  }
0x30: {  	s3 =	sld [smem:$0x3FB1]  }
0x31: {  	[smem:$0x3FBA] =	sst s10  }
0x32: {  	s10 =	sld [smem:$0x3FB8];
	_ =	sdelay $0x3  }
0x33: {  	p0 =	seq.s32 s10, $0x1;
	s10 =	sld [smem:$0x3FBA];
	_ =	sdelay $0x3  }
0x34: {  	[smem:$0x3FBA] =	sst s10  }
0x35: {  	s10 =	sld [smem:$0x3FB9];
	_ =	sdelay $0x3  }
0x36: {  	p1 =	seq.s32 s10, $0x1;
	s10 =	sld [smem:$0x3FBA];
	_ =	sdelay $0x3  }
0x37: {  	[smem:$0x3FBA] =	sst s10  }
0x38: {  	s10 =	sld [smem:$0x3FBB]  }
0x39: {  	_ = 	snop;
	(pc) =	sbr.ind lr, $3  }
0x3a: {  	_ = 	snop  }
0x3b: {  	_ = 	snop  }
0x3c: {  	p2 =	seq.s32 s10, $0x1;
	s10 =	sld [smem:$0x3FBA]  }
0x3d: {  	_ =	shalt  }
0x3e: {  	_ =	shalt  }
0x3f: {  	_ =	shalt  }
0x40: {  	_ =	shalt  }
0x41: {  	_ =	shalt  }
0x42: {  	_ =	shalt  }
0x43: {  	_ =	shalt  }
0x44: {  	_ =	shalt  }
0x45: {  	_ =	shalt  }
0x46: {  	_ =	shalt  }
0x47: {  	_ =	shalt  }
0x48: {  	_ =	shalt  }
0x49: {  	_ =	shalt  }
0x4a: {  	_ =	shalt  }
0x4b: {  	_ =	shalt  }
0x4c: {  	_ =	shalt  }
0x4d: {  	_ =	shalt  }
0x4e: {  	_ =	shalt  }
0x4f: {  	_ =	shalt  }
0x50: {  	_ =	shalt  }
0x51: {  	_ =	shalt  }
0x52: {  	_ =	shalt  }
0x53: {  	_ =	shalt  }
0x54: {  	_ =	shalt  }
0x55: {  	_ =	shalt  }
0x56: {  	_ =	shalt  }
0x57: {  	_ =	shalt  }
0x58: {  	_ =	shalt  }
0x59: {  	_ =	shalt  }
0x5a: {  	_ =	shalt  }
0x5b: {  	_ =	shalt  }
0x5c: {  	_ =	shalt  }
0x5d: {  	_ =	shalt  }
0x5e: {  	_ =	shalt  }
0x5f: {  	_ =	shalt  }
0x60: {  	_ =	shalt  }
0x61: {  	_ =	shalt  }
0x62: {  	_ =	shalt  }
0x63: {  	_ =	shalt  }
0x64: {  	_ =	shalt  }
0x65: {  	_ =	shalt  }
0x66: {  	_ =	shalt  }
0x67: {  	_ =	shalt  }
0x68: {  	_ =	shalt  }
0x69: {  	_ =	shalt  }
0x6a: {  	_ =	shalt  }
0x6b: {  	_ =	shalt  }
0x6c: {  	_ =	shalt  }
0x6d: {  	_ =	shalt  }
0x6e: {  	_ =	shalt  }
0x6f: {  	_ =	shalt  }
0x70: {  	_ =	shalt  }
0x71: {  	_ =	shalt  }
0x72: {  	_ =	shalt  }
0x73: {  	_ =	shalt  }
0x74: {  	_ =	shalt  }
0x75: {  	_ =	shalt  }
0x76: {  	_ =	shalt  }
0x77: {  	_ =	shalt  }
0x78: {  	_ =	shalt  }
0x79: {  	_ =	shalt  }
0x7a: {  	_ =	shalt  }
0x7b: {  	_ =	shalt  }
0x7c: {  	_ =	shalt  }
0x7d: {  	_ =	shalt  }
0x7e: {  	_ =	shalt  }
0x7f: {  	_ =	shalt  }
0x80: {  	_ =	shalt  }
0x81: {  	_ =	shalt  }
0x82: {  	_ =	shalt  }
0x83: {  	_ =	shalt  }
0x84: {  	_ =	shalt  }
0x85: {  	_ =	shalt  }
0x86: {  	_ =	shalt  }
0x87: {  	_ =	shalt  }
.Lfunc_end0:
.L_simem_size_0:
called_computation_lowered:
.L_overlay_start_0:
0x88: {  	s2 =	sld [smem:$0x3FD9]  }
0x89: {  	s3 =	sld [smem:$0x3FFE];
	_ =	sdelay $0x1  }
0x8a: {  	s1 =	srdreg.scid  }
0x8b: {  	s0 =	sand.u32 $0x1, s1  }
0x8c: {  	s17 =	sshll.u32 s0, $0xA;
	s2 =	sadd.s32 s3, s2  }
0x8d: {  	s2 =	sadd.s32 s2, s17  }
0x8e: {  	[smem:$0x3FC6] =	sst s2  }
0x8f: {  	_ = 	snop  }
0x90: {  	s2 =	sld [smem:$0x3FC9]  }
0x91: {  	s18 =	sld [smem:$0x3FD0];
	(tm) =	ssettm $0x1  }
0x92: {  	s4 =	sld [smem:$0x3FFB];
	_ =	sdelay $0x3  }
0x93: {  	_ =	strace s4  }
0x94: {  	s4 =	sld [smem:$0x3FFC];
	_ =	sdelay $0x3  }
0x95: {  	_ =	strace s4  }
0x96: {  	s4 =	sld [smem:$0x3FFD];
	_ =	sdelay $0x3  }
0x97: {  	_ =	strace s4  }
0x98: {  	_ =	strace $0x8FFFFFFF  }
0x99: {  	s19 =	sld [smem:$0x3FDB];
	_ =	sdelay $0x1  }
0x9a: {  	s5 =	simm.s32 $_scs_section_size  }
0x9b: {  	s6 =	simm.s32 $_size__tile_overlayer_lowered;
	s7 =	simm.s32 $_tile_overlayer_lowered  }
0x9c: {  	s22 =	simm.s32 $0x1BFF;
	s21 =	sshll.u32 s7, $0x1;
	s4 =	sadd.s32 s5, s19  }
0x9d: {  	s8 =	simm.s32 $0x0;
	s20 =	sshll.u32 s6, $0x1;
	s6 =	sadd.s32 s21, s4  }
0x9e: {  	[timem:s8], [sflag:s22] =	dma.local [hbm:s6], s20  }
0x9f: {  	_ =	swait.ge [sflag:s22], s20  }
0xa0: {  	s5 =	ssub.s32 $0x0, s20;
	[sflag:s22] =	ssyncset.done $0x0  }
0xa1: {  	[sflag:s22] =	ssyncadd.s32 s5;
	_ =	sdelay $0x1  }
0xa2: {  	s23 =	simm.s32 $0x1B8B  }
0xa3: {  	_ =	swait.ge [sflag:s23], $0x1  }
0xa4: {  	[sflag:s23] =	ssyncset.done $0x0  }
0xa5: {  	s25 =	simm.s32 $0x1B8E;
	s24 =	sld [smem:$0x3FFE];
	[sflag:s23] =	ssyncadd.s32 $0xFFFFFFFF  }
0xa6: {  	s26 =	simm.s32 $execute0_lowered;
	[smem:$0x3FD2] =	sst s25  }
0xa7: {  	s6 =	sshll.u32 s26, $0x1;
	_ =	strace $0x80000046;
	[dreg:$0x1] =	wrdreg $0xFFFFFFFF  }
0xa8: {  	s28 =	simm.s32 $_size_execute0_lowered;
	s4 =	sadd.s32 s4, s6;
	[dreg:$0x0] =	wrdreg $0x0  }
0xa9: {  	s6 =	sshll.u32 s28, $0x1;
	[dreg:$0x2] =	wrdreg s4  }
0xaa: {  	[dreg:$0x3] =	wrdreg s6  }
0xab: {  	[dreg:$0x4] =	wrdreg $0xC0  }
0xac: {  	_ =	task [dreg:s8], $0x5FFFF  }
0xad: {  	[dreg:$0x1] =	wrdreg $0xFFFFFFFF  }
0xae: {  	[dreg:$0x0] =	wrdreg $0x60  }
0xaf: {  	[dreg:$0x2] =	wrdreg s2  }
0xb0: {  	[dreg:$0x3] =	wrdreg s24  }
0xb1: {  	[dreg:$0x4] =	wrdreg s18  }
0xb2: {  	[dreg:$0x5] =	wrdreg $0x9  }
0xb3: {  	_ =	task.clear_ibuf [dreg:s8], $0x6FFFF;
	_ =	strace $0x90000046  }
0xb4: {  	s29 =	simm.s32 $0x9;
	_ =	strace $0x80000048  }
0xb5: {  	_ =	swait.ge [sflag:s29], $0x1  }
0xb6: {  	[sflag:s29] =	ssyncadd.s32 $0xFFFFFFFF  }
0xb7: {  	_ =	strace $0x90000048  }
0xb8: {  	_ =	sfence  }
0xb9: {  	s30 =	sld [smem:$0x0];
	_ =	sdelay $0x2  }
0xba: {  	s31 =	sshll.u32 s1, $0xD;
	s1 =	sshrl.u32 s1, $0x2  }
0xbb: {  	s3 =	sand.u32 $0x4000, s31;
	s1 =	sadd.s32 s1, s30  }
0xbc: {  	s0 =	sor.u32 s3, s0;
	s1 =	sshll.u32 s1, $0x11  }
0xbd: {  	s0 =	sor.u32 s1, s0  }
0xbe: {  	s0 =	sadd.s32 $0x8F2B, s0  }
0xbf: {  	[sflag:s0] =	ssyncadd.remote.s32 $0x1  }
0xc0: {  	_ =	sfence.sel $0xFFFF  }
0xc1: {  	[dreg:$0x0] =	wrdreg $0xFFFFFFFF;
	(pc) =	sbr.abs _section_cstart, $3  }
0xc2: {  	[dreg:$0x1] =	wrdreg $0xFFFFFFFF  }
0xc3: {  	_ =	task.clear_ibuf [dreg:s8], $0x2FFFF;
	_ =	strace $0x9FFFFFFF  }
0xc4: {  	(tm) =	ssettm $0x7FFFFFFF  }
0xc5: {  	_ =	shalt  }
tec
execute0_lowered:
.L_overlay_start_1:
0x0: {  	(tag) =	ssettag $0x1  }
0x1: {  	s1 =	rddreg [dreg:$0x0]  }
0x2: {  	s2 =	srdreg.scid;
	s4 =	rddreg [dreg:$0x1]  }
0x3: {  	s0 =	stileid.u32;
	s6 =	rddreg [dreg:$0x2];
	s3 =	simm.s32 $0x0  }
0x4: {  	s9 =	simm.s32 $0x80;
	s5 =	sand.u32 $0x1, s2;
	s2 =	rddreg [dreg:$0x3]  }
0x5: {  	s10 =	simm.s32 $0x0;
	s7 =	sshll.u32 s0, $0x4;
	[smem:$0x7FF] =	sst s3  }
.Ltmp0:
0x6: {  	s8 =	sshll.u32 s5, $0x3;
	s5 =	ssub.s32 $0x2, s5;
	(pc) =	sbr.rel .LBB2_1-.Ltmp0, $4  }
0x7: {  	_ =	strace $0x80000047;
	s7 =	sor.u32 s8, s7;
	s30 =	sshrl.u32 s5, $0x1  }
0x8: {  	s8 =	sshrl.u32 s7, $0x3;
	s31 =	sshll.u32 s7, $0x4;
	s7 =	simm.s32 $0x1  }
0x9: {  	s4 =	sadd.s32 s8, s4;
	s8 =	ssub.s32 s5, s30;
	s5 =	sadd.s32 s6, s31  }
0xa: {  	s4 =	sadd.s32 $0x800, s4;
	s6 =	smax.u32 s8, $0x1;
	s8 =	simm.s32 $0xC880  }
.LBB2_40:
0xb: {  	s19 =	ssub.s32 s18, s19  }
0xc: {  	p0 =	sgt.s32 s19, $0x1  }
0xd: {  	s19 =	simm.s32 @!p0 $0x1  }
0xe: {  	s19 =	scvt.s32.f32 s19;
	_ =	sdelay $0x1  }
0xf: {  	v26 =	vmov s19  }
0x10: {  	(erf) = vrcp.f32 v26;
	_ =	sdelay $0x1  }
0x11: {  	s18 =	ssub.s32 s17, s18  }
0x12: {  	p0 =	sgt.s32 s18, $0x1  }
0x13: {  	s18 =	simm.s32 @!p0 $0x1  }
0x14: {  	s18 =	scvt.s32.f32 s18;
	_ =	sdelay $0x1  }
0x15: {  	v58 =	vmov s18  }
0x16: {  	(erf) = vrcp.f32 v58  }
0x17: {  	v59 =	vpop (erf)  }
0x18: {  	s17 =	ssub.s32 s16, s17;
	v7 =	vmul.f32 v7, v59  }
0x19: {  	p0 =	sgt.s32 s17, $0x1;
	v6 =	vmul.f32 v6, v59  }
0x1a: {  	s17 =	simm.s32 @!p0 $0x1;
	v5 =	vmul.f32 v5, v59;
	[tilespmem:$0xC880] =	vst v7  }
0x1b: {  	s17 =	scvt.s32.f32 s17;
	v4 =	vmul.f32 v4, v59;
	[tilespmem:$0xC890] =	vst v6  }
0x1c: {  	v3 =	vmul.f32 v3, v59;
	[tilespmem:$0xC8A0] =	vst v5  }
0x1d: {  	v60 =	vmov s17;
	v2 =	vmul.f32 v2, v59;
	[tilespmem:$0xC8B0] =	vst v4  }
0x1e: {  	(erf) = vrcp.f32 v60;
	v0 =	vmul.f32 v0, v59;
	[tilespmem:$0xC8C0] =	vst v3  }
0x1f: {  	v1 =	vmul.f32 v1, v59;
	v61 =	vpop (erf);
	[tilespmem:$0xC8D0] =	vst v2  }
0x20: {  	s16 =	ssub.s32 s15, s16;
	v62 =	vmul.f32 v15, v61;
	[tilespmem:$0xC8E0] =	vst v0  }
0x21: {  	p0 =	sgt.s32 s16, $0x1;
	v63 =	vmul.f32 v14, v61;
	[tilespmem:$0xC8F0] =	vst v1  }
0x22: {  	s16 =	simm.s32 @!p0 $0x1;
	v4 =	vmul.f32 v13, v61;
	[tilespmem:$0xC900] =	vst v62  }
0x23: {  	s16 =	scvt.s32.f32 s16;
	v5 =	vmul.f32 v12, v61;
	[tilespmem:$0xC910] =	vst v63  }
0x24: {  	v6 =	vmul.f32 v11, v61;
	[tilespmem:$0xC920] =	vst v4  }
0x25: {  	v7 =	vmul.f32 v10, v61;
	v10 =	vmov s16;
	[tilespmem:$0xC930] =	vst v5  }
0x26: {  	v11 =	vmul.f32 v9, v61;
	(erf) = vrcp.f32 v10;
	[tilespmem:$0xC940] =	vst v6  }
0x27: {  	v12 =	vmul.f32 v8, v61;
	[tilespmem:$0xC950] =	vst v7;
	v13 =	vpop (erf)  }
0x28: {  	s15 =	ssub.s32 s14, s15;
	[tilespmem:$0xC960] =	vst v11;
	v14 =	vmul.f32 v24, v13  }
0x29: {  	p0 =	sgt.s32 s15, $0x1;
	[tilespmem:$0xC970] =	vst v12;
	v15 =	vmul.f32 v23, v13  }
0x2a: {  	s15 =	simm.s32 @!p0 $0x1;
	v22 =	vmul.f32 v22, v13;
	[tilespmem:$0xC980] =	vst v14  }
0x2b: {  	s15 =	scvt.s32.f32 s15;
	v23 =	vmul.f32 v21, v13;
	[tilespmem:$0xC990] =	vst v15  }
0x2c: {  	v24 =	vmul.f32 v20, v13;
	[tilespmem:$0xC9A0] =	vst v22  }
0x2d: {  	v27 =	vld [tilespmem:$0xCA20];
	v28 =	vmov s15;
	v26 =	vmul.f32 v19, v13;
	[tilespmem:$0xC9B0] =	vst v23  }
0x2e: {  	v30 =	vld [tilespmem:$0xCA30];
	(erf) = vrcp.f32 v28;
	v29 =	vmul.f32 v17, v13;
	[tilespmem:$0xC9C0] =	vst v24  }
0x2f: {  	v33 =	vld [tilespmem:$0xCA40];
	v31 =	vmul.f32 v18, v13;
	[tilespmem:$0xC9D0] =	vst v26;
	v32 =	vpop (erf)  }
0x30: {  	v35 =	vld [tilespmem:$0xCA50];
	s14 =	ssub.s32 s13, s14;
	[tilespmem:$0xC9E0] =	vst v29;
	v34 =	vmul.f32 v25, v32  }
0x31: {  	v37 =	vld [tilespmem:$0xCA60];
	p0 =	sgt.s32 s14, $0x1;
	[tilespmem:$0xC9F0] =	vst v31;
	v36 =	vmul.f32 v16, v32  }
0x32: {  	v39 =	vld [tilespmem:$0xCA70];
	s14 =	simm.s32 @!p0 $0x1;
	v38 =	vmul.f32 v27, v32;
	[tilespmem:$0xCA00] =	vst v34  }
0x33: {  	v41 =	vld [tilespmem:$0xCA80];
	s14 =	scvt.s32.f32 s14;
	v40 =	vmul.f32 v30, v32;
	[tilespmem:$0xCA10] =	vst v36  }
0x34: {  	v43 =	vld [tilespmem:$0xCA90];
	v42 =	vmul.f32 v33, v32;
	[tilespmem:$0xCA20] =	vst v38  }
0x35: {  	v45 =	vld [tilespmem:$0xCAA0];
	v46 =	vmov s14;
	v44 =	vmul.f32 v35, v32;
	[tilespmem:$0xCA30] =	vst v40  }
0x36: {  	v48 =	vld [tilespmem:$0xCAB0];
	(erf) = vrcp.f32 v46;
	v47 =	vmul.f32 v37, v32;
	[tilespmem:$0xCA40] =	vst v42  }
0x37: {  	v51 =	vld [tilespmem:$0xCAC0];
	v49 =	vmul.f32 v39, v32;
	[tilespmem:$0xCA50] =	vst v44;
	v50 =	vpop (erf)  }
0x38: {  	v53 =	vld [tilespmem:$0xCAD0];
	s13 =	ssub.s32 s11, s13;
	[tilespmem:$0xCA60] =	vst v47;
	v52 =	vmul.f32 v41, v50  }
0x39: {  	v55 =	vld [tilespmem:$0xCAE0];
	p0 =	sgt.s32 s13, $0x1;
	[tilespmem:$0xCA70] =	vst v49;
	v54 =	vmul.f32 v43, v50  }
0x3a: {  	v57 =	vld [tilespmem:$0xCAF0];
	s13 =	simm.s32 @!p0 $0x1;
	v56 =	vmul.f32 v45, v50;
	[tilespmem:$0xCA80] =	vst v52  }
0x3b: {  	s13 =	scvt.s32.f32 s13;
	v59 =	vld [tilespmem:$0xCB00];
	v58 =	vmul.f32 v48, v50;
	[tilespmem:$0xCA90] =	vst v54  }
0x3c: {  	v61 =	vld [tilespmem:$0xCB10];
	v60 =	vmul.f32 v51, v50;
	[tilespmem:$0xCAA0] =	vst v56  }
0x3d: {  	v63 =	vld [tilespmem:$0xCB20];
	v12 =	vmov s13;
	v62 =	vmul.f32 v53, v50;
	[tilespmem:$0xCAB0] =	vst v58  }
0x3e: {  	v14 =	vld [tilespmem:$0xCB30];
	(erf) = vrcp.f32 v12;
	v13 =	vmul.f32 v55, v50;
	[tilespmem:$0xCAC0] =	vst v60  }
0x3f: {  	v17 =	vld [tilespmem:$0xCB40];
	v15 =	vmul.f32 v57, v50;
	[tilespmem:$0xCAD0] =	vst v62;
	v16 =	vpop (erf)  }
0x40: {  	s11 =	ssub.s32 s12, s11;
	v19 =	vld [tilespmem:$0xCB50];
	[tilespmem:$0xCAE0] =	vst v13;
	v18 =	vmul.f32 v59, v16  }
0x41: {  	p0 =	sgt.s32 s11, $0x1;
	v21 =	vld [tilespmem:$0xCB60];
	[tilespmem:$0xCAF0] =	vst v15;
	v20 =	vmul.f32 v61, v16  }
0x42: {  	s11 =	simm.s32 @!p0 $0x1;
	v23 =	vld [tilespmem:$0xCB70];
	v22 =	vmul.f32 v63, v16;
	[tilespmem:$0xCB00] =	vst v18  }
0x43: {  	s11 =	scvt.s32.f32 s11;
	v25 =	vld [tilespmem:$0xCB80];
	v24 =	vmul.f32 v14, v16;
	[tilespmem:$0xCB10] =	vst v20  }
0x44: {  	v27 =	vld [tilespmem:$0xCB90];
	v26 =	vmul.f32 v17, v16;
	[tilespmem:$0xCB20] =	vst v22  }
0x45: {  	v29 =	vld [tilespmem:$0xCBA0];
	v30 =	vmov s11;
	v28 =	vmul.f32 v19, v16;
	[tilespmem:$0xCB30] =	vst v24  }
0x46: {  	v32 =	vld [tilespmem:$0xCBB0];
	(erf) = vrcp.f32 v30;
	v31 =	vmul.f32 v21, v16;
	[tilespmem:$0xCB40] =	vst v26  }
0x47: {  	v35 =	vld [tilespmem:$0xCBC0];
	v34 =	vmul.f32 v23, v16;
	[tilespmem:$0xCB50] =	vst v28;
	v33 =	vpop (erf)  }
0x48: {  	v37 =	vld [tilespmem:$0xCBD0];
	[tilespmem:$0xCB60] =	vst v31;
	v36 =	vmul.f32 v25, v33  }
0x49: {  	v39 =	vld [tilespmem:$0xCBE0];
	[tilespmem:$0xCB70] =	vst v34;
	v38 =	vmul.f32 v27, v33  }
0x4a: {  	v41 =	vld [tilespmem:$0xCBF0];
	v40 =	vmul.f32 v29, v33;
	[tilespmem:$0xCB80] =	vst v36  }
0x4b: {  	v43 =	vld [tilespmem:$0xCC00];
	v42 =	vmul.f32 v32, v33;
	[tilespmem:$0xCB90] =	vst v38  }
0x4c: {  	v45 =	vld [tilespmem:$0xCC10];
	v44 =	vmul.f32 v35, v33;
	[tilespmem:$0xCBA0] =	vst v40  }
0x4d: {  	v47 =	vld [tilespmem:$0xCC20];
	v46 =	vmul.f32 v37, v33;
	[tilespmem:$0xCBB0] =	vst v42  }
0x4e: {  	v49 =	vld [tilespmem:$0xCC30];
	v48 =	vmul.f32 v39, v33;
	[tilespmem:$0xCBC0] =	vst v44  }
0x4f: {  	v52 =	vld [tilespmem:$0xCC40];
	v50 =	vmul.f32 v41, v33;
	[tilespmem:$0xCBD0] =	vst v46;
	v51 =	vpop (erf)  }
0x50: {  	v54 =	vld [tilespmem:$0xCC50];
	[tilespmem:$0xCBE0] =	vst v48;
	v53 =	vmul.f32 v43, v51  }
0x51: {  	v56 =	vld [tilespmem:$0xCC60];
	[tilespmem:$0xCBF0] =	vst v50;
	v55 =	vmul.f32 v45, v51  }
0x52: {  	v58 =	vld [tilespmem:$0xCC70];
	v57 =	vmul.f32 v47, v51;
	[tilespmem:$0xCC00] =	vst v53  }
0x53: {  	v59 =	vmul.f32 v49, v51;
	[tilespmem:$0xCC10] =	vst v55  }
0x54: {  	v60 =	vmul.f32 v52, v51;
	[tilespmem:$0xCC20] =	vst v57  }
0x55: {  	v61 =	vmul.f32 v54, v51;
	[tilespmem:$0xCC30] =	vst v59  }
0x56: {  	v62 =	vmul.f32 v56, v51;
	[tilespmem:$0xCC40] =	vst v60  }
0x57: {  	s10 =	sadd.s32 $0x1, s10;
	v63 =	vmul.f32 v58, v51;
	[tilespmem:$0xCC50] =	vst v61  }
0x58: {  	p0 =	sne.s32 s10, s6;
	[tilespmem:$0xCC60] =	vst v62  }
.Ltmp1:
0x59: {  	[tilespmem:$0xCC70] =	vst v63;
	(pc) =	sbr.rel @!p0 .LBB2_41-.Ltmp1, $4  }
0x5a: {  	[hbm4b:s5+s3] =	stream.linear.scatter [tilespmem:s8], [sflag:$0x1], $0x400, $0x38;
	[tilespmem:$0xCC80] =	vst v63  }
0x5b: {  	_ =	swait.ge [sflag:s7], $0x400  }
0x5c: {  	[sflag:s7] =	ssyncset.done $0x0  }
0x5d: {  	[sflag:s7] =	ssyncadd.s32 $0xFFFFFC00  }
.LBB2_1:
0x5e: {  	[tilespmem:s3], [sflag:$0x1] =	stream.linear.gather [hbm4b:s4+s3], $0x10, $0x38;
	[tilespmem:$0xCC80] =	vst v63  }
0x5f: {  	_ =	swait.ge [sflag:s7], $0x10  }
0x60: {  	[sflag:s7] =	ssyncset.done $0x0  }
0x61: {  	v16 =	vimm.f32 $0.0e+00;
	[sflag:s7] =	ssyncadd.s32 $0xFFFFFFF0  }
0x62: {  	[tilespmem:$0xC880] =	vst v16  }
0x63: {  	[tilespmem:$0xC890] =	vst v16  }
0x64: {  	[tilespmem:$0xC8A0] =	vst v16  }
0x65: {  	[tilespmem:$0xC8B0] =	vst v16  }
0x66: {  	[tilespmem:$0xC8C0] =	vst v16  }
0x67: {  	[tilespmem:$0xC8D0] =	vst v16  }
0x68: {  	[tilespmem:$0xC8E0] =	vst v16  }
0x69: {  	[tilespmem:$0xC8F0] =	vst v16  }
0x6a: {  	[tilespmem:$0xC900] =	vst v16  }
0x6b: {  	[tilespmem:$0xC910] =	vst v16  }
0x6c: {  	[tilespmem:$0xC920] =	vst v16  }
0x6d: {  	[tilespmem:$0xC930] =	vst v16  }
0x6e: {  	[tilespmem:$0xC940] =	vst v16  }
0x6f: {  	[tilespmem:$0xC950] =	vst v16  }
0x70: {  	[tilespmem:$0xC960] =	vst v16  }
0x71: {  	[tilespmem:$0xC970] =	vst v16;
	v0 =	vld [tilespmem:$0x0]  }
0x72: {  	[tilespmem:$0xC980] =	vst v16  }
0x73: {  	[tilespmem:$0xC990] =	vst v16  }
0x74: {  	[tilespmem:$0xC9A0] =	vst v16  }
0x75: {  	[tilespmem:$0xC9B0] =	vst v16  }
0x76: {  	[tilespmem:$0xC9C0] =	vst v16;
	(v2sf) =	vpush v0, $0x0  }
0x77: {  	[tilespmem:$0xC9D0] =	vst v16;
	(v2sf) =	vpush v0, $0x1  }
0x78: {  	[tilespmem:$0xC9E0] =	vst v16;
	(v2sf) =	vpush v0, $0x2  }
0x79: {  	[tilespmem:$0xC9F0] =	vst v16;
	(v2sf) =	vpush v0, $0x3  }
0x7a: {  	[tilespmem:$0xCA00] =	vst v16;
	(v2sf) =	vpush v0, $0x4  }
0x7b: {  	[tilespmem:$0xCA10] =	vst v16;
	(v2sf) =	vpush v0, $0x5  }
0x7c: {  	[tilespmem:$0xCA20] =	vst v16;
	(v2sf) =	vpush v0, $0x6  }
0x7d: {  	[tilespmem:$0xCA30] =	vst v16;
	(v2sf) =	vpush v0, $0x7  }
0x7e: {  	[tilespmem:$0xCA40] =	vst v16;
	(v2sf) =	vpush v0, $0x8  }
0x7f: {  	[tilespmem:$0xCA50] =	vst v16  }
0x80: {  	[tilespmem:$0xCA60] =	vst v16  }
0x81: {  	[tilespmem:$0xCA70] =	vst v16  }
0x82: {  	[tilespmem:$0xCA80] =	vst v16  }
0x83: {  	[tilespmem:$0xCA90] =	vst v16  }
0x84: {  	[tilespmem:$0xCAA0] =	vst v16  }
0x85: {  	[tilespmem:$0xCAB0] =	vst v16;
	s19 =	spop (v2sf)  }
0x86: {  	[tilespmem:$0xCAC0] =	vst v16;
	s18 =	spop (v2sf)  }
0x87: {  	[tilespmem:$0xCAD0] =	vst v16;
	s17 =	spop (v2sf)  }
0x88: {  	[tilespmem:$0xCAE0] =	vst v16;
	s16 =	spop (v2sf)  }
0x89: {  	[tilespmem:$0xCAF0] =	vst v16;
	s15 =	spop (v2sf)  }
0x8a: {  	[tilespmem:$0xCB00] =	vst v16;
	s14 =	spop (v2sf)  }
0x8b: {  	[tilespmem:$0xCB10] =	vst v16;
	s13 =	spop (v2sf)  }
0x8c: {  	[tilespmem:$0xCB20] =	vst v16;
	s11 =	spop (v2sf)  }
0x8d: {  	[tilespmem:$0xCB30] =	vst v16;
	s20 =	smulhi.u32 $0x51EB851F, s19;
	s21 =	sshra.s32 s19, $0x1F;
	s12 =	spop (v2sf)  }
0x8e: {  	[tilespmem:$0xCB40] =	vst v16;
	s21 =	smul.u32 $0x51EB851F, s21;
	s22 =	sadd.s32 $0xFFFFFFFF, s12  }
0x8f: {  	[tilespmem:$0xCB50] =	vst v16;
	s23 =	smulhi.u32 $0x51EB851F, s22;
	s24 =	sshra.s32 s22, $0x1F  }
0x90: {  	[tilespmem:$0xCB60] =	vst v16;
	s24 =	smul.u32 $0x51EB851F, s24  }
0x91: {  	[tilespmem:$0xCB70] =	vst v16;
	s20 =	sadd.s32 s21, s20  }
0x92: {  	[tilespmem:$0xCB80] =	vst v16;
	s21 =	sshrl.u32 s20, $0x1F;
	s20 =	sshra.s32 s20, $0x7;
	s23 =	sadd.s32 s24, s23  }
0x93: {  	[tilespmem:$0xCB90] =	vst v16;
	s20 =	sadd.s32 s21, s20;
	s28 =	sshrl.u32 s23, $0x1F;
	s23 =	sshra.s32 s23, $0x7  }
0x94: {  	[tilespmem:$0xCBA0] =	vst v16;
	s29 =	smul.u32 $0xFFFFFE70, s20;
	s23 =	sadd.s32 s28, s23  }
0x95: {  	[tilespmem:$0xCBB0] =	vst v16;
	s25 =	smul.u32 $0xFFFFFE70, s23  }
0x96: {  	[tilespmem:$0xCBC0] =	vst v16;
	s30 =	ssub.s32 $0x0, s19;
	p1 =	slt.s32 s19, $0x1;
	s31 =	ssub.s32 $0x1, s12  }
0x97: {  	[tilespmem:$0xCBD0] =	vst v16;
	p0 =	sne.s32 s29, s30;
	p2 =	slt.s32 s22, $0x1;
	p6 =	sne.s32 s25, s31  }
0x98: {  	[tilespmem:$0xCBE0] =	vst v16;
	s21 =	simm.s32 $0x1;
	p0 =	por !p1, !p0;
	p1 =	por !p2, !p6  }
0x99: {  	v25 =	vimm.f32 $0.0e+00;
	[tilespmem:$0xCBF0] =	vst v16;
	s22 =	simm.s32 $0x1;
	p0 =	por !p0, !p0;
	p1 =	por !p1, !p1  }
0x9a: {  	v18 =	vimm.f32 $0.0e+00;
	v17 =	vimm.f32 $0.0e+00;
	v19 =	vimm.f32 $0.0e+00;
	[tilespmem:$0xCC00] =	vst v16;
	s21 =	simm.s32 @!p0 $0x0;
	s22 =	simm.s32 @!p1 $0x0  }
0x9b: {  	v20 =	vimm.f32 $0.0e+00;
	v21 =	vimm.f32 $0.0e+00;
	v22 =	vimm.f32 $0.0e+00;
	[tilespmem:$0xCC10] =	vst v16;
	s21 =	ssub.s32 s20, s21;
	s20 =	ssub.s32 s23, s22  }
0x9c: {  	v23 =	vimm.f32 $0.0e+00;
	v24 =	vimm.f32 $0.0e+00;
	v8 =	vimm.f32 $0.0e+00;
	[tilespmem:$0xCC20] =	vst v16;
	p0 =	sgt.s32 s21, s20  }
.Ltmp2:
0x9d: {  	v9 =	vimm.f32 $0.0e+00;
	v10 =	vimm.f32 $0.0e+00;
	v11 =	vimm.f32 $0.0e+00;
	[tilespmem:$0xCC30] =	vst v16;
	(pc) =	sbr.rel @p0 .LBB2_40-.Ltmp2, $4  }
0x9e: {  	v12 =	vimm.f32 $0.0e+00;
	v13 =	vimm.f32 $0.0e+00;
	v14 =	vimm.f32 $0.0e+00;
	[tilespmem:$0xCC40] =	vst v16  }
0x9f: {  	v15 =	vimm.f32 $0.0e+00;
	v1 =	vimm.f32 $0.0e+00;
	v2 =	vimm.f32 $0.0e+00;
	[tilespmem:$0xCC50] =	vst v16  }
0xa0: {  	v3 =	vimm.f32 $0.0e+00;
	v4 =	vimm.f32 $0.0e+00;
	v5 =	vimm.f32 $0.0e+00;
	[tilespmem:$0xCC60] =	vst v16  }
0xa1: {  	v6 =	vimm.f32 $0.0e+00;
	v7 =	vimm.f32 $0.0e+00;
	[tilespmem:$0xCC70] =	vst v16;
	v0 =	vimm.f32 $0.0e+00  }
.Ltmp3:
0xa2: {  	(pc) =	sbr.rel .LBB2_3-.Ltmp3, $3  }
0xa3: {  	_ =	sdelay $0x1  }
0xa4: {  	s22 =	smul.u32 $0x190, s21  }
0xa5: {  	s23 =	smul.u32 $0xFFFFFE70, s21  }
.LBB2_35:
0xa6: {  	v28 =	vimm.f32 $0.0e+00  }
0xa7: {  	v29 =	vimm.f32 $0.0e+00;
	v32 =	vimm.f32 $0.0e+00;
	v30 =	vimm.f32 $0.0e+00  }
0xa8: {  	v31 =	vimm.f32 $0.0e+00;
	v33 =	vimm.f32 $0.0e+00;
	v27 =	vimm.f32 $0.0e+00  }
.LBB2_39:
0xa9: {  	v34 =	vld [tilespmem:$0xCC00]  }
0xaa: {  	v35 =	vld [tilespmem:$0xCC10]  }
0xab: {  	v37 =	vld [tilespmem:$0xCC30]  }
0xac: {  	v36 =	vld [tilespmem:$0xCC20]  }
0xad: {  	v59 =	vld [tilespmem:$0xCC50]  }
0xae: {  	v38 =	vld [tilespmem:$0xCC40];
	v26 =	vadd.f32 v34, v26  }
0xaf: {  	v61 =	vld [tilespmem:$0xCC70];
	v28 =	vadd.f32 v35, v28  }
0xb0: {  	v60 =	vld [tilespmem:$0xCC60];
	v62 =	vadd.f32 v37, v32;
	[tilespmem:$0xCC00] =	vst v26  }
0xb1: {  	v26 =	vadd.f32 v36, v29;
	[tilespmem:$0xCC10] =	vst v28  }
0xb2: {  	p0 =	sne.s32 s21, s20;
	v63 =	vadd.f32 v59, v31;
	[tilespmem:$0xCC30] =	vst v62  }
.Ltmp4:
0xb3: {  	[tilespmem:$0xCC20] =	vst v26;
	v26 =	vadd.f32 v38, v30;
	(pc) =	sbr.rel @!p0 .LBB2_40-.Ltmp4, $4  }
0xb4: {  	v27 =	vadd.f32 v61, v27;
	[tilespmem:$0xCC50] =	vst v63  }
0xb5: {  	[tilespmem:$0xCC40] =	vst v26;
	v26 =	vadd.f32 v60, v33  }
0xb6: {  	s24 =	sadd.s32 $0x1, s21;
	[tilespmem:$0xCC70] =	vst v27  }
0xb7: {  	s22 =	sadd.s32 $0x190, s22;
	s23 =	sadd.s32 $0xFFFFFE70, s23;
	s21 =	smov.u32 s24;
	[tilespmem:$0xCC60] =	vst v26  }
.LBB2_3:
0xb8: {  	s24 =	smul.u32 $0xC800, s21;
	_ =	sdelay $0x1  }
0xb9: {  	s24 =	sshrl.u32 s24, $0x3  }
0xba: {  	s25 =	smul.u32 $0x190, s21;
	s24 =	sadd.s32 s1, s24  }
0xbb: {  	[tilespmem:s9], [sflag:$0x1] =	stream.linear.gather [hbm4b:s24+s3], $0xC800, $0x38;
	[tilespmem:$0xCC80] =	vst v63  }
0xbc: {  	p0 =	sgt.s32 s19, s25;
	s24 =	sadd.s32 $0x190, s25  }
0xbd: {  	s28 =	smov.u32 s25;
	p1 =	slt.s32 s18, s24;
	s26 =	smov.u32 s24  }
0xbe: {  	s28 =	smov.u32 @p0 s19;
	s26 =	smov.u32 @p1 s18  }
0xbf: {  	p0 =	sge.s32 s28, s26  }
.Ltmp5:
0xc0: {  	_ = 	snop;
	(pc) =	sbr.rel @p0 .LBB2_7-.Ltmp5, $4  }
0xc1: {  	_ = 	snop  }
0xc2: {  	v8 =	vimm.f32 $0.0e+00;
	v5 =	vimm.f32 $0.0e+00;
	v0 =	vimm.f32 $0.0e+00;
	_ =	swait.ge [sflag:s7], $0xC800  }
0xc3: {  	v2 =	vimm.f32 $0.0e+00;
	v4 =	vimm.f32 $0.0e+00;
	v3 =	vimm.f32 $0.0e+00;
	[sflag:s7] =	ssyncset.done $0x0  }
0xc4: {  	v9 =	vimm.f32 $0.0e+00;
	v10 =	vimm.f32 $0.0e+00;
	v1 =	vimm.f32 $0.0e+00;
	[sflag:s7] =	ssyncadd.s32 $0xFFFF3800  }
0xc5: {  	p0 =	sgt.s32 s19, s22;
	s29 =	smov.u32 s22  }
0xc6: {  	s29 =	smov.u32 @p0 s19  }
0xc7: {  	s29 =	sadd.s32 s23, s29  }
0xc8: {  	s29 =	sshll.u32 s29, $0x9  }
0xc9: {  	s29 =	sshra.s32 s29, $0x2  }
0xca: {  	s29 =	sadd.s32 $0xC0, s29  }
0xcb: {  	v0 =	vld [tilespmem:s29+$0x30]  }
0xcc: {  	s28 =	sadd.s32 $0x1, s28;
	v2 =	vld [tilespmem:s29+$0xFFFFFFD0]  }
0xcd: {  	p0 =	slt.s32 s28, s26;
	v4 =	vld [tilespmem:s29+$0xFFFFFFE0]  }
.Ltmp6:
0xce: {  	v5 =	vld [tilespmem:s29+$0xFFFFFFF0];
	(pc) =	sbr.rel @!p0 .LBB2_6-.Ltmp6, $4  }
0xcf: {  	v3 =	vld [tilespmem:s29+$0x0]  }
0xd0: {  	v6 =	vimm.f32 $0.0e+00;
	v9 =	vimm.f32 $0.0e+00;
	v7 =	vld [tilespmem:s29+$0x10]  }
0xd1: {  	v10 =	vimm.f32 $0.0e+00;
	v11 =	vimm.f32 $0.0e+00;
	v12 =	vld [tilespmem:s29+$0x20];
	v1 =	vadd.f32 v0, v8  }
0xd2: {  	v13 =	vld [tilespmem:s29+$0xFFFFFFC0];
	s29 =	sadd.s32 $0x80, s29;
	v0 =	vadd.f32 v2, v8;
	v2 =	vadd.f32 v4, v8;
	v4 =	vimm.f32 $0.0e+00  }
.LBB2_5:
0xd3: {  	v14 =	vld [tilespmem:s29+$0x30];
	s28 =	sadd.s32 $0x1, s28;
	v4 =	vadd.f32 v5, v4  }
0xd4: {  	v15 =	vld [tilespmem:s29+$0xFFFFFFD0];
	p0 =	slt.s32 s28, s26;
	v6 =	vadd.f32 v3, v6  }
0xd5: {  	v16 =	vld [tilespmem:s29+$0xFFFFFFE0];
	v9 =	vadd.f32 v7, v9  }
.Ltmp7:
0xd6: {  	v5 =	vld [tilespmem:s29+$0xFFFFFFF0];
	v10 =	vadd.f32 v12, v10;
	(pc) =	sbr.rel @p0 .LBB2_5-.Ltmp7, $4  }
0xd7: {  	v3 =	vld [tilespmem:s29+$0x0];
	v11 =	vadd.f32 v13, v11  }
0xd8: {  	v7 =	vld [tilespmem:s29+$0x10];
	v1 =	vadd.f32 v14, v1  }
0xd9: {  	v0 =	vadd.f32 v15, v0;
	v12 =	vld [tilespmem:s29+$0x20]  }
0xda: {  	v13 =	vld [tilespmem:s29+$0xFFFFFFC0];
	v2 =	vadd.f32 v16, v2;
	s29 =	sadd.s32 $0x80, s29  }
.LBB2_6:
0xdb: {  	_ =	sdelay $0x1  }
0xdc: {  	v4 =	vadd.f32 v5, v4  }
0xdd: {  	v3 =	vadd.f32 v3, v6;
	v9 =	vadd.f32 v7, v9  }
0xde: {  	v10 =	vadd.f32 v12, v10;
	v5 =	vadd.f32 v13, v11  }
.LBB2_7:
0xdf: {  	v6 =	vld [tilespmem:$0xC880]  }
0xe0: {  	v11 =	vld [tilespmem:$0xC890]  }
0xe1: {  	v12 =	vld [tilespmem:$0xC8A0]  }
0xe2: {  	v13 =	vld [tilespmem:$0xC8B0]  }
0xe3: {  	v14 =	vld [tilespmem:$0xC8C0]  }
0xe4: {  	v15 =	vld [tilespmem:$0xC8D0];
	v7 =	vadd.f32 v6, v5  }
0xe5: {  	p0 =	sgt.s32 s18, s25;
	v6 =	vadd.f32 v11, v0;
	v0 =	vld [tilespmem:$0xC8E0]  }
0xe6: {  	s28 =	smov.u32 s25;
	p1 =	slt.s32 s17, s24;
	s26 =	smov.u32 s24;
	v5 =	vadd.f32 v12, v2;
	v11 =	vld [tilespmem:$0xC8F0];
	[tilespmem:$0xC880] =	vst v7  }
0xe7: {  	s28 =	smov.u32 @p0 s18;
	s26 =	smov.u32 @p1 s17;
	v4 =	vadd.f32 v13, v4;
	[tilespmem:$0xC890] =	vst v6  }
0xe8: {  	p0 =	sge.s32 s28, s26;
	v3 =	vadd.f32 v14, v3;
	[tilespmem:$0xC8A0] =	vst v5  }
.Ltmp8:
0xe9: {  	v2 =	vadd.f32 v15, v9;
	[tilespmem:$0xC8B0] =	vst v4;
	(pc) =	sbr.rel @p0 .LBB2_8-.Ltmp8, $4  }
0xea: {  	[tilespmem:$0xC8C0] =	vst v3;
	v0 =	vadd.f32 v0, v10  }
0xeb: {  	[tilespmem:$0xC8D0] =	vst v2;
	v1 =	vadd.f32 v11, v1  }
0xec: {  	[tilespmem:$0xC8E0] =	vst v0  }
0xed: {  	[tilespmem:$0xC8F0] =	vst v1  }
0xee: {  	p0 =	sgt.s32 s18, s22;
	s29 =	smov.u32 s22  }
0xef: {  	s29 =	smov.u32 @p0 s18  }
0xf0: {  	s29 =	sadd.s32 s23, s29  }
0xf1: {  	s29 =	sshll.u32 s29, $0x9  }
0xf2: {  	s29 =	sshra.s32 s29, $0x2  }
0xf3: {  	s29 =	sadd.s32 $0xC0, s29  }
0xf4: {  	v9 =	vld [tilespmem:s29+$0x30]  }
0xf5: {  	s28 =	sadd.s32 $0x1, s28;
	v10 =	vld [tilespmem:s29+$0xFFFFFFD0]  }
0xf6: {  	p0 =	slt.s32 s28, s26;
	v11 =	vld [tilespmem:s29+$0xFFFFFFE0]  }
.Ltmp9:
0xf7: {  	v13 =	vld [tilespmem:s29+$0xFFFFFFF0];
	(pc) =	sbr.rel @!p0 .LBB2_11-.Ltmp9, $4  }
0xf8: {  	v12 =	vld [tilespmem:s29+$0x0]  }
0xf9: {  	v15 =	vimm.f32 $0.0e+00;
	v14 =	vld [tilespmem:s29+$0x10]  }
0xfa: {  	v17 =	vimm.f32 $0.0e+00;
	v18 =	vimm.f32 $0.0e+00;
	v19 =	vld [tilespmem:s29+$0x20];
	v16 =	vadd.f32 v9, v8  }
0xfb: {  	v20 =	vld [tilespmem:s29+$0xFFFFFFC0];
	s29 =	sadd.s32 $0x80, s29;
	v9 =	vadd.f32 v10, v8;
	v10 =	vadd.f32 v11, v8;
	v11 =	vimm.f32 $0.0e+00  }
.LBB2_10:
0xfc: {  	v21 =	vld [tilespmem:s29+$0x30];
	s28 =	sadd.s32 $0x1, s28;
	v8 =	vadd.f32 v13, v8  }
0xfd: {  	v22 =	vld [tilespmem:s29+$0xFFFFFFD0];
	p0 =	slt.s32 s28, s26;
	v11 =	vadd.f32 v12, v11  }
0xfe: {  	v23 =	vld [tilespmem:s29+$0xFFFFFFE0];
	v15 =	vadd.f32 v14, v15  }
.Ltmp10:
0xff: {  	v13 =	vld [tilespmem:s29+$0xFFFFFFF0];
	v17 =	vadd.f32 v19, v17;
	(pc) =	sbr.rel @p0 .LBB2_10-.Ltmp10, $4  }
0x100: {  	v12 =	vld [tilespmem:s29+$0x0];
	v18 =	vadd.f32 v20, v18  }
0x101: {  	v14 =	vld [tilespmem:s29+$0x10];
	v16 =	vadd.f32 v21, v16  }
0x102: {  	v9 =	vadd.f32 v22, v9;
	v19 =	vld [tilespmem:s29+$0x20]  }
0x103: {  	v20 =	vld [tilespmem:s29+$0xFFFFFFC0];
	v10 =	vadd.f32 v23, v10;
	s29 =	sadd.s32 $0x80, s29  }
.LBB2_11:
.Ltmp11:
0x104: {  	_ = 	snop;
	(pc) =	sbr.rel .LBB2_12-.Ltmp11, $4  }
0x105: {  	_ = 	snop  }
0x106: {  	v21 =	vadd.f32 v13, v8  }
0x107: {  	v11 =	vadd.f32 v12, v11;
	v22 =	vadd.f32 v14, v15  }
0x108: {  	v17 =	vadd.f32 v19, v17;
	v8 =	vadd.f32 v20, v18  }
.LBB2_8:
0x109: {  	v9 =	vimm.f32 $0.0e+00  }
0x10a: {  	v10 =	vimm.f32 $0.0e+00;
	v21 =	vimm.f32 $0.0e+00;
	v11 =	vimm.f32 $0.0e+00  }
0x10b: {  	v22 =	vimm.f32 $0.0e+00;
	v17 =	vimm.f32 $0.0e+00;
	v16 =	vimm.f32 $0.0e+00  }
.LBB2_12:
0x10c: {  	v12 =	vld [tilespmem:$0xC900]  }
0x10d: {  	v13 =	vld [tilespmem:$0xC910]  }
0x10e: {  	v18 =	vld [tilespmem:$0xC920]  }
0x10f: {  	v19 =	vld [tilespmem:$0xC930]  }
0x110: {  	v20 =	vld [tilespmem:$0xC940]  }
0x111: {  	v23 =	vld [tilespmem:$0xC950];
	v15 =	vadd.f32 v12, v8  }
0x112: {  	p0 =	sgt.s32 s17, s25;
	v8 =	vld [tilespmem:$0xC960];
	v14 =	vadd.f32 v13, v9  }
0x113: {  	v24 =	vld [tilespmem:$0xC970];
	s28 =	smov.u32 s25;
	p1 =	slt.s32 s16, s24;
	s26 =	smov.u32 s24;
	v13 =	vadd.f32 v18, v10;
	[tilespmem:$0xC900] =	vst v15  }
0x114: {  	s28 =	smov.u32 @p0 s17;
	s26 =	smov.u32 @p1 s16;
	v12 =	vadd.f32 v19, v21;
	[tilespmem:$0xC910] =	vst v14  }
0x115: {  	p0 =	sge.s32 s28, s26;
	v11 =	vadd.f32 v20, v11;
	[tilespmem:$0xC920] =	vst v13  }
.Ltmp12:
0x116: {  	v10 =	vadd.f32 v23, v22;
	[tilespmem:$0xC930] =	vst v12;
	(pc) =	sbr.rel @p0 .LBB2_16-.Ltmp12, $4  }
0x117: {  	v25 =	vimm.f32 $0.0e+00;
	[tilespmem:$0xC940] =	vst v11;
	v9 =	vadd.f32 v8, v17  }
0x118: {  	v26 =	vimm.f32 $0.0e+00;
	v22 =	vimm.f32 $0.0e+00;
	[tilespmem:$0xC950] =	vst v10;
	v8 =	vadd.f32 v24, v16  }
0x119: {  	v19 =	vimm.f32 $0.0e+00;
	v21 =	vimm.f32 $0.0e+00;
	v20 =	vimm.f32 $0.0e+00;
	[tilespmem:$0xC960] =	vst v9  }
0x11a: {  	v18 =	vimm.f32 $0.0e+00;
	v16 =	vimm.f32 $0.0e+00;
	v17 =	vimm.f32 $0.0e+00;
	[tilespmem:$0xC970] =	vst v8  }
0x11b: {  	p0 =	sgt.s32 s17, s22;
	s29 =	smov.u32 s22  }
0x11c: {  	s29 =	smov.u32 @p0 s17  }
0x11d: {  	s29 =	sadd.s32 s23, s29  }
0x11e: {  	s29 =	sshll.u32 s29, $0x9  }
0x11f: {  	s29 =	sshra.s32 s29, $0x2  }
0x120: {  	s29 =	sadd.s32 $0xC0, s29  }
0x121: {  	v17 =	vld [tilespmem:s29+$0x30]  }
0x122: {  	s28 =	sadd.s32 $0x1, s28;
	v19 =	vld [tilespmem:s29+$0xFFFFFFD0]  }
0x123: {  	p0 =	slt.s32 s28, s26;
	v21 =	vld [tilespmem:s29+$0xFFFFFFE0]  }
.Ltmp13:
0x124: {  	v22 =	vld [tilespmem:s29+$0xFFFFFFF0];
	(pc) =	sbr.rel @!p0 .LBB2_15-.Ltmp13, $4  }
0x125: {  	v20 =	vld [tilespmem:s29+$0x0]  }
0x126: {  	v23 =	vimm.f32 $0.0e+00;
	v25 =	vimm.f32 $0.0e+00;
	v24 =	vld [tilespmem:s29+$0x10]  }
0x127: {  	v26 =	vimm.f32 $0.0e+00;
	v27 =	vimm.f32 $0.0e+00;
	v28 =	vld [tilespmem:s29+$0x20];
	v18 =	vadd.f32 v17, v16  }
0x128: {  	v29 =	vld [tilespmem:s29+$0xFFFFFFC0];
	s29 =	sadd.s32 $0x80, s29;
	v17 =	vadd.f32 v19, v16;
	v19 =	vadd.f32 v21, v16;
	v21 =	vimm.f32 $0.0e+00  }
.LBB2_14:
0x129: {  	v30 =	vld [tilespmem:s29+$0x30];
	s28 =	sadd.s32 $0x1, s28;
	v21 =	vadd.f32 v22, v21  }
0x12a: {  	v31 =	vld [tilespmem:s29+$0xFFFFFFD0];
	p0 =	slt.s32 s28, s26;
	v23 =	vadd.f32 v20, v23  }
0x12b: {  	v32 =	vld [tilespmem:s29+$0xFFFFFFE0];
	v25 =	vadd.f32 v24, v25  }
.Ltmp14:
0x12c: {  	v22 =	vld [tilespmem:s29+$0xFFFFFFF0];
	v26 =	vadd.f32 v28, v26;
	(pc) =	sbr.rel @p0 .LBB2_14-.Ltmp14, $4  }
0x12d: {  	v20 =	vld [tilespmem:s29+$0x0];
	v27 =	vadd.f32 v29, v27  }
0x12e: {  	v24 =	vld [tilespmem:s29+$0x10];
	v18 =	vadd.f32 v30, v18  }
0x12f: {  	v17 =	vadd.f32 v31, v17;
	v28 =	vld [tilespmem:s29+$0x20]  }
0x130: {  	v29 =	vld [tilespmem:s29+$0xFFFFFFC0];
	v19 =	vadd.f32 v32, v19;
	s29 =	sadd.s32 $0x80, s29  }
.LBB2_15:
0x131: {  	_ =	sdelay $0x1  }
0x132: {  	v21 =	vadd.f32 v22, v21  }
0x133: {  	v20 =	vadd.f32 v20, v23;
	v25 =	vadd.f32 v24, v25  }
0x134: {  	v26 =	vadd.f32 v28, v26;
	v22 =	vadd.f32 v29, v27  }
.LBB2_16:
0x135: {  	v23 =	vld [tilespmem:$0xC980]  }
0x136: {  	v27 =	vld [tilespmem:$0xC990]  }
0x137: {  	v28 =	vld [tilespmem:$0xC9A0]  }
0x138: {  	v29 =	vld [tilespmem:$0xC9B0]  }
0x139: {  	v30 =	vld [tilespmem:$0xC9C0]  }
0x13a: {  	v31 =	vld [tilespmem:$0xC9D0];
	v24 =	vadd.f32 v23, v22  }
0x13b: {  	p0 =	sgt.s32 s16, s25;
	v23 =	vadd.f32 v27, v17;
	v17 =	vld [tilespmem:$0xC9E0]  }
0x13c: {  	s28 =	smov.u32 s25;
	p1 =	slt.s32 s15, s24;
	s26 =	smov.u32 s24;
	v22 =	vadd.f32 v28, v19;
	v27 =	vld [tilespmem:$0xC9F0];
	[tilespmem:$0xC980] =	vst v24  }
0x13d: {  	s28 =	smov.u32 @p0 s16;
	s26 =	smov.u32 @p1 s15;
	v21 =	vadd.f32 v29, v21;
	[tilespmem:$0xC990] =	vst v23  }
0x13e: {  	p0 =	sge.s32 s28, s26;
	v20 =	vadd.f32 v30, v20;
	[tilespmem:$0xC9A0] =	vst v22  }
.Ltmp15:
0x13f: {  	v19 =	vadd.f32 v31, v25;
	[tilespmem:$0xC9B0] =	vst v21;
	(pc) =	sbr.rel @p0 .LBB2_17-.Ltmp15, $4  }
0x140: {  	[tilespmem:$0xC9C0] =	vst v20;
	v17 =	vadd.f32 v17, v26  }
0x141: {  	[tilespmem:$0xC9D0] =	vst v19;
	v18 =	vadd.f32 v27, v18  }
0x142: {  	[tilespmem:$0xC9E0] =	vst v17  }
0x143: {  	[tilespmem:$0xC9F0] =	vst v18  }
0x144: {  	p0 =	sgt.s32 s16, s22;
	s29 =	smov.u32 s22  }
0x145: {  	s29 =	smov.u32 @p0 s16  }
0x146: {  	s29 =	sadd.s32 s23, s29  }
0x147: {  	s29 =	sshll.u32 s29, $0x9  }
0x148: {  	s29 =	sshra.s32 s29, $0x2  }
0x149: {  	s29 =	sadd.s32 $0xC0, s29  }
0x14a: {  	v25 =	vld [tilespmem:s29+$0x30]  }
0x14b: {  	s28 =	sadd.s32 $0x1, s28;
	v27 =	vld [tilespmem:s29+$0xFFFFFFD0]  }
0x14c: {  	p0 =	slt.s32 s28, s26;
	v28 =	vld [tilespmem:s29+$0xFFFFFFE0]  }
.Ltmp16:
0x14d: {  	v30 =	vld [tilespmem:s29+$0xFFFFFFF0];
	(pc) =	sbr.rel @!p0 .LBB2_20-.Ltmp16, $4  }
0x14e: {  	v29 =	vld [tilespmem:s29+$0x0]  }
0x14f: {  	v32 =	vimm.f32 $0.0e+00;
	v31 =	vld [tilespmem:s29+$0x10]  }
0x150: {  	v33 =	vimm.f32 $0.0e+00;
	v34 =	vimm.f32 $0.0e+00;
	v35 =	vld [tilespmem:s29+$0x20];
	v26 =	vadd.f32 v25, v16  }
0x151: {  	v36 =	vld [tilespmem:s29+$0xFFFFFFC0];
	s29 =	sadd.s32 $0x80, s29;
	v27 =	vadd.f32 v27, v16;
	v25 =	vadd.f32 v28, v16;
	v28 =	vimm.f32 $0.0e+00  }
.LBB2_19:
0x152: {  	v37 =	vld [tilespmem:s29+$0x30];
	s28 =	sadd.s32 $0x1, s28;
	v16 =	vadd.f32 v30, v16  }
0x153: {  	v38 =	vld [tilespmem:s29+$0xFFFFFFD0];
	p0 =	slt.s32 s28, s26;
	v28 =	vadd.f32 v29, v28  }
0x154: {  	v39 =	vld [tilespmem:s29+$0xFFFFFFE0];
	v32 =	vadd.f32 v31, v32  }
.Ltmp17:
0x155: {  	v30 =	vld [tilespmem:s29+$0xFFFFFFF0];
	v33 =	vadd.f32 v35, v33;
	(pc) =	sbr.rel @p0 .LBB2_19-.Ltmp17, $4  }
0x156: {  	v29 =	vld [tilespmem:s29+$0x0];
	v34 =	vadd.f32 v36, v34  }
0x157: {  	v31 =	vld [tilespmem:s29+$0x10];
	v26 =	vadd.f32 v37, v26  }
0x158: {  	v27 =	vadd.f32 v38, v27;
	v35 =	vld [tilespmem:s29+$0x20]  }
0x159: {  	v36 =	vld [tilespmem:s29+$0xFFFFFFC0];
	v25 =	vadd.f32 v39, v25;
	s29 =	sadd.s32 $0x80, s29  }
.LBB2_20:
.Ltmp18:
0x15a: {  	_ = 	snop;
	(pc) =	sbr.rel .LBB2_21-.Ltmp18, $4  }
0x15b: {  	_ = 	snop  }
0x15c: {  	v37 =	vadd.f32 v30, v16  }
0x15d: {  	v28 =	vadd.f32 v29, v28;
	v29 =	vadd.f32 v31, v32  }
0x15e: {  	v30 =	vadd.f32 v35, v33;
	v16 =	vadd.f32 v36, v34  }
.LBB2_17:
0x15f: {  	v27 =	vimm.f32 $0.0e+00  }
0x160: {  	v25 =	vimm.f32 $0.0e+00;
	v37 =	vimm.f32 $0.0e+00;
	v28 =	vimm.f32 $0.0e+00  }
0x161: {  	v29 =	vimm.f32 $0.0e+00;
	v30 =	vimm.f32 $0.0e+00;
	v26 =	vimm.f32 $0.0e+00  }
.LBB2_21:
0x162: {  	v32 =	vld [tilespmem:$0xCA20]  }
0x163: {  	v31 =	vld [tilespmem:$0xCA00]  }
0x164: {  	v33 =	vld [tilespmem:$0xCA10]  }
0x165: {  	v34 =	vld [tilespmem:$0xCA30]  }
0x166: {  	v35 =	vld [tilespmem:$0xCA40]  }
0x167: {  	v36 =	vld [tilespmem:$0xCA50];
	v32 =	vadd.f32 v32, v25  }
0x168: {  	v38 =	vld [tilespmem:$0xCA60];
	p0 =	sgt.s32 s15, s25;
	v25 =	vadd.f32 v31, v16  }
0x169: {  	s28 =	smov.u32 s25;
	p1 =	slt.s32 s14, s24;
	s26 =	smov.u32 s24;
	v31 =	vld [tilespmem:$0xCA70];
	v16 =	vadd.f32 v33, v27;
	[tilespmem:$0xCA20] =	vst v32  }
0x16a: {  	s28 =	smov.u32 @p0 s15;
	s26 =	smov.u32 @p1 s14;
	v27 =	vadd.f32 v34, v37;
	[tilespmem:$0xCA00] =	vst v25  }
0x16b: {  	p0 =	sge.s32 s28, s26;
	v28 =	vadd.f32 v35, v28;
	[tilespmem:$0xCA10] =	vst v16  }
.Ltmp19:
0x16c: {  	[tilespmem:$0xCA30] =	vst v27;
	v27 =	vadd.f32 v36, v29;
	(pc) =	sbr.rel @p0 .LBB2_25-.Ltmp19, $4  }
0x16d: {  	v34 =	vimm.f32 $0.0e+00;
	[tilespmem:$0xCA40] =	vst v28;
	v29 =	vadd.f32 v38, v30  }
0x16e: {  	v33 =	vimm.f32 $0.0e+00;
	v28 =	vimm.f32 $0.0e+00;
	[tilespmem:$0xCA50] =	vst v27;
	v63 =	vadd.f32 v31, v26  }
0x16f: {  	v30 =	vimm.f32 $0.0e+00;
	v32 =	vimm.f32 $0.0e+00;
	[tilespmem:$0xCA60] =	vst v29;
	v29 =	vimm.f32 $0.0e+00  }
0x170: {  	v27 =	vimm.f32 $0.0e+00;
	v26 =	vimm.f32 $0.0e+00;
	v31 =	vimm.f32 $0.0e+00;
	[tilespmem:$0xCA70] =	vst v63  }
0x171: {  	p0 =	sgt.s32 s15, s22;
	s29 =	smov.u32 s22  }
0x172: {  	s29 =	smov.u32 @p0 s15  }
0x173: {  	s29 =	sadd.s32 s23, s29  }
0x174: {  	s29 =	sshll.u32 s29, $0x9  }
0x175: {  	s29 =	sshra.s32 s29, $0x2  }
0x176: {  	s29 =	sadd.s32 $0xC0, s29  }
0x177: {  	v27 =	vld [tilespmem:s29+$0x30]  }
0x178: {  	s28 =	sadd.s32 $0x1, s28;
	v28 =	vld [tilespmem:s29+$0xFFFFFFD0]  }
0x179: {  	p0 =	slt.s32 s28, s26;
	v29 =	vld [tilespmem:s29+$0xFFFFFFE0]  }
.Ltmp20:
0x17a: {  	v32 =	vld [tilespmem:s29+$0xFFFFFFF0];
	(pc) =	sbr.rel @!p0 .LBB2_24-.Ltmp20, $4  }
0x17b: {  	v30 =	vld [tilespmem:s29+$0x0]  }
0x17c: {  	v31 =	vimm.f32 $0.0e+00;
	v33 =	vimm.f32 $0.0e+00;
	v34 =	vld [tilespmem:s29+$0x10]  }
0x17d: {  	v35 =	vimm.f32 $0.0e+00;
	v36 =	vimm.f32 $0.0e+00;
	v38 =	vld [tilespmem:s29+$0x20];
	v27 =	vadd.f32 v27, v26  }
0x17e: {  	v37 =	vimm.f32 $0.0e+00;
	v39 =	vld [tilespmem:s29+$0xFFFFFFC0];
	s29 =	sadd.s32 $0x80, s29;
	v28 =	vadd.f32 v28, v26;
	v29 =	vadd.f32 v29, v26  }
.LBB2_23:
0x17f: {  	v40 =	vld [tilespmem:s29+$0x30];
	s28 =	sadd.s32 $0x1, s28;
	v31 =	vadd.f32 v32, v31  }
0x180: {  	v41 =	vld [tilespmem:s29+$0xFFFFFFD0];
	p0 =	slt.s32 s28, s26;
	v33 =	vadd.f32 v30, v33  }
0x181: {  	v42 =	vld [tilespmem:s29+$0xFFFFFFE0];
	v35 =	vadd.f32 v34, v35  }
.Ltmp21:
0x182: {  	v32 =	vld [tilespmem:s29+$0xFFFFFFF0];
	v36 =	vadd.f32 v38, v36;
	(pc) =	sbr.rel @p0 .LBB2_23-.Ltmp21, $4  }
0x183: {  	v30 =	vld [tilespmem:s29+$0x0];
	v37 =	vadd.f32 v39, v37  }
0x184: {  	v34 =	vld [tilespmem:s29+$0x10];
	v27 =	vadd.f32 v40, v27  }
0x185: {  	v28 =	vadd.f32 v41, v28;
	v38 =	vld [tilespmem:s29+$0x20]  }
0x186: {  	v39 =	vld [tilespmem:s29+$0xFFFFFFC0];
	v29 =	vadd.f32 v42, v29;
	s29 =	sadd.s32 $0x80, s29  }
.LBB2_24:
0x187: {  	_ =	sdelay $0x1  }
0x188: {  	v31 =	vadd.f32 v32, v31  }
0x189: {  	v30 =	vadd.f32 v30, v33;
	v32 =	vadd.f32 v34, v35  }
0x18a: {  	v33 =	vadd.f32 v38, v36;
	v34 =	vadd.f32 v39, v37  }
.LBB2_25:
0x18b: {  	v35 =	vld [tilespmem:$0xCA80]  }
0x18c: {  	v36 =	vld [tilespmem:$0xCA90]  }
0x18d: {  	v37 =	vld [tilespmem:$0xCAA0]  }
0x18e: {  	v38 =	vld [tilespmem:$0xCAB0]  }
0x18f: {  	v39 =	vld [tilespmem:$0xCAC0]  }
0x190: {  	v57 =	vld [tilespmem:$0xCAD0];
	v34 =	vadd.f32 v35, v34  }
0x191: {  	v58 =	vld [tilespmem:$0xCAE0];
	p0 =	sgt.s32 s14, s25;
	v28 =	vadd.f32 v36, v28  }
0x192: {  	v59 =	vld [tilespmem:$0xCAF0];
	s28 =	smov.u32 s25;
	p1 =	slt.s32 s13, s24;
	s26 =	smov.u32 s24;
	v29 =	vadd.f32 v37, v29;
	[tilespmem:$0xCA80] =	vst v34  }
0x193: {  	s28 =	smov.u32 @p0 s14;
	s26 =	smov.u32 @p1 s13;
	v60 =	vadd.f32 v38, v31;
	[tilespmem:$0xCA90] =	vst v28  }
0x194: {  	p0 =	sge.s32 s28, s26;
	v61 =	vadd.f32 v39, v30;
	[tilespmem:$0xCAA0] =	vst v29  }
.Ltmp22:
0x195: {  	v62 =	vadd.f32 v57, v32;
	[tilespmem:$0xCAB0] =	vst v60;
	(pc) =	sbr.rel @p0 .LBB2_26-.Ltmp22, $4  }
0x196: {  	v63 =	vadd.f32 v58, v33;
	[tilespmem:$0xCAC0] =	vst v61  }
0x197: {  	v27 =	vadd.f32 v59, v27;
	[tilespmem:$0xCAD0] =	vst v62  }
0x198: {  	[tilespmem:$0xCAE0] =	vst v63  }
0x199: {  	[tilespmem:$0xCAF0] =	vst v27  }
0x19a: {  	p0 =	sgt.s32 s14, s22;
	s29 =	smov.u32 s22  }
0x19b: {  	s29 =	smov.u32 @p0 s14  }
0x19c: {  	s29 =	sadd.s32 s23, s29  }
0x19d: {  	s29 =	sshll.u32 s29, $0x9  }
0x19e: {  	s29 =	sshra.s32 s29, $0x2  }
0x19f: {  	s29 =	sadd.s32 $0xC0, s29  }
0x1a0: {  	v27 =	vld [tilespmem:s29+$0x30]  }
0x1a1: {  	s28 =	sadd.s32 $0x1, s28;
	v28 =	vld [tilespmem:s29+$0xFFFFFFD0]  }
0x1a2: {  	p0 =	slt.s32 s28, s26;
	v29 =	vld [tilespmem:s29+$0xFFFFFFE0]  }
.Ltmp23:
0x1a3: {  	v32 =	vld [tilespmem:s29+$0xFFFFFFF0];
	(pc) =	sbr.rel @!p0 .LBB2_29-.Ltmp23, $4  }
0x1a4: {  	v31 =	vld [tilespmem:s29+$0x0]  }
0x1a5: {  	v30 =	vimm.f32 $0.0e+00;
	v33 =	vld [tilespmem:s29+$0x10]  }
0x1a6: {  	v34 =	vimm.f32 $0.0e+00;
	v35 =	vimm.f32 $0.0e+00;
	v37 =	vld [tilespmem:s29+$0x20];
	v27 =	vadd.f32 v27, v26  }
0x1a7: {  	v36 =	vimm.f32 $0.0e+00;
	v38 =	vld [tilespmem:s29+$0xFFFFFFC0];
	s29 =	sadd.s32 $0x80, s29;
	v28 =	vadd.f32 v28, v26;
	v29 =	vadd.f32 v29, v26  }
.LBB2_28:
0x1a8: {  	v39 =	vld [tilespmem:s29+$0x30];
	s28 =	sadd.s32 $0x1, s28;
	v26 =	vadd.f32 v32, v26  }
0x1a9: {  	v40 =	vld [tilespmem:s29+$0xFFFFFFD0];
	p0 =	slt.s32 s28, s26;
	v30 =	vadd.f32 v31, v30  }
0x1aa: {  	v41 =	vld [tilespmem:s29+$0xFFFFFFE0];
	v34 =	vadd.f32 v33, v34  }
.Ltmp24:
0x1ab: {  	v32 =	vld [tilespmem:s29+$0xFFFFFFF0];
	v35 =	vadd.f32 v37, v35;
	(pc) =	sbr.rel @p0 .LBB2_28-.Ltmp24, $4  }
0x1ac: {  	v31 =	vld [tilespmem:s29+$0x0];
	v36 =	vadd.f32 v38, v36  }
0x1ad: {  	v33 =	vld [tilespmem:s29+$0x10];
	v27 =	vadd.f32 v39, v27  }
0x1ae: {  	v28 =	vadd.f32 v40, v28;
	v37 =	vld [tilespmem:s29+$0x20]  }
0x1af: {  	v38 =	vld [tilespmem:s29+$0xFFFFFFC0];
	v29 =	vadd.f32 v41, v29;
	s29 =	sadd.s32 $0x80, s29  }
.LBB2_29:
.Ltmp25:
0x1b0: {  	_ = 	snop;
	(pc) =	sbr.rel .LBB2_30-.Ltmp25, $4  }
0x1b1: {  	_ = 	snop  }
0x1b2: {  	v32 =	vadd.f32 v32, v26  }
0x1b3: {  	v30 =	vadd.f32 v31, v30;
	v31 =	vadd.f32 v33, v34  }
0x1b4: {  	v33 =	vadd.f32 v37, v35;
	v26 =	vadd.f32 v38, v36  }
.LBB2_26:
0x1b5: {  	v28 =	vimm.f32 $0.0e+00  }
0x1b6: {  	v29 =	vimm.f32 $0.0e+00;
	v32 =	vimm.f32 $0.0e+00;
	v30 =	vimm.f32 $0.0e+00  }
0x1b7: {  	v31 =	vimm.f32 $0.0e+00;
	v33 =	vimm.f32 $0.0e+00;
	v27 =	vimm.f32 $0.0e+00  }
.LBB2_30:
0x1b8: {  	v34 =	vld [tilespmem:$0xCB00]  }
0x1b9: {  	v35 =	vld [tilespmem:$0xCB10]  }
0x1ba: {  	v63 =	vld [tilespmem:$0xCB70]  }
0x1bb: {  	v36 =	vld [tilespmem:$0xCB20]  }
0x1bc: {  	v37 =	vld [tilespmem:$0xCB30]  }
0x1bd: {  	v62 =	vld [tilespmem:$0xCB60];
	v26 =	vadd.f32 v34, v26  }
0x1be: {  	v38 =	vld [tilespmem:$0xCB40];
	p0 =	sgt.s32 s13, s25;
	v28 =	vadd.f32 v35, v28  }
0x1bf: {  	v39 =	vld [tilespmem:$0xCB50];
	s28 =	smov.u32 s25;
	p1 =	slt.s32 s11, s24;
	s26 =	smov.u32 s24;
	v27 =	vadd.f32 v63, v27;
	[tilespmem:$0xCB00] =	vst v26  }
0x1c0: {  	s28 =	smov.u32 @p0 s13;
	s26 =	smov.u32 @p1 s11;
	v26 =	vadd.f32 v36, v29;
	[tilespmem:$0xCB10] =	vst v28  }
0x1c1: {  	p0 =	sge.s32 s28, s26;
	v28 =	vadd.f32 v37, v32;
	[tilespmem:$0xCB70] =	vst v27  }
.Ltmp26:
0x1c2: {  	v29 =	vadd.f32 v62, v33;
	[tilespmem:$0xCB20] =	vst v26;
	(pc) =	sbr.rel @p0 .LBB2_34-.Ltmp26, $4  }
0x1c3: {  	v34 =	vimm.f32 $0.0e+00;
	v26 =	vadd.f32 v38, v30;
	[tilespmem:$0xCB30] =	vst v28  }
0x1c4: {  	v32 =	vimm.f32 $0.0e+00;
	v33 =	vimm.f32 $0.0e+00;
	v28 =	vadd.f32 v39, v31;
	[tilespmem:$0xCB60] =	vst v29  }
0x1c5: {  	v27 =	vimm.f32 $0.0e+00;
	v29 =	vimm.f32 $0.0e+00;
	v31 =	vimm.f32 $0.0e+00;
	[tilespmem:$0xCB40] =	vst v26  }
0x1c6: {  	v30 =	vimm.f32 $0.0e+00;
	[tilespmem:$0xCB50] =	vst v28;
	v26 =	vimm.f32 $0.0e+00;
	v28 =	vimm.f32 $0.0e+00  }
0x1c7: {  	p0 =	sgt.s32 s13, s22;
	s29 =	smov.u32 s22  }
0x1c8: {  	s29 =	smov.u32 @p0 s13  }
0x1c9: {  	s29 =	sadd.s32 s23, s29  }
0x1ca: {  	s29 =	sshll.u32 s29, $0x9  }
0x1cb: {  	s29 =	sshra.s32 s29, $0x2  }
0x1cc: {  	s29 =	sadd.s32 $0xC0, s29  }
0x1cd: {  	v27 =	vld [tilespmem:s29+$0x30]  }
0x1ce: {  	s28 =	sadd.s32 $0x1, s28;
	v28 =	vld [tilespmem:s29+$0xFFFFFFD0]  }
0x1cf: {  	p0 =	slt.s32 s28, s26;
	v29 =	vld [tilespmem:s29+$0xFFFFFFE0]  }
.Ltmp27:
0x1d0: {  	v32 =	vld [tilespmem:s29+$0xFFFFFFF0];
	(pc) =	sbr.rel @!p0 .LBB2_33-.Ltmp27, $4  }
0x1d1: {  	v30 =	vld [tilespmem:s29+$0x0]  }
0x1d2: {  	v31 =	vimm.f32 $0.0e+00;
	v33 =	vimm.f32 $0.0e+00;
	v34 =	vld [tilespmem:s29+$0x10]  }
0x1d3: {  	v35 =	vimm.f32 $0.0e+00;
	v36 =	vimm.f32 $0.0e+00;
	v38 =	vld [tilespmem:s29+$0x20];
	v27 =	vadd.f32 v27, v26  }
0x1d4: {  	v37 =	vimm.f32 $0.0e+00;
	v39 =	vld [tilespmem:s29+$0xFFFFFFC0];
	s29 =	sadd.s32 $0x80, s29;
	v28 =	vadd.f32 v28, v26;
	v29 =	vadd.f32 v29, v26  }
.LBB2_32:
0x1d5: {  	v40 =	vld [tilespmem:s29+$0x30];
	s28 =	sadd.s32 $0x1, s28;
	v31 =	vadd.f32 v32, v31  }
0x1d6: {  	v41 =	vld [tilespmem:s29+$0xFFFFFFD0];
	p0 =	slt.s32 s28, s26;
	v33 =	vadd.f32 v30, v33  }
0x1d7: {  	v42 =	vld [tilespmem:s29+$0xFFFFFFE0];
	v35 =	vadd.f32 v34, v35  }
.Ltmp28:
0x1d8: {  	v32 =	vld [tilespmem:s29+$0xFFFFFFF0];
	v36 =	vadd.f32 v38, v36;
	(pc) =	sbr.rel @p0 .LBB2_32-.Ltmp28, $4  }
0x1d9: {  	v30 =	vld [tilespmem:s29+$0x0];
	v37 =	vadd.f32 v39, v37  }
0x1da: {  	v34 =	vld [tilespmem:s29+$0x10];
	v27 =	vadd.f32 v40, v27  }
0x1db: {  	v28 =	vadd.f32 v41, v28;
	v38 =	vld [tilespmem:s29+$0x20]  }
0x1dc: {  	v39 =	vld [tilespmem:s29+$0xFFFFFFC0];
	v29 =	vadd.f32 v42, v29;
	s29 =	sadd.s32 $0x80, s29  }
.LBB2_33:
0x1dd: {  	_ =	sdelay $0x1  }
0x1de: {  	v31 =	vadd.f32 v32, v31  }
0x1df: {  	v30 =	vadd.f32 v30, v33;
	v32 =	vadd.f32 v34, v35  }
0x1e0: {  	v33 =	vadd.f32 v38, v36;
	v34 =	vadd.f32 v39, v37  }
.LBB2_34:
0x1e1: {  	v35 =	vld [tilespmem:$0xCB80]  }
0x1e2: {  	v36 =	vld [tilespmem:$0xCB90]  }
0x1e3: {  	v37 =	vld [tilespmem:$0xCBA0]  }
0x1e4: {  	v38 =	vld [tilespmem:$0xCBB0]  }
0x1e5: {  	v39 =	vld [tilespmem:$0xCBC0]  }
0x1e6: {  	v57 =	vld [tilespmem:$0xCBD0];
	v34 =	vadd.f32 v35, v34  }
0x1e7: {  	v58 =	vld [tilespmem:$0xCBE0];
	v28 =	vadd.f32 v36, v28  }
0x1e8: {  	v59 =	vld [tilespmem:$0xCBF0];
	p0 =	sgt.s32 s11, s25;
	p1 =	slt.s32 s12, s24;
	v29 =	vadd.f32 v37, v29;
	[tilespmem:$0xCB80] =	vst v34  }
0x1e9: {  	s25 =	smov.u32 @p0 s11;
	s24 =	smov.u32 @p1 s12;
	v60 =	vadd.f32 v38, v31;
	[tilespmem:$0xCB90] =	vst v28  }
0x1ea: {  	p0 =	sge.s32 s25, s24;
	v61 =	vadd.f32 v39, v30;
	[tilespmem:$0xCBA0] =	vst v29  }
.Ltmp29:
0x1eb: {  	v62 =	vadd.f32 v57, v32;
	[tilespmem:$0xCBB0] =	vst v60;
	(pc) =	sbr.rel @p0 .LBB2_35-.Ltmp29, $4  }
0x1ec: {  	v63 =	vadd.f32 v58, v33;
	[tilespmem:$0xCBC0] =	vst v61  }
0x1ed: {  	v27 =	vadd.f32 v59, v27;
	[tilespmem:$0xCBD0] =	vst v62  }
0x1ee: {  	[tilespmem:$0xCBE0] =	vst v63  }
0x1ef: {  	[tilespmem:$0xCBF0] =	vst v27  }
0x1f0: {  	p0 =	sgt.s32 s11, s22;
	s26 =	smov.u32 s22  }
0x1f1: {  	s26 =	smov.u32 @p0 s11  }
0x1f2: {  	s26 =	sadd.s32 s23, s26  }
0x1f3: {  	s26 =	sshll.u32 s26, $0x9  }
0x1f4: {  	s26 =	sshra.s32 s26, $0x2  }
0x1f5: {  	s26 =	sadd.s32 $0xC0, s26  }
0x1f6: {  	v27 =	vld [tilespmem:s26+$0x30]  }
0x1f7: {  	s25 =	sadd.s32 $0x1, s25;
	v28 =	vld [tilespmem:s26+$0xFFFFFFD0]  }
0x1f8: {  	p0 =	slt.s32 s25, s24;
	v29 =	vld [tilespmem:s26+$0xFFFFFFE0]  }
.Ltmp30:
0x1f9: {  	v32 =	vld [tilespmem:s26+$0xFFFFFFF0];
	(pc) =	sbr.rel @!p0 .LBB2_38-.Ltmp30, $4  }
0x1fa: {  	v31 =	vld [tilespmem:s26+$0x0]  }
0x1fb: {  	v30 =	vimm.f32 $0.0e+00;
	v33 =	vld [tilespmem:s26+$0x10]  }
0x1fc: {  	v34 =	vimm.f32 $0.0e+00;
	v35 =	vimm.f32 $0.0e+00;
	v37 =	vld [tilespmem:s26+$0x20];
	v27 =	vadd.f32 v27, v26  }
0x1fd: {  	v36 =	vimm.f32 $0.0e+00;
	v38 =	vld [tilespmem:s26+$0xFFFFFFC0];
	s26 =	sadd.s32 $0x80, s26;
	v28 =	vadd.f32 v28, v26;
	v29 =	vadd.f32 v29, v26  }
.LBB2_37:
0x1fe: {  	v39 =	vld [tilespmem:s26+$0x30];
	s25 =	sadd.s32 $0x1, s25;
	v26 =	vadd.f32 v32, v26  }
0x1ff: {  	v40 =	vld [tilespmem:s26+$0xFFFFFFD0];
	p0 =	slt.s32 s25, s24;
	v30 =	vadd.f32 v31, v30  }
0x200: {  	v41 =	vld [tilespmem:s26+$0xFFFFFFE0];
	v34 =	vadd.f32 v33, v34  }
.Ltmp31:
0x201: {  	v32 =	vld [tilespmem:s26+$0xFFFFFFF0];
	v35 =	vadd.f32 v37, v35;
	(pc) =	sbr.rel @p0 .LBB2_37-.Ltmp31, $4  }
0x202: {  	v31 =	vld [tilespmem:s26+$0x0];
	v36 =	vadd.f32 v38, v36  }
0x203: {  	v33 =	vld [tilespmem:s26+$0x10];
	v27 =	vadd.f32 v39, v27  }
0x204: {  	v28 =	vadd.f32 v40, v28;
	v37 =	vld [tilespmem:s26+$0x20]  }
0x205: {  	v38 =	vld [tilespmem:s26+$0xFFFFFFC0];
	v29 =	vadd.f32 v41, v29;
	s26 =	sadd.s32 $0x80, s26  }
.LBB2_38:
.Ltmp32:
0x206: {  	_ = 	snop;
	(pc) =	sbr.rel .LBB2_39-.Ltmp32, $4  }
0x207: {  	_ = 	snop  }
0x208: {  	v32 =	vadd.f32 v32, v26  }
0x209: {  	v30 =	vadd.f32 v31, v30;
	v31 =	vadd.f32 v33, v34  }
0x20a: {  	v33 =	vadd.f32 v37, v35;
	v26 =	vadd.f32 v38, v36  }
.LBB2_41:
0x20b: {  	_ =	sfence.sel $0x180000  }
0x20c: {  	[bflag:$0x0] =	sbarrier.arrive $0xFFFF  }
0x20d: {  	p0 =	sne.s32 s0, $0x0;
	_ =	strace $0x90000047  }
0x20e: {  	s0 =	sadd.s32 @!p0 $0x100000, s2;
	[bflag:$0x2] =	sbarrier.arrive $0xFFFF  }
0x20f: {  	[sflag:s0] =	ssyncadd.tile.s32 @!p0 $0x1;
	_ =	shalt  }
.Lfunc_end2:
_tile_overlayer_lowered:
.L_overlay_start_2:
0x210: {  	(tag) =	ssettag $0x2  }
0x211: {  	s0 =	rddreg [dreg:$0x0];
	s2 =	stileid.u32  }
0x212: {  	s1 =	rddreg [dreg:$0x1];
	p0 =	sne.s32 s2, $0x0  }
0x213: {  	s3 =	rddreg [dreg:$0x2];
	[bflag:$0x3] =	sbarrier.arrive $0xFFFF;
	s2 =	simm.s32 @!p0 $0x1C01  }
0x214: {  	[timem:s3], [sflag:s2] =	dma.local @!p0 [hbm:s0], s1  }
0x215: {  	s0 =	simm.s32 @!p0 $0x1  }
0x216: {  	_ =	swait.ge @!p0 [sflag:s0], s1  }
0x217: {  	s1 =	ssub.s32 @!p0 $0x0, s1;
	[sflag:s0] =	ssyncset.done @!p0 $0x0  }
0x218: {  	[sflag:s0] =	ssyncadd.s32 @!p0 s1  }
0x219: {  	[bflag:$0x3] =	sbarrier.arrive $0xFFFF  }
0x21a: {  	_ =	shalt  }

</sc_bundles>
